<compile_context>
chip_gen: v7x
topology: tpu7x:2x2x1
jax: 0.10.2.dev20260603
libtpu: 0.0.44.dev20260713+nightly
codegen_flags: <defaults>
</compile_context>

<pallas_src>
import functools

import jax
import jax.numpy as jnp
from jax import lax
from jax.experimental import pallas as pl
from jax.experimental.pallas import tpu as pltpu
from jax.experimental.pallas import tpu_sc as plsc

_LAMBDA_DIS = 1e-05
_N_NODE = 100000
_B = 16384
_D = 64
_NW = 32
_BPW = _B // _NW
_NCH = 4
_CH = _BPW // _NCH


def _sc_scores(nid, nbr, emd, bias):
    mesh = plsc.VectorSubcoreMesh(core_axis_name="c", subcore_axis_name="s")

    @functools.partial(
        pl.kernel,
        out_type=(
            jax.ShapeDtypeStruct((_B,), jnp.float32),
            jax.ShapeDtypeStruct((_NW, 3, 16), jnp.float32),
        ),
        mesh=mesh,
        compiler_params=pltpu.CompilerParams(
            needs_layout_passes=False, use_tc_tiling_on_sc=False),
        scratch_types=[
            pltpu.VMEM((_NCH, _CH), jnp.int32),
            pltpu.VMEM((_NCH, _CH), jnp.int32),
            pltpu.VMEM((_BPW, _D), jnp.float32),
            pltpu.VMEM((_BPW, _D), jnp.float32),
            pltpu.VMEM((_BPW,), jnp.float32),
            pltpu.VMEM((_BPW,), jnp.float32),
            pltpu.VMEM((3, 16), jnp.float32),
            pltpu.SemaphoreType.DMA,
            pltpu.SemaphoreType.DMA,
            pltpu.SemaphoreType.DMA,
        ],
    )
    def body(nid_hbm, nbr_hbm, emd_hbm, bias_hbm, score_out, sq_out,
             idx1, idx2, rows1, rows2, biasv, scores, sqst, sem0, sem1, semb):
        wid = lax.axis_index("s") * 2 + lax.axis_index("c")

        pltpu.sync_copy(nid_hbm.at[wid], idx1)
        pltpu.sync_copy(nbr_hbm.at[wid], idx2)

        sems = (sem0, sem1)

        def start_gather(c):
            sl = pl.ds(c * _CH, _CH)
            s = sems[c % 2]
            return (
                pltpu.async_copy(emd_hbm.at[idx1.at[c]], rows1.at[sl], s),
                pltpu.async_copy(emd_hbm.at[idx2.at[c]], rows2.at[sl], s),
            )

        bias_cps = [
            pltpu.async_copy(bias_hbm.at[idx2.at[c]],
                             biasv.at[pl.ds(c * _CH, _CH)], semb)
            for c in range(_NCH)
        ]
        pend = start_gather(0)
        for cp in bias_cps:
            cp.wait()

        lanes = lax.iota(jnp.int32, 16)
        zero = jnp.zeros((16,), jnp.float32)

        def group(g, carry):
            acc1, acc2, accb = carry
            gbase = pl.multiple_of(g * 16, 16)
            acc_s = zero
            for r in range(16):
                row = gbase + r
                e1 = [rows1[row, pl.ds(t * 16, 16)] for t in range(4)]
                e2 = [rows2[row, pl.ds(t * 16, 16)] for t in range(4)]
                p = (e1[0] * e2[0] + e1[1] * e2[1]
                     + e1[2] * e2[2] + e1[3] * e2[3])
                s = jnp.sum(p)
                acc_s = jnp.where(lanes == r, s, acc_s)
                for t in range(4):
                    acc1 = acc1 + e1[t] * e1[t]
                    acc2 = acc2 + e2[t] * e2[t]
            bv = biasv[pl.ds(gbase, 16)]
            accb = accb + bv * bv
            scores[pl.ds(gbase, 16)] = acc_s + bv
            return acc1, acc2, accb

        carry = (zero, zero, zero)
        gpc = _CH // 16
        for c in range(_NCH):
            nxt = start_gather(c + 1) if c + 1 < _NCH else None
            pend[0].wait()
            pend[1].wait()
            pend = nxt
            carry = lax.fori_loop(c * gpc, (c + 1) * gpc, group, carry)

        acc1, acc2, accb = carry
        sqst[0, :] = acc1
        sqst[1, :] = acc2
        sqst[2, :] = accb
        pltpu.sync_copy(scores, score_out.at[pl.ds(wid * _BPW, _BPW)])
        pltpu.sync_copy(sqst, sq_out.at[wid])

    return body(nid, nbr, emd, bias)


def _tc_loss(scores2d, label2d, sq2d):
    def body(s_ref, y_ref, q_ref, o_ref):
        s = s_ref[...]
        y = y_ref[...]
        bce = jnp.maximum(s, 0.0) - s * y + jnp.log1p(jnp.exp(-jnp.abs(s)))
        o_ref[0, 0] = jnp.sum(bce) * (1.0 / _B) + (_LAMBDA_DIS * 0.5) * jnp.sum(q_ref[...])

    return pl.pallas_call(
        body,
        out_shape=jax.ShapeDtypeStruct((1, 1), jnp.float32),
        out_specs=pl.BlockSpec(memory_space=pltpu.SMEM),
    )(scores2d, label2d, sq2d)


def kernel(node_ids, neighbor_ids, label, node_emd, bias_vector):
    scores, sq = _sc_scores(
        node_ids.reshape(_NW, _NCH, _CH),
        neighbor_ids.reshape(_NW, _NCH, _CH),
        node_emd,
        bias_vector,
    )
    loss = _tc_loss(
        scores.reshape(128, 128),
        label.reshape(128, 128),
        sq.reshape(12, 128),
    )
    return loss[0, 0]

# --- scband reference (transcript-rebuilt; emitter-appended) ---
"""Pipeline reference for scband-discriminator-25915832664427 (READ-ONLY COPY).

The authoritative reference and input builder live on the scoring server;
editing this copy changes nothing except your own understanding.
"""

import jax, jax.numpy as jnp
import numpy as np

LAMBDA_DIS = 1e-05
N_NODE = 100000
EMD_SIZE = 64
BATCH = 16384


def l2_loss(x):
    return 0.5 * jnp.sum(x * x)


def setup_inputs(seed: int = 0) -> dict:
    key = jax.random.key(seed)
    k1, k2, k3, k4 = jax.random.split(key, 4)
    node_ids = jax.random.randint(k1, (BATCH,), 0, N_NODE, dtype=jnp.int64 if jax.config.jax_enable_x64 else jnp.int32).astype(jnp.int32)
    neighbor_ids = jax.random.randint(k2, (BATCH,), 0, N_NODE).astype(jnp.int32)
    label = jax.random.uniform(k3, (BATCH,), dtype=jnp.float32)
    node_emd = jax.random.normal(k4, (N_NODE, EMD_SIZE), dtype=jnp.float32) * 0.1
    bias_vector = jnp.zeros((N_NODE,), dtype=jnp.float32)
    return {
        'node_ids': node_ids,
        'neighbor_ids': neighbor_ids,
        'label': label,
        'node_emd': node_emd,
        'bias_vector': bias_vector,
    }


def reference(node_ids, neighbor_ids, label, node_emd, bias_vector):
    # Embedding lookups (gather) -- SparseCore friendly
    node_embedding = jnp.take(node_emd, node_ids, axis=0)
    neighbor_node_embedding = jnp.take(node_emd, neighbor_ids, axis=0)
    bias = jnp.take(bias_vector, neighbor_ids, axis=0)
    score = jnp.sum(node_embedding * neighbor_node_embedding, axis=1) + bias
    # binary_cross_entropy_with_logits, mean reduction (numerically stable)
    bce = jnp.mean(jnp.maximum(score, 0.0) - score * label + jnp.log1p(jnp.exp(-jnp.abs(score))))
    loss = bce + LAMBDA_DIS * (l2_loss(node_embedding) + l2_loss(neighbor_node_embedding) + l2_loss(bias))
    return loss

if __name__ == "__main__":
    import jax
    _d = setup_inputs()
    print(jax.jit(kernel)(*tuple(_d.values())))

</pallas_src>

<mosaic_0001>
#map = affine_map<(d0, d1) -> (0, 0, 0)>
#map1 = affine_map<(d0, d1) -> (0, 0)>
#map2 = affine_map<(d0, d1) -> (0)>
module attributes {stable_mosaic.version = 14 : i64} {
  func.func @body(%arg0: i32, %arg1: i32, %arg2: memref<32x4x128xi32, #tpu.memory_space<hbm>>, %arg3: memref<32x4x128xi32, #tpu.memory_space<hbm>>, %arg4: memref<100000x64xf32, #tpu.memory_space<hbm>>, %arg5: memref<100000xf32, #tpu.memory_space<hbm>>, %arg6: memref<16384xf32, #tpu.memory_space<hbm>>, %arg7: memref<32x3x16xf32, #tpu.memory_space<hbm>>, %arg8: memref<4x128xi32, #tpu.memory_space<vmem>>, %arg9: memref<4x128xi32, #tpu.memory_space<vmem>>, %arg10: memref<512x64xf32, #tpu.memory_space<vmem>>, %arg11: memref<512x64xf32, #tpu.memory_space<vmem>>, %arg12: memref<512xf32, #tpu.memory_space<vmem>>, %arg13: memref<512xf32, #tpu.memory_space<vmem>>, %arg14: memref<3x16xf32, #tpu.memory_space<vmem>>, %arg15: memref<!tpu.dma_semaphore, #tpu.memory_space<semaphore_mem>>, %arg16: memref<!tpu.dma_semaphore, #tpu.memory_space<semaphore_mem>>, %arg17: memref<!tpu.dma_semaphore, #tpu.memory_space<semaphore_mem>>) attributes {dimension_semantics = [#tpu.dimension_semantics<core_parallel>, #tpu.dimension_semantics<subcore_parallel>], iteration_bounds = array<i64: 2, 16>, scalar_prefetch = 0 : i64, scratch_operands = 10 : i64, tpu.core_type = #tpu.core_type<sc_vector_subcore>, window_params = [{transform_indices = #map}, {transform_indices = #map}, {transform_indices = #map1}, {transform_indices = #map2}, {transform_indices = #map2}, {transform_indices = #map}]} {
    %mul3A = arith.constant 2 : i32
    %mul3A_0 = arith.muli %arg1, %mul3A : i32
    %add3A = arith.addi %mul3A_0, %arg0 : i32
    "tpu.region"() ({
      %run_scoped3A = tpu.sem_alloc : memref<!tpu.dma_semaphore, #tpu.memory_space<semaphore_mem>>
      %dma_start3A_260 = arith.constant 0 : i32
      %dma_start3A_261 = arith.constant 0 : i32
      %dma_start3A_262 = tpu.memref_slice %arg2[%add3A, %dma_start3A_260, %dma_start3A_261] : memref<32x4x128xi32, #tpu.memory_space<hbm>> -> memref<1x4x128xi32, #tpu.memory_space<hbm>>
      %dma_start3A_263 = tpu.memref_squeeze %dma_start3A_262 : memref<1x4x128xi32, #tpu.memory_space<hbm>> -> memref<4x128xi32, #tpu.memory_space<hbm>>
      %dma_start3A_264 = arith.constant 0 : i32
      %dma_start3A_265 = arith.constant 0 : i32
      %dma_start3A_266 = tpu.memref_slice %arg2[%add3A, %dma_start3A_264, %dma_start3A_265] : memref<32x4x128xi32, #tpu.memory_space<hbm>> -> memref<1x4x128xi32, #tpu.memory_space<hbm>>
      %dma_start3A_267 = tpu.memref_squeeze %dma_start3A_266 : memref<1x4x128xi32, #tpu.memory_space<hbm>> -> memref<4x128xi32, #tpu.memory_space<hbm>>
      tpu.enqueue_dma source(%dma_start3A_267 : memref<4x128xi32, #tpu.memory_space<hbm>>) target(%arg8 : memref<4x128xi32, #tpu.memory_space<vmem>>) target_semaphore(%run_scoped3A : memref<!tpu.dma_semaphore, #tpu.memory_space<semaphore_mem>>)
      %dma_wait3A_268 = arith.constant 0 : i32
      %dma_wait3A_269 = arith.constant 0 : i32
      %dma_wait3A_270 = tpu.memref_slice %arg2[%add3A, %dma_wait3A_268, %dma_wait3A_269] : memref<32x4x128xi32, #tpu.memory_space<hbm>> -> memref<1x4x128xi32, #tpu.memory_space<hbm>>
      %dma_wait3A_271 = tpu.memref_squeeze %dma_wait3A_270 : memref<1x4x128xi32, #tpu.memory_space<hbm>> -> memref<4x128xi32, #tpu.memory_space<hbm>>
      %dma_wait3A_272 = arith.constant 0 : i32
      %dma_wait3A_273 = arith.constant 0 : i32
      %dma_wait3A_274 = tpu.memref_slice %arg2[%add3A, %dma_wait3A_272, %dma_wait3A_273] : memref<32x4x128xi32, #tpu.memory_space<hbm>> -> memref<1x4x128xi32, #tpu.memory_space<hbm>>
      %dma_wait3A_275 = tpu.memref_squeeze %dma_wait3A_274 : memref<1x4x128xi32, #tpu.memory_space<hbm>> -> memref<4x128xi32, #tpu.memory_space<hbm>>
      tpu.wait_dma2 semaphore(%run_scoped3A : memref<!tpu.dma_semaphore, #tpu.memory_space<semaphore_mem>>) src(%dma_wait3A_275 : memref<4x128xi32, #tpu.memory_space<hbm>>) dst(%arg8 : memref<4x128xi32, #tpu.memory_space<vmem>>)
      tpu.yield
    }) : () -> ()
    "tpu.region"() ({
      %run_scoped3A = tpu.sem_alloc : memref<!tpu.dma_semaphore, #tpu.memory_space<semaphore_mem>>
      %dma_start3A_260 = arith.constant 0 : i32
      %dma_start3A_261 = arith.constant 0 : i32
      %dma_start3A_262 = tpu.memref_slice %arg3[%add3A, %dma_start3A_260, %dma_start3A_261] : memref<32x4x128xi32, #tpu.memory_space<hbm>> -> memref<1x4x128xi32, #tpu.memory_space<hbm>>
      %dma_start3A_263 = tpu.memref_squeeze %dma_start3A_262 : memref<1x4x128xi32, #tpu.memory_space<hbm>> -> memref<4x128xi32, #tpu.memory_space<hbm>>
      %dma_start3A_264 = arith.constant 0 : i32
      %dma_start3A_265 = arith.constant 0 : i32
      %dma_start3A_266 = tpu.memref_slice %arg3[%add3A, %dma_start3A_264, %dma_start3A_265] : memref<32x4x128xi32, #tpu.memory_space<hbm>> -> memref<1x4x128xi32, #tpu.memory_space<hbm>>
      %dma_start3A_267 = tpu.memref_squeeze %dma_start3A_266 : memref<1x4x128xi32, #tpu.memory_space<hbm>> -> memref<4x128xi32, #tpu.memory_space<hbm>>
      tpu.enqueue_dma source(%dma_start3A_267 : memref<4x128xi32, #tpu.memory_space<hbm>>) target(%arg9 : memref<4x128xi32, #tpu.memory_space<vmem>>) target_semaphore(%run_scoped3A : memref<!tpu.dma_semaphore, #tpu.memory_space<semaphore_mem>>)
      %dma_wait3A_268 = arith.constant 0 : i32
      %dma_wait3A_269 = arith.constant 0 : i32
      %dma_wait3A_270 = tpu.memref_slice %arg3[%add3A, %dma_wait3A_268, %dma_wait3A_269] : memref<32x4x128xi32, #tpu.memory_space<hbm>> -> memref<1x4x128xi32, #tpu.memory_space<hbm>>
      %dma_wait3A_271 = tpu.memref_squeeze %dma_wait3A_270 : memref<1x4x128xi32, #tpu.memory_space<hbm>> -> memref<4x128xi32, #tpu.memory_space<hbm>>
      %dma_wait3A_272 = arith.constant 0 : i32
      %dma_wait3A_273 = arith.constant 0 : i32
      %dma_wait3A_274 = tpu.memref_slice %arg3[%add3A, %dma_wait3A_272, %dma_wait3A_273] : memref<32x4x128xi32, #tpu.memory_space<hbm>> -> memref<1x4x128xi32, #tpu.memory_space<hbm>>
      %dma_wait3A_275 = tpu.memref_squeeze %dma_wait3A_274 : memref<1x4x128xi32, #tpu.memory_space<hbm>> -> memref<4x128xi32, #tpu.memory_space<hbm>>
      tpu.wait_dma2 semaphore(%run_scoped3A : memref<!tpu.dma_semaphore, #tpu.memory_space<semaphore_mem>>) src(%dma_wait3A_275 : memref<4x128xi32, #tpu.memory_space<hbm>>) dst(%arg9 : memref<4x128xi32, #tpu.memory_space<vmem>>)
      tpu.yield
    }) : () -> ()
    %dma_start3A = arith.constant 0 : i32
    %dma_start3A_1 = arith.constant 0 : i32
    %dma_start3A_2 = tpu.memref_slice %arg12[%dma_start3A_1] : memref<512xf32, #tpu.memory_space<vmem>> -> memref<128xf32, #tpu.memory_space<vmem>>
    %dma_start3A_3 = arith.constant 0 : i32
    %dma_start3A_4 = tpu.memref_slice %arg9[%dma_start3A, %dma_start3A_3] : memref<4x128xi32, #tpu.memory_space<vmem>> -> memref<1x128xi32, #tpu.memory_space<vmem>>
    %dma_start3A_5 = tpu.memref_squeeze %dma_start3A_4 : memref<1x128xi32, #tpu.memory_space<vmem>> -> memref<128xi32, #tpu.memory_space<vmem>>
    %dma_start3A_6 = arith.constant 0 : i32
    %dma_start3A_7 = tpu.memref_slice %arg5[%dma_start3A_6] : memref<100000xf32, #tpu.memory_space<hbm>> -> memref<100000xf32, #tpu.memory_space<hbm>>
    tpu.enqueue_indirect_dma source(%dma_start3A_7 : memref<100000xf32, #tpu.memory_space<hbm>>) target(%dma_start3A_2 : memref<128xf32, #tpu.memory_space<vmem>>) offsets(%dma_start3A_5 : memref<128xi32, #tpu.memory_space<vmem>>) semaphore(%arg17 : memref<!tpu.dma_semaphore, #tpu.memory_space<semaphore_mem>>)
    %dma_start3A_8 = arith.constant 1 : i32
    %dma_start3A_9 = arith.constant 128 : i32
    %dma_start3A_10 = tpu.memref_slice %arg12[%dma_start3A_9] : memref<512xf32, #tpu.memory_space<vmem>> -> memref<128xf32, #tpu.memory_space<vmem>>
    %dma_start3A_11 = arith.constant 0 : i32
    %dma_start3A_12 = tpu.memref_slice %arg9[%dma_start3A_8, %dma_start3A_11] : memref<4x128xi32, #tpu.memory_space<vmem>> -> memref<1x128xi32, #tpu.memory_space<vmem>>
    %dma_start3A_13 = tpu.memref_squeeze %dma_start3A_12 : memref<1x128xi32, #tpu.memory_space<vmem>> -> memref<128xi32, #tpu.memory_space<vmem>>
    %dma_start3A_14 = arith.constant 0 : i32
    %dma_start3A_15 = tpu.memref_slice %arg5[%dma_start3A_14] : memref<100000xf32, #tpu.memory_space<hbm>> -> memref<100000xf32, #tpu.memory_space<hbm>>
    tpu.enqueue_indirect_dma source(%dma_start3A_15 : memref<100000xf32, #tpu.memory_space<hbm>>) target(%dma_start3A_10 : memref<128xf32, #tpu.memory_space<vmem>>) offsets(%dma_start3A_13 : memref<128xi32, #tpu.memory_space<vmem>>) semaphore(%arg17 : memref<!tpu.dma_semaphore, #tpu.memory_space<semaphore_mem>>)
    %dma_start3A_16 = arith.constant 2 : i32
    %dma_start3A_17 = arith.constant 256 : i32
    %dma_start3A_18 = tpu.memref_slice %arg12[%dma_start3A_17] : memref<512xf32, #tpu.memory_space<vmem>> -> memref<128xf32, #tpu.memory_space<vmem>>
    %dma_start3A_19 = arith.constant 0 : i32
    %dma_start3A_20 = tpu.memref_slice %arg9[%dma_start3A_16, %dma_start3A_19] : memref<4x128xi32, #tpu.memory_space<vmem>> -> memref<1x128xi32, #tpu.memory_space<vmem>>
    %dma_start3A_21 = tpu.memref_squeeze %dma_start3A_20 : memref<1x128xi32, #tpu.memory_space<vmem>> -> memref<128xi32, #tpu.memory_space<vmem>>
    %dma_start3A_22 = arith.constant 0 : i32
    %dma_start3A_23 = tpu.memref_slice %arg5[%dma_start3A_22] : memref<100000xf32, #tpu.memory_space<hbm>> -> memref<100000xf32, #tpu.memory_space<hbm>>
    tpu.enqueue_indirect_dma source(%dma_start3A_23 : memref<100000xf32, #tpu.memory_space<hbm>>) target(%dma_start3A_18 : memref<128xf32, #tpu.memory_space<vmem>>) offsets(%dma_start3A_21 : memref<128xi32, #tpu.memory_space<vmem>>) semaphore(%arg17 : memref<!tpu.dma_semaphore, #tpu.memory_space<semaphore_mem>>)
    %dma_start3A_24 = arith.constant 3 : i32
    %dma_start3A_25 = arith.constant 384 : i32
    %dma_start3A_26 = tpu.memref_slice %arg12[%dma_start3A_25] : memref<512xf32, #tpu.memory_space<vmem>> -> memref<128xf32, #tpu.memory_space<vmem>>
    %dma_start3A_27 = arith.constant 0 : i32
    %dma_start3A_28 = tpu.memref_slice %arg9[%dma_start3A_24, %dma_start3A_27] : memref<4x128xi32, #tpu.memory_space<vmem>> -> memref<1x128xi32, #tpu.memory_space<vmem>>
    %dma_start3A_29 = tpu.memref_squeeze %dma_start3A_28 : memref<1x128xi32, #tpu.memory_space<vmem>> -> memref<128xi32, #tpu.memory_space<vmem>>
    %dma_start3A_30 = arith.constant 0 : i32
    %dma_start3A_31 = tpu.memref_slice %arg5[%dma_start3A_30] : memref<100000xf32, #tpu.memory_space<hbm>> -> memref<100000xf32, #tpu.memory_space<hbm>>
    tpu.enqueue_indirect_dma source(%dma_start3A_31 : memref<100000xf32, #tpu.memory_space<hbm>>) target(%dma_start3A_26 : memref<128xf32, #tpu.memory_space<vmem>>) offsets(%dma_start3A_29 : memref<128xi32, #tpu.memory_space<vmem>>) semaphore(%arg17 : memref<!tpu.dma_semaphore, #tpu.memory_space<semaphore_mem>>)
    %dma_start3A_32 = arith.constant 0 : i32
    %dma_start3A_33 = arith.constant 0 : i32
    %dma_start3A_34 = arith.constant 0 : i32
    %dma_start3A_35 = tpu.memref_slice %arg10[%dma_start3A_33, %dma_start3A_34] : memref<512x64xf32, #tpu.memory_space<vmem>> -> memref<128x64xf32, #tpu.memory_space<vmem>>
    %dma_start3A_36 = arith.constant 0 : i32
    %dma_start3A_37 = tpu.memref_slice %arg8[%dma_start3A_32, %dma_start3A_36] : memref<4x128xi32, #tpu.memory_space<vmem>> -> memref<1x128xi32, #tpu.memory_space<vmem>>
    %dma_start3A_38 = tpu.memref_squeeze %dma_start3A_37 : memref<1x128xi32, #tpu.memory_space<vmem>> -> memref<128xi32, #tpu.memory_space<vmem>>
    %dma_start3A_39 = arith.constant 0 : i32
    %dma_start3A_40 = arith.constant 0 : i32
    %dma_start3A_41 = tpu.memref_slice %arg4[%dma_start3A_39, %dma_start3A_40] : memref<100000x64xf32, #tpu.memory_space<hbm>> -> memref<100000x64xf32, #tpu.memory_space<hbm>>
    tpu.enqueue_indirect_dma source(%dma_start3A_41 : memref<100000x64xf32, #tpu.memory_space<hbm>>) target(%dma_start3A_35 : memref<128x64xf32, #tpu.memory_space<vmem>>) offsets(%dma_start3A_38 : memref<128xi32, #tpu.memory_space<vmem>>) semaphore(%arg15 : memref<!tpu.dma_semaphore, #tpu.memory_space<semaphore_mem>>)
    %dma_start3A_42 = arith.constant 0 : i32
    %dma_start3A_43 = arith.constant 0 : i32
    %dma_start3A_44 = arith.constant 0 : i32
    %dma_start3A_45 = tpu.memref_slice %arg11[%dma_start3A_43, %dma_start3A_44] : memref<512x64xf32, #tpu.memory_space<vmem>> -> memref<128x64xf32, #tpu.memory_space<vmem>>
    %dma_start3A_46 = arith.constant 0 : i32
    %dma_start3A_47 = tpu.memref_slice %arg9[%dma_start3A_42, %dma_start3A_46] : memref<4x128xi32, #tpu.memory_space<vmem>> -> memref<1x128xi32, #tpu.memory_space<vmem>>
    %dma_start3A_48 = tpu.memref_squeeze %dma_start3A_47 : memref<1x128xi32, #tpu.memory_space<vmem>> -> memref<128xi32, #tpu.memory_space<vmem>>
    %dma_start3A_49 = arith.constant 0 : i32
    %dma_start3A_50 = arith.constant 0 : i32
    %dma_start3A_51 = tpu.memref_slice %arg4[%dma_start3A_49, %dma_start3A_50] : memref<100000x64xf32, #tpu.memory_space<hbm>> -> memref<100000x64xf32, #tpu.memory_space<hbm>>
    tpu.enqueue_indirect_dma source(%dma_start3A_51 : memref<100000x64xf32, #tpu.memory_space<hbm>>) target(%dma_start3A_45 : memref<128x64xf32, #tpu.memory_space<vmem>>) offsets(%dma_start3A_48 : memref<128xi32, #tpu.memory_space<vmem>>) semaphore(%arg15 : memref<!tpu.dma_semaphore, #tpu.memory_space<semaphore_mem>>)
    %dma_wait3A = arith.constant 0 : i32
    %dma_wait3A_52 = arith.constant 0 : i32
    %dma_wait3A_53 = tpu.memref_slice %arg12[%dma_wait3A_52] : memref<512xf32, #tpu.memory_space<vmem>> -> memref<128xf32, #tpu.memory_space<vmem>>
    %dma_wait3A_54 = arith.constant 0 : i32
    %dma_wait3A_55 = tpu.memref_slice %arg9[%dma_wait3A, %dma_wait3A_54] : memref<4x128xi32, #tpu.memory_space<vmem>> -> memref<1x128xi32, #tpu.memory_space<vmem>>
    %dma_wait3A_56 = tpu.memref_squeeze %dma_wait3A_55 : memref<1x128xi32, #tpu.memory_space<vmem>> -> memref<128xi32, #tpu.memory_space<vmem>>
    %dma_wait3A_57 = arith.constant 0 : i32
    %dma_wait3A_58 = tpu.memref_slice %arg5[%dma_wait3A_57] : memref<100000xf32, #tpu.memory_space<hbm>> -> memref<100000xf32, #tpu.memory_space<hbm>>
    tpu.wait_indirect_dma semaphore(%arg17 : memref<!tpu.dma_semaphore, #tpu.memory_space<semaphore_mem>>) src(%dma_wait3A_58 : memref<100000xf32, #tpu.memory_space<hbm>>) dst(%dma_wait3A_53 : memref<128xf32, #tpu.memory_space<vmem>>)
    %dma_wait3A_59 = arith.constant 1 : i32
    %dma_wait3A_60 = arith.constant 128 : i32
    %dma_wait3A_61 = tpu.memref_slice %arg12[%dma_wait3A_60] : memref<512xf32, #tpu.memory_space<vmem>> -> memref<128xf32, #tpu.memory_space<vmem>>
    %dma_wait3A_62 = arith.constant 0 : i32
    %dma_wait3A_63 = tpu.memref_slice %arg9[%dma_wait3A_59, %dma_wait3A_62] : memref<4x128xi32, #tpu.memory_space<vmem>> -> memref<1x128xi32, #tpu.memory_space<vmem>>
    %dma_wait3A_64 = tpu.memref_squeeze %dma_wait3A_63 : memref<1x128xi32, #tpu.memory_space<vmem>> -> memref<128xi32, #tpu.memory_space<vmem>>
    %dma_wait3A_65 = arith.constant 0 : i32
    %dma_wait3A_66 = tpu.memref_slice %arg5[%dma_wait3A_65] : memref<100000xf32, #tpu.memory_space<hbm>> -> memref<100000xf32, #tpu.memory_space<hbm>>
    tpu.wait_indirect_dma semaphore(%arg17 : memref<!tpu.dma_semaphore, #tpu.memory_space<semaphore_mem>>) src(%dma_wait3A_66 : memref<100000xf32, #tpu.memory_space<hbm>>) dst(%dma_wait3A_61 : memref<128xf32, #tpu.memory_space<vmem>>)
    %dma_wait3A_67 = arith.constant 2 : i32
    %dma_wait3A_68 = arith.constant 256 : i32
    %dma_wait3A_69 = tpu.memref_slice %arg12[%dma_wait3A_68] : memref<512xf32, #tpu.memory_space<vmem>> -> memref<128xf32, #tpu.memory_space<vmem>>
    %dma_wait3A_70 = arith.constant 0 : i32
    %dma_wait3A_71 = tpu.memref_slice %arg9[%dma_wait3A_67, %dma_wait3A_70] : memref<4x128xi32, #tpu.memory_space<vmem>> -> memref<1x128xi32, #tpu.memory_space<vmem>>
    %dma_wait3A_72 = tpu.memref_squeeze %dma_wait3A_71 : memref<1x128xi32, #tpu.memory_space<vmem>> -> memref<128xi32, #tpu.memory_space<vmem>>
    %dma_wait3A_73 = arith.constant 0 : i32
    %dma_wait3A_74 = tpu.memref_slice %arg5[%dma_wait3A_73] : memref<100000xf32, #tpu.memory_space<hbm>> -> memref<100000xf32, #tpu.memory_space<hbm>>
    tpu.wait_indirect_dma semaphore(%arg17 : memref<!tpu.dma_semaphore, #tpu.memory_space<semaphore_mem>>) src(%dma_wait3A_74 : memref<100000xf32, #tpu.memory_space<hbm>>) dst(%dma_wait3A_69 : memref<128xf32, #tpu.memory_space<vmem>>)
    %dma_wait3A_75 = arith.constant 3 : i32
    %dma_wait3A_76 = arith.constant 384 : i32
    %dma_wait3A_77 = tpu.memref_slice %arg12[%dma_wait3A_76] : memref<512xf32, #tpu.memory_space<vmem>> -> memref<128xf32, #tpu.memory_space<vmem>>
    %dma_wait3A_78 = arith.constant 0 : i32
    %dma_wait3A_79 = tpu.memref_slice %arg9[%dma_wait3A_75, %dma_wait3A_78] : memref<4x128xi32, #tpu.memory_space<vmem>> -> memref<1x128xi32, #tpu.memory_space<vmem>>
    %dma_wait3A_80 = tpu.memref_squeeze %dma_wait3A_79 : memref<1x128xi32, #tpu.memory_space<vmem>> -> memref<128xi32, #tpu.memory_space<vmem>>
    %dma_wait3A_81 = arith.constant 0 : i32
    %dma_wait3A_82 = tpu.memref_slice %arg5[%dma_wait3A_81] : memref<100000xf32, #tpu.memory_space<hbm>> -> memref<100000xf32, #tpu.memory_space<hbm>>
    tpu.wait_indirect_dma semaphore(%arg17 : memref<!tpu.dma_semaphore, #tpu.memory_space<semaphore_mem>>) src(%dma_wait3A_82 : memref<100000xf32, #tpu.memory_space<hbm>>) dst(%dma_wait3A_77 : memref<128xf32, #tpu.memory_space<vmem>>)
    %iota3A = tpu.iota {dimensions = array<i32: 0>} : vector<16xi32>
    %broadcast_in_dim3A = arith.constant 0.000000e+00 : f32
    %broadcast_in_dim3A_83 = vector.broadcast %broadcast_in_dim3A : f32 to vector<16xf32>
    %dma_start3A_84 = arith.constant 1 : i32
    %dma_start3A_85 = arith.constant 128 : i32
    %dma_start3A_86 = arith.constant 0 : i32
    %dma_start3A_87 = tpu.memref_slice %arg10[%dma_start3A_85, %dma_start3A_86] : memref<512x64xf32, #tpu.memory_space<vmem>> -> memref<128x64xf32, #tpu.memory_space<vmem>>
    %dma_start3A_88 = arith.constant 0 : i32
    %dma_start3A_89 = tpu.memref_slice %arg8[%dma_start3A_84, %dma_start3A_88] : memref<4x128xi32, #tpu.memory_space<vmem>> -> memref<1x128xi32, #tpu.memory_space<vmem>>
    %dma_start3A_90 = tpu.memref_squeeze %dma_start3A_89 : memref<1x128xi32, #tpu.memory_space<vmem>> -> memref<128xi32, #tpu.memory_space<vmem>>
    %dma_start3A_91 = arith.constant 0 : i32
    %dma_start3A_92 = arith.constant 0 : i32
    %dma_start3A_93 = tpu.memref_slice %arg4[%dma_start3A_91, %dma_start3A_92] : memref<100000x64xf32, #tpu.memory_space<hbm>> -> memref<100000x64xf32, #tpu.memory_space<hbm>>
    tpu.enqueue_indirect_dma source(%dma_start3A_93 : memref<100000x64xf32, #tpu.memory_space<hbm>>) target(%dma_start3A_87 : memref<128x64xf32, #tpu.memory_space<vmem>>) offsets(%dma_start3A_90 : memref<128xi32, #tpu.memory_space<vmem>>) semaphore(%arg16 : memref<!tpu.dma_semaphore, #tpu.memory_space<semaphore_mem>>)
    %dma_start3A_94 = arith.constant 1 : i32
    %dma_start3A_95 = arith.constant 128 : i32
    %dma_start3A_96 = arith.constant 0 : i32
    %dma_start3A_97 = tpu.memref_slice %arg11[%dma_start3A_95, %dma_start3A_96] : memref<512x64xf32, #tpu.memory_space<vmem>> -> memref<128x64xf32, #tpu.memory_space<vmem>>
    %dma_start3A_98 = arith.constant 0 : i32
    %dma_start3A_99 = tpu.memref_slice %arg9[%dma_start3A_94, %dma_start3A_98] : memref<4x128xi32, #tpu.memory_space<vmem>> -> memref<1x128xi32, #tpu.memory_space<vmem>>
    %dma_start3A_100 = tpu.memref_squeeze %dma_start3A_99 : memref<1x128xi32, #tpu.memory_space<vmem>> -> memref<128xi32, #tpu.memory_space<vmem>>
    %dma_start3A_101 = arith.constant 0 : i32
    %dma_start3A_102 = arith.constant 0 : i32
    %dma_start3A_103 = tpu.memref_slice %arg4[%dma_start3A_101, %dma_start3A_102] : memref<100000x64xf32, #tpu.memory_space<hbm>> -> memref<100000x64xf32, #tpu.memory_space<hbm>>
    tpu.enqueue_indirect_dma source(%dma_start3A_103 : memref<100000x64xf32, #tpu.memory_space<hbm>>) target(%dma_start3A_97 : memref<128x64xf32, #tpu.memory_space<vmem>>) offsets(%dma_start3A_100 : memref<128xi32, #tpu.memory_space<vmem>>) semaphore(%arg16 : memref<!tpu.dma_semaphore, #tpu.memory_space<semaphore_mem>>)
    %dma_wait3A_104 = arith.constant 0 : i32
    %dma_wait3A_105 = arith.constant 0 : i32
    %dma_wait3A_106 = arith.constant 0 : i32
    %dma_wait3A_107 = tpu.memref_slice %arg10[%dma_wait3A_105, %dma_wait3A_106] : memref<512x64xf32, #tpu.memory_space<vmem>> -> memref<128x64xf32, #tpu.memory_space<vmem>>
    %dma_wait3A_108 = arith.constant 0 : i32
    %dma_wait3A_109 = tpu.memref_slice %arg8[%dma_wait3A_104, %dma_wait3A_108] : memref<4x128xi32, #tpu.memory_space<vmem>> -> memref<1x128xi32, #tpu.memory_space<vmem>>
    %dma_wait3A_110 = tpu.memref_squeeze %dma_wait3A_109 : memref<1x128xi32, #tpu.memory_space<vmem>> -> memref<128xi32, #tpu.memory_space<vmem>>
    %dma_wait3A_111 = arith.constant 0 : i32
    %dma_wait3A_112 = arith.constant 0 : i32
    %dma_wait3A_113 = tpu.memref_slice %arg4[%dma_wait3A_111, %dma_wait3A_112] : memref<100000x64xf32, #tpu.memory_space<hbm>> -> memref<100000x64xf32, #tpu.memory_space<hbm>>
    tpu.wait_indirect_dma semaphore(%arg15 : memref<!tpu.dma_semaphore, #tpu.memory_space<semaphore_mem>>) src(%dma_wait3A_113 : memref<100000x64xf32, #tpu.memory_space<hbm>>) dst(%dma_wait3A_107 : memref<128x64xf32, #tpu.memory_space<vmem>>)
    %dma_wait3A_114 = arith.constant 0 : i32
    %dma_wait3A_115 = arith.constant 0 : i32
    %dma_wait3A_116 = arith.constant 0 : i32
    %dma_wait3A_117 = tpu.memref_slice %arg11[%dma_wait3A_115, %dma_wait3A_116] : memref<512x64xf32, #tpu.memory_space<vmem>> -> memref<128x64xf32, #tpu.memory_space<vmem>>
    %dma_wait3A_118 = arith.constant 0 : i32
    %dma_wait3A_119 = tpu.memref_slice %arg9[%dma_wait3A_114, %dma_wait3A_118] : memref<4x128xi32, #tpu.memory_space<vmem>> -> memref<1x128xi32, #tpu.memory_space<vmem>>
    %dma_wait3A_120 = tpu.memref_squeeze %dma_wait3A_119 : memref<1x128xi32, #tpu.memory_space<vmem>> -> memref<128xi32, #tpu.memory_space<vmem>>
    %dma_wait3A_121 = arith.constant 0 : i32
    %dma_wait3A_122 = arith.constant 0 : i32
    %dma_wait3A_123 = tpu.memref_slice %arg4[%dma_wait3A_121, %dma_wait3A_122] : memref<100000x64xf32, #tpu.memory_space<hbm>> -> memref<100000x64xf32, #tpu.memory_space<hbm>>
    tpu.wait_indirect_dma semaphore(%arg15 : memref<!tpu.dma_semaphore, #tpu.memory_space<semaphore_mem>>) src(%dma_wait3A_123 : memref<100000x64xf32, #tpu.memory_space<hbm>>) dst(%dma_wait3A_117 : memref<128x64xf32, #tpu.memory_space<vmem>>)
    %scan3A = arith.constant 0 : i32
    %scan3A_124 = arith.constant 8 : i32
    %scan3A_125 = arith.addi %scan3A, %scan3A_124 : i32
    %scan3A_126 = arith.constant 1 : i32
    %scan3A_127:3 = scf.for %scan3A_260 = %scan3A to %scan3A_125 step %scan3A_126 iter_args(%scan3A_261 = %broadcast_in_dim3A_83, %scan3A_262 = %broadcast_in_dim3A_83, %scan3A_263 = %broadcast_in_dim3A_83) -> (vector<16xf32>, vector<16xf32>, vector<16xf32>)  : i32 {
      %mul3A_264 = arith.constant 16 : i32
      %mul3A_265 = arith.muli %scan3A_260, %mul3A_264 : i32
      %multiple_of3A = tpu.assume_multiple %mul3A_265, 16 : i32
      %add3A_266 = arith.constant 0 : i32
      %add3A_267 = arith.addi %multiple_of3A, %add3A_266 : i32
      %get3A = arith.index_cast %add3A_267 : i32 to index
      %get3A_268 = arith.constant 0 : index
      %get3A_269 = tpu.vector_load %arg10[%get3A, %get3A_268] {strides = array<i32>} : memref<512x64xf32, #tpu.memory_space<vmem>>, vector<16xf32>,
      %get3A_270 = arith.index_cast %add3A_267 : i32 to index
      %get3A_271 = arith.constant 16 : index
      %get3A_272 = tpu.vector_load %arg10[%get3A_270, %get3A_271] {strides = array<i32>} : memref<512x64xf32, #tpu.memory_space<vmem>>, vector<16xf32>,
      %get3A_273 = arith.index_cast %add3A_267 : i32 to index
      %get3A_274 = arith.constant 32 : index
      %get3A_275 = tpu.vector_load %arg10[%get3A_273, %get3A_274] {strides = array<i32>} : memref<512x64xf32, #tpu.memory_space<vmem>>, vector<16xf32>,
      %get3A_276 = arith.index_cast %add3A_267 : i32 to index
      %get3A_277 = arith.constant 48 : index
      %get3A_278 = tpu.vector_load %arg10[%get3A_276, %get3A_277] {strides = array<i32>} : memref<512x64xf32, #tpu.memory_space<vmem>>, vector<16xf32>,
      %get3A_279 = arith.index_cast %add3A_267 : i32 to index
      %get3A_280 = arith.constant 0 : index
      %get3A_281 = tpu.vector_load %arg11[%get3A_279, %get3A_280] {strides = array<i32>} : memref<512x64xf32, #tpu.memory_space<vmem>>, vector<16xf32>,
      %get3A_282 = arith.index_cast %add3A_267 : i32 to index
      %get3A_283 = arith.constant 16 : index
      %get3A_284 = tpu.vector_load %arg11[%get3A_282, %get3A_283] {strides = array<i32>} : memref<512x64xf32, #tpu.memory_space<vmem>>, vector<16xf32>,
      %get3A_285 = arith.index_cast %add3A_267 : i32 to index
      %get3A_286 = arith.constant 32 : index
      %get3A_287 = tpu.vector_load %arg11[%get3A_285, %get3A_286] {strides = array<i32>} : memref<512x64xf32, #tpu.memory_space<vmem>>, vector<16xf32>,
      %get3A_288 = arith.index_cast %add3A_267 : i32 to index
      %get3A_289 = arith.constant 48 : index
      %get3A_290 = tpu.vector_load %arg11[%get3A_288, %get3A_289] {strides = array<i32>} : memref<512x64xf32, #tpu.memory_space<vmem>>, vector<16xf32>,
      %mul3A_291 = arith.mulf %get3A_269, %get3A_281 : vector<16xf32>
      %mul3A_292 = arith.mulf %get3A_272, %get3A_284 : vector<16xf32>
      %add3A_293 = arith.addf %mul3A_291, %mul3A_292 : vector<16xf32>
      %mul3A_294 = arith.mulf %get3A_275, %get3A_287 : vector<16xf32>
      %add3A_295 = arith.addf %add3A_293, %mul3A_294 : vector<16xf32>
      %mul3A_296 = arith.mulf %get3A_278, %get3A_290 : vector<16xf32>
      %add3A_297 = arith.addf %add3A_295, %mul3A_296 : vector<16xf32>
      %reduce_sum3A = arith.constant true
      %reduce_sum3A_298 = vector.broadcast %reduce_sum3A : i1 to vector<16xi1>
      %reduce_sum3A_299 = tpu.scan <sum>, %add3A_297 masked %reduce_sum3A_298 : vector<16xf32>, vector<16xi1> -> vector<16xf32>
      %reduce_sum3A_300 = vector.extract %reduce_sum3A_299[15] : f32 from vector<16xf32>
      %eq3A = arith.constant 0 : i32
      %eq3A_301 = vector.broadcast %eq3A : i32 to vector<16xi32>
      %eq3A_302 = arith.cmpi eq, %iota3A, %eq3A_301 : vector<16xi32>
      %broadcast_in_dim3A_303 = vector.broadcast %reduce_sum3A_300 : f32 to vector<16xf32>
      %select_n3A = arith.select %eq3A_302, %broadcast_in_dim3A_303, %broadcast_in_dim3A_83 : vector<16xi1>, vector<16xf32>
      %mul3A_304 = arith.mulf %get3A_269, %get3A_269 : vector<16xf32>
      %add3A_305 = arith.addf %scan3A_261, %mul3A_304 : vector<16xf32>
      %mul3A_306 = arith.mulf %get3A_281, %get3A_281 : vector<16xf32>
      %add3A_307 = arith.addf %scan3A_262, %mul3A_306 : vector<16xf32>
      %mul3A_308 = arith.mulf %get3A_272, %get3A_272 : vector<16xf32>
      %add3A_309 = arith.addf %add3A_305, %mul3A_308 : vector<16xf32>
      %mul3A_310 = arith.mulf %get3A_284, %get3A_284 : vector<16xf32>
      %add3A_311 = arith.addf %add3A_307, %mul3A_310 : vector<16xf32>
      %mul3A_312 = arith.mulf %get3A_275, %get3A_275 : vector<16xf32>
      %add3A_313 = arith.addf %add3A_309, %mul3A_312 : vector<16xf32>
      %mul3A_314 = arith.mulf %get3A_287, %get3A_287 : vector<16xf32>
      %add3A_315 = arith.addf %add3A_311, %mul3A_314 : vector<16xf32>
      %mul3A_316 = arith.mulf %get3A_278, %get3A_278 : vector<16xf32>
      %add3A_317 = arith.addf %add3A_313, %mul3A_316 : vector<16xf32>
      %mul3A_318 = arith.mulf %get3A_290, %get3A_290 : vector<16xf32>
      %add3A_319 = arith.addf %add3A_315, %mul3A_318 : vector<16xf32>
      %add3A_320 = arith.constant 1 : i32
      %add3A_321 = arith.addi %multiple_of3A, %add3A_320 : i32
      %get3A_322 = arith.index_cast %add3A_321 : i32 to index
      %get3A_323 = arith.constant 0 : index
      %get3A_324 = tpu.vector_load %arg10[%get3A_322, %get3A_323] {strides = array<i32>} : memref<512x64xf32, #tpu.memory_space<vmem>>, vector<16xf32>,
      %get3A_325 = arith.index_cast %add3A_321 : i32 to index
      %get3A_326 = arith.constant 16 : index
      %get3A_327 = tpu.vector_load %arg10[%get3A_325, %get3A_326] {strides = array<i32>} : memref<512x64xf32, #tpu.memory_space<vmem>>, vector<16xf32>,
      %get3A_328 = arith.index_cast %add3A_321 : i32 to index
      %get3A_329 = arith.constant 32 : index
      %get3A_330 = tpu.vector_load %arg10[%get3A_328, %get3A_329] {strides = array<i32>} : memref<512x64xf32, #tpu.memory_space<vmem>>, vector<16xf32>,
      %get3A_331 = arith.index_cast %add3A_321 : i32 to index
      %get3A_332 = arith.constant 48 : index
      %get3A_333 = tpu.vector_load %arg10[%get3A_331, %get3A_332] {strides = array<i32>} : memref<512x64xf32, #tpu.memory_space<vmem>>, vector<16xf32>,
      %get3A_334 = arith.index_cast %add3A_321 : i32 to index
      %get3A_335 = arith.constant 0 : index
      %get3A_336 = tpu.vector_load %arg11[%get3A_334, %get3A_335] {strides = array<i32>} : memref<512x64xf32, #tpu.memory_space<vmem>>, vector<16xf32>,
      %get3A_337 = arith.index_cast %add3A_321 : i32 to index
      %get3A_338 = arith.constant 16 : index
      %get3A_339 = tpu.vector_load %arg11[%get3A_337, %get3A_338] {strides = array<i32>} : memref<512x64xf32, #tpu.memory_space<vmem>>, vector<16xf32>,
      %get3A_340 = arith.index_cast %add3A_321 : i32 to index
      %get3A_341 = arith.constant 32 : index
      %get3A_342 = tpu.vector_load %arg11[%get3A_340, %get3A_341] {strides = array<i32>} : memref<512x64xf32, #tpu.memory_space<vmem>>, vector<16xf32>,
      %get3A_343 = arith.index_cast %add3A_321 : i32 to index
      %get3A_344 = arith.constant 48 : index
      %get3A_345 = tpu.vector_load %arg11[%get3A_343, %get3A_344] {strides = array<i32>} : memref<512x64xf32, #tpu.memory_space<vmem>>, vector<16xf32>,
      %mul3A_346 = arith.mulf %get3A_324, %get3A_336 : vector<16xf32>
      %mul3A_347 = arith.mulf %get3A_327, %get3A_339 : vector<16xf32>
      %add3A_348 = arith.addf %mul3A_346, %mul3A_347 : vector<16xf32>
      %mul3A_349 = arith.mulf %get3A_330, %get3A_342 : vector<16xf32>
      %add3A_350 = arith.addf %add3A_348, %mul3A_349 : vector<16xf32>
      %mul3A_351 = arith.mulf %get3A_333, %get3A_345 : vector<16xf32>
      %add3A_352 = arith.addf %add3A_350, %mul3A_351 : vector<16xf32>
      %reduce_sum3A_353 = arith.constant true
      %reduce_sum3A_354 = vector.broadcast %reduce_sum3A_353 : i1 to vector<16xi1>
      %reduce_sum3A_355 = tpu.scan <sum>, %add3A_352 masked %reduce_sum3A_354 : vector<16xf32>, vector<16xi1> -> vector<16xf32>
      %reduce_sum3A_356 = vector.extract %reduce_sum3A_355[15] : f32 from vector<16xf32>
      %eq3A_357 = arith.constant 1 : i32
      %eq3A_358 = vector.broadcast %eq3A_357 : i32 to vector<16xi32>
      %eq3A_359 = arith.cmpi eq, %iota3A, %eq3A_358 : vector<16xi32>
      %broadcast_in_dim3A_360 = vector.broadcast %reduce_sum3A_356 : f32 to vector<16xf32>
      %select_n3A_361 = arith.select %eq3A_359, %broadcast_in_dim3A_360, %select_n3A : vector<16xi1>, vector<16xf32>
      %mul3A_362 = arith.mulf %get3A_324, %get3A_324 : vector<16xf32>
      %add3A_363 = arith.addf %add3A_317, %mul3A_362 : vector<16xf32>
      %mul3A_364 = arith.mulf %get3A_336, %get3A_336 : vector<16xf32>
      %add3A_365 = arith.addf %add3A_319, %mul3A_364 : vector<16xf32>
      %mul3A_366 = arith.mulf %get3A_327, %get3A_327 : vector<16xf32>
      %add3A_367 = arith.addf %add3A_363, %mul3A_366 : vector<16xf32>
      %mul3A_368 = arith.mulf %get3A_339, %get3A_339 : vector<16xf32>
      %add3A_369 = arith.addf %add3A_365, %mul3A_368 : vector<16xf32>
      %mul3A_370 = arith.mulf %get3A_330, %get3A_330 : vector<16xf32>
      %add3A_371 = arith.addf %add3A_367, %mul3A_370 : vector<16xf32>
      %mul3A_372 = arith.mulf %get3A_342, %get3A_342 : vector<16xf32>
      %add3A_373 = arith.addf %add3A_369, %mul3A_372 : vector<16xf32>
      %mul3A_374 = arith.mulf %get3A_333, %get3A_333 : vector<16xf32>
      %add3A_375 = arith.addf %add3A_371, %mul3A_374 : vector<16xf32>
      %mul3A_376 = arith.mulf %get3A_345, %get3A_345 : vector<16xf32>
      %add3A_377 = arith.addf %add3A_373, %mul3A_376 : vector<16xf32>
      %add3A_378 = arith.constant 2 : i32
      %add3A_379 = arith.addi %multiple_of3A, %add3A_378 : i32
      %get3A_380 = arith.index_cast %add3A_379 : i32 to index
      %get3A_381 = arith.constant 0 : index
      %get3A_382 = tpu.vector_load %arg10[%get3A_380, %get3A_381] {strides = array<i32>} : memref<512x64xf32, #tpu.memory_space<vmem>>, vector<16xf32>,
      %get3A_383 = arith.index_cast %add3A_379 : i32 to index
      %get3A_384 = arith.constant 16 : index
      %get3A_385 = tpu.vector_load %arg10[%get3A_383, %get3A_384] {strides = array<i32>} : memref<512x64xf32, #tpu.memory_space<vmem>>, vector<16xf32>,
      %get3A_386 = arith.index_cast %add3A_379 : i32 to index
      %get3A_387 = arith.constant 32 : index
      %get3A_388 = tpu.vector_load %arg10[%get3A_386, %get3A_387] {strides = array<i32>} : memref<512x64xf32, #tpu.memory_space<vmem>>, vector<16xf32>,
      %get3A_389 = arith.index_cast %add3A_379 : i32 to index
      %get3A_390 = arith.constant 48 : index
      %get3A_391 = tpu.vector_load %arg10[%get3A_389, %get3A_390] {strides = array<i32>} : memref<512x64xf32, #tpu.memory_space<vmem>>, vector<16xf32>,
      %get3A_392 = arith.index_cast %add3A_379 : i32 to index
      %get3A_393 = arith.constant 0 : index
      %get3A_394 = tpu.vector_load %arg11[%get3A_392, %get3A_393] {strides = array<i32>} : memref<512x64xf32, #tpu.memory_space<vmem>>, vector<16xf32>,
      %get3A_395 = arith.index_cast %add3A_379 : i32 to index
      %get3A_396 = arith.constant 16 : index
      %get3A_397 = tpu.vector_load %arg11[%get3A_395, %get3A_396] {strides = array<i32>} : memref<512x64xf32, #tpu.memory_space<vmem>>, vector<16xf32>,
      %get3A_398 = arith.index_cast %add3A_379 : i32 to index
      %get3A_399 = arith.constant 32 : index
      %get3A_400 = tpu.vector_load %arg11[%get3A_398, %get3A_399] {strides = array<i32>} : memref<512x64xf32, #tpu.memory_space<vmem>>, vector<16xf32>,
      %get3A_401 = arith.index_cast %add3A_379 : i32 to index
      %get3A_402 = arith.constant 48 : index
      %get3A_403 = tpu.vector_load %arg11[%get3A_401, %get3A_402] {strides = array<i32>} : memref<512x64xf32, #tpu.memory_space<vmem>>, vector<16xf32>,
      %mul3A_404 = arith.mulf %get3A_382, %get3A_394 : vector<16xf32>
      %mul3A_405 = arith.mulf %get3A_385, %get3A_397 : vector<16xf32>
      %add3A_406 = arith.addf %mul3A_404, %mul3A_405 : vector<16xf32>
      %mul3A_407 = arith.mulf %get3A_388, %get3A_400 : vector<16xf32>
      %add3A_408 = arith.addf %add3A_406, %mul3A_407 : vector<16xf32>
      %mul3A_409 = arith.mulf %get3A_391, %get3A_403 : vector<16xf32>
      %add3A_410 = arith.addf %add3A_408, %mul3A_409 : vector<16xf32>
      %reduce_sum3A_411 = arith.constant true
      %reduce_sum3A_412 = vector.broadcast %reduce_sum3A_411 : i1 to vector<16xi1>
      %reduce_sum3A_413 = tpu.scan <sum>, %add3A_410 masked %reduce_sum3A_412 : vector<16xf32>, vector<16xi1> -> vector<16xf32>
      %reduce_sum3A_414 = vector.extract %reduce_sum3A_413[15] : f32 from vector<16xf32>
      %eq3A_415 = arith.constant 2 : i32
      %eq3A_416 = vector.broadcast %eq3A_415 : i32 to vector<16xi32>
      %eq3A_417 = arith.cmpi eq, %iota3A, %eq3A_416 : vector<16xi32>
      %broadcast_in_dim3A_418 = vector.broadcast %reduce_sum3A_414 : f32 to vector<16xf32>
      %select_n3A_419 = arith.select %eq3A_417, %broadcast_in_dim3A_418, %select_n3A_361 : vector<16xi1>, vector<16xf32>
      %mul3A_420 = arith.mulf %get3A_382, %get3A_382 : vector<16xf32>
      %add3A_421 = arith.addf %add3A_375, %mul3A_420 : vector<16xf32>
      %mul3A_422 = arith.mulf %get3A_394, %get3A_394 : vector<16xf32>
      %add3A_423 = arith.addf %add3A_377, %mul3A_422 : vector<16xf32>
      %mul3A_424 = arith.mulf %get3A_385, %get3A_385 : vector<16xf32>
      %add3A_425 = arith.addf %add3A_421, %mul3A_424 : vector<16xf32>
      %mul3A_426 = arith.mulf %get3A_397, %get3A_397 : vector<16xf32>
      %add3A_427 = arith.addf %add3A_423, %mul3A_426 : vector<16xf32>
      %mul3A_428 = arith.mulf %get3A_388, %get3A_388 : vector<16xf32>
      %add3A_429 = arith.addf %add3A_425, %mul3A_428 : vector<16xf32>
      %mul3A_430 = arith.mulf %get3A_400, %get3A_400 : vector<16xf32>
      %add3A_431 = arith.addf %add3A_427, %mul3A_430 : vector<16xf32>
      %mul3A_432 = arith.mulf %get3A_391, %get3A_391 : vector<16xf32>
      %add3A_433 = arith.addf %add3A_429, %mul3A_432 : vector<16xf32>
      %mul3A_434 = arith.mulf %get3A_403, %get3A_403 : vector<16xf32>
      %add3A_435 = arith.addf %add3A_431, %mul3A_434 : vector<16xf32>
      %add3A_436 = arith.constant 3 : i32
      %add3A_437 = arith.addi %multiple_of3A, %add3A_436 : i32
      %get3A_438 = arith.index_cast %add3A_437 : i32 to index
      %get3A_439 = arith.constant 0 : index
      %get3A_440 = tpu.vector_load %arg10[%get3A_438, %get3A_439] {strides = array<i32>} : memref<512x64xf32, #tpu.memory_space<vmem>>, vector<16xf32>,
      %get3A_441 = arith.index_cast %add3A_437 : i32 to index
      %get3A_442 = arith.constant 16 : index
      %get3A_443 = tpu.vector_load %arg10[%get3A_441, %get3A_442] {strides = array<i32>} : memref<512x64xf32, #tpu.memory_space<vmem>>, vector<16xf32>,
      %get3A_444 = arith.index_cast %add3A_437 : i32 to index
      %get3A_445 = arith.constant 32 : index
      %get3A_446 = tpu.vector_load %arg10[%get3A_444, %get3A_445] {strides = array<i32>} : memref<512x64xf32, #tpu.memory_space<vmem>>, vector<16xf32>,
      %get3A_447 = arith.index_cast %add3A_437 : i32 to index
      %get3A_448 = arith.constant 48 : index
      %get3A_449 = tpu.vector_load %arg10[%get3A_447, %get3A_448] {strides = array<i32>} : memref<512x64xf32, #tpu.memory_space<vmem>>, vector<16xf32>,
      %get3A_450 = arith.index_cast %add3A_437 : i32 to index
      %get3A_451 = arith.constant 0 : index
      %get3A_452 = tpu.vector_load %arg11[%get3A_450, %get3A_451] {strides = array<i32>} : memref<512x64xf32, #tpu.memory_space<vmem>>, vector<16xf32>,
      %get3A_453 = arith.index_cast %add3A_437 : i32 to index
      %get3A_454 = arith.constant 16 : index
      %get3A_455 = tpu.vector_load %arg11[%get3A_453, %get3A_454] {strides = array<i32>} : memref<512x64xf32, #tpu.memory_space<vmem>>, vector<16xf32>,
      %get3A_456 = arith.index_cast %add3A_437 : i32 to index
      %get3A_457 = arith.constant 32 : index
      %get3A_458 = tpu.vector_load %arg11[%get3A_456, %get3A_457] {strides = array<i32>} : memref<512x64xf32, #tpu.memory_space<vmem>>, vector<16xf32>,
      %get3A_459 = arith.index_cast %add3A_437 : i32 to index
      %get3A_460 = arith.constant 48 : index
      %get3A_461 = tpu.vector_load %arg11[%get3A_459, %get3A_460] {strides = array<i32>} : memref<512x64xf32, #tpu.memory_space<vmem>>, vector<16xf32>,
      %mul3A_462 = arith.mulf %get3A_440, %get3A_452 : vector<16xf32>
      %mul3A_463 = arith.mulf %get3A_443, %get3A_455 : vector<16xf32>
      %add3A_464 = arith.addf %mul3A_462, %mul3A_463 : vector<16xf32>
      %mul3A_465 = arith.mulf %get3A_446, %get3A_458 : vector<16xf32>
      %add3A_466 = arith.addf %add3A_464, %mul3A_465 : vector<16xf32>
      %mul3A_467 = arith.mulf %get3A_449, %get3A_461 : vector<16xf32>
      %add3A_468 = arith.addf %add3A_466, %mul3A_467 : vector<16xf32>
      %reduce_sum3A_469 = arith.constant true
      %reduce_sum3A_470 = vector.broadcast %reduce_sum3A_469 : i1 to vector<16xi1>
      %reduce_sum3A_471 = tpu.scan <sum>, %add3A_468 masked %reduce_sum3A_470 : vector<16xf32>, vector<16xi1> -> vector<16xf32>
      %reduce_sum3A_472 = vector.extract %reduce_sum3A_471[15] : f32 from vector<16xf32>
      %eq3A_473 = arith.constant 3 : i32
      %eq3A_474 = vector.broadcast %eq3A_473 : i32 to vector<16xi32>
      %eq3A_475 = arith.cmpi eq, %iota3A, %eq3A_474 : vector<16xi32>
      %broadcast_in_dim3A_476 = vector.broadcast %reduce_sum3A_472 : f32 to vector<16xf32>
      %select_n3A_477 = arith.select %eq3A_475, %broadcast_in_dim3A_476, %select_n3A_419 : vector<16xi1>, vector<16xf32>
      %mul3A_478 = arith.mulf %get3A_440, %get3A_440 : vector<16xf32>
      %add3A_479 = arith.addf %add3A_433, %mul3A_478 : vector<16xf32>
      %mul3A_480 = arith.mulf %get3A_452, %get3A_452 : vector<16xf32>
      %add3A_481 = arith.addf %add3A_435, %mul3A_480 : vector<16xf32>
      %mul3A_482 = arith.mulf %get3A_443, %get3A_443 : vector<16xf32>
      %add3A_483 = arith.addf %add3A_479, %mul3A_482 : vector<16xf32>
      %mul3A_484 = arith.mulf %get3A_455, %get3A_455 : vector<16xf32>
      %add3A_485 = arith.addf %add3A_481, %mul3A_484 : vector<16xf32>
      %mul3A_486 = arith.mulf %get3A_446, %get3A_446 : vector<16xf32>
      %add3A_487 = arith.addf %add3A_483, %mul3A_486 : vector<16xf32>
      %mul3A_488 = arith.mulf %get3A_458, %get3A_458 : vector<16xf32>
      %add3A_489 = arith.addf %add3A_485, %mul3A_488 : vector<16xf32>
      %mul3A_490 = arith.mulf %get3A_449, %get3A_449 : vector<16xf32>
      %add3A_491 = arith.addf %add3A_487, %mul3A_490 : vector<16xf32>
      %mul3A_492 = arith.mulf %get3A_461, %get3A_461 : vector<16xf32>
      %add3A_493 = arith.addf %add3A_489, %mul3A_492 : vector<16xf32>
      %add3A_494 = arith.constant 4 : i32
      %add3A_495 = arith.addi %multiple_of3A, %add3A_494 : i32
      %get3A_496 = arith.index_cast %add3A_495 : i32 to index
      %get3A_497 = arith.constant 0 : index
      %get3A_498 = tpu.vector_load %arg10[%get3A_496, %get3A_497] {strides = array<i32>} : memref<512x64xf32, #tpu.memory_space<vmem>>, vector<16xf32>,
      %get3A_499 = arith.index_cast %add3A_495 : i32 to index
      %get3A_500 = arith.constant 16 : index
      %get3A_501 = tpu.vector_load %arg10[%get3A_499, %get3A_500] {strides = array<i32>} : memref<512x64xf32, #tpu.memory_space<vmem>>, vector<16xf32>,
      %get3A_502 = arith.index_cast %add3A_495 : i32 to index
      %get3A_503 = arith.constant 32 : index
      %get3A_504 = tpu.vector_load %arg10[%get3A_502, %get3A_503] {strides = array<i32>} : memref<512x64xf32, #tpu.memory_space<vmem>>, vector<16xf32>,
      %get3A_505 = arith.index_cast %add3A_495 : i32 to index
      %get3A_506 = arith.constant 48 : index
      %get3A_507 = tpu.vector_load %arg10[%get3A_505, %get3A_506] {strides = array<i32>} : memref<512x64xf32, #tpu.memory_space<vmem>>, vector<16xf32>,
      %get3A_508 = arith.index_cast %add3A_495 : i32 to index
      %get3A_509 = arith.constant 0 : index
      %get3A_510 = tpu.vector_load %arg11[%get3A_508, %get3A_509] {strides = array<i32>} : memref<512x64xf32, #tpu.memory_space<vmem>>, vector<16xf32>,
      %get3A_511 = arith.index_cast %add3A_495 : i32 to index
      %get3A_512 = arith.constant 16 : index
      %get3A_513 = tpu.vector_load %arg11[%get3A_511, %get3A_512] {strides = array<i32>} : memref<512x64xf32, #tpu.memory_space<vmem>>, vector<16xf32>,
      %get3A_514 = arith.index_cast %add3A_495 : i32 to index
      %get3A_515 = arith.constant 32 : index
      %get3A_516 = tpu.vector_load %arg11[%get3A_514, %get3A_515] {strides = array<i32>} : memref<512x64xf32, #tpu.memory_space<vmem>>, vector<16xf32>,
      %get3A_517 = arith.index_cast %add3A_495 : i32 to index
      %get3A_518 = arith.constant 48 : index
      %get3A_519 = tpu.vector_load %arg11[%get3A_517, %get3A_518] {strides = array<i32>} : memref<512x64xf32, #tpu.memory_space<vmem>>, vector<16xf32>,
      %mul3A_520 = arith.mulf %get3A_498, %get3A_510 : vector<16xf32>
      %mul3A_521 = arith.mulf %get3A_501, %get3A_513 : vector<16xf32>
      %add3A_522 = arith.addf %mul3A_520, %mul3A_521 : vector<16xf32>
      %mul3A_523 = arith.mulf %get3A_504, %get3A_516 : vector<16xf32>
      %add3A_524 = arith.addf %add3A_522, %mul3A_523 : vector<16xf32>
      %mul3A_525 = arith.mulf %get3A_507, %get3A_519 : vector<16xf32>
      %add3A_526 = arith.addf %add3A_524, %mul3A_525 : vector<16xf32>
      %reduce_sum3A_527 = arith.constant true
      %reduce_sum3A_528 = vector.broadcast %reduce_sum3A_527 : i1 to vector<16xi1>
      %reduce_sum3A_529 = tpu.scan <sum>, %add3A_526 masked %reduce_sum3A_528 : vector<16xf32>, vector<16xi1> -> vector<16xf32>
      %reduce_sum3A_530 = vector.extract %reduce_sum3A_529[15] : f32 from vector<16xf32>
      %eq3A_531 = arith.constant 4 : i32
      %eq3A_532 = vector.broadcast %eq3A_531 : i32 to vector<16xi32>
      %eq3A_533 = arith.cmpi eq, %iota3A, %eq3A_532 : vector<16xi32>
      %broadcast_in_dim3A_534 = vector.broadcast %reduce_sum3A_530 : f32 to vector<16xf32>
      %select_n3A_535 = arith.select %eq3A_533, %broadcast_in_dim3A_534, %select_n3A_477 : vector<16xi1>, vector<16xf32>
      %mul3A_536 = arith.mulf %get3A_498, %get3A_498 : vector<16xf32>
      %add3A_537 = arith.addf %add3A_491, %mul3A_536 : vector<16xf32>
      %mul3A_538 = arith.mulf %get3A_510, %get3A_510 : vector<16xf32>
      %add3A_539 = arith.addf %add3A_493, %mul3A_538 : vector<16xf32>
      %mul3A_540 = arith.mulf %get3A_501, %get3A_501 : vector<16xf32>
      %add3A_541 = arith.addf %add3A_537, %mul3A_540 : vector<16xf32>
      %mul3A_542 = arith.mulf %get3A_513, %get3A_513 : vector<16xf32>
      %add3A_543 = arith.addf %add3A_539, %mul3A_542 : vector<16xf32>
      %mul3A_544 = arith.mulf %get3A_504, %get3A_504 : vector<16xf32>
      %add3A_545 = arith.addf %add3A_541, %mul3A_544 : vector<16xf32>
      %mul3A_546 = arith.mulf %get3A_516, %get3A_516 : vector<16xf32>
      %add3A_547 = arith.addf %add3A_543, %mul3A_546 : vector<16xf32>
      %mul3A_548 = arith.mulf %get3A_507, %get3A_507 : vector<16xf32>
      %add3A_549 = arith.addf %add3A_545, %mul3A_548 : vector<16xf32>
      %mul3A_550 = arith.mulf %get3A_519, %get3A_519 : vector<16xf32>
      %add3A_551 = arith.addf %add3A_547, %mul3A_550 : vector<16xf32>
      %add3A_552 = arith.constant 5 : i32
      %add3A_553 = arith.addi %multiple_of3A, %add3A_552 : i32
      %get3A_554 = arith.index_cast %add3A_553 : i32 to index
      %get3A_555 = arith.constant 0 : index
      %get3A_556 = tpu.vector_load %arg10[%get3A_554, %get3A_555] {strides = array<i32>} : memref<512x64xf32, #tpu.memory_space<vmem>>, vector<16xf32>,
      %get3A_557 = arith.index_cast %add3A_553 : i32 to index
      %get3A_558 = arith.constant 16 : index
      %get3A_559 = tpu.vector_load %arg10[%get3A_557, %get3A_558] {strides = array<i32>} : memref<512x64xf32, #tpu.memory_space<vmem>>, vector<16xf32>,
      %get3A_560 = arith.index_cast %add3A_553 : i32 to index
      %get3A_561 = arith.constant 32 : index
      %get3A_562 = tpu.vector_load %arg10[%get3A_560, %get3A_561] {strides = array<i32>} : memref<512x64xf32, #tpu.memory_space<vmem>>, vector<16xf32>,
      %get3A_563 = arith.index_cast %add3A_553 : i32 to index
      %get3A_564 = arith.constant 48 : index
      %get3A_565 = tpu.vector_load %arg10[%get3A_563, %get3A_564] {strides = array<i32>} : memref<512x64xf32, #tpu.memory_space<vmem>>, vector<16xf32>,
      %get3A_566 = arith.index_cast %add3A_553 : i32 to index
      %get3A_567 = arith.constant 0 : index
      %get3A_568 = tpu.vector_load %arg11[%get3A_566, %get3A_567] {strides = array<i32>} : memref<512x64xf32, #tpu.memory_space<vmem>>, vector<16xf32>,
      %get3A_569 = arith.index_cast %add3A_553 : i32 to index
      %get3A_570 = arith.constant 16 : index
      %get3A_571 = tpu.vector_load %arg11[%get3A_569, %get3A_570] {strides = array<i32>} : memref<512x64xf32, #tpu.memory_space<vmem>>, vector<16xf32>,
      %get3A_572 = arith.index_cast %add3A_553 : i32 to index
      %get3A_573 = arith.constant 32 : index
      %get3A_574 = tpu.vector_load %arg11[%get3A_572, %get3A_573] {strides = array<i32>} : memref<512x64xf32, #tpu.memory_space<vmem>>, vector<16xf32>,
      %get3A_575 = arith.index_cast %add3A_553 : i32 to index
      %get3A_576 = arith.constant 48 : index
      %get3A_577 = tpu.vector_load %arg11[%get3A_575, %get3A_576] {strides = array<i32>} : memref<512x64xf32, #tpu.memory_space<vmem>>, vector<16xf32>,
      %mul3A_578 = arith.mulf %get3A_556, %get3A_568 : vector<16xf32>
      %mul3A_579 = arith.mulf %get3A_559, %get3A_571 : vector<16xf32>
      %add3A_580 = arith.addf %mul3A_578, %mul3A_579 : vector<16xf32>
      %mul3A_581 = arith.mulf %get3A_562, %get3A_574 : vector<16xf32>
      %add3A_582 = arith.addf %add3A_580, %mul3A_581 : vector<16xf32>
      %mul3A_583 = arith.mulf %get3A_565, %get3A_577 : vector<16xf32>
      %add3A_584 = arith.addf %add3A_582, %mul3A_583 : vector<16xf32>
      %reduce_sum3A_585 = arith.constant true
      %reduce_sum3A_586 = vector.broadcast %reduce_sum3A_585 : i1 to vector<16xi1>
      %reduce_sum3A_587 = tpu.scan <sum>, %add3A_584 masked %reduce_sum3A_586 : vector<16xf32>, vector<16xi1> -> vector<16xf32>
      %reduce_sum3A_588 = vector.extract %reduce_sum3A_587[15] : f32 from vector<16xf32>
      %eq3A_589 = arith.constant 5 : i32
      %eq3A_590 = vector.broadcast %eq3A_589 : i32 to vector<16xi32>
      %eq3A_591 = arith.cmpi eq, %iota3A, %eq3A_590 : vector<16xi32>
      %broadcast_in_dim3A_592 = vector.broadcast %reduce_sum3A_588 : f32 to vector<16xf32>
      %select_n3A_593 = arith.select %eq3A_591, %broadcast_in_dim3A_592, %select_n3A_535 : vector<16xi1>, vector<16xf32>
      %mul3A_594 = arith.mulf %get3A_556, %get3A_556 : vector<16xf32>
      %add3A_595 = arith.addf %add3A_549, %mul3A_594 : vector<16xf32>
      %mul3A_596 = arith.mulf %get3A_568, %get3A_568 : vector<16xf32>
      %add3A_597 = arith.addf %add3A_551, %mul3A_596 : vector<16xf32>
      %mul3A_598 = arith.mulf %get3A_559, %get3A_559 : vector<16xf32>
      %add3A_599 = arith.addf %add3A_595, %mul3A_598 : vector<16xf32>
      %mul3A_600 = arith.mulf %get3A_571, %get3A_571 : vector<16xf32>
      %add3A_601 = arith.addf %add3A_597, %mul3A_600 : vector<16xf32>
      %mul3A_602 = arith.mulf %get3A_562, %get3A_562 : vector<16xf32>
      %add3A_603 = arith.addf %add3A_599, %mul3A_602 : vector<16xf32>
      %mul3A_604 = arith.mulf %get3A_574, %get3A_574 : vector<16xf32>
      %add3A_605 = arith.addf %add3A_601, %mul3A_604 : vector<16xf32>
      %mul3A_606 = arith.mulf %get3A_565, %get3A_565 : vector<16xf32>
      %add3A_607 = arith.addf %add3A_603, %mul3A_606 : vector<16xf32>
      %mul3A_608 = arith.mulf %get3A_577, %get3A_577 : vector<16xf32>
      %add3A_609 = arith.addf %add3A_605, %mul3A_608 : vector<16xf32>
      %add3A_610 = arith.constant 6 : i32
      %add3A_611 = arith.addi %multiple_of3A, %add3A_610 : i32
      %get3A_612 = arith.index_cast %add3A_611 : i32 to index
      %get3A_613 = arith.constant 0 : index
      %get3A_614 = tpu.vector_load %arg10[%get3A_612, %get3A_613] {strides = array<i32>} : memref<512x64xf32, #tpu.memory_space<vmem>>, vector<16xf32>,
      %get3A_615 = arith.index_cast %add3A_611 : i32 to index
      %get3A_616 = arith.constant 16 : index
      %get3A_617 = tpu.vector_load %arg10[%get3A_615, %get3A_616] {strides = array<i32>} : memref<512x64xf32, #tpu.memory_space<vmem>>, vector<16xf32>,
      %get3A_618 = arith.index_cast %add3A_611 : i32 to index
      %get3A_619 = arith.constant 32 : index
      %get3A_620 = tpu.vector_load %arg10[%get3A_618, %get3A_619] {strides = array<i32>} : memref<512x64xf32, #tpu.memory_space<vmem>>, vector<16xf32>,
      %get3A_621 = arith.index_cast %add3A_611 : i32 to index
      %get3A_622 = arith.constant 48 : index
      %get3A_623 = tpu.vector_load %arg10[%get3A_621, %get3A_622] {strides = array<i32>} : memref<512x64xf32, #tpu.memory_space<vmem>>, vector<16xf32>,
      %get3A_624 = arith.index_cast %add3A_611 : i32 to index
      %get3A_625 = arith.constant 0 : index
      %get3A_626 = tpu.vector_load %arg11[%get3A_624, %get3A_625] {strides = array<i32>} : memref<512x64xf32, #tpu.memory_space<vmem>>, vector<16xf32>,
      %get3A_627 = arith.index_cast %add3A_611 : i32 to index
      %get3A_628 = arith.constant 16 : index
      %get3A_629 = tpu.vector_load %arg11[%get3A_627, %get3A_628] {strides = array<i32>} : memref<512x64xf32, #tpu.memory_space<vmem>>, vector<16xf32>,
      %get3A_630 = arith.index_cast %add3A_611 : i32 to index
      %get3A_631 = arith.constant 32 : index
      %get3A_632 = tpu.vector_load %arg11[%get3A_630, %get3A_631] {strides = array<i32>} : memref<512x64xf32, #tpu.memory_space<vmem>>, vector<16xf32>,
      %get3A_633 = arith.index_cast %add3A_611 : i32 to index
      %get3A_634 = arith.constant 48 : index
      %get3A_635 = tpu.vector_load %arg11[%get3A_633, %get3A_634] {strides = array<i32>} : memref<512x64xf32, #tpu.memory_space<vmem>>, vector<16xf32>,
      %mul3A_636 = arith.mulf %get3A_614, %get3A_626 : vector<16xf32>
      %mul3A_637 = arith.mulf %get3A_617, %get3A_629 : vector<16xf32>
      %add3A_638 = arith.addf %mul3A_636, %mul3A_637 : vector<16xf32>
      %mul3A_639 = arith.mulf %get3A_620, %get3A_632 : vector<16xf32>
      %add3A_640 = arith.addf %add3A_638, %mul3A_639 : vector<16xf32>
      %mul3A_641 = arith.mulf %get3A_623, %get3A_635 : vector<16xf32>
      %add3A_642 = arith.addf %add3A_640, %mul3A_641 : vector<16xf32>
      %reduce_sum3A_643 = arith.constant true
      %reduce_sum3A_644 = vector.broadcast %reduce_sum3A_643 : i1 to vector<16xi1>
      %reduce_sum3A_645 = tpu.scan <sum>, %add3A_642 masked %reduce_sum3A_644 : vector<16xf32>, vector<16xi1> -> vector<16xf32>
      %reduce_sum3A_646 = vector.extract %reduce_sum3A_645[15] : f32 from vector<16xf32>
      %eq3A_647 = arith.constant 6 : i32
      %eq3A_648 = vector.broadcast %eq3A_647 : i32 to vector<16xi32>
      %eq3A_649 = arith.cmpi eq, %iota3A, %eq3A_648 : vector<16xi32>
      %broadcast_in_dim3A_650 = vector.broadcast %reduce_sum3A_646 : f32 to vector<16xf32>
      %select_n3A_651 = arith.select %eq3A_649, %broadcast_in_dim3A_650, %select_n3A_593 : vector<16xi1>, vector<16xf32>
      %mul3A_652 = arith.mulf %get3A_614, %get3A_614 : vector<16xf32>
      %add3A_653 = arith.addf %add3A_607, %mul3A_652 : vector<16xf32>
      %mul3A_654 = arith.mulf %get3A_626, %get3A_626 : vector<16xf32>
      %add3A_655 = arith.addf %add3A_609, %mul3A_654 : vector<16xf32>
      %mul3A_656 = arith.mulf %get3A_617, %get3A_617 : vector<16xf32>
      %add3A_657 = arith.addf %add3A_653, %mul3A_656 : vector<16xf32>
      %mul3A_658 = arith.mulf %get3A_629, %get3A_629 : vector<16xf32>
      %add3A_659 = arith.addf %add3A_655, %mul3A_658 : vector<16xf32>
      %mul3A_660 = arith.mulf %get3A_620, %get3A_620 : vector<16xf32>
      %add3A_661 = arith.addf %add3A_657, %mul3A_660 : vector<16xf32>
      %mul3A_662 = arith.mulf %get3A_632, %get3A_632 : vector<16xf32>
      %add3A_663 = arith.addf %add3A_659, %mul3A_662 : vector<16xf32>
      %mul3A_664 = arith.mulf %get3A_623, %get3A_623 : vector<16xf32>
      %add3A_665 = arith.addf %add3A_661, %mul3A_664 : vector<16xf32>
      %mul3A_666 = arith.mulf %get3A_635, %get3A_635 : vector<16xf32>
      %add3A_667 = arith.addf %add3A_663, %mul3A_666 : vector<16xf32>
      %add3A_668 = arith.constant 7 : i32
      %add3A_669 = arith.addi %multiple_of3A, %add3A_668 : i32
      %get3A_670 = arith.index_cast %add3A_669 : i32 to index
      %get3A_671 = arith.constant 0 : index
      %get3A_672 = tpu.vector_load %arg10[%get3A_670, %get3A_671] {strides = array<i32>} : memref<512x64xf32, #tpu.memory_space<vmem>>, vector<16xf32>,
      %get3A_673 = arith.index_cast %add3A_669 : i32 to index
      %get3A_674 = arith.constant 16 : index
      %get3A_675 = tpu.vector_load %arg10[%get3A_673, %get3A_674] {strides = array<i32>} : memref<512x64xf32, #tpu.memory_space<vmem>>, vector<16xf32>,
      %get3A_676 = arith.index_cast %add3A_669 : i32 to index
      %get3A_677 = arith.constant 32 : index
      %get3A_678 = tpu.vector_load %arg10[%get3A_676, %get3A_677] {strides = array<i32>} : memref<512x64xf32, #tpu.memory_space<vmem>>, vector<16xf32>,
      %get3A_679 = arith.index_cast %add3A_669 : i32 to index
      %get3A_680 = arith.constant 48 : index
      %get3A_681 = tpu.vector_load %arg10[%get3A_679, %get3A_680] {strides = array<i32>} : memref<512x64xf32, #tpu.memory_space<vmem>>, vector<16xf32>,
      %get3A_682 = arith.index_cast %add3A_669 : i32 to index
      %get3A_683 = arith.constant 0 : index
      %get3A_684 = tpu.vector_load %arg11[%get3A_682, %get3A_683] {strides = array<i32>} : memref<512x64xf32, #tpu.memory_space<vmem>>, vector<16xf32>,
      %get3A_685 = arith.index_cast %add3A_669 : i32 to index
      %get3A_686 = arith.constant 16 : index
      %get3A_687 = tpu.vector_load %arg11[%get3A_685, %get3A_686] {strides = array<i32>} : memref<512x64xf32, #tpu.memory_space<vmem>>, vector<16xf32>,
      %get3A_688 = arith.index_cast %add3A_669 : i32 to index
      %get3A_689 = arith.constant 32 : index
      %get3A_690 = tpu.vector_load %arg11[%get3A_688, %get3A_689] {strides = array<i32>} : memref<512x64xf32, #tpu.memory_space<vmem>>, vector<16xf32>,
      %get3A_691 = arith.index_cast %add3A_669 : i32 to index
      %get3A_692 = arith.constant 48 : index
      %get3A_693 = tpu.vector_load %arg11[%get3A_691, %get3A_692] {strides = array<i32>} : memref<512x64xf32, #tpu.memory_space<vmem>>, vector<16xf32>,
      %mul3A_694 = arith.mulf %get3A_672, %get3A_684 : vector<16xf32>
      %mul3A_695 = arith.mulf %get3A_675, %get3A_687 : vector<16xf32>
      %add3A_696 = arith.addf %mul3A_694, %mul3A_695 : vector<16xf32>
      %mul3A_697 = arith.mulf %get3A_678, %get3A_690 : vector<16xf32>
      %add3A_698 = arith.addf %add3A_696, %mul3A_697 : vector<16xf32>
      %mul3A_699 = arith.mulf %get3A_681, %get3A_693 : vector<16xf32>
      %add3A_700 = arith.addf %add3A_698, %mul3A_699 : vector<16xf32>
      %reduce_sum3A_701 = arith.constant true
      %reduce_sum3A_702 = vector.broadcast %reduce_sum3A_701 : i1 to vector<16xi1>
      %reduce_sum3A_703 = tpu.scan <sum>, %add3A_700 masked %reduce_sum3A_702 : vector<16xf32>, vector<16xi1> -> vector<16xf32>
      %reduce_sum3A_704 = vector.extract %reduce_sum3A_703[15] : f32 from vector<16xf32>
      %eq3A_705 = arith.constant 7 : i32
      %eq3A_706 = vector.broadcast %eq3A_705 : i32 to vector<16xi32>
      %eq3A_707 = arith.cmpi eq, %iota3A, %eq3A_706 : vector<16xi32>
      %broadcast_in_dim3A_708 = vector.broadcast %reduce_sum3A_704 : f32 to vector<16xf32>
      %select_n3A_709 = arith.select %eq3A_707, %broadcast_in_dim3A_708, %select_n3A_651 : vector<16xi1>, vector<16xf32>
      %mul3A_710 = arith.mulf %get3A_672, %get3A_672 : vector<16xf32>
      %add3A_711 = arith.addf %add3A_665, %mul3A_710 : vector<16xf32>
      %mul3A_712 = arith.mulf %get3A_684, %get3A_684 : vector<16xf32>
      %add3A_713 = arith.addf %add3A_667, %mul3A_712 : vector<16xf32>
      %mul3A_714 = arith.mulf %get3A_675, %get3A_675 : vector<16xf32>
      %add3A_715 = arith.addf %add3A_711, %mul3A_714 : vector<16xf32>
      %mul3A_716 = arith.mulf %get3A_687, %get3A_687 : vector<16xf32>
      %add3A_717 = arith.addf %add3A_713, %mul3A_716 : vector<16xf32>
      %mul3A_718 = arith.mulf %get3A_678, %get3A_678 : vector<16xf32>
      %add3A_719 = arith.addf %add3A_715, %mul3A_718 : vector<16xf32>
      %mul3A_720 = arith.mulf %get3A_690, %get3A_690 : vector<16xf32>
      %add3A_721 = arith.addf %add3A_717, %mul3A_720 : vector<16xf32>
      %mul3A_722 = arith.mulf %get3A_681, %get3A_681 : vector<16xf32>
      %add3A_723 = arith.addf %add3A_719, %mul3A_722 : vector<16xf32>
      %mul3A_724 = arith.mulf %get3A_693, %get3A_693 : vector<16xf32>
      %add3A_725 = arith.addf %add3A_721, %mul3A_724 : vector<16xf32>
      %add3A_726 = arith.constant 8 : i32
      %add3A_727 = arith.addi %multiple_of3A, %add3A_726 : i32
      %get3A_728 = arith.index_cast %add3A_727 : i32 to index
      %get3A_729 = arith.constant 0 : index
      %get3A_730 = tpu.vector_load %arg10[%get3A_728, %get3A_729] {strides = array<i32>} : memref<512x64xf32, #tpu.memory_space<vmem>>, vector<16xf32>,
      %get3A_731 = arith.index_cast %add3A_727 : i32 to index
      %get3A_732 = arith.constant 16 : index
      %get3A_733 = tpu.vector_load %arg10[%get3A_731, %get3A_732] {strides = array<i32>} : memref<512x64xf32, #tpu.memory_space<vmem>>, vector<16xf32>,
      %get3A_734 = arith.index_cast %add3A_727 : i32 to index
      %get3A_735 = arith.constant 32 : index
      %get3A_736 = tpu.vector_load %arg10[%get3A_734, %get3A_735] {strides = array<i32>} : memref<512x64xf32, #tpu.memory_space<vmem>>, vector<16xf32>,
      %get3A_737 = arith.index_cast %add3A_727 : i32 to index
      %get3A_738 = arith.constant 48 : index
      %get3A_739 = tpu.vector_load %arg10[%get3A_737, %get3A_738] {strides = array<i32>} : memref<512x64xf32, #tpu.memory_space<vmem>>, vector<16xf32>,
      %get3A_740 = arith.index_cast %add3A_727 : i32 to index
      %get3A_741 = arith.constant 0 : index
      %get3A_742 = tpu.vector_load %arg11[%get3A_740, %get3A_741] {strides = array<i32>} : memref<512x64xf32, #tpu.memory_space<vmem>>, vector<16xf32>,
      %get3A_743 = arith.index_cast %add3A_727 : i32 to index
      %get3A_744 = arith.constant 16 : index
      %get3A_745 = tpu.vector_load %arg11[%get3A_743, %get3A_744] {strides = array<i32>} : memref<512x64xf32, #tpu.memory_space<vmem>>, vector<16xf32>,
      %get3A_746 = arith.index_cast %add3A_727 : i32 to index
      %get3A_747 = arith.constant 32 : index
      %get3A_748 = tpu.vector_load %arg11[%get3A_746, %get3A_747] {strides = array<i32>} : memref<512x64xf32, #tpu.memory_space<vmem>>, vector<16xf32>,
      %get3A_749 = arith.index_cast %add3A_727 : i32 to index
      %get3A_750 = arith.constant 48 : index
      %get3A_751 = tpu.vector_load %arg11[%get3A_749, %get3A_750] {strides = array<i32>} : memref<512x64xf32, #tpu.memory_space<vmem>>, vector<16xf32>,
      %mul3A_752 = arith.mulf %get3A_730, %get3A_742 : vector<16xf32>
      %mul3A_753 = arith.mulf %get3A_733, %get3A_745 : vector<16xf32>
      %add3A_754 = arith.addf %mul3A_752, %mul3A_753 : vector<16xf32>
      %mul3A_755 = arith.mulf %get3A_736, %get3A_748 : vector<16xf32>
      %add3A_756 = arith.addf %add3A_754, %mul3A_755 : vector<16xf32>
      %mul3A_757 = arith.mulf %get3A_739, %get3A_751 : vector<16xf32>
      %add3A_758 = arith.addf %add3A_756, %mul3A_757 : vector<16xf32>
      %reduce_sum3A_759 = arith.constant true
      %reduce_sum3A_760 = vector.broadcast %reduce_sum3A_759 : i1 to vector<16xi1>
      %reduce_sum3A_761 = tpu.scan <sum>, %add3A_758 masked %reduce_sum3A_760 : vector<16xf32>, vector<16xi1> -> vector<16xf32>
      %reduce_sum3A_762 = vector.extract %reduce_sum3A_761[15] : f32 from vector<16xf32>
      %eq3A_763 = arith.constant 8 : i32
      %eq3A_764 = vector.broadcast %eq3A_763 : i32 to vector<16xi32>
      %eq3A_765 = arith.cmpi eq, %iota3A, %eq3A_764 : vector<16xi32>
      %broadcast_in_dim3A_766 = vector.broadcast %reduce_sum3A_762 : f32 to vector<16xf32>
      %select_n3A_767 = arith.select %eq3A_765, %broadcast_in_dim3A_766, %select_n3A_709 : vector<16xi1>, vector<16xf32>
      %mul3A_768 = arith.mulf %get3A_730, %get3A_730 : vector<16xf32>
      %add3A_769 = arith.addf %add3A_723, %mul3A_768 : vector<16xf32>
      %mul3A_770 = arith.mulf %get3A_742, %get3A_742 : vector<16xf32>
      %add3A_771 = arith.addf %add3A_725, %mul3A_770 : vector<16xf32>
      %mul3A_772 = arith.mulf %get3A_733, %get3A_733 : vector<16xf32>
      %add3A_773 = arith.addf %add3A_769, %mul3A_772 : vector<16xf32>
      %mul3A_774 = arith.mulf %get3A_745, %get3A_745 : vector<16xf32>
      %add3A_775 = arith.addf %add3A_771, %mul3A_774 : vector<16xf32>
      %mul3A_776 = arith.mulf %get3A_736, %get3A_736 : vector<16xf32>
      %add3A_777 = arith.addf %add3A_773, %mul3A_776 : vector<16xf32>
      %mul3A_778 = arith.mulf %get3A_748, %get3A_748 : vector<16xf32>
      %add3A_779 = arith.addf %add3A_775, %mul3A_778 : vector<16xf32>
      %mul3A_780 = arith.mulf %get3A_739, %get3A_739 : vector<16xf32>
      %add3A_781 = arith.addf %add3A_777, %mul3A_780 : vector<16xf32>
      %mul3A_782 = arith.mulf %get3A_751, %get3A_751 : vector<16xf32>
      %add3A_783 = arith.addf %add3A_779, %mul3A_782 : vector<16xf32>
      %add3A_784 = arith.constant 9 : i32
      %add3A_785 = arith.addi %multiple_of3A, %add3A_784 : i32
      %get3A_786 = arith.index_cast %add3A_785 : i32 to index
      %get3A_787 = arith.constant 0 : index
      %get3A_788 = tpu.vector_load %arg10[%get3A_786, %get3A_787] {strides = array<i32>} : memref<512x64xf32, #tpu.memory_space<vmem>>, vector<16xf32>,
      %get3A_789 = arith.index_cast %add3A_785 : i32 to index
      %get3A_790 = arith.constant 16 : index
      %get3A_791 = tpu.vector_load %arg10[%get3A_789, %get3A_790] {strides = array<i32>} : memref<512x64xf32, #tpu.memory_space<vmem>>, vector<16xf32>,
      %get3A_792 = arith.index_cast %add3A_785 : i32 to index
      %get3A_793 = arith.constant 32 : index
      %get3A_794 = tpu.vector_load %arg10[%get3A_792, %get3A_793] {strides = array<i32>} : memref<512x64xf32, #tpu.memory_space<vmem>>, vector<16xf32>,
      %get3A_795 = arith.index_cast %add3A_785 : i32 to index
      %get3A_796 = arith.constant 48 : index
      %get3A_797 = tpu.vector_load %arg10[%get3A_795, %get3A_796] {strides = array<i32>} : memref<512x64xf32, #tpu.memory_space<vmem>>, vector<16xf32>,
      %get3A_798 = arith.index_cast %add3A_785 : i32 to index
      %get3A_799 = arith.constant 0 : index
      %get3A_800 = tpu.vector_load %arg11[%get3A_798, %get3A_799] {strides = array<i32>} : memref<512x64xf32, #tpu.memory_space<vmem>>, vector<16xf32>,
      %get3A_801 = arith.index_cast %add3A_785 : i32 to index
      %get3A_802 = arith.constant 16 : index
      %get3A_803 = tpu.vector_load %arg11[%get3A_801, %get3A_802] {strides = array<i32>} : memref<512x64xf32, #tpu.memory_space<vmem>>, vector<16xf32>,
      %get3A_804 = arith.index_cast %add3A_785 : i32 to index
      %get3A_805 = arith.constant 32 : index
      %get3A_806 = tpu.vector_load %arg11[%get3A_804, %get3A_805] {strides = array<i32>} : memref<512x64xf32, #tpu.memory_space<vmem>>, vector<16xf32>,
      %get3A_807 = arith.index_cast %add3A_785 : i32 to index
      %get3A_808 = arith.constant 48 : index
      %get3A_809 = tpu.vector_load %arg11[%get3A_807, %get3A_808] {strides = array<i32>} : memref<512x64xf32, #tpu.memory_space<vmem>>, vector<16xf32>,
      %mul3A_810 = arith.mulf %get3A_788, %get3A_800 : vector<16xf32>
      %mul3A_811 = arith.mulf %get3A_791, %get3A_803 : vector<16xf32>
      %add3A_812 = arith.addf %mul3A_810, %mul3A_811 : vector<16xf32>
      %mul3A_813 = arith.mulf %get3A_794, %get3A_806 : vector<16xf32>
      %add3A_814 = arith.addf %add3A_812, %mul3A_813 : vector<16xf32>
      %mul3A_815 = arith.mulf %get3A_797, %get3A_809 : vector<16xf32>
      %add3A_816 = arith.addf %add3A_814, %mul3A_815 : vector<16xf32>
      %reduce_sum3A_817 = arith.constant true
      %reduce_sum3A_818 = vector.broadcast %reduce_sum3A_817 : i1 to vector<16xi1>
      %reduce_sum3A_819 = tpu.scan <sum>, %add3A_816 masked %reduce_sum3A_818 : vector<16xf32>, vector<16xi1> -> vector<16xf32>
      %reduce_sum3A_820 = vector.extract %reduce_sum3A_819[15] : f32 from vector<16xf32>
      %eq3A_821 = arith.constant 9 : i32
      %eq3A_822 = vector.broadcast %eq3A_821 : i32 to vector<16xi32>
      %eq3A_823 = arith.cmpi eq, %iota3A, %eq3A_822 : vector<16xi32>
      %broadcast_in_dim3A_824 = vector.broadcast %reduce_sum3A_820 : f32 to vector<16xf32>
      %select_n3A_825 = arith.select %eq3A_823, %broadcast_in_dim3A_824, %select_n3A_767 : vector<16xi1>, vector<16xf32>
      %mul3A_826 = arith.mulf %get3A_788, %get3A_788 : vector<16xf32>
      %add3A_827 = arith.addf %add3A_781, %mul3A_826 : vector<16xf32>
      %mul3A_828 = arith.mulf %get3A_800, %get3A_800 : vector<16xf32>
      %add3A_829 = arith.addf %add3A_783, %mul3A_828 : vector<16xf32>
      %mul3A_830 = arith.mulf %get3A_791, %get3A_791 : vector<16xf32>
      %add3A_831 = arith.addf %add3A_827, %mul3A_830 : vector<16xf32>
      %mul3A_832 = arith.mulf %get3A_803, %get3A_803 : vector<16xf32>
      %add3A_833 = arith.addf %add3A_829, %mul3A_832 : vector<16xf32>
      %mul3A_834 = arith.mulf %get3A_794, %get3A_794 : vector<16xf32>
      %add3A_835 = arith.addf %add3A_831, %mul3A_834 : vector<16xf32>
      %mul3A_836 = arith.mulf %get3A_806, %get3A_806 : vector<16xf32>
      %add3A_837 = arith.addf %add3A_833, %mul3A_836 : vector<16xf32>
      %mul3A_838 = arith.mulf %get3A_797, %get3A_797 : vector<16xf32>
      %add3A_839 = arith.addf %add3A_835, %mul3A_838 : vector<16xf32>
      %mul3A_840 = arith.mulf %get3A_809, %get3A_809 : vector<16xf32>
      %add3A_841 = arith.addf %add3A_837, %mul3A_840 : vector<16xf32>
      %add3A_842 = arith.constant 10 : i32
      %add3A_843 = arith.addi %multiple_of3A, %add3A_842 : i32
      %get3A_844 = arith.index_cast %add3A_843 : i32 to index
      %get3A_845 = arith.constant 0 : index
      %get3A_846 = tpu.vector_load %arg10[%get3A_844, %get3A_845] {strides = array<i32>} : memref<512x64xf32, #tpu.memory_space<vmem>>, vector<16xf32>,
      %get3A_847 = arith.index_cast %add3A_843 : i32 to index
      %get3A_848 = arith.constant 16 : index
      %get3A_849 = tpu.vector_load %arg10[%get3A_847, %get3A_848] {strides = array<i32>} : memref<512x64xf32, #tpu.memory_space<vmem>>, vector<16xf32>,
      %get3A_850 = arith.index_cast %add3A_843 : i32 to index
      %get3A_851 = arith.constant 32 : index
      %get3A_852 = tpu.vector_load %arg10[%get3A_850, %get3A_851] {strides = array<i32>} : memref<512x64xf32, #tpu.memory_space<vmem>>, vector<16xf32>,
      %get3A_853 = arith.index_cast %add3A_843 : i32 to index
      %get3A_854 = arith.constant 48 : index
      %get3A_855 = tpu.vector_load %arg10[%get3A_853, %get3A_854] {strides = array<i32>} : memref<512x64xf32, #tpu.memory_space<vmem>>, vector<16xf32>,
      %get3A_856 = arith.index_cast %add3A_843 : i32 to index
      %get3A_857 = arith.constant 0 : index
      %get3A_858 = tpu.vector_load %arg11[%get3A_856, %get3A_857] {strides = array<i32>} : memref<512x64xf32, #tpu.memory_space<vmem>>, vector<16xf32>,
      %get3A_859 = arith.index_cast %add3A_843 : i32 to index
      %get3A_860 = arith.constant 16 : index
      %get3A_861 = tpu.vector_load %arg11[%get3A_859, %get3A_860] {strides = array<i32>} : memref<512x64xf32, #tpu.memory_space<vmem>>, vector<16xf32>,
      %get3A_862 = arith.index_cast %add3A_843 : i32 to index
      %get3A_863 = arith.constant 32 : index
      %get3A_864 = tpu.vector_load %arg11[%get3A_862, %get3A_863] {strides = array<i32>} : memref<512x64xf32, #tpu.memory_space<vmem>>, vector<16xf32>,
      %get3A_865 = arith.index_cast %add3A_843 : i32 to index
      %get3A_866 = arith.constant 48 : index
      %get3A_867 = tpu.vector_load %arg11[%get3A_865, %get3A_866] {strides = array<i32>} : memref<512x64xf32, #tpu.memory_space<vmem>>, vector<16xf32>,
      %mul3A_868 = arith.mulf %get3A_846, %get3A_858 : vector<16xf32>
      %mul3A_869 = arith.mulf %get3A_849, %get3A_861 : vector<16xf32>
      %add3A_870 = arith.addf %mul3A_868, %mul3A_869 : vector<16xf32>
      %mul3A_871 = arith.mulf %get3A_852, %get3A_864 : vector<16xf32>
      %add3A_872 = arith.addf %add3A_870, %mul3A_871 : vector<16xf32>
      %mul3A_873 = arith.mulf %get3A_855, %get3A_867 : vector<16xf32>
      %add3A_874 = arith.addf %add3A_872, %mul3A_873 : vector<16xf32>
      %reduce_sum3A_875 = arith.constant true
      %reduce_sum3A_876 = vector.broadcast %reduce_sum3A_875 : i1 to vector<16xi1>
      %reduce_sum3A_877 = tpu.scan <sum>, %add3A_874 masked %reduce_sum3A_876 : vector<16xf32>, vector<16xi1> -> vector<16xf32>
      %reduce_sum3A_878 = vector.extract %reduce_sum3A_877[15] : f32 from vector<16xf32>
      %eq3A_879 = arith.constant 10 : i32
      %eq3A_880 = vector.broadcast %eq3A_879 : i32 to vector<16xi32>
      %eq3A_881 = arith.cmpi eq, %iota3A, %eq3A_880 : vector<16xi32>
      %broadcast_in_dim3A_882 = vector.broadcast %reduce_sum3A_878 : f32 to vector<16xf32>
      %select_n3A_883 = arith.select %eq3A_881, %broadcast_in_dim3A_882, %select_n3A_825 : vector<16xi1>, vector<16xf32>
      %mul3A_884 = arith.mulf %get3A_846, %get3A_846 : vector<16xf32>
      %add3A_885 = arith.addf %add3A_839, %mul3A_884 : vector<16xf32>
      %mul3A_886 = arith.mulf %get3A_858, %get3A_858 : vector<16xf32>
      %add3A_887 = arith.addf %add3A_841, %mul3A_886 : vector<16xf32>
      %mul3A_888 = arith.mulf %get3A_849, %get3A_849 : vector<16xf32>
      %add3A_889 = arith.addf %add3A_885, %mul3A_888 : vector<16xf32>
      %mul3A_890 = arith.mulf %get3A_861, %get3A_861 : vector<16xf32>
      %add3A_891 = arith.addf %add3A_887, %mul3A_890 : vector<16xf32>
      %mul3A_892 = arith.mulf %get3A_852, %get3A_852 : vector<16xf32>
      %add3A_893 = arith.addf %add3A_889, %mul3A_892 : vector<16xf32>
      %mul3A_894 = arith.mulf %get3A_864, %get3A_864 : vector<16xf32>
      %add3A_895 = arith.addf %add3A_891, %mul3A_894 : vector<16xf32>
      %mul3A_896 = arith.mulf %get3A_855, %get3A_855 : vector<16xf32>
      %add3A_897 = arith.addf %add3A_893, %mul3A_896 : vector<16xf32>
      %mul3A_898 = arith.mulf %get3A_867, %get3A_867 : vector<16xf32>
      %add3A_899 = arith.addf %add3A_895, %mul3A_898 : vector<16xf32>
      %add3A_900 = arith.constant 11 : i32
      %add3A_901 = arith.addi %multiple_of3A, %add3A_900 : i32
      %get3A_902 = arith.index_cast %add3A_901 : i32 to index
      %get3A_903 = arith.constant 0 : index
      %get3A_904 = tpu.vector_load %arg10[%get3A_902, %get3A_903] {strides = array<i32>} : memref<512x64xf32, #tpu.memory_space<vmem>>, vector<16xf32>,
      %get3A_905 = arith.index_cast %add3A_901 : i32 to index
      %get3A_906 = arith.constant 16 : index
      %get3A_907 = tpu.vector_load %arg10[%get3A_905, %get3A_906] {strides = array<i32>} : memref<512x64xf32, #tpu.memory_space<vmem>>, vector<16xf32>,
      %get3A_908 = arith.index_cast %add3A_901 : i32 to index
      %get3A_909 = arith.constant 32 : index
      %get3A_910 = tpu.vector_load %arg10[%get3A_908, %get3A_909] {strides = array<i32>} : memref<512x64xf32, #tpu.memory_space<vmem>>, vector<16xf32>,
      %get3A_911 = arith.index_cast %add3A_901 : i32 to index
      %get3A_912 = arith.constant 48 : index
      %get3A_913 = tpu.vector_load %arg10[%get3A_911, %get3A_912] {strides = array<i32>} : memref<512x64xf32, #tpu.memory_space<vmem>>, vector<16xf32>,
      %get3A_914 = arith.index_cast %add3A_901 : i32 to index
      %get3A_915 = arith.constant 0 : index
      %get3A_916 = tpu.vector_load %arg11[%get3A_914, %get3A_915] {strides = array<i32>} : memref<512x64xf32, #tpu.memory_space<vmem>>, vector<16xf32>,
      %get3A_917 = arith.index_cast %add3A_901 : i32 to index
      %get3A_918 = arith.constant 16 : index
      %get3A_919 = tpu.vector_load %arg11[%get3A_917, %get3A_918] {strides = array<i32>} : memref<512x64xf32, #tpu.memory_space<vmem>>, vector<16xf32>,
      %get3A_920 = arith.index_cast %add3A_901 : i32 to index
      %get3A_921 = arith.constant 32 : index
      %get3A_922 = tpu.vector_load %arg11[%get3A_920, %get3A_921] {strides = array<i32>} : memref<512x64xf32, #tpu.memory_space<vmem>>, vector<16xf32>,
      %get3A_923 = arith.index_cast %add3A_901 : i32 to index
      %get3A_924 = arith.constant 48 : index
      %get3A_925 = tpu.vector_load %arg11[%get3A_923, %get3A_924] {strides = array<i32>} : memref<512x64xf32, #tpu.memory_space<vmem>>, vector<16xf32>,
      %mul3A_926 = arith.mulf %get3A_904, %get3A_916 : vector<16xf32>
      %mul3A_927 = arith.mulf %get3A_907, %get3A_919 : vector<16xf32>
      %add3A_928 = arith.addf %mul3A_926, %mul3A_927 : vector<16xf32>
      %mul3A_929 = arith.mulf %get3A_910, %get3A_922 : vector<16xf32>
      %add3A_930 = arith.addf %add3A_928, %mul3A_929 : vector<16xf32>
      %mul3A_931 = arith.mulf %get3A_913, %get3A_925 : vector<16xf32>
      %add3A_932 = arith.addf %add3A_930, %mul3A_931 : vector<16xf32>
      %reduce_sum3A_933 = arith.constant true
      %reduce_sum3A_934 = vector.broadcast %reduce_sum3A_933 : i1 to vector<16xi1>
      %reduce_sum3A_935 = tpu.scan <sum>, %add3A_932 masked %reduce_sum3A_934 : vector<16xf32>, vector<16xi1> -> vector<16xf32>
      %reduce_sum3A_936 = vector.extract %reduce_sum3A_935[15] : f32 from vector<16xf32>
      %eq3A_937 = arith.constant 11 : i32
      %eq3A_938 = vector.broadcast %eq3A_937 : i32 to vector<16xi32>
      %eq3A_939 = arith.cmpi eq, %iota3A, %eq3A_938 : vector<16xi32>
      %broadcast_in_dim3A_940 = vector.broadcast %reduce_sum3A_936 : f32 to vector<16xf32>
      %select_n3A_941 = arith.select %eq3A_939, %broadcast_in_dim3A_940, %select_n3A_883 : vector<16xi1>, vector<16xf32>
      %mul3A_942 = arith.mulf %get3A_904, %get3A_904 : vector<16xf32>
      %add3A_943 = arith.addf %add3A_897, %mul3A_942 : vector<16xf32>
      %mul3A_944 = arith.mulf %get3A_916, %get3A_916 : vector<16xf32>
      %add3A_945 = arith.addf %add3A_899, %mul3A_944 : vector<16xf32>
      %mul3A_946 = arith.mulf %get3A_907, %get3A_907 : vector<16xf32>
      %add3A_947 = arith.addf %add3A_943, %mul3A_946 : vector<16xf32>
      %mul3A_948 = arith.mulf %get3A_919, %get3A_919 : vector<16xf32>
      %add3A_949 = arith.addf %add3A_945, %mul3A_948 : vector<16xf32>
      %mul3A_950 = arith.mulf %get3A_910, %get3A_910 : vector<16xf32>
      %add3A_951 = arith.addf %add3A_947, %mul3A_950 : vector<16xf32>
      %mul3A_952 = arith.mulf %get3A_922, %get3A_922 : vector<16xf32>
      %add3A_953 = arith.addf %add3A_949, %mul3A_952 : vector<16xf32>
      %mul3A_954 = arith.mulf %get3A_913, %get3A_913 : vector<16xf32>
      %add3A_955 = arith.addf %add3A_951, %mul3A_954 : vector<16xf32>
      %mul3A_956 = arith.mulf %get3A_925, %get3A_925 : vector<16xf32>
      %add3A_957 = arith.addf %add3A_953, %mul3A_956 : vector<16xf32>
      %add3A_958 = arith.constant 12 : i32
      %add3A_959 = arith.addi %multiple_of3A, %add3A_958 : i32
      %get3A_960 = arith.index_cast %add3A_959 : i32 to index
      %get3A_961 = arith.constant 0 : index
      %get3A_962 = tpu.vector_load %arg10[%get3A_960, %get3A_961] {strides = array<i32>} : memref<512x64xf32, #tpu.memory_space<vmem>>, vector<16xf32>,
      %get3A_963 = arith.index_cast %add3A_959 : i32 to index
      %get3A_964 = arith.constant 16 : index
      %get3A_965 = tpu.vector_load %arg10[%get3A_963, %get3A_964] {strides = array<i32>} : memref<512x64xf32, #tpu.memory_space<vmem>>, vector<16xf32>,
      %get3A_966 = arith.index_cast %add3A_959 : i32 to index
      %get3A_967 = arith.constant 32 : index
      %get3A_968 = tpu.vector_load %arg10[%get3A_966, %get3A_967] {strides = array<i32>} : memref<512x64xf32, #tpu.memory_space<vmem>>, vector<16xf32>,
      %get3A_969 = arith.index_cast %add3A_959 : i32 to index
      %get3A_970 = arith.constant 48 : index
      %get3A_971 = tpu.vector_load %arg10[%get3A_969, %get3A_970] {strides = array<i32>} : memref<512x64xf32, #tpu.memory_space<vmem>>, vector<16xf32>,
      %get3A_972 = arith.index_cast %add3A_959 : i32 to index
      %get3A_973 = arith.constant 0 : index
      %get3A_974 = tpu.vector_load %arg11[%get3A_972, %get3A_973] {strides = array<i32>} : memref<512x64xf32, #tpu.memory_space<vmem>>, vector<16xf32>,
      %get3A_975 = arith.index_cast %add3A_959 : i32 to index
      %get3A_976 = arith.constant 16 : index
      %get3A_977 = tpu.vector_load %arg11[%get3A_975, %get3A_976] {strides = array<i32>} : memref<512x64xf32, #tpu.memory_space<vmem>>, vector<16xf32>,
      %get3A_978 = arith.index_cast %add3A_959 : i32 to index
      %get3A_979 = arith.constant 32 : index
      %get3A_980 = tpu.vector_load %arg11[%get3A_978, %get3A_979] {strides = array<i32>} : memref<512x64xf32, #tpu.memory_space<vmem>>, vector<16xf32>,
      %get3A_981 = arith.index_cast %add3A_959 : i32 to index
      %get3A_982 = arith.constant 48 : index
      %get3A_983 = tpu.vector_load %arg11[%get3A_981, %get3A_982] {strides = array<i32>} : memref<512x64xf32, #tpu.memory_space<vmem>>, vector<16xf32>,
      %mul3A_984 = arith.mulf %get3A_962, %get3A_974 : vector<16xf32>
      %mul3A_985 = arith.mulf %get3A_965, %get3A_977 : vector<16xf32>
      %add3A_986 = arith.addf %mul3A_984, %mul3A_985 : vector<16xf32>
      %mul3A_987 = arith.mulf %get3A_968, %get3A_980 : vector<16xf32>
      %add3A_988 = arith.addf %add3A_986, %mul3A_987 : vector<16xf32>
      %mul3A_989 = arith.mulf %get3A_971, %get3A_983 : vector<16xf32>
      %add3A_990 = arith.addf %add3A_988, %mul3A_989 : vector<16xf32>
      %reduce_sum3A_991 = arith.constant true
      %reduce_sum3A_992 = vector.broadcast %reduce_sum3A_991 : i1 to vector<16xi1>
      %reduce_sum3A_993 = tpu.scan <sum>, %add3A_990 masked %reduce_sum3A_992 : vector<16xf32>, vector<16xi1> -> vector<16xf32>
      %reduce_sum3A_994 = vector.extract %reduce_sum3A_993[15] : f32 from vector<16xf32>
      %eq3A_995 = arith.constant 12 : i32
      %eq3A_996 = vector.broadcast %eq3A_995 : i32 to vector<16xi32>
      %eq3A_997 = arith.cmpi eq, %iota3A, %eq3A_996 : vector<16xi32>
      %broadcast_in_dim3A_998 = vector.broadcast %reduce_sum3A_994 : f32 to vector<16xf32>
      %select_n3A_999 = arith.select %eq3A_997, %broadcast_in_dim3A_998, %select_n3A_941 : vector<16xi1>, vector<16xf32>
      %mul3A_1000 = arith.mulf %get3A_962, %get3A_962 : vector<16xf32>
      %add3A_1001 = arith.addf %add3A_955, %mul3A_1000 : vector<16xf32>
      %mul3A_1002 = arith.mulf %get3A_974, %get3A_974 : vector<16xf32>
      %add3A_1003 = arith.addf %add3A_957, %mul3A_1002 : vector<16xf32>
      %mul3A_1004 = arith.mulf %get3A_965, %get3A_965 : vector<16xf32>
      %add3A_1005 = arith.addf %add3A_1001, %mul3A_1004 : vector<16xf32>
      %mul3A_1006 = arith.mulf %get3A_977, %get3A_977 : vector<16xf32>
      %add3A_1007 = arith.addf %add3A_1003, %mul3A_1006 : vector<16xf32>
      %mul3A_1008 = arith.mulf %get3A_968, %get3A_968 : vector<16xf32>
      %add3A_1009 = arith.addf %add3A_1005, %mul3A_1008 : vector<16xf32>
      %mul3A_1010 = arith.mulf %get3A_980, %get3A_980 : vector<16xf32>
      %add3A_1011 = arith.addf %add3A_1007, %mul3A_1010 : vector<16xf32>
      %mul3A_1012 = arith.mulf %get3A_971, %get3A_971 : vector<16xf32>
      %add3A_1013 = arith.addf %add3A_1009, %mul3A_1012 : vector<16xf32>
      %mul3A_1014 = arith.mulf %get3A_983, %get3A_983 : vector<16xf32>
      %add3A_1015 = arith.addf %add3A_1011, %mul3A_1014 : vector<16xf32>
      %add3A_1016 = arith.constant 13 : i32
      %add3A_1017 = arith.addi %multiple_of3A, %add3A_1016 : i32
      %get3A_1018 = arith.index_cast %add3A_1017 : i32 to index
      %get3A_1019 = arith.constant 0 : index
      %get3A_1020 = tpu.vector_load %arg10[%get3A_1018, %get3A_1019] {strides = array<i32>} : memref<512x64xf32, #tpu.memory_space<vmem>>, vector<16xf32>,
      %get3A_1021 = arith.index_cast %add3A_1017 : i32 to index
      %get3A_1022 = arith.constant 16 : index
      %get3A_1023 = tpu.vector_load %arg10[%get3A_1021, %get3A_1022] {strides = array<i32>} : memref<512x64xf32, #tpu.memory_space<vmem>>, vector<16xf32>,
      %get3A_1024 = arith.index_cast %add3A_1017 : i32 to index
      %get3A_1025 = arith.constant 32 : index
      %get3A_1026 = tpu.vector_load %arg10[%get3A_1024, %get3A_1025] {strides = array<i32>} : memref<512x64xf32, #tpu.memory_space<vmem>>, vector<16xf32>,
      %get3A_1027 = arith.index_cast %add3A_1017 : i32 to index
      %get3A_1028 = arith.constant 48 : index
      %get3A_1029 = tpu.vector_load %arg10[%get3A_1027, %get3A_1028] {strides = array<i32>} : memref<512x64xf32, #tpu.memory_space<vmem>>, vector<16xf32>,
      %get3A_1030 = arith.index_cast %add3A_1017 : i32 to index
      %get3A_1031 = arith.constant 0 : index
      %get3A_1032 = tpu.vector_load %arg11[%get3A_1030, %get3A_1031] {strides = array<i32>} : memref<512x64xf32, #tpu.memory_space<vmem>>, vector<16xf32>,
      %get3A_1033 = arith.index_cast %add3A_1017 : i32 to index
      %get3A_1034 = arith.constant 16 : index
      %get3A_1035 = tpu.vector_load %arg11[%get3A_1033, %get3A_1034] {strides = array<i32>} : memref<512x64xf32, #tpu.memory_space<vmem>>, vector<16xf32>,
      %get3A_1036 = arith.index_cast %add3A_1017 : i32 to index
      %get3A_1037 = arith.constant 32 : index
      %get3A_1038 = tpu.vector_load %arg11[%get3A_1036, %get3A_1037] {strides = array<i32>} : memref<512x64xf32, #tpu.memory_space<vmem>>, vector<16xf32>,
      %get3A_1039 = arith.index_cast %add3A_1017 : i32 to index
      %get3A_1040 = arith.constant 48 : index
      %get3A_1041 = tpu.vector_load %arg11[%get3A_1039, %get3A_1040] {strides = array<i32>} : memref<512x64xf32, #tpu.memory_space<vmem>>, vector<16xf32>,
      %mul3A_1042 = arith.mulf %get3A_1020, %get3A_1032 : vector<16xf32>
      %mul3A_1043 = arith.mulf %get3A_1023, %get3A_1035 : vector<16xf32>
      %add3A_1044 = arith.addf %mul3A_1042, %mul3A_1043 : vector<16xf32>
      %mul3A_1045 = arith.mulf %get3A_1026, %get3A_1038 : vector<16xf32>
      %add3A_1046 = arith.addf %add3A_1044, %mul3A_1045 : vector<16xf32>
      %mul3A_1047 = arith.mulf %get3A_1029, %get3A_1041 : vector<16xf32>
      %add3A_1048 = arith.addf %add3A_1046, %mul3A_1047 : vector<16xf32>
      %reduce_sum3A_1049 = arith.constant true
      %reduce_sum3A_1050 = vector.broadcast %reduce_sum3A_1049 : i1 to vector<16xi1>
      %reduce_sum3A_1051 = tpu.scan <sum>, %add3A_1048 masked %reduce_sum3A_1050 : vector<16xf32>, vector<16xi1> -> vector<16xf32>
      %reduce_sum3A_1052 = vector.extract %reduce_sum3A_1051[15] : f32 from vector<16xf32>
      %eq3A_1053 = arith.constant 13 : i32
      %eq3A_1054 = vector.broadcast %eq3A_1053 : i32 to vector<16xi32>
      %eq3A_1055 = arith.cmpi eq, %iota3A, %eq3A_1054 : vector<16xi32>
      %broadcast_in_dim3A_1056 = vector.broadcast %reduce_sum3A_1052 : f32 to vector<16xf32>
      %select_n3A_1057 = arith.select %eq3A_1055, %broadcast_in_dim3A_1056, %select_n3A_999 : vector<16xi1>, vector<16xf32>
      %mul3A_1058 = arith.mulf %get3A_1020, %get3A_1020 : vector<16xf32>
      %add3A_1059 = arith.addf %add3A_1013, %mul3A_1058 : vector<16xf32>
      %mul3A_1060 = arith.mulf %get3A_1032, %get3A_1032 : vector<16xf32>
      %add3A_1061 = arith.addf %add3A_1015, %mul3A_1060 : vector<16xf32>
      %mul3A_1062 = arith.mulf %get3A_1023, %get3A_1023 : vector<16xf32>
      %add3A_1063 = arith.addf %add3A_1059, %mul3A_1062 : vector<16xf32>
      %mul3A_1064 = arith.mulf %get3A_1035, %get3A_1035 : vector<16xf32>
      %add3A_1065 = arith.addf %add3A_1061, %mul3A_1064 : vector<16xf32>
      %mul3A_1066 = arith.mulf %get3A_1026, %get3A_1026 : vector<16xf32>
      %add3A_1067 = arith.addf %add3A_1063, %mul3A_1066 : vector<16xf32>
      %mul3A_1068 = arith.mulf %get3A_1038, %get3A_1038 : vector<16xf32>
      %add3A_1069 = arith.addf %add3A_1065, %mul3A_1068 : vector<16xf32>
      %mul3A_1070 = arith.mulf %get3A_1029, %get3A_1029 : vector<16xf32>
      %add3A_1071 = arith.addf %add3A_1067, %mul3A_1070 : vector<16xf32>
      %mul3A_1072 = arith.mulf %get3A_1041, %get3A_1041 : vector<16xf32>
      %add3A_1073 = arith.addf %add3A_1069, %mul3A_1072 : vector<16xf32>
      %add3A_1074 = arith.constant 14 : i32
      %add3A_1075 = arith.addi %multiple_of3A, %add3A_1074 : i32
      %get3A_1076 = arith.index_cast %add3A_1075 : i32 to index
      %get3A_1077 = arith.constant 0 : index
      %get3A_1078 = tpu.vector_load %arg10[%get3A_1076, %get3A_1077] {strides = array<i32>} : memref<512x64xf32, #tpu.memory_space<vmem>>, vector<16xf32>,
      %get3A_1079 = arith.index_cast %add3A_1075 : i32 to index
      %get3A_1080 = arith.constant 16 : index
      %get3A_1081 = tpu.vector_load %arg10[%get3A_1079, %get3A_1080] {strides = array<i32>} : memref<512x64xf32, #tpu.memory_space<vmem>>, vector<16xf32>,
      %get3A_1082 = arith.index_cast %add3A_1075 : i32 to index
      %get3A_1083 = arith.constant 32 : index
      %get3A_1084 = tpu.vector_load %arg10[%get3A_1082, %get3A_1083] {strides = array<i32>} : memref<512x64xf32, #tpu.memory_space<vmem>>, vector<16xf32>,
      %get3A_1085 = arith.index_cast %add3A_1075 : i32 to index
      %get3A_1086 = arith.constant 48 : index
      %get3A_1087 = tpu.vector_load %arg10[%get3A_1085, %get3A_1086] {strides = array<i32>} : memref<512x64xf32, #tpu.memory_space<vmem>>, vector<16xf32>,
      %get3A_1088 = arith.index_cast %add3A_1075 : i32 to index
      %get3A_1089 = arith.constant 0 : index
      %get3A_1090 = tpu.vector_load %arg11[%get3A_1088, %get3A_1089] {strides = array<i32>} : memref<512x64xf32, #tpu.memory_space<vmem>>, vector<16xf32>,
      %get3A_1091 = arith.index_cast %add3A_1075 : i32 to index
      %get3A_1092 = arith.constant 16 : index
      %get3A_1093 = tpu.vector_load %arg11[%get3A_1091, %get3A_1092] {strides = array<i32>} : memref<512x64xf32, #tpu.memory_space<vmem>>, vector<16xf32>,
      %get3A_1094 = arith.index_cast %add3A_1075 : i32 to index
      %get3A_1095 = arith.constant 32 : index
      %get3A_1096 = tpu.vector_load %arg11[%get3A_1094, %get3A_1095] {strides = array<i32>} : memref<512x64xf32, #tpu.memory_space<vmem>>, vector<16xf32>,
      %get3A_1097 = arith.index_cast %add3A_1075 : i32 to index
      %get3A_1098 = arith.constant 48 : index
      %get3A_1099 = tpu.vector_load %arg11[%get3A_1097, %get3A_1098] {strides = array<i32>} : memref<512x64xf32, #tpu.memory_space<vmem>>, vector<16xf32>,
      %mul3A_1100 = arith.mulf %get3A_1078, %get3A_1090 : vector<16xf32>
      %mul3A_1101 = arith.mulf %get3A_1081, %get3A_1093 : vector<16xf32>
      %add3A_1102 = arith.addf %mul3A_1100, %mul3A_1101 : vector<16xf32>
      %mul3A_1103 = arith.mulf %get3A_1084, %get3A_1096 : vector<16xf32>
      %add3A_1104 = arith.addf %add3A_1102, %mul3A_1103 : vector<16xf32>
      %mul3A_1105 = arith.mulf %get3A_1087, %get3A_1099 : vector<16xf32>
      %add3A_1106 = arith.addf %add3A_1104, %mul3A_1105 : vector<16xf32>
      %reduce_sum3A_1107 = arith.constant true
      %reduce_sum3A_1108 = vector.broadcast %reduce_sum3A_1107 : i1 to vector<16xi1>
      %reduce_sum3A_1109 = tpu.scan <sum>, %add3A_1106 masked %reduce_sum3A_1108 : vector<16xf32>, vector<16xi1> -> vector<16xf32>
      %reduce_sum3A_1110 = vector.extract %reduce_sum3A_1109[15] : f32 from vector<16xf32>
      %eq3A_1111 = arith.constant 14 : i32
      %eq3A_1112 = vector.broadcast %eq3A_1111 : i32 to vector<16xi32>
      %eq3A_1113 = arith.cmpi eq, %iota3A, %eq3A_1112 : vector<16xi32>
      %broadcast_in_dim3A_1114 = vector.broadcast %reduce_sum3A_1110 : f32 to vector<16xf32>
      %select_n3A_1115 = arith.select %eq3A_1113, %broadcast_in_dim3A_1114, %select_n3A_1057 : vector<16xi1>, vector<16xf32>
      %mul3A_1116 = arith.mulf %get3A_1078, %get3A_1078 : vector<16xf32>
      %add3A_1117 = arith.addf %add3A_1071, %mul3A_1116 : vector<16xf32>
      %mul3A_1118 = arith.mulf %get3A_1090, %get3A_1090 : vector<16xf32>
      %add3A_1119 = arith.addf %add3A_1073, %mul3A_1118 : vector<16xf32>
      %mul3A_1120 = arith.mulf %get3A_1081, %get3A_1081 : vector<16xf32>
      %add3A_1121 = arith.addf %add3A_1117, %mul3A_1120 : vector<16xf32>
      %mul3A_1122 = arith.mulf %get3A_1093, %get3A_1093 : vector<16xf32>
      %add3A_1123 = arith.addf %add3A_1119, %mul3A_1122 : vector<16xf32>
      %mul3A_1124 = arith.mulf %get3A_1084, %get3A_1084 : vector<16xf32>
      %add3A_1125 = arith.addf %add3A_1121, %mul3A_1124 : vector<16xf32>
      %mul3A_1126 = arith.mulf %get3A_1096, %get3A_1096 : vector<16xf32>
      %add3A_1127 = arith.addf %add3A_1123, %mul3A_1126 : vector<16xf32>
      %mul3A_1128 = arith.mulf %get3A_1087, %get3A_1087 : vector<16xf32>
      %add3A_1129 = arith.addf %add3A_1125, %mul3A_1128 : vector<16xf32>
      %mul3A_1130 = arith.mulf %get3A_1099, %get3A_1099 : vector<16xf32>
      %add3A_1131 = arith.addf %add3A_1127, %mul3A_1130 : vector<16xf32>
      %add3A_1132 = arith.constant 15 : i32
      %add3A_1133 = arith.addi %multiple_of3A, %add3A_1132 : i32
      %get3A_1134 = arith.index_cast %add3A_1133 : i32 to index
      %get3A_1135 = arith.constant 0 : index
      %get3A_1136 = tpu.vector_load %arg10[%get3A_1134, %get3A_1135] {strides = array<i32>} : memref<512x64xf32, #tpu.memory_space<vmem>>, vector<16xf32>,
      %get3A_1137 = arith.index_cast %add3A_1133 : i32 to index
      %get3A_1138 = arith.constant 16 : index
      %get3A_1139 = tpu.vector_load %arg10[%get3A_1137, %get3A_1138] {strides = array<i32>} : memref<512x64xf32, #tpu.memory_space<vmem>>, vector<16xf32>,
      %get3A_1140 = arith.index_cast %add3A_1133 : i32 to index
      %get3A_1141 = arith.constant 32 : index
      %get3A_1142 = tpu.vector_load %arg10[%get3A_1140, %get3A_1141] {strides = array<i32>} : memref<512x64xf32, #tpu.memory_space<vmem>>, vector<16xf32>,
      %get3A_1143 = arith.index_cast %add3A_1133 : i32 to index
      %get3A_1144 = arith.constant 48 : index
      %get3A_1145 = tpu.vector_load %arg10[%get3A_1143, %get3A_1144] {strides = array<i32>} : memref<512x64xf32, #tpu.memory_space<vmem>>, vector<16xf32>,
      %get3A_1146 = arith.index_cast %add3A_1133 : i32 to index
      %get3A_1147 = arith.constant 0 : index
      %get3A_1148 = tpu.vector_load %arg11[%get3A_1146, %get3A_1147] {strides = array<i32>} : memref<512x64xf32, #tpu.memory_space<vmem>>, vector<16xf32>,
      %get3A_1149 = arith.index_cast %add3A_1133 : i32 to index
      %get3A_1150 = arith.constant 16 : index
      %get3A_1151 = tpu.vector_load %arg11[%get3A_1149, %get3A_1150] {strides = array<i32>} : memref<512x64xf32, #tpu.memory_space<vmem>>, vector<16xf32>,
      %get3A_1152 = arith.index_cast %add3A_1133 : i32 to index
      %get3A_1153 = arith.constant 32 : index
      %get3A_1154 = tpu.vector_load %arg11[%get3A_1152, %get3A_1153] {strides = array<i32>} : memref<512x64xf32, #tpu.memory_space<vmem>>, vector<16xf32>,
      %get3A_1155 = arith.index_cast %add3A_1133 : i32 to index
      %get3A_1156 = arith.constant 48 : index
      %get3A_1157 = tpu.vector_load %arg11[%get3A_1155, %get3A_1156] {strides = array<i32>} : memref<512x64xf32, #tpu.memory_space<vmem>>, vector<16xf32>,
      %mul3A_1158 = arith.mulf %get3A_1136, %get3A_1148 : vector<16xf32>
      %mul3A_1159 = arith.mulf %get3A_1139, %get3A_1151 : vector<16xf32>
      %add3A_1160 = arith.addf %mul3A_1158, %mul3A_1159 : vector<16xf32>
      %mul3A_1161 = arith.mulf %get3A_1142, %get3A_1154 : vector<16xf32>
      %add3A_1162 = arith.addf %add3A_1160, %mul3A_1161 : vector<16xf32>
      %mul3A_1163 = arith.mulf %get3A_1145, %get3A_1157 : vector<16xf32>
      %add3A_1164 = arith.addf %add3A_1162, %mul3A_1163 : vector<16xf32>
      %reduce_sum3A_1165 = arith.constant true
      %reduce_sum3A_1166 = vector.broadcast %reduce_sum3A_1165 : i1 to vector<16xi1>
      %reduce_sum3A_1167 = tpu.scan <sum>, %add3A_1164 masked %reduce_sum3A_1166 : vector<16xf32>, vector<16xi1> -> vector<16xf32>
      %reduce_sum3A_1168 = vector.extract %reduce_sum3A_1167[15] : f32 from vector<16xf32>
      %eq3A_1169 = arith.constant 15 : i32
      %eq3A_1170 = vector.broadcast %eq3A_1169 : i32 to vector<16xi32>
      %eq3A_1171 = arith.cmpi eq, %iota3A, %eq3A_1170 : vector<16xi32>
      %broadcast_in_dim3A_1172 = vector.broadcast %reduce_sum3A_1168 : f32 to vector<16xf32>
      %select_n3A_1173 = arith.select %eq3A_1171, %broadcast_in_dim3A_1172, %select_n3A_1115 : vector<16xi1>, vector<16xf32>
      %mul3A_1174 = arith.mulf %get3A_1136, %get3A_1136 : vector<16xf32>
      %add3A_1175 = arith.addf %add3A_1129, %mul3A_1174 : vector<16xf32>
      %mul3A_1176 = arith.mulf %get3A_1148, %get3A_1148 : vector<16xf32>
      %add3A_1177 = arith.addf %add3A_1131, %mul3A_1176 : vector<16xf32>
      %mul3A_1178 = arith.mulf %get3A_1139, %get3A_1139 : vector<16xf32>
      %add3A_1179 = arith.addf %add3A_1175, %mul3A_1178 : vector<16xf32>
      %mul3A_1180 = arith.mulf %get3A_1151, %get3A_1151 : vector<16xf32>
      %add3A_1181 = arith.addf %add3A_1177, %mul3A_1180 : vector<16xf32>
      %mul3A_1182 = arith.mulf %get3A_1142, %get3A_1142 : vector<16xf32>
      %add3A_1183 = arith.addf %add3A_1179, %mul3A_1182 : vector<16xf32>
      %mul3A_1184 = arith.mulf %get3A_1154, %get3A_1154 : vector<16xf32>
      %add3A_1185 = arith.addf %add3A_1181, %mul3A_1184 : vector<16xf32>
      %mul3A_1186 = arith.mulf %get3A_1145, %get3A_1145 : vector<16xf32>
      %add3A_1187 = arith.addf %add3A_1183, %mul3A_1186 : vector<16xf32>
      %mul3A_1188 = arith.mulf %get3A_1157, %get3A_1157 : vector<16xf32>
      %add3A_1189 = arith.addf %add3A_1185, %mul3A_1188 : vector<16xf32>
      %get3A_1190 = arith.index_cast %multiple_of3A : i32 to index
      %get3A_1191 = tpu.vector_load %arg12[%get3A_1190] {strides = array<i32>} : memref<512xf32, #tpu.memory_space<vmem>>, vector<16xf32>,
      %mul3A_1192 = arith.mulf %get3A_1191, %get3A_1191 : vector<16xf32>
      %add3A_1193 = arith.addf %scan3A_263, %mul3A_1192 : vector<16xf32>
      %add3A_1194 = arith.addf %select_n3A_1173, %get3A_1191 : vector<16xf32>
      %swap3A_1195 = arith.index_cast %multiple_of3A : i32 to index
      %swap3A_1196 = tpu.vector_load %arg13[%swap3A_1195] {strides = array<i32>} : memref<512xf32, #tpu.memory_space<vmem>>, vector<16xf32>,
      tpu.vector_store %arg13[%swap3A_1195], %add3A_1194 {strides = array<i32>} : memref<512xf32, #tpu.memory_space<vmem>>, vector<16xf32>,
      scf.yield %add3A_1187, %add3A_1189, %add3A_1193 : vector<16xf32>, vector<16xf32>, vector<16xf32>
    }
    %scan3A_128 = arith.constant 8 : i32
    %dma_start3A_129 = arith.constant 2 : i32
    %dma_start3A_130 = arith.constant 256 : i32
    %dma_start3A_131 = arith.constant 0 : i32
    %dma_start3A_132 = tpu.memref_slice %arg10[%dma_start3A_130, %dma_start3A_131] : memref<512x64xf32, #tpu.memory_space<vmem>> -> memref<128x64xf32, #tpu.memory_space<vmem>>
    %dma_start3A_133 = arith.constant 0 : i32
    %dma_start3A_134 = tpu.memref_slice %arg8[%dma_start3A_129, %dma_start3A_133] : memref<4x128xi32, #tpu.memory_space<vmem>> -> memref<1x128xi32, #tpu.memory_space<vmem>>
    %dma_start3A_135 = tpu.memref_squeeze %dma_start3A_134 : memref<1x128xi32, #tpu.memory_space<vmem>> -> memref<128xi32, #tpu.memory_space<vmem>>
    %dma_start3A_136 = arith.constant 0 : i32
    %dma_start3A_137 = arith.constant 0 : i32
    %dma_start3A_138 = tpu.memref_slice %arg4[%dma_start3A_136, %dma_start3A_137] : memref<100000x64xf32, #tpu.memory_space<hbm>> -> memref<100000x64xf32, #tpu.memory_space<hbm>>
    tpu.enqueue_indirect_dma source(%dma_start3A_138 : memref<100000x64xf32, #tpu.memory_space<hbm>>) target(%dma_start3A_132 : memref<128x64xf32, #tpu.memory_space<vmem>>) offsets(%dma_start3A_135 : memref<128xi32, #tpu.memory_space<vmem>>) semaphore(%arg15 : memref<!tpu.dma_semaphore, #tpu.memory_space<semaphore_mem>>)
    %dma_start3A_139 = arith.constant 2 : i32
    %dma_start3A_140 = arith.constant 256 : i32
    %dma_start3A_141 = arith.constant 0 : i32
    %dma_start3A_142 = tpu.memref_slice %arg11[%dma_start3A_140, %dma_start3A_141] : memref<512x64xf32, #tpu.memory_space<vmem>> -> memref<128x64xf32, #tpu.memory_space<vmem>>
    %dma_start3A_143 = arith.constant 0 : i32
    %dma_start3A_144 = tpu.memref_slice %arg9[%dma_start3A_139, %dma_start3A_143] : memref<4x128xi32, #tpu.memory_space<vmem>> -> memref<1x128xi32, #tpu.memory_space<vmem>>
    %dma_start3A_145 = tpu.memref_squeeze %dma_start3A_144 : memref<1x128xi32, #tpu.memory_space<vmem>> -> memref<128xi32, #tpu.memory_space<vmem>>
    %dma_start3A_146 = arith.constant 0 : i32
    %dma_start3A_147 = arith.constant 0 : i32
    %dma_start3A_148 = tpu.memref_slice %arg4[%dma_start3A_146, %dma_start3A_147] : memref<100000x64xf32, #tpu.memory_space<hbm>> -> memref<100000x64xf32, #tpu.memory_space<hbm>>
    tpu.enqueue_indirect_dma source(%dma_start3A_148 : memref<100000x64xf32, #tpu.memory_space<hbm>>) target(%dma_start3A_142 : memref<128x64xf32, #tpu.memory_space<vmem>>) offsets(%dma_start3A_145 : memref<128xi32, #tpu.memory_space<vmem>>) semaphore(%arg15 : memref<!tpu.dma_semaphore, #tpu.memory_space<semaphore_mem>>)
    %dma_wait3A_149 = arith.constant 1 : i32
    %dma_wait3A_150 = arith.constant 128 : i32
    %dma_wait3A_151 = arith.constant 0 : i32
    %dma_wait3A_152 = tpu.memref_slice %arg10[%dma_wait3A_150, %dma_wait3A_151] : memref<512x64xf32, #tpu.memory_space<vmem>> -> memref<128x64xf32, #tpu.memory_space<vmem>>
    %dma_wait3A_153 = arith.constant 0 : i32
    %dma_wait3A_154 = tpu.memref_slice %arg8[%dma_wait3A_149, %dma_wait3A_153] : memref<4x128xi32, #tpu.memory_space<vmem>> -> memref<1x128xi32, #tpu.memory_space<vmem>>
    %dma_wait3A_155 = tpu.memref_squeeze %dma_wait3A_154 : memref<1x128xi32, #tpu.memory_space<vmem>> -> memref<128xi32, #tpu.memory_space<vmem>>
    %dma_wait3A_156 = arith.constant 0 : i32
    %dma_wait3A_157 = arith.constant 0 : i32
    %dma_wait3A_158 = tpu.memref_slice %arg4[%dma_wait3A_156, %dma_wait3A_157] : memref<100000x64xf32, #tpu.memory_space<hbm>> -> memref<100000x64xf32, #tpu.memory_space<hbm>>
    tpu.wait_indirect_dma semaphore(%arg16 : memref<!tpu.dma_semaphore, #tpu.memory_space<semaphore_mem>>) src(%dma_wait3A_158 : memref<100000x64xf32, #tpu.memory_space<hbm>>) dst(%dma_wait3A_152 : memref<128x64xf32, #tpu.memory_space<vmem>>)
    %dma_wait3A_159 = arith.constant 1 : i32
    %dma_wait3A_160 = arith.constant 128 : i32
    %dma_wait3A_161 = arith.constant 0 : i32
    %dma_wait3A_162 = tpu.memref_slice %arg11[%dma_wait3A_160, %dma_wait3A_161] : memref<512x64xf32, #tpu.memory_space<vmem>> -> memref<128x64xf32, #tpu.memory_space<vmem>>
    %dma_wait3A_163 = arith.constant 0 : i32
    %dma_wait3A_164 = tpu.memref_slice %arg9[%dma_wait3A_159, %dma_wait3A_163] : memref<4x128xi32, #tpu.memory_space<vmem>> -> memref<1x128xi32, #tpu.memory_space<vmem>>
    %dma_wait3A_165 = tpu.memref_squeeze %dma_wait3A_164 : memref<1x128xi32, #tpu.memory_space<vmem>> -> memref<128xi32, #tpu.memory_space<vmem>>
    %dma_wait3A_166 = arith.constant 0 : i32
    %dma_wait3A_167 = arith.constant 0 : i32
    %dma_wait3A_168 = tpu.memref_slice %arg4[%dma_wait3A_166, %dma_wait3A_167] : memref<100000x64xf32, #tpu.memory_space<hbm>> -> memref<100000x64xf32, #tpu.memory_space<hbm>>
    tpu.wait_indirect_dma semaphore(%arg16 : memref<!tpu.dma_semaphore, #tpu.memory_space<semaphore_mem>>) src(%dma_wait3A_168 : memref<100000x64xf32, #tpu.memory_space<hbm>>) dst(%dma_wait3A_162 : memref<128x64xf32, #tpu.memory_space<vmem>>)
    %scan3A_169 = arith.constant 8 : i32
    %scan3A_170 = arith.constant 8 : i32
    %scan3A_171 = arith.addi %scan3A_169, %scan3A_170 : i32
    %scan3A_172 = arith.constant 1 : i32
    %scan3A_173:3 = scf.for %scan3A_260 = %scan3A_169 to %scan3A_171 step %scan3A_172 iter_args(%scan3A_261 = %scan3A_127#0, %scan3A_262 = %scan3A_127#1, %scan3A_263 = %scan3A_127#2) -> (vector<16xf32>, vector<16xf32>, vector<16xf32>)  : i32 {
      %mul3A_264 = arith.constant 16 : i32
      %mul3A_265 = arith.muli %scan3A_260, %mul3A_264 : i32
      %multiple_of3A = tpu.assume_multiple %mul3A_265, 16 : i32
      %add3A_266 = arith.constant 0 : i32
      %add3A_267 = arith.addi %multiple_of3A, %add3A_266 : i32
      %get3A = arith.index_cast %add3A_267 : i32 to index
      %get3A_268 = arith.constant 0 : index
      %get3A_269 = tpu.vector_load %arg10[%get3A, %get3A_268] {strides = array<i32>} : memref<512x64xf32, #tpu.memory_space<vmem>>, vector<16xf32>,
      %get3A_270 = arith.index_cast %add3A_267 : i32 to index
      %get3A_271 = arith.constant 16 : index
      %get3A_272 = tpu.vector_load %arg10[%get3A_270, %get3A_271] {strides = array<i32>} : memref<512x64xf32, #tpu.memory_space<vmem>>, vector<16xf32>,
      %get3A_273 = arith.index_cast %add3A_267 : i32 to index
      %get3A_274 = arith.constant 32 : index
      %get3A_275 = tpu.vector_load %arg10[%get3A_273, %get3A_274] {strides = array<i32>} : memref<512x64xf32, #tpu.memory_space<vmem>>, vector<16xf32>,
      %get3A_276 = arith.index_cast %add3A_267 : i32 to index
      %get3A_277 = arith.constant 48 : index
      %get3A_278 = tpu.vector_load %arg10[%get3A_276, %get3A_277] {strides = array<i32>} : memref<512x64xf32, #tpu.memory_space<vmem>>, vector<16xf32>,
      %get3A_279 = arith.index_cast %add3A_267 : i32 to index
      %get3A_280 = arith.constant 0 : index
      %get3A_281 = tpu.vector_load %arg11[%get3A_279, %get3A_280] {strides = array<i32>} : memref<512x64xf32, #tpu.memory_space<vmem>>, vector<16xf32>,
      %get3A_282 = arith.index_cast %add3A_267 : i32 to index
      %get3A_283 = arith.constant 16 : index
      %get3A_284 = tpu.vector_load %arg11[%get3A_282, %get3A_283] {strides = array<i32>} : memref<512x64xf32, #tpu.memory_space<vmem>>, vector<16xf32>,
      %get3A_285 = arith.index_cast %add3A_267 : i32 to index
      %get3A_286 = arith.constant 32 : index
      %get3A_287 = tpu.vector_load %arg11[%get3A_285, %get3A_286] {strides = array<i32>} : memref<512x64xf32, #tpu.memory_space<vmem>>, vector<16xf32>,
      %get3A_288 = arith.index_cast %add3A_267 : i32 to index
      %get3A_289 = arith.constant 48 : index
      %get3A_290 = tpu.vector_load %arg11[%get3A_288, %get3A_289] {strides = array<i32>} : memref<512x64xf32, #tpu.memory_space<vmem>>, vector<16xf32>,
      %mul3A_291 = arith.mulf %get3A_269, %get3A_281 : vector<16xf32>
      %mul3A_292 = arith.mulf %get3A_272, %get3A_284 : vector<16xf32>
      %add3A_293 = arith.addf %mul3A_291, %mul3A_292 : vector<16xf32>
      %mul3A_294 = arith.mulf %get3A_275, %get3A_287 : vector<16xf32>
      %add3A_295 = arith.addf %add3A_293, %mul3A_294 : vector<16xf32>
      %mul3A_296 = arith.mulf %get3A_278, %get3A_290 : vector<16xf32>
      %add3A_297 = arith.addf %add3A_295, %mul3A_296 : vector<16xf32>
      %reduce_sum3A = arith.constant true
      %reduce_sum3A_298 = vector.broadcast %reduce_sum3A : i1 to vector<16xi1>
      %reduce_sum3A_299 = tpu.scan <sum>, %add3A_297 masked %reduce_sum3A_298 : vector<16xf32>, vector<16xi1> -> vector<16xf32>
      %reduce_sum3A_300 = vector.extract %reduce_sum3A_299[15] : f32 from vector<16xf32>
      %eq3A = arith.constant 0 : i32
      %eq3A_301 = vector.broadcast %eq3A : i32 to vector<16xi32>
      %eq3A_302 = arith.cmpi eq, %iota3A, %eq3A_301 : vector<16xi32>
      %broadcast_in_dim3A_303 = vector.broadcast %reduce_sum3A_300 : f32 to vector<16xf32>
      %select_n3A = arith.select %eq3A_302, %broadcast_in_dim3A_303, %broadcast_in_dim3A_83 : vector<16xi1>, vector<16xf32>
      %mul3A_304 = arith.mulf %get3A_269, %get3A_269 : vector<16xf32>
      %add3A_305 = arith.addf %scan3A_261, %mul3A_304 : vector<16xf32>
      %mul3A_306 = arith.mulf %get3A_281, %get3A_281 : vector<16xf32>
      %add3A_307 = arith.addf %scan3A_262, %mul3A_306 : vector<16xf32>
      %mul3A_308 = arith.mulf %get3A_272, %get3A_272 : vector<16xf32>
      %add3A_309 = arith.addf %add3A_305, %mul3A_308 : vector<16xf32>
      %mul3A_310 = arith.mulf %get3A_284, %get3A_284 : vector<16xf32>
      %add3A_311 = arith.addf %add3A_307, %mul3A_310 : vector<16xf32>
      %mul3A_312 = arith.mulf %get3A_275, %get3A_275 : vector<16xf32>
      %add3A_313 = arith.addf %add3A_309, %mul3A_312 : vector<16xf32>
      %mul3A_314 = arith.mulf %get3A_287, %get3A_287 : vector<16xf32>
      %add3A_315 = arith.addf %add3A_311, %mul3A_314 : vector<16xf32>
      %mul3A_316 = arith.mulf %get3A_278, %get3A_278 : vector<16xf32>
      %add3A_317 = arith.addf %add3A_313, %mul3A_316 : vector<16xf32>
      %mul3A_318 = arith.mulf %get3A_290, %get3A_290 : vector<16xf32>
      %add3A_319 = arith.addf %add3A_315, %mul3A_318 : vector<16xf32>
      %add3A_320 = arith.constant 1 : i32
      %add3A_321 = arith.addi %multiple_of3A, %add3A_320 : i32
      %get3A_322 = arith.index_cast %add3A_321 : i32 to index
      %get3A_323 = arith.constant 0 : index
      %get3A_324 = tpu.vector_load %arg10[%get3A_322, %get3A_323] {strides = array<i32>} : memref<512x64xf32, #tpu.memory_space<vmem>>, vector<16xf32>,
      %get3A_325 = arith.index_cast %add3A_321 : i32 to index
      %get3A_326 = arith.constant 16 : index
      %get3A_327 = tpu.vector_load %arg10[%get3A_325, %get3A_326] {strides = array<i32>} : memref<512x64xf32, #tpu.memory_space<vmem>>, vector<16xf32>,
      %get3A_328 = arith.index_cast %add3A_321 : i32 to index
      %get3A_329 = arith.constant 32 : index
      %get3A_330 = tpu.vector_load %arg10[%get3A_328, %get3A_329] {strides = array<i32>} : memref<512x64xf32, #tpu.memory_space<vmem>>, vector<16xf32>,
      %get3A_331 = arith.index_cast %add3A_321 : i32 to index
      %get3A_332 = arith.constant 48 : index
      %get3A_333 = tpu.vector_load %arg10[%get3A_331, %get3A_332] {strides = array<i32>} : memref<512x64xf32, #tpu.memory_space<vmem>>, vector<16xf32>,
      %get3A_334 = arith.index_cast %add3A_321 : i32 to index
      %get3A_335 = arith.constant 0 : index
      %get3A_336 = tpu.vector_load %arg11[%get3A_334, %get3A_335] {strides = array<i32>} : memref<512x64xf32, #tpu.memory_space<vmem>>, vector<16xf32>,
      %get3A_337 = arith.index_cast %add3A_321 : i32 to index
      %get3A_338 = arith.constant 16 : index
      %get3A_339 = tpu.vector_load %arg11[%get3A_337, %get3A_338] {strides = array<i32>} : memref<512x64xf32, #tpu.memory_space<vmem>>, vector<16xf32>,
      %get3A_340 = arith.index_cast %add3A_321 : i32 to index
      %get3A_341 = arith.constant 32 : index
      %get3A_342 = tpu.vector_load %arg11[%get3A_340, %get3A_341] {strides = array<i32>} : memref<512x64xf32, #tpu.memory_space<vmem>>, vector<16xf32>,
      %get3A_343 = arith.index_cast %add3A_321 : i32 to index
      %get3A_344 = arith.constant 48 : index
      %get3A_345 = tpu.vector_load %arg11[%get3A_343, %get3A_344] {strides = array<i32>} : memref<512x64xf32, #tpu.memory_space<vmem>>, vector<16xf32>,
      %mul3A_346 = arith.mulf %get3A_324, %get3A_336 : vector<16xf32>
      %mul3A_347 = arith.mulf %get3A_327, %get3A_339 : vector<16xf32>
      %add3A_348 = arith.addf %mul3A_346, %mul3A_347 : vector<16xf32>
      %mul3A_349 = arith.mulf %get3A_330, %get3A_342 : vector<16xf32>
      %add3A_350 = arith.addf %add3A_348, %mul3A_349 : vector<16xf32>
      %mul3A_351 = arith.mulf %get3A_333, %get3A_345 : vector<16xf32>
      %add3A_352 = arith.addf %add3A_350, %mul3A_351 : vector<16xf32>
      %reduce_sum3A_353 = arith.constant true
      %reduce_sum3A_354 = vector.broadcast %reduce_sum3A_353 : i1 to vector<16xi1>
      %reduce_sum3A_355 = tpu.scan <sum>, %add3A_352 masked %reduce_sum3A_354 : vector<16xf32>, vector<16xi1> -> vector<16xf32>
      %reduce_sum3A_356 = vector.extract %reduce_sum3A_355[15] : f32 from vector<16xf32>
      %eq3A_357 = arith.constant 1 : i32
      %eq3A_358 = vector.broadcast %eq3A_357 : i32 to vector<16xi32>
      %eq3A_359 = arith.cmpi eq, %iota3A, %eq3A_358 : vector<16xi32>
      %broadcast_in_dim3A_360 = vector.broadcast %reduce_sum3A_356 : f32 to vector<16xf32>
      %select_n3A_361 = arith.select %eq3A_359, %broadcast_in_dim3A_360, %select_n3A : vector<16xi1>, vector<16xf32>
      %mul3A_362 = arith.mulf %get3A_324, %get3A_324 : vector<16xf32>
      %add3A_363 = arith.addf %add3A_317, %mul3A_362 : vector<16xf32>
      %mul3A_364 = arith.mulf %get3A_336, %get3A_336 : vector<16xf32>
      %add3A_365 = arith.addf %add3A_319, %mul3A_364 : vector<16xf32>
      %mul3A_366 = arith.mulf %get3A_327, %get3A_327 : vector<16xf32>
      %add3A_367 = arith.addf %add3A_363, %mul3A_366 : vector<16xf32>
      %mul3A_368 = arith.mulf %get3A_339, %get3A_339 : vector<16xf32>
      %add3A_369 = arith.addf %add3A_365, %mul3A_368 : vector<16xf32>
      %mul3A_370 = arith.mulf %get3A_330, %get3A_330 : vector<16xf32>
      %add3A_371 = arith.addf %add3A_367, %mul3A_370 : vector<16xf32>
      %mul3A_372 = arith.mulf %get3A_342, %get3A_342 : vector<16xf32>
      %add3A_373 = arith.addf %add3A_369, %mul3A_372 : vector<16xf32>
      %mul3A_374 = arith.mulf %get3A_333, %get3A_333 : vector<16xf32>
      %add3A_375 = arith.addf %add3A_371, %mul3A_374 : vector<16xf32>
      %mul3A_376 = arith.mulf %get3A_345, %get3A_345 : vector<16xf32>
      %add3A_377 = arith.addf %add3A_373, %mul3A_376 : vector<16xf32>
      %add3A_378 = arith.constant 2 : i32
      %add3A_379 = arith.addi %multiple_of3A, %add3A_378 : i32
      %get3A_380 = arith.index_cast %add3A_379 : i32 to index
      %get3A_381 = arith.constant 0 : index
      %get3A_382 = tpu.vector_load %arg10[%get3A_380, %get3A_381] {strides = array<i32>} : memref<512x64xf32, #tpu.memory_space<vmem>>, vector<16xf32>,
      %get3A_383 = arith.index_cast %add3A_379 : i32 to index
      %get3A_384 = arith.constant 16 : index
      %get3A_385 = tpu.vector_load %arg10[%get3A_383, %get3A_384] {strides = array<i32>} : memref<512x64xf32, #tpu.memory_space<vmem>>, vector<16xf32>,
      %get3A_386 = arith.index_cast %add3A_379 : i32 to index
      %get3A_387 = arith.constant 32 : index
      %get3A_388 = tpu.vector_load %arg10[%get3A_386, %get3A_387] {strides = array<i32>} : memref<512x64xf32, #tpu.memory_space<vmem>>, vector<16xf32>,
      %get3A_389 = arith.index_cast %add3A_379 : i32 to index
      %get3A_390 = arith.constant 48 : index
      %get3A_391 = tpu.vector_load %arg10[%get3A_389, %get3A_390] {strides = array<i32>} : memref<512x64xf32, #tpu.memory_space<vmem>>, vector<16xf32>,
      %get3A_392 = arith.index_cast %add3A_379 : i32 to index
      %get3A_393 = arith.constant 0 : index
      %get3A_394 = tpu.vector_load %arg11[%get3A_392, %get3A_393] {strides = array<i32>} : memref<512x64xf32, #tpu.memory_space<vmem>>, vector<16xf32>,
      %get3A_395 = arith.index_cast %add3A_379 : i32 to index
      %get3A_396 = arith.constant 16 : index
      %get3A_397 = tpu.vector_load %arg11[%get3A_395, %get3A_396] {strides = array<i32>} : memref<512x64xf32, #tpu.memory_space<vmem>>, vector<16xf32>,
      %get3A_398 = arith.index_cast %add3A_379 : i32 to index
      %get3A_399 = arith.constant 32 : index
      %get3A_400 = tpu.vector_load %arg11[%get3A_398, %get3A_399] {strides = array<i32>} : memref<512x64xf32, #tpu.memory_space<vmem>>, vector<16xf32>,
      %get3A_401 = arith.index_cast %add3A_379 : i32 to index
      %get3A_402 = arith.constant 48 : index
      %get3A_403 = tpu.vector_load %arg11[%get3A_401, %get3A_402] {strides = array<i32>} : memref<512x64xf32, #tpu.memory_space<vmem>>, vector<16xf32>,
      %mul3A_404 = arith.mulf %get3A_382, %get3A_394 : vector<16xf32>
      %mul3A_405 = arith.mulf %get3A_385, %get3A_397 : vector<16xf32>
      %add3A_406 = arith.addf %mul3A_404, %mul3A_405 : vector<16xf32>
      %mul3A_407 = arith.mulf %get3A_388, %get3A_400 : vector<16xf32>
      %add3A_408 = arith.addf %add3A_406, %mul3A_407 : vector<16xf32>
      %mul3A_409 = arith.mulf %get3A_391, %get3A_403 : vector<16xf32>
      %add3A_410 = arith.addf %add3A_408, %mul3A_409 : vector<16xf32>
      %reduce_sum3A_411 = arith.constant true
      %reduce_sum3A_412 = vector.broadcast %reduce_sum3A_411 : i1 to vector<16xi1>
      %reduce_sum3A_413 = tpu.scan <sum>, %add3A_410 masked %reduce_sum3A_412 : vector<16xf32>, vector<16xi1> -> vector<16xf32>
      %reduce_sum3A_414 = vector.extract %reduce_sum3A_413[15] : f32 from vector<16xf32>
      %eq3A_415 = arith.constant 2 : i32
      %eq3A_416 = vector.broadcast %eq3A_415 : i32 to vector<16xi32>
      %eq3A_417 = arith.cmpi eq, %iota3A, %eq3A_416 : vector<16xi32>
      %broadcast_in_dim3A_418 = vector.broadcast %reduce_sum3A_414 : f32 to vector<16xf32>
      %select_n3A_419 = arith.select %eq3A_417, %broadcast_in_dim3A_418, %select_n3A_361 : vector<16xi1>, vector<16xf32>
      %mul3A_420 = arith.mulf %get3A_382, %get3A_382 : vector<16xf32>
      %add3A_421 = arith.addf %add3A_375, %mul3A_420 : vector<16xf32>
      %mul3A_422 = arith.mulf %get3A_394, %get3A_394 : vector<16xf32>
      %add3A_423 = arith.addf %add3A_377, %mul3A_422 : vector<16xf32>
      %mul3A_424 = arith.mulf %get3A_385, %get3A_385 : vector<16xf32>
      %add3A_425 = arith.addf %add3A_421, %mul3A_424 : vector<16xf32>
      %mul3A_426 = arith.mulf %get3A_397, %get3A_397 : vector<16xf32>
      %add3A_427 = arith.addf %add3A_423, %mul3A_426 : vector<16xf32>
      %mul3A_428 = arith.mulf %get3A_388, %get3A_388 : vector<16xf32>
      %add3A_429 = arith.addf %add3A_425, %mul3A_428 : vector<16xf32>
      %mul3A_430 = arith.mulf %get3A_400, %get3A_400 : vector<16xf32>
      %add3A_431 = arith.addf %add3A_427, %mul3A_430 : vector<16xf32>
      %mul3A_432 = arith.mulf %get3A_391, %get3A_391 : vector<16xf32>
      %add3A_433 = arith.addf %add3A_429, %mul3A_432 : vector<16xf32>
      %mul3A_434 = arith.mulf %get3A_403, %get3A_403 : vector<16xf32>
      %add3A_435 = arith.addf %add3A_431, %mul3A_434 : vector<16xf32>
      %add3A_436 = arith.constant 3 : i32
      %add3A_437 = arith.addi %multiple_of3A, %add3A_436 : i32
      %get3A_438 = arith.index_cast %add3A_437 : i32 to index
      %get3A_439 = arith.constant 0 : index
      %get3A_440 = tpu.vector_load %arg10[%get3A_438, %get3A_439] {strides = array<i32>} : memref<512x64xf32, #tpu.memory_space<vmem>>, vector<16xf32>,
      %get3A_441 = arith.index_cast %add3A_437 : i32 to index
      %get3A_442 = arith.constant 16 : index
      %get3A_443 = tpu.vector_load %arg10[%get3A_441, %get3A_442] {strides = array<i32>} : memref<512x64xf32, #tpu.memory_space<vmem>>, vector<16xf32>,
      %get3A_444 = arith.index_cast %add3A_437 : i32 to index
      %get3A_445 = arith.constant 32 : index
      %get3A_446 = tpu.vector_load %arg10[%get3A_444, %get3A_445] {strides = array<i32>} : memref<512x64xf32, #tpu.memory_space<vmem>>, vector<16xf32>,
      %get3A_447 = arith.index_cast %add3A_437 : i32 to index
      %get3A_448 = arith.constant 48 : index
      %get3A_449 = tpu.vector_load %arg10[%get3A_447, %get3A_448] {strides = array<i32>} : memref<512x64xf32, #tpu.memory_space<vmem>>, vector<16xf32>,
      %get3A_450 = arith.index_cast %add3A_437 : i32 to index
      %get3A_451 = arith.constant 0 : index
      %get3A_452 = tpu.vector_load %arg11[%get3A_450, %get3A_451] {strides = array<i32>} : memref<512x64xf32, #tpu.memory_space<vmem>>, vector<16xf32>,
      %get3A_453 = arith.index_cast %add3A_437 : i32 to index
      %get3A_454 = arith.constant 16 : index
      %get3A_455 = tpu.vector_load %arg11[%get3A_453, %get3A_454] {strides = array<i32>} : memref<512x64xf32, #tpu.memory_space<vmem>>, vector<16xf32>,
      %get3A_456 = arith.index_cast %add3A_437 : i32 to index
      %get3A_457 = arith.constant 32 : index
      %get3A_458 = tpu.vector_load %arg11[%get3A_456, %get3A_457] {strides = array<i32>} : memref<512x64xf32, #tpu.memory_space<vmem>>, vector<16xf32>,
      %get3A_459 = arith.index_cast %add3A_437 : i32 to index
      %get3A_460 = arith.constant 48 : index
      %get3A_461 = tpu.vector_load %arg11[%get3A_459, %get3A_460] {strides = array<i32>} : memref<512x64xf32, #tpu.memory_space<vmem>>, vector<16xf32>,
      %mul3A_462 = arith.mulf %get3A_440, %get3A_452 : vector<16xf32>
      %mul3A_463 = arith.mulf %get3A_443, %get3A_455 : vector<16xf32>
      %add3A_464 = arith.addf %mul3A_462, %mul3A_463 : vector<16xf32>
      %mul3A_465 = arith.mulf %get3A_446, %get3A_458 : vector<16xf32>
      %add3A_466 = arith.addf %add3A_464, %mul3A_465 : vector<16xf32>
      %mul3A_467 = arith.mulf %get3A_449, %get3A_461 : vector<16xf32>
      %add3A_468 = arith.addf %add3A_466, %mul3A_467 : vector<16xf32>
      %reduce_sum3A_469 = arith.constant true
      %reduce_sum3A_470 = vector.broadcast %reduce_sum3A_469 : i1 to vector<16xi1>
      %reduce_sum3A_471 = tpu.scan <sum>, %add3A_468 masked %reduce_sum3A_470 : vector<16xf32>, vector<16xi1> -> vector<16xf32>
      %reduce_sum3A_472 = vector.extract %reduce_sum3A_471[15] : f32 from vector<16xf32>
      %eq3A_473 = arith.constant 3 : i32
      %eq3A_474 = vector.broadcast %eq3A_473 : i32 to vector<16xi32>
      %eq3A_475 = arith.cmpi eq, %iota3A, %eq3A_474 : vector<16xi32>
      %broadcast_in_dim3A_476 = vector.broadcast %reduce_sum3A_472 : f32 to vector<16xf32>
      %select_n3A_477 = arith.select %eq3A_475, %broadcast_in_dim3A_476, %select_n3A_419 : vector<16xi1>, vector<16xf32>
      %mul3A_478 = arith.mulf %get3A_440, %get3A_440 : vector<16xf32>
      %add3A_479 = arith.addf %add3A_433, %mul3A_478 : vector<16xf32>
      %mul3A_480 = arith.mulf %get3A_452, %get3A_452 : vector<16xf32>
      %add3A_481 = arith.addf %add3A_435, %mul3A_480 : vector<16xf32>
      %mul3A_482 = arith.mulf %get3A_443, %get3A_443 : vector<16xf32>
      %add3A_483 = arith.addf %add3A_479, %mul3A_482 : vector<16xf32>
      %mul3A_484 = arith.mulf %get3A_455, %get3A_455 : vector<16xf32>
      %add3A_485 = arith.addf %add3A_481, %mul3A_484 : vector<16xf32>
      %mul3A_486 = arith.mulf %get3A_446, %get3A_446 : vector<16xf32>
      %add3A_487 = arith.addf %add3A_483, %mul3A_486 : vector<16xf32>
      %mul3A_488 = arith.mulf %get3A_458, %get3A_458 : vector<16xf32>
      %add3A_489 = arith.addf %add3A_485, %mul3A_488 : vector<16xf32>
      %mul3A_490 = arith.mulf %get3A_449, %get3A_449 : vector<16xf32>
      %add3A_491 = arith.addf %add3A_487, %mul3A_490 : vector<16xf32>
      %mul3A_492 = arith.mulf %get3A_461, %get3A_461 : vector<16xf32>
      %add3A_493 = arith.addf %add3A_489, %mul3A_492 : vector<16xf32>
      %add3A_494 = arith.constant 4 : i32
      %add3A_495 = arith.addi %multiple_of3A, %add3A_494 : i32
      %get3A_496 = arith.index_cast %add3A_495 : i32 to index
      %get3A_497 = arith.constant 0 : index
      %get3A_498 = tpu.vector_load %arg10[%get3A_496, %get3A_497] {strides = array<i32>} : memref<512x64xf32, #tpu.memory_space<vmem>>, vector<16xf32>,
      %get3A_499 = arith.index_cast %add3A_495 : i32 to index
      %get3A_500 = arith.constant 16 : index
      %get3A_501 = tpu.vector_load %arg10[%get3A_499, %get3A_500] {strides = array<i32>} : memref<512x64xf32, #tpu.memory_space<vmem>>, vector<16xf32>,
      %get3A_502 = arith.index_cast %add3A_495 : i32 to index
      %get3A_503 = arith.constant 32 : index
      %get3A_504 = tpu.vector_load %arg10[%get3A_502, %get3A_503] {strides = array<i32>} : memref<512x64xf32, #tpu.memory_space<vmem>>, vector<16xf32>,
      %get3A_505 = arith.index_cast %add3A_495 : i32 to index
      %get3A_506 = arith.constant 48 : index
      %get3A_507 = tpu.vector_load %arg10[%get3A_505, %get3A_506] {strides = array<i32>} : memref<512x64xf32, #tpu.memory_space<vmem>>, vector<16xf32>,
      %get3A_508 = arith.index_cast %add3A_495 : i32 to index
      %get3A_509 = arith.constant 0 : index
      %get3A_510 = tpu.vector_load %arg11[%get3A_508, %get3A_509] {strides = array<i32>} : memref<512x64xf32, #tpu.memory_space<vmem>>, vector<16xf32>,
      %get3A_511 = arith.index_cast %add3A_495 : i32 to index
      %get3A_512 = arith.constant 16 : index
      %get3A_513 = tpu.vector_load %arg11[%get3A_511, %get3A_512] {strides = array<i32>} : memref<512x64xf32, #tpu.memory_space<vmem>>, vector<16xf32>,
      %get3A_514 = arith.index_cast %add3A_495 : i32 to index
      %get3A_515 = arith.constant 32 : index
      %get3A_516 = tpu.vector_load %arg11[%get3A_514, %get3A_515] {strides = array<i32>} : memref<512x64xf32, #tpu.memory_space<vmem>>, vector<16xf32>,
      %get3A_517 = arith.index_cast %add3A_495 : i32 to index
      %get3A_518 = arith.constant 48 : index
      %get3A_519 = tpu.vector_load %arg11[%get3A_517, %get3A_518] {strides = array<i32>} : memref<512x64xf32, #tpu.memory_space<vmem>>, vector<16xf32>,
      %mul3A_520 = arith.mulf %get3A_498, %get3A_510 : vector<16xf32>
      %mul3A_521 = arith.mulf %get3A_501, %get3A_513 : vector<16xf32>
      %add3A_522 = arith.addf %mul3A_520, %mul3A_521 : vector<16xf32>
      %mul3A_523 = arith.mulf %get3A_504, %get3A_516 : vector<16xf32>
      %add3A_524 = arith.addf %add3A_522, %mul3A_523 : vector<16xf32>
      %mul3A_525 = arith.mulf %get3A_507, %get3A_519 : vector<16xf32>
      %add3A_526 = arith.addf %add3A_524, %mul3A_525 : vector<16xf32>
      %reduce_sum3A_527 = arith.constant true
      %reduce_sum3A_528 = vector.broadcast %reduce_sum3A_527 : i1 to vector<16xi1>
      %reduce_sum3A_529 = tpu.scan <sum>, %add3A_526 masked %reduce_sum3A_528 : vector<16xf32>, vector<16xi1> -> vector<16xf32>
      %reduce_sum3A_530 = vector.extract %reduce_sum3A_529[15] : f32 from vector<16xf32>
      %eq3A_531 = arith.constant 4 : i32
      %eq3A_532 = vector.broadcast %eq3A_531 : i32 to vector<16xi32>
      %eq3A_533 = arith.cmpi eq, %iota3A, %eq3A_532 : vector<16xi32>
      %broadcast_in_dim3A_534 = vector.broadcast %reduce_sum3A_530 : f32 to vector<16xf32>
      %select_n3A_535 = arith.select %eq3A_533, %broadcast_in_dim3A_534, %select_n3A_477 : vector<16xi1>, vector<16xf32>
      %mul3A_536 = arith.mulf %get3A_498, %get3A_498 : vector<16xf32>
      %add3A_537 = arith.addf %add3A_491, %mul3A_536 : vector<16xf32>
      %mul3A_538 = arith.mulf %get3A_510, %get3A_510 : vector<16xf32>
      %add3A_539 = arith.addf %add3A_493, %mul3A_538 : vector<16xf32>
      %mul3A_540 = arith.mulf %get3A_501, %get3A_501 : vector<16xf32>
      %add3A_541 = arith.addf %add3A_537, %mul3A_540 : vector<16xf32>
      %mul3A_542 = arith.mulf %get3A_513, %get3A_513 : vector<16xf32>
      %add3A_543 = arith.addf %add3A_539, %mul3A_542 : vector<16xf32>
      %mul3A_544 = arith.mulf %get3A_504, %get3A_504 : vector<16xf32>
      %add3A_545 = arith.addf %add3A_541, %mul3A_544 : vector<16xf32>
      %mul3A_546 = arith.mulf %get3A_516, %get3A_516 : vector<16xf32>
      %add3A_547 = arith.addf %add3A_543, %mul3A_546 : vector<16xf32>
      %mul3A_548 = arith.mulf %get3A_507, %get3A_507 : vector<16xf32>
      %add3A_549 = arith.addf %add3A_545, %mul3A_548 : vector<16xf32>
      %mul3A_550 = arith.mulf %get3A_519, %get3A_519 : vector<16xf32>
      %add3A_551 = arith.addf %add3A_547, %mul3A_550 : vector<16xf32>
      %add3A_552 = arith.constant 5 : i32
      %add3A_553 = arith.addi %multiple_of3A, %add3A_552 : i32
      %get3A_554 = arith.index_cast %add3A_553 : i32 to index
      %get3A_555 = arith.constant 0 : index
      %get3A_556 = tpu.vector_load %arg10[%get3A_554, %get3A_555] {strides = array<i32>} : memref<512x64xf32, #tpu.memory_space<vmem>>, vector<16xf32>,
      %get3A_557 = arith.index_cast %add3A_553 : i32 to index
      %get3A_558 = arith.constant 16 : index
      %get3A_559 = tpu.vector_load %arg10[%get3A_557, %get3A_558] {strides = array<i32>} : memref<512x64xf32, #tpu.memory_space<vmem>>, vector<16xf32>,
      %get3A_560 = arith.index_cast %add3A_553 : i32 to index
      %get3A_561 = arith.constant 32 : index
      %get3A_562 = tpu.vector_load %arg10[%get3A_560, %get3A_561] {strides = array<i32>} : memref<512x64xf32, #tpu.memory_space<vmem>>, vector<16xf32>,
      %get3A_563 = arith.index_cast %add3A_553 : i32 to index
      %get3A_564 = arith.constant 48 : index
      %get3A_565 = tpu.vector_load %arg10[%get3A_563, %get3A_564] {strides = array<i32>} : memref<512x64xf32, #tpu.memory_space<vmem>>, vector<16xf32>,
      %get3A_566 = arith.index_cast %add3A_553 : i32 to index
      %get3A_567 = arith.constant 0 : index
      %get3A_568 = tpu.vector_load %arg11[%get3A_566, %get3A_567] {strides = array<i32>} : memref<512x64xf32, #tpu.memory_space<vmem>>, vector<16xf32>,
      %get3A_569 = arith.index_cast %add3A_553 : i32 to index
      %get3A_570 = arith.constant 16 : index
      %get3A_571 = tpu.vector_load %arg11[%get3A_569, %get3A_570] {strides = array<i32>} : memref<512x64xf32, #tpu.memory_space<vmem>>, vector<16xf32>,
      %get3A_572 = arith.index_cast %add3A_553 : i32 to index
      %get3A_573 = arith.constant 32 : index
      %get3A_574 = tpu.vector_load %arg11[%get3A_572, %get3A_573] {strides = array<i32>} : memref<512x64xf32, #tpu.memory_space<vmem>>, vector<16xf32>,
      %get3A_575 = arith.index_cast %add3A_553 : i32 to index
      %get3A_576 = arith.constant 48 : index
      %get3A_577 = tpu.vector_load %arg11[%get3A_575, %get3A_576] {strides = array<i32>} : memref<512x64xf32, #tpu.memory_space<vmem>>, vector<16xf32>,
      %mul3A_578 = arith.mulf %get3A_556, %get3A_568 : vector<16xf32>
      %mul3A_579 = arith.mulf %get3A_559, %get3A_571 : vector<16xf32>
      %add3A_580 = arith.addf %mul3A_578, %mul3A_579 : vector<16xf32>
      %mul3A_581 = arith.mulf %get3A_562, %get3A_574 : vector<16xf32>
      %add3A_582 = arith.addf %add3A_580, %mul3A_581 : vector<16xf32>
      %mul3A_583 = arith.mulf %get3A_565, %get3A_577 : vector<16xf32>
      %add3A_584 = arith.addf %add3A_582, %mul3A_583 : vector<16xf32>
      %reduce_sum3A_585 = arith.constant true
      %reduce_sum3A_586 = vector.broadcast %reduce_sum3A_585 : i1 to vector<16xi1>
      %reduce_sum3A_587 = tpu.scan <sum>, %add3A_584 masked %reduce_sum3A_586 : vector<16xf32>, vector<16xi1> -> vector<16xf32>
      %reduce_sum3A_588 = vector.extract %reduce_sum3A_587[15] : f32 from vector<16xf32>
      %eq3A_589 = arith.constant 5 : i32
      %eq3A_590 = vector.broadcast %eq3A_589 : i32 to vector<16xi32>
      %eq3A_591 = arith.cmpi eq, %iota3A, %eq3A_590 : vector<16xi32>
      %broadcast_in_dim3A_592 = vector.broadcast %reduce_sum3A_588 : f32 to vector<16xf32>
      %select_n3A_593 = arith.select %eq3A_591, %broadcast_in_dim3A_592, %select_n3A_535 : vector<16xi1>, vector<16xf32>
      %mul3A_594 = arith.mulf %get3A_556, %get3A_556 : vector<16xf32>
      %add3A_595 = arith.addf %add3A_549, %mul3A_594 : vector<16xf32>
      %mul3A_596 = arith.mulf %get3A_568, %get3A_568 : vector<16xf32>
      %add3A_597 = arith.addf %add3A_551, %mul3A_596 : vector<16xf32>
      %mul3A_598 = arith.mulf %get3A_559, %get3A_559 : vector<16xf32>
      %add3A_599 = arith.addf %add3A_595, %mul3A_598 : vector<16xf32>
      %mul3A_600 = arith.mulf %get3A_571, %get3A_571 : vector<16xf32>
      %add3A_601 = arith.addf %add3A_597, %mul3A_600 : vector<16xf32>
      %mul3A_602 = arith.mulf %get3A_562, %get3A_562 : vector<16xf32>
      %add3A_603 = arith.addf %add3A_599, %mul3A_602 : vector<16xf32>
      %mul3A_604 = arith.mulf %get3A_574, %get3A_574 : vector<16xf32>
      %add3A_605 = arith.addf %add3A_601, %mul3A_604 : vector<16xf32>
      %mul3A_606 = arith.mulf %get3A_565, %get3A_565 : vector<16xf32>
      %add3A_607 = arith.addf %add3A_603, %mul3A_606 : vector<16xf32>
      %mul3A_608 = arith.mulf %get3A_577, %get3A_577 : vector<16xf32>
      %add3A_609 = arith.addf %add3A_605, %mul3A_608 : vector<16xf32>
      %add3A_610 = arith.constant 6 : i32
      %add3A_611 = arith.addi %multiple_of3A, %add3A_610 : i32
      %get3A_612 = arith.index_cast %add3A_611 : i32 to index
      %get3A_613 = arith.constant 0 : index
      %get3A_614 = tpu.vector_load %arg10[%get3A_612, %get3A_613] {strides = array<i32>} : memref<512x64xf32, #tpu.memory_space<vmem>>, vector<16xf32>,
      %get3A_615 = arith.index_cast %add3A_611 : i32 to index
      %get3A_616 = arith.constant 16 : index
      %get3A_617 = tpu.vector_load %arg10[%get3A_615, %get3A_616] {strides = array<i32>} : memref<512x64xf32, #tpu.memory_space<vmem>>, vector<16xf32>,
      %get3A_618 = arith.index_cast %add3A_611 : i32 to index
      %get3A_619 = arith.constant 32 : index
      %get3A_620 = tpu.vector_load %arg10[%get3A_618, %get3A_619] {strides = array<i32>} : memref<512x64xf32, #tpu.memory_space<vmem>>, vector<16xf32>,
      %get3A_621 = arith.index_cast %add3A_611 : i32 to index
      %get3A_622 = arith.constant 48 : index
      %get3A_623 = tpu.vector_load %arg10[%get3A_621, %get3A_622] {strides = array<i32>} : memref<512x64xf32, #tpu.memory_space<vmem>>, vector<16xf32>,
      %get3A_624 = arith.index_cast %add3A_611 : i32 to index
      %get3A_625 = arith.constant 0 : index
      %get3A_626 = tpu.vector_load %arg11[%get3A_624, %get3A_625] {strides = array<i32>} : memref<512x64xf32, #tpu.memory_space<vmem>>, vector<16xf32>,
      %get3A_627 = arith.index_cast %add3A_611 : i32 to index
      %get3A_628 = arith.constant 16 : index
      %get3A_629 = tpu.vector_load %arg11[%get3A_627, %get3A_628] {strides = array<i32>} : memref<512x64xf32, #tpu.memory_space<vmem>>, vector<16xf32>,
      %get3A_630 = arith.index_cast %add3A_611 : i32 to index
      %get3A_631 = arith.constant 32 : index
      %get3A_632 = tpu.vector_load %arg11[%get3A_630, %get3A_631] {strides = array<i32>} : memref<512x64xf32, #tpu.memory_space<vmem>>, vector<16xf32>,
      %get3A_633 = arith.index_cast %add3A_611 : i32 to index
      %get3A_634 = arith.constant 48 : index
      %get3A_635 = tpu.vector_load %arg11[%get3A_633, %get3A_634] {strides = array<i32>} : memref<512x64xf32, #tpu.memory_space<vmem>>, vector<16xf32>,
      %mul3A_636 = arith.mulf %get3A_614, %get3A_626 : vector<16xf32>
      %mul3A_637 = arith.mulf %get3A_617, %get3A_629 : vector<16xf32>
      %add3A_638 = arith.addf %mul3A_636, %mul3A_637 : vector<16xf32>
      %mul3A_639 = arith.mulf %get3A_620, %get3A_632 : vector<16xf32>
      %add3A_640 = arith.addf %add3A_638, %mul3A_639 : vector<16xf32>
      %mul3A_641 = arith.mulf %get3A_623, %get3A_635 : vector<16xf32>
      %add3A_642 = arith.addf %add3A_640, %mul3A_641 : vector<16xf32>
      %reduce_sum3A_643 = arith.constant true
      %reduce_sum3A_644 = vector.broadcast %reduce_sum3A_643 : i1 to vector<16xi1>
      %reduce_sum3A_645 = tpu.scan <sum>, %add3A_642 masked %reduce_sum3A_644 : vector<16xf32>, vector<16xi1> -> vector<16xf32>
      %reduce_sum3A_646 = vector.extract %reduce_sum3A_645[15] : f32 from vector<16xf32>
      %eq3A_647 = arith.constant 6 : i32
      %eq3A_648 = vector.broadcast %eq3A_647 : i32 to vector<16xi32>
      %eq3A_649 = arith.cmpi eq, %iota3A, %eq3A_648 : vector<16xi32>
      %broadcast_in_dim3A_650 = vector.broadcast %reduce_sum3A_646 : f32 to vector<16xf32>
      %select_n3A_651 = arith.select %eq3A_649, %broadcast_in_dim3A_650, %select_n3A_593 : vector<16xi1>, vector<16xf32>
      %mul3A_652 = arith.mulf %get3A_614, %get3A_614 : vector<16xf32>
      %add3A_653 = arith.addf %add3A_607, %mul3A_652 : vector<16xf32>
      %mul3A_654 = arith.mulf %get3A_626, %get3A_626 : vector<16xf32>
      %add3A_655 = arith.addf %add3A_609, %mul3A_654 : vector<16xf32>
      %mul3A_656 = arith.mulf %get3A_617, %get3A_617 : vector<16xf32>
      %add3A_657 = arith.addf %add3A_653, %mul3A_656 : vector<16xf32>
      %mul3A_658 = arith.mulf %get3A_629, %get3A_629 : vector<16xf32>
      %add3A_659 = arith.addf %add3A_655, %mul3A_658 : vector<16xf32>
      %mul3A_660 = arith.mulf %get3A_620, %get3A_620 : vector<16xf32>
      %add3A_661 = arith.addf %add3A_657, %mul3A_660 : vector<16xf32>
      %mul3A_662 = arith.mulf %get3A_632, %get3A_632 : vector<16xf32>
      %add3A_663 = arith.addf %add3A_659, %mul3A_662 : vector<16xf32>
      %mul3A_664 = arith.mulf %get3A_623, %get3A_623 : vector<16xf32>
      %add3A_665 = arith.addf %add3A_661, %mul3A_664 : vector<16xf32>
      %mul3A_666 = arith.mulf %get3A_635, %get3A_635 : vector<16xf32>
      %add3A_667 = arith.addf %add3A_663, %mul3A_666 : vector<16xf32>
      %add3A_668 = arith.constant 7 : i32
      %add3A_669 = arith.addi %multiple_of3A, %add3A_668 : i32
      %get3A_670 = arith.index_cast %add3A_669 : i32 to index
      %get3A_671 = arith.constant 0 : index
      %get3A_672 = tpu.vector_load %arg10[%get3A_670, %get3A_671] {strides = array<i32>} : memref<512x64xf32, #tpu.memory_space<vmem>>, vector<16xf32>,
      %get3A_673 = arith.index_cast %add3A_669 : i32 to index
      %get3A_674 = arith.constant 16 : index
      %get3A_675 = tpu.vector_load %arg10[%get3A_673, %get3A_674] {strides = array<i32>} : memref<512x64xf32, #tpu.memory_space<vmem>>, vector<16xf32>,
      %get3A_676 = arith.index_cast %add3A_669 : i32 to index
      %get3A_677 = arith.constant 32 : index
      %get3A_678 = tpu.vector_load %arg10[%get3A_676, %get3A_677] {strides = array<i32>} : memref<512x64xf32, #tpu.memory_space<vmem>>, vector<16xf32>,
      %get3A_679 = arith.index_cast %add3A_669 : i32 to index
      %get3A_680 = arith.constant 48 : index
      %get3A_681 = tpu.vector_load %arg10[%get3A_679, %get3A_680] {strides = array<i32>} : memref<512x64xf32, #tpu.memory_space<vmem>>, vector<16xf32>,
      %get3A_682 = arith.index_cast %add3A_669 : i32 to index
      %get3A_683 = arith.constant 0 : index
      %get3A_684 = tpu.vector_load %arg11[%get3A_682, %get3A_683] {strides = array<i32>} : memref<512x64xf32, #tpu.memory_space<vmem>>, vector<16xf32>,
      %get3A_685 = arith.index_cast %add3A_669 : i32 to index
      %get3A_686 = arith.constant 16 : index
      %get3A_687 = tpu.vector_load %arg11[%get3A_685, %get3A_686] {strides = array<i32>} : memref<512x64xf32, #tpu.memory_space<vmem>>, vector<16xf32>,
      %get3A_688 = arith.index_cast %add3A_669 : i32 to index
      %get3A_689 = arith.constant 32 : index
      %get3A_690 = tpu.vector_load %arg11[%get3A_688, %get3A_689] {strides = array<i32>} : memref<512x64xf32, #tpu.memory_space<vmem>>, vector<16xf32>,
      %get3A_691 = arith.index_cast %add3A_669 : i32 to index
      %get3A_692 = arith.constant 48 : index
      %get3A_693 = tpu.vector_load %arg11[%get3A_691, %get3A_692] {strides = array<i32>} : memref<512x64xf32, #tpu.memory_space<vmem>>, vector<16xf32>,
      %mul3A_694 = arith.mulf %get3A_672, %get3A_684 : vector<16xf32>
      %mul3A_695 = arith.mulf %get3A_675, %get3A_687 : vector<16xf32>
      %add3A_696 = arith.addf %mul3A_694, %mul3A_695 : vector<16xf32>
      %mul3A_697 = arith.mulf %get3A_678, %get3A_690 : vector<16xf32>
      %add3A_698 = arith.addf %add3A_696, %mul3A_697 : vector<16xf32>
      %mul3A_699 = arith.mulf %get3A_681, %get3A_693 : vector<16xf32>
      %add3A_700 = arith.addf %add3A_698, %mul3A_699 : vector<16xf32>
      %reduce_sum3A_701 = arith.constant true
      %reduce_sum3A_702 = vector.broadcast %reduce_sum3A_701 : i1 to vector<16xi1>
      %reduce_sum3A_703 = tpu.scan <sum>, %add3A_700 masked %reduce_sum3A_702 : vector<16xf32>, vector<16xi1> -> vector<16xf32>
      %reduce_sum3A_704 = vector.extract %reduce_sum3A_703[15] : f32 from vector<16xf32>
      %eq3A_705 = arith.constant 7 : i32
      %eq3A_706 = vector.broadcast %eq3A_705 : i32 to vector<16xi32>
      %eq3A_707 = arith.cmpi eq, %iota3A, %eq3A_706 : vector<16xi32>
      %broadcast_in_dim3A_708 = vector.broadcast %reduce_sum3A_704 : f32 to vector<16xf32>
      %select_n3A_709 = arith.select %eq3A_707, %broadcast_in_dim3A_708, %select_n3A_651 : vector<16xi1>, vector<16xf32>
      %mul3A_710 = arith.mulf %get3A_672, %get3A_672 : vector<16xf32>
      %add3A_711 = arith.addf %add3A_665, %mul3A_710 : vector<16xf32>
      %mul3A_712 = arith.mulf %get3A_684, %get3A_684 : vector<16xf32>
      %add3A_713 = arith.addf %add3A_667, %mul3A_712 : vector<16xf32>
      %mul3A_714 = arith.mulf %get3A_675, %get3A_675 : vector<16xf32>
      %add3A_715 = arith.addf %add3A_711, %mul3A_714 : vector<16xf32>
      %mul3A_716 = arith.mulf %get3A_687, %get3A_687 : vector<16xf32>
      %add3A_717 = arith.addf %add3A_713, %mul3A_716 : vector<16xf32>
      %mul3A_718 = arith.mulf %get3A_678, %get3A_678 : vector<16xf32>
      %add3A_719 = arith.addf %add3A_715, %mul3A_718 : vector<16xf32>
      %mul3A_720 = arith.mulf %get3A_690, %get3A_690 : vector<16xf32>
      %add3A_721 = arith.addf %add3A_717, %mul3A_720 : vector<16xf32>
      %mul3A_722 = arith.mulf %get3A_681, %get3A_681 : vector<16xf32>
      %add3A_723 = arith.addf %add3A_719, %mul3A_722 : vector<16xf32>
      %mul3A_724 = arith.mulf %get3A_693, %get3A_693 : vector<16xf32>
      %add3A_725 = arith.addf %add3A_721, %mul3A_724 : vector<16xf32>
      %add3A_726 = arith.constant 8 : i32
      %add3A_727 = arith.addi %multiple_of3A, %add3A_726 : i32
      %get3A_728 = arith.index_cast %add3A_727 : i32 to index
      %get3A_729 = arith.constant 0 : index
      %get3A_730 = tpu.vector_load %arg10[%get3A_728, %get3A_729] {strides = array<i32>} : memref<512x64xf32, #tpu.memory_space<vmem>>, vector<16xf32>,
      %get3A_731 = arith.index_cast %add3A_727 : i32 to index
      %get3A_732 = arith.constant 16 : index
      %get3A_733 = tpu.vector_load %arg10[%get3A_731, %get3A_732] {strides = array<i32>} : memref<512x64xf32, #tpu.memory_space<vmem>>, vector<16xf32>,
      %get3A_734 = arith.index_cast %add3A_727 : i32 to index
      %get3A_735 = arith.constant 32 : index
      %get3A_736 = tpu.vector_load %arg10[%get3A_734, %get3A_735] {strides = array<i32>} : memref<512x64xf32, #tpu.memory_space<vmem>>, vector<16xf32>,
      %get3A_737 = arith.index_cast %add3A_727 : i32 to index
      %get3A_738 = arith.constant 48 : index
      %get3A_739 = tpu.vector_load %arg10[%get3A_737, %get3A_738] {strides = array<i32>} : memref<512x64xf32, #tpu.memory_space<vmem>>, vector<16xf32>,
      %get3A_740 = arith.index_cast %add3A_727 : i32 to index
      %get3A_741 = arith.constant 0 : index
      %get3A_742 = tpu.vector_load %arg11[%get3A_740, %get3A_741] {strides = array<i32>} : memref<512x64xf32, #tpu.memory_space<vmem>>, vector<16xf32>,
      %get3A_743 = arith.index_cast %add3A_727 : i32 to index
      %get3A_744 = arith.constant 16 : index
      %get3A_745 = tpu.vector_load %arg11[%get3A_743, %get3A_744] {strides = array<i32>} : memref<512x64xf32, #tpu.memory_space<vmem>>, vector<16xf32>,
      %get3A_746 = arith.index_cast %add3A_727 : i32 to index
      %get3A_747 = arith.constant 32 : index
      %get3A_748 = tpu.vector_load %arg11[%get3A_746, %get3A_747] {strides = array<i32>} : memref<512x64xf32, #tpu.memory_space<vmem>>, vector<16xf32>,
      %get3A_749 = arith.index_cast %add3A_727 : i32 to index
      %get3A_750 = arith.constant 48 : index
      %get3A_751 = tpu.vector_load %arg11[%get3A_749, %get3A_750] {strides = array<i32>} : memref<512x64xf32, #tpu.memory_space<vmem>>, vector<16xf32>,
      %mul3A_752 = arith.mulf %get3A_730, %get3A_742 : vector<16xf32>
      %mul3A_753 = arith.mulf %get3A_733, %get3A_745 : vector<16xf32>
      %add3A_754 = arith.addf %mul3A_752, %mul3A_753 : vector<16xf32>
      %mul3A_755 = arith.mulf %get3A_736, %get3A_748 : vector<16xf32>
      %add3A_756 = arith.addf %add3A_754, %mul3A_755 : vector<16xf32>
      %mul3A_757 = arith.mulf %get3A_739, %get3A_751 : vector<16xf32>
      %add3A_758 = arith.addf %add3A_756, %mul3A_757 : vector<16xf32>
      %reduce_sum3A_759 = arith.constant true
      %reduce_sum3A_760 = vector.broadcast %reduce_sum3A_759 : i1 to vector<16xi1>
      %reduce_sum3A_761 = tpu.scan <sum>, %add3A_758 masked %reduce_sum3A_760 : vector<16xf32>, vector<16xi1> -> vector<16xf32>
      %reduce_sum3A_762 = vector.extract %reduce_sum3A_761[15] : f32 from vector<16xf32>
      %eq3A_763 = arith.constant 8 : i32
      %eq3A_764 = vector.broadcast %eq3A_763 : i32 to vector<16xi32>
      %eq3A_765 = arith.cmpi eq, %iota3A, %eq3A_764 : vector<16xi32>
      %broadcast_in_dim3A_766 = vector.broadcast %reduce_sum3A_762 : f32 to vector<16xf32>
      %select_n3A_767 = arith.select %eq3A_765, %broadcast_in_dim3A_766, %select_n3A_709 : vector<16xi1>, vector<16xf32>
      %mul3A_768 = arith.mulf %get3A_730, %get3A_730 : vector<16xf32>
      %add3A_769 = arith.addf %add3A_723, %mul3A_768 : vector<16xf32>
      %mul3A_770 = arith.mulf %get3A_742, %get3A_742 : vector<16xf32>
      %add3A_771 = arith.addf %add3A_725, %mul3A_770 : vector<16xf32>
      %mul3A_772 = arith.mulf %get3A_733, %get3A_733 : vector<16xf32>
      %add3A_773 = arith.addf %add3A_769, %mul3A_772 : vector<16xf32>
      %mul3A_774 = arith.mulf %get3A_745, %get3A_745 : vector<16xf32>
      %add3A_775 = arith.addf %add3A_771, %mul3A_774 : vector<16xf32>
      %mul3A_776 = arith.mulf %get3A_736, %get3A_736 : vector<16xf32>
      %add3A_777 = arith.addf %add3A_773, %mul3A_776 : vector<16xf32>
      %mul3A_778 = arith.mulf %get3A_748, %get3A_748 : vector<16xf32>
      %add3A_779 = arith.addf %add3A_775, %mul3A_778 : vector<16xf32>
      %mul3A_780 = arith.mulf %get3A_739, %get3A_739 : vector<16xf32>
      %add3A_781 = arith.addf %add3A_777, %mul3A_780 : vector<16xf32>
      %mul3A_782 = arith.mulf %get3A_751, %get3A_751 : vector<16xf32>
      %add3A_783 = arith.addf %add3A_779, %mul3A_782 : vector<16xf32>
      %add3A_784 = arith.constant 9 : i32
      %add3A_785 = arith.addi %multiple_of3A, %add3A_784 : i32
      %get3A_786 = arith.index_cast %add3A_785 : i32 to index
      %get3A_787 = arith.constant 0 : index
      %get3A_788 = tpu.vector_load %arg10[%get3A_786, %get3A_787] {strides = array<i32>} : memref<512x64xf32, #tpu.memory_space<vmem>>, vector<16xf32>,
      %get3A_789 = arith.index_cast %add3A_785 : i32 to index
      %get3A_790 = arith.constant 16 : index
      %get3A_791 = tpu.vector_load %arg10[%get3A_789, %get3A_790] {strides = array<i32>} : memref<512x64xf32, #tpu.memory_space<vmem>>, vector<16xf32>,
      %get3A_792 = arith.index_cast %add3A_785 : i32 to index
      %get3A_793 = arith.constant 32 : index
      %get3A_794 = tpu.vector_load %arg10[%get3A_792, %get3A_793] {strides = array<i32>} : memref<512x64xf32, #tpu.memory_space<vmem>>, vector<16xf32>,
      %get3A_795 = arith.index_cast %add3A_785 : i32 to index
      %get3A_796 = arith.constant 48 : index
      %get3A_797 = tpu.vector_load %arg10[%get3A_795, %get3A_796] {strides = array<i32>} : memref<512x64xf32, #tpu.memory_space<vmem>>, vector<16xf32>,
      %get3A_798 = arith.index_cast %add3A_785 : i32 to index
      %get3A_799 = arith.constant 0 : index
      %get3A_800 = tpu.vector_load %arg11[%get3A_798, %get3A_799] {strides = array<i32>} : memref<512x64xf32, #tpu.memory_space<vmem>>, vector<16xf32>,
      %get3A_801 = arith.index_cast %add3A_785 : i32 to index
      %get3A_802 = arith.constant 16 : index
      %get3A_803 = tpu.vector_load %arg11[%get3A_801, %get3A_802] {strides = array<i32>} : memref<512x64xf32, #tpu.memory_space<vmem>>, vector<16xf32>,
      %get3A_804 = arith.index_cast %add3A_785 : i32 to index
      %get3A_805 = arith.constant 32 : index
      %get3A_806 = tpu.vector_load %arg11[%get3A_804, %get3A_805] {strides = array<i32>} : memref<512x64xf32, #tpu.memory_space<vmem>>, vector<16xf32>,
      %get3A_807 = arith.index_cast %add3A_785 : i32 to index
      %get3A_808 = arith.constant 48 : index
      %get3A_809 = tpu.vector_load %arg11[%get3A_807, %get3A_808] {strides = array<i32>} : memref<512x64xf32, #tpu.memory_space<vmem>>, vector<16xf32>,
      %mul3A_810 = arith.mulf %get3A_788, %get3A_800 : vector<16xf32>
      %mul3A_811 = arith.mulf %get3A_791, %get3A_803 : vector<16xf32>
      %add3A_812 = arith.addf %mul3A_810, %mul3A_811 : vector<16xf32>
      %mul3A_813 = arith.mulf %get3A_794, %get3A_806 : vector<16xf32>
      %add3A_814 = arith.addf %add3A_812, %mul3A_813 : vector<16xf32>
      %mul3A_815 = arith.mulf %get3A_797, %get3A_809 : vector<16xf32>
      %add3A_816 = arith.addf %add3A_814, %mul3A_815 : vector<16xf32>
      %reduce_sum3A_817 = arith.constant true
      %reduce_sum3A_818 = vector.broadcast %reduce_sum3A_817 : i1 to vector<16xi1>
      %reduce_sum3A_819 = tpu.scan <sum>, %add3A_816 masked %reduce_sum3A_818 : vector<16xf32>, vector<16xi1> -> vector<16xf32>
      %reduce_sum3A_820 = vector.extract %reduce_sum3A_819[15] : f32 from vector<16xf32>
      %eq3A_821 = arith.constant 9 : i32
      %eq3A_822 = vector.broadcast %eq3A_821 : i32 to vector<16xi32>
      %eq3A_823 = arith.cmpi eq, %iota3A, %eq3A_822 : vector<16xi32>
      %broadcast_in_dim3A_824 = vector.broadcast %reduce_sum3A_820 : f32 to vector<16xf32>
      %select_n3A_825 = arith.select %eq3A_823, %broadcast_in_dim3A_824, %select_n3A_767 : vector<16xi1>, vector<16xf32>
      %mul3A_826 = arith.mulf %get3A_788, %get3A_788 : vector<16xf32>
      %add3A_827 = arith.addf %add3A_781, %mul3A_826 : vector<16xf32>
      %mul3A_828 = arith.mulf %get3A_800, %get3A_800 : vector<16xf32>
      %add3A_829 = arith.addf %add3A_783, %mul3A_828 : vector<16xf32>
      %mul3A_830 = arith.mulf %get3A_791, %get3A_791 : vector<16xf32>
      %add3A_831 = arith.addf %add3A_827, %mul3A_830 : vector<16xf32>
      %mul3A_832 = arith.mulf %get3A_803, %get3A_803 : vector<16xf32>
      %add3A_833 = arith.addf %add3A_829, %mul3A_832 : vector<16xf32>
      %mul3A_834 = arith.mulf %get3A_794, %get3A_794 : vector<16xf32>
      %add3A_835 = arith.addf %add3A_831, %mul3A_834 : vector<16xf32>
      %mul3A_836 = arith.mulf %get3A_806, %get3A_806 : vector<16xf32>
      %add3A_837 = arith.addf %add3A_833, %mul3A_836 : vector<16xf32>
      %mul3A_838 = arith.mulf %get3A_797, %get3A_797 : vector<16xf32>
      %add3A_839 = arith.addf %add3A_835, %mul3A_838 : vector<16xf32>
      %mul3A_840 = arith.mulf %get3A_809, %get3A_809 : vector<16xf32>
      %add3A_841 = arith.addf %add3A_837, %mul3A_840 : vector<16xf32>
      %add3A_842 = arith.constant 10 : i32
      %add3A_843 = arith.addi %multiple_of3A, %add3A_842 : i32
      %get3A_844 = arith.index_cast %add3A_843 : i32 to index
      %get3A_845 = arith.constant 0 : index
      %get3A_846 = tpu.vector_load %arg10[%get3A_844, %get3A_845] {strides = array<i32>} : memref<512x64xf32, #tpu.memory_space<vmem>>, vector<16xf32>,
      %get3A_847 = arith.index_cast %add3A_843 : i32 to index
      %get3A_848 = arith.constant 16 : index
      %get3A_849 = tpu.vector_load %arg10[%get3A_847, %get3A_848] {strides = array<i32>} : memref<512x64xf32, #tpu.memory_space<vmem>>, vector<16xf32>,
      %get3A_850 = arith.index_cast %add3A_843 : i32 to index
      %get3A_851 = arith.constant 32 : index
      %get3A_852 = tpu.vector_load %arg10[%get3A_850, %get3A_851] {strides = array<i32>} : memref<512x64xf32, #tpu.memory_space<vmem>>, vector<16xf32>,
      %get3A_853 = arith.index_cast %add3A_843 : i32 to index
      %get3A_854 = arith.constant 48 : index
      %get3A_855 = tpu.vector_load %arg10[%get3A_853, %get3A_854] {strides = array<i32>} : memref<512x64xf32, #tpu.memory_space<vmem>>, vector<16xf32>,
      %get3A_856 = arith.index_cast %add3A_843 : i32 to index
      %get3A_857 = arith.constant 0 : index
      %get3A_858 = tpu.vector_load %arg11[%get3A_856, %get3A_857] {strides = array<i32>} : memref<512x64xf32, #tpu.memory_space<vmem>>, vector<16xf32>,
      %get3A_859 = arith.index_cast %add3A_843 : i32 to index
      %get3A_860 = arith.constant 16 : index
      %get3A_861 = tpu.vector_load %arg11[%get3A_859, %get3A_860] {strides = array<i32>} : memref<512x64xf32, #tpu.memory_space<vmem>>, vector<16xf32>,
      %get3A_862 = arith.index_cast %add3A_843 : i32 to index
      %get3A_863 = arith.constant 32 : index
      %get3A_864 = tpu.vector_load %arg11[%get3A_862, %get3A_863] {strides = array<i32>} : memref<512x64xf32, #tpu.memory_space<vmem>>, vector<16xf32>,
      %get3A_865 = arith.index_cast %add3A_843 : i32 to index
      %get3A_866 = arith.constant 48 : index
      %get3A_867 = tpu.vector_load %arg11[%get3A_865, %get3A_866] {strides = array<i32>} : memref<512x64xf32, #tpu.memory_space<vmem>>, vector<16xf32>,
      %mul3A_868 = arith.mulf %get3A_846, %get3A_858 : vector<16xf32>
      %mul3A_869 = arith.mulf %get3A_849, %get3A_861 : vector<16xf32>
      %add3A_870 = arith.addf %mul3A_868, %mul3A_869 : vector<16xf32>
      %mul3A_871 = arith.mulf %get3A_852, %get3A_864 : vector<16xf32>
      %add3A_872 = arith.addf %add3A_870, %mul3A_871 : vector<16xf32>
      %mul3A_873 = arith.mulf %get3A_855, %get3A_867 : vector<16xf32>
      %add3A_874 = arith.addf %add3A_872, %mul3A_873 : vector<16xf32>
      %reduce_sum3A_875 = arith.constant true
      %reduce_sum3A_876 = vector.broadcast %reduce_sum3A_875 : i1 to vector<16xi1>
      %reduce_sum3A_877 = tpu.scan <sum>, %add3A_874 masked %reduce_sum3A_876 : vector<16xf32>, vector<16xi1> -> vector<16xf32>
      %reduce_sum3A_878 = vector.extract %reduce_sum3A_877[15] : f32 from vector<16xf32>
      %eq3A_879 = arith.constant 10 : i32
      %eq3A_880 = vector.broadcast %eq3A_879 : i32 to vector<16xi32>
      %eq3A_881 = arith.cmpi eq, %iota3A, %eq3A_880 : vector<16xi32>
      %broadcast_in_dim3A_882 = vector.broadcast %reduce_sum3A_878 : f32 to vector<16xf32>
      %select_n3A_883 = arith.select %eq3A_881, %broadcast_in_dim3A_882, %select_n3A_825 : vector<16xi1>, vector<16xf32>
      %mul3A_884 = arith.mulf %get3A_846, %get3A_846 : vector<16xf32>
      %add3A_885 = arith.addf %add3A_839, %mul3A_884 : vector<16xf32>
      %mul3A_886 = arith.mulf %get3A_858, %get3A_858 : vector<16xf32>
      %add3A_887 = arith.addf %add3A_841, %mul3A_886 : vector<16xf32>
      %mul3A_888 = arith.mulf %get3A_849, %get3A_849 : vector<16xf32>
      %add3A_889 = arith.addf %add3A_885, %mul3A_888 : vector<16xf32>
      %mul3A_890 = arith.mulf %get3A_861, %get3A_861 : vector<16xf32>
      %add3A_891 = arith.addf %add3A_887, %mul3A_890 : vector<16xf32>
      %mul3A_892 = arith.mulf %get3A_852, %get3A_852 : vector<16xf32>
      %add3A_893 = arith.addf %add3A_889, %mul3A_892 : vector<16xf32>
      %mul3A_894 = arith.mulf %get3A_864, %get3A_864 : vector<16xf32>
      %add3A_895 = arith.addf %add3A_891, %mul3A_894 : vector<16xf32>
      %mul3A_896 = arith.mulf %get3A_855, %get3A_855 : vector<16xf32>
      %add3A_897 = arith.addf %add3A_893, %mul3A_896 : vector<16xf32>
      %mul3A_898 = arith.mulf %get3A_867, %get3A_867 : vector<16xf32>
      %add3A_899 = arith.addf %add3A_895, %mul3A_898 : vector<16xf32>
      %add3A_900 = arith.constant 11 : i32
      %add3A_901 = arith.addi %multiple_of3A, %add3A_900 : i32
      %get3A_902 = arith.index_cast %add3A_901 : i32 to index
      %get3A_903 = arith.constant 0 : index
      %get3A_904 = tpu.vector_load %arg10[%get3A_902, %get3A_903] {strides = array<i32>} : memref<512x64xf32, #tpu.memory_space<vmem>>, vector<16xf32>,
      %get3A_905 = arith.index_cast %add3A_901 : i32 to index
      %get3A_906 = arith.constant 16 : index
      %get3A_907 = tpu.vector_load %arg10[%get3A_905, %get3A_906] {strides = array<i32>} : memref<512x64xf32, #tpu.memory_space<vmem>>, vector<16xf32>,
      %get3A_908 = arith.index_cast %add3A_901 : i32 to index
      %get3A_909 = arith.constant 32 : index
      %get3A_910 = tpu.vector_load %arg10[%get3A_908, %get3A_909] {strides = array<i32>} : memref<512x64xf32, #tpu.memory_space<vmem>>, vector<16xf32>,
      %get3A_911 = arith.index_cast %add3A_901 : i32 to index
      %get3A_912 = arith.constant 48 : index
      %get3A_913 = tpu.vector_load %arg10[%get3A_911, %get3A_912] {strides = array<i32>} : memref<512x64xf32, #tpu.memory_space<vmem>>, vector<16xf32>,
      %get3A_914 = arith.index_cast %add3A_901 : i32 to index
      %get3A_915 = arith.constant 0 : index
      %get3A_916 = tpu.vector_load %arg11[%get3A_914, %get3A_915] {strides = array<i32>} : memref<512x64xf32, #tpu.memory_space<vmem>>, vector<16xf32>,
      %get3A_917 = arith.index_cast %add3A_901 : i32 to index
      %get3A_918 = arith.constant 16 : index
      %get3A_919 = tpu.vector_load %arg11[%get3A_917, %get3A_918] {strides = array<i32>} : memref<512x64xf32, #tpu.memory_space<vmem>>, vector<16xf32>,
      %get3A_920 = arith.index_cast %add3A_901 : i32 to index
      %get3A_921 = arith.constant 32 : index
      %get3A_922 = tpu.vector_load %arg11[%get3A_920, %get3A_921] {strides = array<i32>} : memref<512x64xf32, #tpu.memory_space<vmem>>, vector<16xf32>,
      %get3A_923 = arith.index_cast %add3A_901 : i32 to index
      %get3A_924 = arith.constant 48 : index
      %get3A_925 = tpu.vector_load %arg11[%get3A_923, %get3A_924] {strides = array<i32>} : memref<512x64xf32, #tpu.memory_space<vmem>>, vector<16xf32>,
      %mul3A_926 = arith.mulf %get3A_904, %get3A_916 : vector<16xf32>
      %mul3A_927 = arith.mulf %get3A_907, %get3A_919 : vector<16xf32>
      %add3A_928 = arith.addf %mul3A_926, %mul3A_927 : vector<16xf32>
      %mul3A_929 = arith.mulf %get3A_910, %get3A_922 : vector<16xf32>
      %add3A_930 = arith.addf %add3A_928, %mul3A_929 : vector<16xf32>
      %mul3A_931 = arith.mulf %get3A_913, %get3A_925 : vector<16xf32>
      %add3A_932 = arith.addf %add3A_930, %mul3A_931 : vector<16xf32>
      %reduce_sum3A_933 = arith.constant true
      %reduce_sum3A_934 = vector.broadcast %reduce_sum3A_933 : i1 to vector<16xi1>
      %reduce_sum3A_935 = tpu.scan <sum>, %add3A_932 masked %reduce_sum3A_934 : vector<16xf32>, vector<16xi1> -> vector<16xf32>
      %reduce_sum3A_936 = vector.extract %reduce_sum3A_935[15] : f32 from vector<16xf32>
      %eq3A_937 = arith.constant 11 : i32
      %eq3A_938 = vector.broadcast %eq3A_937 : i32 to vector<16xi32>
      %eq3A_939 = arith.cmpi eq, %iota3A, %eq3A_938 : vector<16xi32>
      %broadcast_in_dim3A_940 = vector.broadcast %reduce_sum3A_936 : f32 to vector<16xf32>
      %select_n3A_941 = arith.select %eq3A_939, %broadcast_in_dim3A_940, %select_n3A_883 : vector<16xi1>, vector<16xf32>
      %mul3A_942 = arith.mulf %get3A_904, %get3A_904 : vector<16xf32>
      %add3A_943 = arith.addf %add3A_897, %mul3A_942 : vector<16xf32>
      %mul3A_944 = arith.mulf %get3A_916, %get3A_916 : vector<16xf32>
      %add3A_945 = arith.addf %add3A_899, %mul3A_944 : vector<16xf32>
      %mul3A_946 = arith.mulf %get3A_907, %get3A_907 : vector<16xf32>
      %add3A_947 = arith.addf %add3A_943, %mul3A_946 : vector<16xf32>
      %mul3A_948 = arith.mulf %get3A_919, %get3A_919 : vector<16xf32>
      %add3A_949 = arith.addf %add3A_945, %mul3A_948 : vector<16xf32>
      %mul3A_950 = arith.mulf %get3A_910, %get3A_910 : vector<16xf32>
      %add3A_951 = arith.addf %add3A_947, %mul3A_950 : vector<16xf32>
      %mul3A_952 = arith.mulf %get3A_922, %get3A_922 : vector<16xf32>
      %add3A_953 = arith.addf %add3A_949, %mul3A_952 : vector<16xf32>
      %mul3A_954 = arith.mulf %get3A_913, %get3A_913 : vector<16xf32>
      %add3A_955 = arith.addf %add3A_951, %mul3A_954 : vector<16xf32>
      %mul3A_956 = arith.mulf %get3A_925, %get3A_925 : vector<16xf32>
      %add3A_957 = arith.addf %add3A_953, %mul3A_956 : vector<16xf32>
      %add3A_958 = arith.constant 12 : i32
      %add3A_959 = arith.addi %multiple_of3A, %add3A_958 : i32
      %get3A_960 = arith.index_cast %add3A_959 : i32 to index
      %get3A_961 = arith.constant 0 : index
      %get3A_962 = tpu.vector_load %arg10[%get3A_960, %get3A_961] {strides = array<i32>} : memref<512x64xf32, #tpu.memory_space<vmem>>, vector<16xf32>,
      %get3A_963 = arith.index_cast %add3A_959 : i32 to index
      %get3A_964 = arith.constant 16 : index
      %get3A_965 = tpu.vector_load %arg10[%get3A_963, %get3A_964] {strides = array<i32>} : memref<512x64xf32, #tpu.memory_space<vmem>>, vector<16xf32>,
      %get3A_966 = arith.index_cast %add3A_959 : i32 to index
      %get3A_967 = arith.constant 32 : index
      %get3A_968 = tpu.vector_load %arg10[%get3A_966, %get3A_967] {strides = array<i32>} : memref<512x64xf32, #tpu.memory_space<vmem>>, vector<16xf32>,
      %get3A_969 = arith.index_cast %add3A_959 : i32 to index
      %get3A_970 = arith.constant 48 : index
      %get3A_971 = tpu.vector_load %arg10[%get3A_969, %get3A_970] {strides = array<i32>} : memref<512x64xf32, #tpu.memory_space<vmem>>, vector<16xf32>,
      %get3A_972 = arith.index_cast %add3A_959 : i32 to index
      %get3A_973 = arith.constant 0 : index
      %get3A_974 = tpu.vector_load %arg11[%get3A_972, %get3A_973] {strides = array<i32>} : memref<512x64xf32, #tpu.memory_space<vmem>>, vector<16xf32>,
      %get3A_975 = arith.index_cast %add3A_959 : i32 to index
      %get3A_976 = arith.constant 16 : index
      %get3A_977 = tpu.vector_load %arg11[%get3A_975, %get3A_976] {strides = array<i32>} : memref<512x64xf32, #tpu.memory_space<vmem>>, vector<16xf32>,
      %get3A_978 = arith.index_cast %add3A_959 : i32 to index
      %get3A_979 = arith.constant 32 : index
      %get3A_980 = tpu.vector_load %arg11[%get3A_978, %get3A_979] {strides = array<i32>} : memref<512x64xf32, #tpu.memory_space<vmem>>, vector<16xf32>,
      %get3A_981 = arith.index_cast %add3A_959 : i32 to index
      %get3A_982 = arith.constant 48 : index
      %get3A_983 = tpu.vector_load %arg11[%get3A_981, %get3A_982] {strides = array<i32>} : memref<512x64xf32, #tpu.memory_space<vmem>>, vector<16xf32>,
      %mul3A_984 = arith.mulf %get3A_962, %get3A_974 : vector<16xf32>
      %mul3A_985 = arith.mulf %get3A_965, %get3A_977 : vector<16xf32>
      %add3A_986 = arith.addf %mul3A_984, %mul3A_985 : vector<16xf32>
      %mul3A_987 = arith.mulf %get3A_968, %get3A_980 : vector<16xf32>
      %add3A_988 = arith.addf %add3A_986, %mul3A_987 : vector<16xf32>
      %mul3A_989 = arith.mulf %get3A_971, %get3A_983 : vector<16xf32>
      %add3A_990 = arith.addf %add3A_988, %mul3A_989 : vector<16xf32>
      %reduce_sum3A_991 = arith.constant true
      %reduce_sum3A_992 = vector.broadcast %reduce_sum3A_991 : i1 to vector<16xi1>
      %reduce_sum3A_993 = tpu.scan <sum>, %add3A_990 masked %reduce_sum3A_992 : vector<16xf32>, vector<16xi1> -> vector<16xf32>
      %reduce_sum3A_994 = vector.extract %reduce_sum3A_993[15] : f32 from vector<16xf32>
      %eq3A_995 = arith.constant 12 : i32
      %eq3A_996 = vector.broadcast %eq3A_995 : i32 to vector<16xi32>
      %eq3A_997 = arith.cmpi eq, %iota3A, %eq3A_996 : vector<16xi32>
      %broadcast_in_dim3A_998 = vector.broadcast %reduce_sum3A_994 : f32 to vector<16xf32>
      %select_n3A_999 = arith.select %eq3A_997, %broadcast_in_dim3A_998, %select_n3A_941 : vector<16xi1>, vector<16xf32>
      %mul3A_1000 = arith.mulf %get3A_962, %get3A_962 : vector<16xf32>
      %add3A_1001 = arith.addf %add3A_955, %mul3A_1000 : vector<16xf32>
      %mul3A_1002 = arith.mulf %get3A_974, %get3A_974 : vector<16xf32>
      %add3A_1003 = arith.addf %add3A_957, %mul3A_1002 : vector<16xf32>
      %mul3A_1004 = arith.mulf %get3A_965, %get3A_965 : vector<16xf32>
      %add3A_1005 = arith.addf %add3A_1001, %mul3A_1004 : vector<16xf32>
      %mul3A_1006 = arith.mulf %get3A_977, %get3A_977 : vector<16xf32>
      %add3A_1007 = arith.addf %add3A_1003, %mul3A_1006 : vector<16xf32>
      %mul3A_1008 = arith.mulf %get3A_968, %get3A_968 : vector<16xf32>
      %add3A_1009 = arith.addf %add3A_1005, %mul3A_1008 : vector<16xf32>
      %mul3A_1010 = arith.mulf %get3A_980, %get3A_980 : vector<16xf32>
      %add3A_1011 = arith.addf %add3A_1007, %mul3A_1010 : vector<16xf32>
      %mul3A_1012 = arith.mulf %get3A_971, %get3A_971 : vector<16xf32>
      %add3A_1013 = arith.addf %add3A_1009, %mul3A_1012 : vector<16xf32>
      %mul3A_1014 = arith.mulf %get3A_983, %get3A_983 : vector<16xf32>
      %add3A_1015 = arith.addf %add3A_1011, %mul3A_1014 : vector<16xf32>
      %add3A_1016 = arith.constant 13 : i32
      %add3A_1017 = arith.addi %multiple_of3A, %add3A_1016 : i32
      %get3A_1018 = arith.index_cast %add3A_1017 : i32 to index
      %get3A_1019 = arith.constant 0 : index
      %get3A_1020 = tpu.vector_load %arg10[%get3A_1018, %get3A_1019] {strides = array<i32>} : memref<512x64xf32, #tpu.memory_space<vmem>>, vector<16xf32>,
      %get3A_1021 = arith.index_cast %add3A_1017 : i32 to index
      %get3A_1022 = arith.constant 16 : index
      %get3A_1023 = tpu.vector_load %arg10[%get3A_1021, %get3A_1022] {strides = array<i32>} : memref<512x64xf32, #tpu.memory_space<vmem>>, vector<16xf32>,
      %get3A_1024 = arith.index_cast %add3A_1017 : i32 to index
      %get3A_1025 = arith.constant 32 : index
      %get3A_1026 = tpu.vector_load %arg10[%get3A_1024, %get3A_1025] {strides = array<i32>} : memref<512x64xf32, #tpu.memory_space<vmem>>, vector<16xf32>,
      %get3A_1027 = arith.index_cast %add3A_1017 : i32 to index
      %get3A_1028 = arith.constant 48 : index
      %get3A_1029 = tpu.vector_load %arg10[%get3A_1027, %get3A_1028] {strides = array<i32>} : memref<512x64xf32, #tpu.memory_space<vmem>>, vector<16xf32>,
      %get3A_1030 = arith.index_cast %add3A_1017 : i32 to index
      %get3A_1031 = arith.constant 0 : index
      %get3A_1032 = tpu.vector_load %arg11[%get3A_1030, %get3A_1031] {strides = array<i32>} : memref<512x64xf32, #tpu.memory_space<vmem>>, vector<16xf32>,
      %get3A_1033 = arith.index_cast %add3A_1017 : i32 to index
      %get3A_1034 = arith.constant 16 : index
      %get3A_1035 = tpu.vector_load %arg11[%get3A_1033, %get3A_1034] {strides = array<i32>} : memref<512x64xf32, #tpu.memory_space<vmem>>, vector<16xf32>,
      %get3A_1036 = arith.index_cast %add3A_1017 : i32 to index
      %get3A_1037 = arith.constant 32 : index
      %get3A_1038 = tpu.vector_load %arg11[%get3A_1036, %get3A_1037] {strides = array<i32>} : memref<512x64xf32, #tpu.memory_space<vmem>>, vector<16xf32>,
      %get3A_1039 = arith.index_cast %add3A_1017 : i32 to index
      %get3A_1040 = arith.constant 48 : index
      %get3A_1041 = tpu.vector_load %arg11[%get3A_1039, %get3A_1040] {strides = array<i32>} : memref<512x64xf32, #tpu.memory_space<vmem>>, vector<16xf32>,
      %mul3A_1042 = arith.mulf %get3A_1020, %get3A_1032 : vector<16xf32>
      %mul3A_1043 = arith.mulf %get3A_1023, %get3A_1035 : vector<16xf32>
      %add3A_1044 = arith.addf %mul3A_1042, %mul3A_1043 : vector<16xf32>
      %mul3A_1045 = arith.mulf %get3A_1026, %get3A_1038 : vector<16xf32>
      %add3A_1046 = arith.addf %add3A_1044, %mul3A_1045 : vector<16xf32>
      %mul3A_1047 = arith.mulf %get3A_1029, %get3A_1041 : vector<16xf32>
      %add3A_1048 = arith.addf %add3A_1046, %mul3A_1047 : vector<16xf32>
      %reduce_sum3A_1049 = arith.constant true
      %reduce_sum3A_1050 = vector.broadcast %reduce_sum3A_1049 : i1 to vector<16xi1>
      %reduce_sum3A_1051 = tpu.scan <sum>, %add3A_1048 masked %reduce_sum3A_1050 : vector<16xf32>, vector<16xi1> -> vector<16xf32>
      %reduce_sum3A_1052 = vector.extract %reduce_sum3A_1051[15] : f32 from vector<16xf32>
      %eq3A_1053 = arith.constant 13 : i32
      %eq3A_1054 = vector.broadcast %eq3A_1053 : i32 to vector<16xi32>
      %eq3A_1055 = arith.cmpi eq, %iota3A, %eq3A_1054 : vector<16xi32>
      %broadcast_in_dim3A_1056 = vector.broadcast %reduce_sum3A_1052 : f32 to vector<16xf32>
      %select_n3A_1057 = arith.select %eq3A_1055, %broadcast_in_dim3A_1056, %select_n3A_999 : vector<16xi1>, vector<16xf32>
      %mul3A_1058 = arith.mulf %get3A_1020, %get3A_1020 : vector<16xf32>
      %add3A_1059 = arith.addf %add3A_1013, %mul3A_1058 : vector<16xf32>
      %mul3A_1060 = arith.mulf %get3A_1032, %get3A_1032 : vector<16xf32>
      %add3A_1061 = arith.addf %add3A_1015, %mul3A_1060 : vector<16xf32>
      %mul3A_1062 = arith.mulf %get3A_1023, %get3A_1023 : vector<16xf32>
      %add3A_1063 = arith.addf %add3A_1059, %mul3A_1062 : vector<16xf32>
      %mul3A_1064 = arith.mulf %get3A_1035, %get3A_1035 : vector<16xf32>
      %add3A_1065 = arith.addf %add3A_1061, %mul3A_1064 : vector<16xf32>
      %mul3A_1066 = arith.mulf %get3A_1026, %get3A_1026 : vector<16xf32>
      %add3A_1067 = arith.addf %add3A_1063, %mul3A_1066 : vector<16xf32>
      %mul3A_1068 = arith.mulf %get3A_1038, %get3A_1038 : vector<16xf32>
      %add3A_1069 = arith.addf %add3A_1065, %mul3A_1068 : vector<16xf32>
      %mul3A_1070 = arith.mulf %get3A_1029, %get3A_1029 : vector<16xf32>
      %add3A_1071 = arith.addf %add3A_1067, %mul3A_1070 : vector<16xf32>
      %mul3A_1072 = arith.mulf %get3A_1041, %get3A_1041 : vector<16xf32>
      %add3A_1073 = arith.addf %add3A_1069, %mul3A_1072 : vector<16xf32>
      %add3A_1074 = arith.constant 14 : i32
      %add3A_1075 = arith.addi %multiple_of3A, %add3A_1074 : i32
      %get3A_1076 = arith.index_cast %add3A_1075 : i32 to index
      %get3A_1077 = arith.constant 0 : index
      %get3A_1078 = tpu.vector_load %arg10[%get3A_1076, %get3A_1077] {strides = array<i32>} : memref<512x64xf32, #tpu.memory_space<vmem>>, vector<16xf32>,
      %get3A_1079 = arith.index_cast %add3A_1075 : i32 to index
      %get3A_1080 = arith.constant 16 : index
      %get3A_1081 = tpu.vector_load %arg10[%get3A_1079, %get3A_1080] {strides = array<i32>} : memref<512x64xf32, #tpu.memory_space<vmem>>, vector<16xf32>,
      %get3A_1082 = arith.index_cast %add3A_1075 : i32 to index
      %get3A_1083 = arith.constant 32 : index
      %get3A_1084 = tpu.vector_load %arg10[%get3A_1082, %get3A_1083] {strides = array<i32>} : memref<512x64xf32, #tpu.memory_space<vmem>>, vector<16xf32>,
      %get3A_1085 = arith.index_cast %add3A_1075 : i32 to index
      %get3A_1086 = arith.constant 48 : index
      %get3A_1087 = tpu.vector_load %arg10[%get3A_1085, %get3A_1086] {strides = array<i32>} : memref<512x64xf32, #tpu.memory_space<vmem>>, vector<16xf32>,
      %get3A_1088 = arith.index_cast %add3A_1075 : i32 to index
      %get3A_1089 = arith.constant 0 : index
      %get3A_1090 = tpu.vector_load %arg11[%get3A_1088, %get3A_1089] {strides = array<i32>} : memref<512x64xf32, #tpu.memory_space<vmem>>, vector<16xf32>,
      %get3A_1091 = arith.index_cast %add3A_1075 : i32 to index
      %get3A_1092 = arith.constant 16 : index
      %get3A_1093 = tpu.vector_load %arg11[%get3A_1091, %get3A_1092] {strides = array<i32>} : memref<512x64xf32, #tpu.memory_space<vmem>>, vector<16xf32>,
      %get3A_1094 = arith.index_cast %add3A_1075 : i32 to index
      %get3A_1095 = arith.constant 32 : index
      %get3A_1096 = tpu.vector_load %arg11[%get3A_1094, %get3A_1095] {strides = array<i32>} : memref<512x64xf32, #tpu.memory_space<vmem>>, vector<16xf32>,
      %get3A_1097 = arith.index_cast %add3A_1075 : i32 to index
      %get3A_1098 = arith.constant 48 : index
      %get3A_1099 = tpu.vector_load %arg11[%get3A_1097, %get3A_1098] {strides = array<i32>} : memref<512x64xf32, #tpu.memory_space<vmem>>, vector<16xf32>,
      %mul3A_1100 = arith.mulf %get3A_1078, %get3A_1090 : vector<16xf32>
      %mul3A_1101 = arith.mulf %get3A_1081, %get3A_1093 : vector<16xf32>
      %add3A_1102 = arith.addf %mul3A_1100, %mul3A_1101 : vector<16xf32>
      %mul3A_1103 = arith.mulf %get3A_1084, %get3A_1096 : vector<16xf32>
      %add3A_1104 = arith.addf %add3A_1102, %mul3A_1103 : vector<16xf32>
      %mul3A_1105 = arith.mulf %get3A_1087, %get3A_1099 : vector<16xf32>
      %add3A_1106 = arith.addf %add3A_1104, %mul3A_1105 : vector<16xf32>
      %reduce_sum3A_1107 = arith.constant true
      %reduce_sum3A_1108 = vector.broadcast %reduce_sum3A_1107 : i1 to vector<16xi1>
      %reduce_sum3A_1109 = tpu.scan <sum>, %add3A_1106 masked %reduce_sum3A_1108 : vector<16xf32>, vector<16xi1> -> vector<16xf32>
      %reduce_sum3A_1110 = vector.extract %reduce_sum3A_1109[15] : f32 from vector<16xf32>
      %eq3A_1111 = arith.constant 14 : i32
      %eq3A_1112 = vector.broadcast %eq3A_1111 : i32 to vector<16xi32>
      %eq3A_1113 = arith.cmpi eq, %iota3A, %eq3A_1112 : vector<16xi32>
      %broadcast_in_dim3A_1114 = vector.broadcast %reduce_sum3A_1110 : f32 to vector<16xf32>
      %select_n3A_1115 = arith.select %eq3A_1113, %broadcast_in_dim3A_1114, %select_n3A_1057 : vector<16xi1>, vector<16xf32>
      %mul3A_1116 = arith.mulf %get3A_1078, %get3A_1078 : vector<16xf32>
      %add3A_1117 = arith.addf %add3A_1071, %mul3A_1116 : vector<16xf32>
      %mul3A_1118 = arith.mulf %get3A_1090, %get3A_1090 : vector<16xf32>
      %add3A_1119 = arith.addf %add3A_1073, %mul3A_1118 : vector<16xf32>
      %mul3A_1120 = arith.mulf %get3A_1081, %get3A_1081 : vector<16xf32>
      %add3A_1121 = arith.addf %add3A_1117, %mul3A_1120 : vector<16xf32>
      %mul3A_1122 = arith.mulf %get3A_1093, %get3A_1093 : vector<16xf32>
      %add3A_1123 = arith.addf %add3A_1119, %mul3A_1122 : vector<16xf32>
      %mul3A_1124 = arith.mulf %get3A_1084, %get3A_1084 : vector<16xf32>
      %add3A_1125 = arith.addf %add3A_1121, %mul3A_1124 : vector<16xf32>
      %mul3A_1126 = arith.mulf %get3A_1096, %get3A_1096 : vector<16xf32>
      %add3A_1127 = arith.addf %add3A_1123, %mul3A_1126 : vector<16xf32>
      %mul3A_1128 = arith.mulf %get3A_1087, %get3A_1087 : vector<16xf32>
      %add3A_1129 = arith.addf %add3A_1125, %mul3A_1128 : vector<16xf32>
      %mul3A_1130 = arith.mulf %get3A_1099, %get3A_1099 : vector<16xf32>
      %add3A_1131 = arith.addf %add3A_1127, %mul3A_1130 : vector<16xf32>
      %add3A_1132 = arith.constant 15 : i32
      %add3A_1133 = arith.addi %multiple_of3A, %add3A_1132 : i32
      %get3A_1134 = arith.index_cast %add3A_1133 : i32 to index
      %get3A_1135 = arith.constant 0 : index
      %get3A_1136 = tpu.vector_load %arg10[%get3A_1134, %get3A_1135] {strides = array<i32>} : memref<512x64xf32, #tpu.memory_space<vmem>>, vector<16xf32>,
      %get3A_1137 = arith.index_cast %add3A_1133 : i32 to index
      %get3A_1138 = arith.constant 16 : index
      %get3A_1139 = tpu.vector_load %arg10[%get3A_1137, %get3A_1138] {strides = array<i32>} : memref<512x64xf32, #tpu.memory_space<vmem>>, vector<16xf32>,
      %get3A_1140 = arith.index_cast %add3A_1133 : i32 to index
      %get3A_1141 = arith.constant 32 : index
      %get3A_1142 = tpu.vector_load %arg10[%get3A_1140, %get3A_1141] {strides = array<i32>} : memref<512x64xf32, #tpu.memory_space<vmem>>, vector<16xf32>,
      %get3A_1143 = arith.index_cast %add3A_1133 : i32 to index
      %get3A_1144 = arith.constant 48 : index
      %get3A_1145 = tpu.vector_load %arg10[%get3A_1143, %get3A_1144] {strides = array<i32>} : memref<512x64xf32, #tpu.memory_space<vmem>>, vector<16xf32>,
      %get3A_1146 = arith.index_cast %add3A_1133 : i32 to index
      %get3A_1147 = arith.constant 0 : index
      %get3A_1148 = tpu.vector_load %arg11[%get3A_1146, %get3A_1147] {strides = array<i32>} : memref<512x64xf32, #tpu.memory_space<vmem>>, vector<16xf32>,
      %get3A_1149 = arith.index_cast %add3A_1133 : i32 to index
      %get3A_1150 = arith.constant 16 : index
      %get3A_1151 = tpu.vector_load %arg11[%get3A_1149, %get3A_1150] {strides = array<i32>} : memref<512x64xf32, #tpu.memory_space<vmem>>, vector<16xf32>,
      %get3A_1152 = arith.index_cast %add3A_1133 : i32 to index
      %get3A_1153 = arith.constant 32 : index
      %get3A_1154 = tpu.vector_load %arg11[%get3A_1152, %get3A_1153] {strides = array<i32>} : memref<512x64xf32, #tpu.memory_space<vmem>>, vector<16xf32>,
      %get3A_1155 = arith.index_cast %add3A_1133 : i32 to index
      %get3A_1156 = arith.constant 48 : index
      %get3A_1157 = tpu.vector_load %arg11[%get3A_1155, %get3A_1156] {strides = array<i32>} : memref<512x64xf32, #tpu.memory_space<vmem>>, vector<16xf32>,
      %mul3A_1158 = arith.mulf %get3A_1136, %get3A_1148 : vector<16xf32>
      %mul3A_1159 = arith.mulf %get3A_1139, %get3A_1151 : vector<16xf32>
      %add3A_1160 = arith.addf %mul3A_1158, %mul3A_1159 : vector<16xf32>
      %mul3A_1161 = arith.mulf %get3A_1142, %get3A_1154 : vector<16xf32>
      %add3A_1162 = arith.addf %add3A_1160, %mul3A_1161 : vector<16xf32>
      %mul3A_1163 = arith.mulf %get3A_1145, %get3A_1157 : vector<16xf32>
      %add3A_1164 = arith.addf %add3A_1162, %mul3A_1163 : vector<16xf32>
      %reduce_sum3A_1165 = arith.constant true
      %reduce_sum3A_1166 = vector.broadcast %reduce_sum3A_1165 : i1 to vector<16xi1>
      %reduce_sum3A_1167 = tpu.scan <sum>, %add3A_1164 masked %reduce_sum3A_1166 : vector<16xf32>, vector<16xi1> -> vector<16xf32>
      %reduce_sum3A_1168 = vector.extract %reduce_sum3A_1167[15] : f32 from vector<16xf32>
      %eq3A_1169 = arith.constant 15 : i32
      %eq3A_1170 = vector.broadcast %eq3A_1169 : i32 to vector<16xi32>
      %eq3A_1171 = arith.cmpi eq, %iota3A, %eq3A_1170 : vector<16xi32>
      %broadcast_in_dim3A_1172 = vector.broadcast %reduce_sum3A_1168 : f32 to vector<16xf32>
      %select_n3A_1173 = arith.select %eq3A_1171, %broadcast_in_dim3A_1172, %select_n3A_1115 : vector<16xi1>, vector<16xf32>
      %mul3A_1174 = arith.mulf %get3A_1136, %get3A_1136 : vector<16xf32>
      %add3A_1175 = arith.addf %add3A_1129, %mul3A_1174 : vector<16xf32>
      %mul3A_1176 = arith.mulf %get3A_1148, %get3A_1148 : vector<16xf32>
      %add3A_1177 = arith.addf %add3A_1131, %mul3A_1176 : vector<16xf32>
      %mul3A_1178 = arith.mulf %get3A_1139, %get3A_1139 : vector<16xf32>
      %add3A_1179 = arith.addf %add3A_1175, %mul3A_1178 : vector<16xf32>
      %mul3A_1180 = arith.mulf %get3A_1151, %get3A_1151 : vector<16xf32>
      %add3A_1181 = arith.addf %add3A_1177, %mul3A_1180 : vector<16xf32>
      %mul3A_1182 = arith.mulf %get3A_1142, %get3A_1142 : vector<16xf32>
      %add3A_1183 = arith.addf %add3A_1179, %mul3A_1182 : vector<16xf32>
      %mul3A_1184 = arith.mulf %get3A_1154, %get3A_1154 : vector<16xf32>
      %add3A_1185 = arith.addf %add3A_1181, %mul3A_1184 : vector<16xf32>
      %mul3A_1186 = arith.mulf %get3A_1145, %get3A_1145 : vector<16xf32>
      %add3A_1187 = arith.addf %add3A_1183, %mul3A_1186 : vector<16xf32>
      %mul3A_1188 = arith.mulf %get3A_1157, %get3A_1157 : vector<16xf32>
      %add3A_1189 = arith.addf %add3A_1185, %mul3A_1188 : vector<16xf32>
      %get3A_1190 = arith.index_cast %multiple_of3A : i32 to index
      %get3A_1191 = tpu.vector_load %arg12[%get3A_1190] {strides = array<i32>} : memref<512xf32, #tpu.memory_space<vmem>>, vector<16xf32>,
      %mul3A_1192 = arith.mulf %get3A_1191, %get3A_1191 : vector<16xf32>
      %add3A_1193 = arith.addf %scan3A_263, %mul3A_1192 : vector<16xf32>
      %add3A_1194 = arith.addf %select_n3A_1173, %get3A_1191 : vector<16xf32>
      %swap3A_1195 = arith.index_cast %multiple_of3A : i32 to index
      %swap3A_1196 = tpu.vector_load %arg13[%swap3A_1195] {strides = array<i32>} : memref<512xf32, #tpu.memory_space<vmem>>, vector<16xf32>,
      tpu.vector_store %arg13[%swap3A_1195], %add3A_1194 {strides = array<i32>} : memref<512xf32, #tpu.memory_space<vmem>>, vector<16xf32>,
      scf.yield %add3A_1187, %add3A_1189, %add3A_1193 : vector<16xf32>, vector<16xf32>, vector<16xf32>
    }
    %scan3A_174 = arith.constant 8 : i32
    %dma_start3A_175 = arith.constant 3 : i32
    %dma_start3A_176 = arith.constant 384 : i32
    %dma_start3A_177 = arith.constant 0 : i32
    %dma_start3A_178 = tpu.memref_slice %arg10[%dma_start3A_176, %dma_start3A_177] : memref<512x64xf32, #tpu.memory_space<vmem>> -> memref<128x64xf32, #tpu.memory_space<vmem>>
    %dma_start3A_179 = arith.constant 0 : i32
    %dma_start3A_180 = tpu.memref_slice %arg8[%dma_start3A_175, %dma_start3A_179] : memref<4x128xi32, #tpu.memory_space<vmem>> -> memref<1x128xi32, #tpu.memory_space<vmem>>
    %dma_start3A_181 = tpu.memref_squeeze %dma_start3A_180 : memref<1x128xi32, #tpu.memory_space<vmem>> -> memref<128xi32, #tpu.memory_space<vmem>>
    %dma_start3A_182 = arith.constant 0 : i32
    %dma_start3A_183 = arith.constant 0 : i32
    %dma_start3A_184 = tpu.memref_slice %arg4[%dma_start3A_182, %dma_start3A_183] : memref<100000x64xf32, #tpu.memory_space<hbm>> -> memref<100000x64xf32, #tpu.memory_space<hbm>>
    tpu.enqueue_indirect_dma source(%dma_start3A_184 : memref<100000x64xf32, #tpu.memory_space<hbm>>) target(%dma_start3A_178 : memref<128x64xf32, #tpu.memory_space<vmem>>) offsets(%dma_start3A_181 : memref<128xi32, #tpu.memory_space<vmem>>) semaphore(%arg16 : memref<!tpu.dma_semaphore, #tpu.memory_space<semaphore_mem>>)
    %dma_start3A_185 = arith.constant 3 : i32
    %dma_start3A_186 = arith.constant 384 : i32
    %dma_start3A_187 = arith.constant 0 : i32
    %dma_start3A_188 = tpu.memref_slice %arg11[%dma_start3A_186, %dma_start3A_187] : memref<512x64xf32, #tpu.memory_space<vmem>> -> memref<128x64xf32, #tpu.memory_space<vmem>>
    %dma_start3A_189 = arith.constant 0 : i32
    %dma_start3A_190 = tpu.memref_slice %arg9[%dma_start3A_185, %dma_start3A_189] : memref<4x128xi32, #tpu.memory_space<vmem>> -> memref<1x128xi32, #tpu.memory_space<vmem>>
    %dma_start3A_191 = tpu.memref_squeeze %dma_start3A_190 : memref<1x128xi32, #tpu.memory_space<vmem>> -> memref<128xi32, #tpu.memory_space<vmem>>
    %dma_start3A_192 = arith.constant 0 : i32
    %dma_start3A_193 = arith.constant 0 : i32
    %dma_start3A_194 = tpu.memref_slice %arg4[%dma_start3A_192, %dma_start3A_193] : memref<100000x64xf32, #tpu.memory_space<hbm>> -> memref<100000x64xf32, #tpu.memory_space<hbm>>
    tpu.enqueue_indirect_dma source(%dma_start3A_194 : memref<100000x64xf32, #tpu.memory_space<hbm>>) target(%dma_start3A_188 : memref<128x64xf32, #tpu.memory_space<vmem>>) offsets(%dma_start3A_191 : memref<128xi32, #tpu.memory_space<vmem>>) semaphore(%arg16 : memref<!tpu.dma_semaphore, #tpu.memory_space<semaphore_mem>>)
    %dma_wait3A_195 = arith.constant 2 : i32
    %dma_wait3A_196 = arith.constant 256 : i32
    %dma_wait3A_197 = arith.constant 0 : i32
    %dma_wait3A_198 = tpu.memref_slice %arg10[%dma_wait3A_196, %dma_wait3A_197] : memref<512x64xf32, #tpu.memory_space<vmem>> -> memref<128x64xf32, #tpu.memory_space<vmem>>
    %dma_wait3A_199 = arith.constant 0 : i32
    %dma_wait3A_200 = tpu.memref_slice %arg8[%dma_wait3A_195, %dma_wait3A_199] : memref<4x128xi32, #tpu.memory_space<vmem>> -> memref<1x128xi32, #tpu.memory_space<vmem>>
    %dma_wait3A_201 = tpu.memref_squeeze %dma_wait3A_200 : memref<1x128xi32, #tpu.memory_space<vmem>> -> memref<128xi32, #tpu.memory_space<vmem>>
    %dma_wait3A_202 = arith.constant 0 : i32
    %dma_wait3A_203 = arith.constant 0 : i32
    %dma_wait3A_204 = tpu.memref_slice %arg4[%dma_wait3A_202, %dma_wait3A_203] : memref<100000x64xf32, #tpu.memory_space<hbm>> -> memref<100000x64xf32, #tpu.memory_space<hbm>>
    tpu.wait_indirect_dma semaphore(%arg15 : memref<!tpu.dma_semaphore, #tpu.memory_space<semaphore_mem>>) src(%dma_wait3A_204 : memref<100000x64xf32, #tpu.memory_space<hbm>>) dst(%dma_wait3A_198 : memref<128x64xf32, #tpu.memory_space<vmem>>)
    %dma_wait3A_205 = arith.constant 2 : i32
    %dma_wait3A_206 = arith.constant 256 : i32
    %dma_wait3A_207 = arith.constant 0 : i32
    %dma_wait3A_208 = tpu.memref_slice %arg11[%dma_wait3A_206, %dma_wait3A_207] : memref<512x64xf32, #tpu.memory_space<vmem>> -> memref<128x64xf32, #tpu.memory_space<vmem>>
    %dma_wait3A_209 = arith.constant 0 : i32
    %dma_wait3A_210 = tpu.memref_slice %arg9[%dma_wait3A_205, %dma_wait3A_209] : memref<4x128xi32, #tpu.memory_space<vmem>> -> memref<1x128xi32, #tpu.memory_space<vmem>>
    %dma_wait3A_211 = tpu.memref_squeeze %dma_wait3A_210 : memref<1x128xi32, #tpu.memory_space<vmem>> -> memref<128xi32, #tpu.memory_space<vmem>>
    %dma_wait3A_212 = arith.constant 0 : i32
    %dma_wait3A_213 = arith.constant 0 : i32
    %dma_wait3A_214 = tpu.memref_slice %arg4[%dma_wait3A_212, %dma_wait3A_213] : memref<100000x64xf32, #tpu.memory_space<hbm>> -> memref<100000x64xf32, #tpu.memory_space<hbm>>
    tpu.wait_indirect_dma semaphore(%arg15 : memref<!tpu.dma_semaphore, #tpu.memory_space<semaphore_mem>>) src(%dma_wait3A_214 : memref<100000x64xf32, #tpu.memory_space<hbm>>) dst(%dma_wait3A_208 : memref<128x64xf32, #tpu.memory_space<vmem>>)
    %scan3A_215 = arith.constant 16 : i32
    %scan3A_216 = arith.constant 8 : i32
    %scan3A_217 = arith.addi %scan3A_215, %scan3A_216 : i32
    %scan3A_218 = arith.constant 1 : i32
    %scan3A_219:3 = scf.for %scan3A_260 = %scan3A_215 to %scan3A_217 step %scan3A_218 iter_args(%scan3A_261 = %scan3A_173#0, %scan3A_262 = %scan3A_173#1, %scan3A_263 = %scan3A_173#2) -> (vector<16xf32>, vector<16xf32>, vector<16xf32>)  : i32 {
      %mul3A_264 = arith.constant 16 : i32
      %mul3A_265 = arith.muli %scan3A_260, %mul3A_264 : i32
      %multiple_of3A = tpu.assume_multiple %mul3A_265, 16 : i32
      %add3A_266 = arith.constant 0 : i32
      %add3A_267 = arith.addi %multiple_of3A, %add3A_266 : i32
      %get3A = arith.index_cast %add3A_267 : i32 to index
      %get3A_268 = arith.constant 0 : index
      %get3A_269 = tpu.vector_load %arg10[%get3A, %get3A_268] {strides = array<i32>} : memref<512x64xf32, #tpu.memory_space<vmem>>, vector<16xf32>,
      %get3A_270 = arith.index_cast %add3A_267 : i32 to index
      %get3A_271 = arith.constant 16 : index
      %get3A_272 = tpu.vector_load %arg10[%get3A_270, %get3A_271] {strides = array<i32>} : memref<512x64xf32, #tpu.memory_space<vmem>>, vector<16xf32>,
      %get3A_273 = arith.index_cast %add3A_267 : i32 to index
      %get3A_274 = arith.constant 32 : index
      %get3A_275 = tpu.vector_load %arg10[%get3A_273, %get3A_274] {strides = array<i32>} : memref<512x64xf32, #tpu.memory_space<vmem>>, vector<16xf32>,
      %get3A_276 = arith.index_cast %add3A_267 : i32 to index
      %get3A_277 = arith.constant 48 : index
      %get3A_278 = tpu.vector_load %arg10[%get3A_276, %get3A_277] {strides = array<i32>} : memref<512x64xf32, #tpu.memory_space<vmem>>, vector<16xf32>,
      %get3A_279 = arith.index_cast %add3A_267 : i32 to index
      %get3A_280 = arith.constant 0 : index
      %get3A_281 = tpu.vector_load %arg11[%get3A_279, %get3A_280] {strides = array<i32>} : memref<512x64xf32, #tpu.memory_space<vmem>>, vector<16xf32>,
      %get3A_282 = arith.index_cast %add3A_267 : i32 to index
      %get3A_283 = arith.constant 16 : index
      %get3A_284 = tpu.vector_load %arg11[%get3A_282, %get3A_283] {strides = array<i32>} : memref<512x64xf32, #tpu.memory_space<vmem>>, vector<16xf32>,
      %get3A_285 = arith.index_cast %add3A_267 : i32 to index
      %get3A_286 = arith.constant 32 : index
      %get3A_287 = tpu.vector_load %arg11[%get3A_285, %get3A_286] {strides = array<i32>} : memref<512x64xf32, #tpu.memory_space<vmem>>, vector<16xf32>,
      %get3A_288 = arith.index_cast %add3A_267 : i32 to index
      %get3A_289 = arith.constant 48 : index
      %get3A_290 = tpu.vector_load %arg11[%get3A_288, %get3A_289] {strides = array<i32>} : memref<512x64xf32, #tpu.memory_space<vmem>>, vector<16xf32>,
      %mul3A_291 = arith.mulf %get3A_269, %get3A_281 : vector<16xf32>
      %mul3A_292 = arith.mulf %get3A_272, %get3A_284 : vector<16xf32>
      %add3A_293 = arith.addf %mul3A_291, %mul3A_292 : vector<16xf32>
      %mul3A_294 = arith.mulf %get3A_275, %get3A_287 : vector<16xf32>
      %add3A_295 = arith.addf %add3A_293, %mul3A_294 : vector<16xf32>
      %mul3A_296 = arith.mulf %get3A_278, %get3A_290 : vector<16xf32>
      %add3A_297 = arith.addf %add3A_295, %mul3A_296 : vector<16xf32>
      %reduce_sum3A = arith.constant true
      %reduce_sum3A_298 = vector.broadcast %reduce_sum3A : i1 to vector<16xi1>
      %reduce_sum3A_299 = tpu.scan <sum>, %add3A_297 masked %reduce_sum3A_298 : vector<16xf32>, vector<16xi1> -> vector<16xf32>
      %reduce_sum3A_300 = vector.extract %reduce_sum3A_299[15] : f32 from vector<16xf32>
      %eq3A = arith.constant 0 : i32
      %eq3A_301 = vector.broadcast %eq3A : i32 to vector<16xi32>
      %eq3A_302 = arith.cmpi eq, %iota3A, %eq3A_301 : vector<16xi32>
      %broadcast_in_dim3A_303 = vector.broadcast %reduce_sum3A_300 : f32 to vector<16xf32>
      %select_n3A = arith.select %eq3A_302, %broadcast_in_dim3A_303, %broadcast_in_dim3A_83 : vector<16xi1>, vector<16xf32>
      %mul3A_304 = arith.mulf %get3A_269, %get3A_269 : vector<16xf32>
      %add3A_305 = arith.addf %scan3A_261, %mul3A_304 : vector<16xf32>
      %mul3A_306 = arith.mulf %get3A_281, %get3A_281 : vector<16xf32>
      %add3A_307 = arith.addf %scan3A_262, %mul3A_306 : vector<16xf32>
      %mul3A_308 = arith.mulf %get3A_272, %get3A_272 : vector<16xf32>
      %add3A_309 = arith.addf %add3A_305, %mul3A_308 : vector<16xf32>
      %mul3A_310 = arith.mulf %get3A_284, %get3A_284 : vector<16xf32>
      %add3A_311 = arith.addf %add3A_307, %mul3A_310 : vector<16xf32>
      %mul3A_312 = arith.mulf %get3A_275, %get3A_275 : vector<16xf32>
      %add3A_313 = arith.addf %add3A_309, %mul3A_312 : vector<16xf32>
      %mul3A_314 = arith.mulf %get3A_287, %get3A_287 : vector<16xf32>
      %add3A_315 = arith.addf %add3A_311, %mul3A_314 : vector<16xf32>
      %mul3A_316 = arith.mulf %get3A_278, %get3A_278 : vector<16xf32>
      %add3A_317 = arith.addf %add3A_313, %mul3A_316 : vector<16xf32>
      %mul3A_318 = arith.mulf %get3A_290, %get3A_290 : vector<16xf32>
      %add3A_319 = arith.addf %add3A_315, %mul3A_318 : vector<16xf32>
      %add3A_320 = arith.constant 1 : i32
      %add3A_321 = arith.addi %multiple_of3A, %add3A_320 : i32
      %get3A_322 = arith.index_cast %add3A_321 : i32 to index
      %get3A_323 = arith.constant 0 : index
      %get3A_324 = tpu.vector_load %arg10[%get3A_322, %get3A_323] {strides = array<i32>} : memref<512x64xf32, #tpu.memory_space<vmem>>, vector<16xf32>,
      %get3A_325 = arith.index_cast %add3A_321 : i32 to index
      %get3A_326 = arith.constant 16 : index
      %get3A_327 = tpu.vector_load %arg10[%get3A_325, %get3A_326] {strides = array<i32>} : memref<512x64xf32, #tpu.memory_space<vmem>>, vector<16xf32>,
      %get3A_328 = arith.index_cast %add3A_321 : i32 to index
      %get3A_329 = arith.constant 32 : index
      %get3A_330 = tpu.vector_load %arg10[%get3A_328, %get3A_329] {strides = array<i32>} : memref<512x64xf32, #tpu.memory_space<vmem>>, vector<16xf32>,
      %get3A_331 = arith.index_cast %add3A_321 : i32 to index
      %get3A_332 = arith.constant 48 : index
      %get3A_333 = tpu.vector_load %arg10[%get3A_331, %get3A_332] {strides = array<i32>} : memref<512x64xf32, #tpu.memory_space<vmem>>, vector<16xf32>,
      %get3A_334 = arith.index_cast %add3A_321 : i32 to index
      %get3A_335 = arith.constant 0 : index
      %get3A_336 = tpu.vector_load %arg11[%get3A_334, %get3A_335] {strides = array<i32>} : memref<512x64xf32, #tpu.memory_space<vmem>>, vector<16xf32>,
      %get3A_337 = arith.index_cast %add3A_321 : i32 to index
      %get3A_338 = arith.constant 16 : index
      %get3A_339 = tpu.vector_load %arg11[%get3A_337, %get3A_338] {strides = array<i32>} : memref<512x64xf32, #tpu.memory_space<vmem>>, vector<16xf32>,
      %get3A_340 = arith.index_cast %add3A_321 : i32 to index
      %get3A_341 = arith.constant 32 : index
      %get3A_342 = tpu.vector_load %arg11[%get3A_340, %get3A_341] {strides = array<i32>} : memref<512x64xf32, #tpu.memory_space<vmem>>, vector<16xf32>,
      %get3A_343 = arith.index_cast %add3A_321 : i32 to index
      %get3A_344 = arith.constant 48 : index
      %get3A_345 = tpu.vector_load %arg11[%get3A_343, %get3A_344] {strides = array<i32>} : memref<512x64xf32, #tpu.memory_space<vmem>>, vector<16xf32>,
      %mul3A_346 = arith.mulf %get3A_324, %get3A_336 : vector<16xf32>
      %mul3A_347 = arith.mulf %get3A_327, %get3A_339 : vector<16xf32>
      %add3A_348 = arith.addf %mul3A_346, %mul3A_347 : vector<16xf32>
      %mul3A_349 = arith.mulf %get3A_330, %get3A_342 : vector<16xf32>
      %add3A_350 = arith.addf %add3A_348, %mul3A_349 : vector<16xf32>
      %mul3A_351 = arith.mulf %get3A_333, %get3A_345 : vector<16xf32>
      %add3A_352 = arith.addf %add3A_350, %mul3A_351 : vector<16xf32>
      %reduce_sum3A_353 = arith.constant true
      %reduce_sum3A_354 = vector.broadcast %reduce_sum3A_353 : i1 to vector<16xi1>
      %reduce_sum3A_355 = tpu.scan <sum>, %add3A_352 masked %reduce_sum3A_354 : vector<16xf32>, vector<16xi1> -> vector<16xf32>
      %reduce_sum3A_356 = vector.extract %reduce_sum3A_355[15] : f32 from vector<16xf32>
      %eq3A_357 = arith.constant 1 : i32
      %eq3A_358 = vector.broadcast %eq3A_357 : i32 to vector<16xi32>
      %eq3A_359 = arith.cmpi eq, %iota3A, %eq3A_358 : vector<16xi32>
      %broadcast_in_dim3A_360 = vector.broadcast %reduce_sum3A_356 : f32 to vector<16xf32>
      %select_n3A_361 = arith.select %eq3A_359, %broadcast_in_dim3A_360, %select_n3A : vector<16xi1>, vector<16xf32>
      %mul3A_362 = arith.mulf %get3A_324, %get3A_324 : vector<16xf32>
      %add3A_363 = arith.addf %add3A_317, %mul3A_362 : vector<16xf32>
      %mul3A_364 = arith.mulf %get3A_336, %get3A_336 : vector<16xf32>
      %add3A_365 = arith.addf %add3A_319, %mul3A_364 : vector<16xf32>
      %mul3A_366 = arith.mulf %get3A_327, %get3A_327 : vector<16xf32>
      %add3A_367 = arith.addf %add3A_363, %mul3A_366 : vector<16xf32>
      %mul3A_368 = arith.mulf %get3A_339, %get3A_339 : vector<16xf32>
      %add3A_369 = arith.addf %add3A_365, %mul3A_368 : vector<16xf32>
      %mul3A_370 = arith.mulf %get3A_330, %get3A_330 : vector<16xf32>
      %add3A_371 = arith.addf %add3A_367, %mul3A_370 : vector<16xf32>
      %mul3A_372 = arith.mulf %get3A_342, %get3A_342 : vector<16xf32>
      %add3A_373 = arith.addf %add3A_369, %mul3A_372 : vector<16xf32>
      %mul3A_374 = arith.mulf %get3A_333, %get3A_333 : vector<16xf32>
      %add3A_375 = arith.addf %add3A_371, %mul3A_374 : vector<16xf32>
      %mul3A_376 = arith.mulf %get3A_345, %get3A_345 : vector<16xf32>
      %add3A_377 = arith.addf %add3A_373, %mul3A_376 : vector<16xf32>
      %add3A_378 = arith.constant 2 : i32
      %add3A_379 = arith.addi %multiple_of3A, %add3A_378 : i32
      %get3A_380 = arith.index_cast %add3A_379 : i32 to index
      %get3A_381 = arith.constant 0 : index
      %get3A_382 = tpu.vector_load %arg10[%get3A_380, %get3A_381] {strides = array<i32>} : memref<512x64xf32, #tpu.memory_space<vmem>>, vector<16xf32>,
      %get3A_383 = arith.index_cast %add3A_379 : i32 to index
      %get3A_384 = arith.constant 16 : index
      %get3A_385 = tpu.vector_load %arg10[%get3A_383, %get3A_384] {strides = array<i32>} : memref<512x64xf32, #tpu.memory_space<vmem>>, vector<16xf32>,
      %get3A_386 = arith.index_cast %add3A_379 : i32 to index
      %get3A_387 = arith.constant 32 : index
      %get3A_388 = tpu.vector_load %arg10[%get3A_386, %get3A_387] {strides = array<i32>} : memref<512x64xf32, #tpu.memory_space<vmem>>, vector<16xf32>,
      %get3A_389 = arith.index_cast %add3A_379 : i32 to index
      %get3A_390 = arith.constant 48 : index
      %get3A_391 = tpu.vector_load %arg10[%get3A_389, %get3A_390] {strides = array<i32>} : memref<512x64xf32, #tpu.memory_space<vmem>>, vector<16xf32>,
      %get3A_392 = arith.index_cast %add3A_379 : i32 to index
      %get3A_393 = arith.constant 0 : index
      %get3A_394 = tpu.vector_load %arg11[%get3A_392, %get3A_393] {strides = array<i32>} : memref<512x64xf32, #tpu.memory_space<vmem>>, vector<16xf32>,
      %get3A_395 = arith.index_cast %add3A_379 : i32 to index
      %get3A_396 = arith.constant 16 : index
      %get3A_397 = tpu.vector_load %arg11[%get3A_395, %get3A_396] {strides = array<i32>} : memref<512x64xf32, #tpu.memory_space<vmem>>, vector<16xf32>,
      %get3A_398 = arith.index_cast %add3A_379 : i32 to index
      %get3A_399 = arith.constant 32 : index
      %get3A_400 = tpu.vector_load %arg11[%get3A_398, %get3A_399] {strides = array<i32>} : memref<512x64xf32, #tpu.memory_space<vmem>>, vector<16xf32>,
      %get3A_401 = arith.index_cast %add3A_379 : i32 to index
      %get3A_402 = arith.constant 48 : index
      %get3A_403 = tpu.vector_load %arg11[%get3A_401, %get3A_402] {strides = array<i32>} : memref<512x64xf32, #tpu.memory_space<vmem>>, vector<16xf32>,
      %mul3A_404 = arith.mulf %get3A_382, %get3A_394 : vector<16xf32>
      %mul3A_405 = arith.mulf %get3A_385, %get3A_397 : vector<16xf32>
      %add3A_406 = arith.addf %mul3A_404, %mul3A_405 : vector<16xf32>
      %mul3A_407 = arith.mulf %get3A_388, %get3A_400 : vector<16xf32>
      %add3A_408 = arith.addf %add3A_406, %mul3A_407 : vector<16xf32>
      %mul3A_409 = arith.mulf %get3A_391, %get3A_403 : vector<16xf32>
      %add3A_410 = arith.addf %add3A_408, %mul3A_409 : vector<16xf32>
      %reduce_sum3A_411 = arith.constant true
      %reduce_sum3A_412 = vector.broadcast %reduce_sum3A_411 : i1 to vector<16xi1>
      %reduce_sum3A_413 = tpu.scan <sum>, %add3A_410 masked %reduce_sum3A_412 : vector<16xf32>, vector<16xi1> -> vector<16xf32>
      %reduce_sum3A_414 = vector.extract %reduce_sum3A_413[15] : f32 from vector<16xf32>
      %eq3A_415 = arith.constant 2 : i32
      %eq3A_416 = vector.broadcast %eq3A_415 : i32 to vector<16xi32>
      %eq3A_417 = arith.cmpi eq, %iota3A, %eq3A_416 : vector<16xi32>
      %broadcast_in_dim3A_418 = vector.broadcast %reduce_sum3A_414 : f32 to vector<16xf32>
      %select_n3A_419 = arith.select %eq3A_417, %broadcast_in_dim3A_418, %select_n3A_361 : vector<16xi1>, vector<16xf32>
      %mul3A_420 = arith.mulf %get3A_382, %get3A_382 : vector<16xf32>
      %add3A_421 = arith.addf %add3A_375, %mul3A_420 : vector<16xf32>
      %mul3A_422 = arith.mulf %get3A_394, %get3A_394 : vector<16xf32>
      %add3A_423 = arith.addf %add3A_377, %mul3A_422 : vector<16xf32>
      %mul3A_424 = arith.mulf %get3A_385, %get3A_385 : vector<16xf32>
      %add3A_425 = arith.addf %add3A_421, %mul3A_424 : vector<16xf32>
      %mul3A_426 = arith.mulf %get3A_397, %get3A_397 : vector<16xf32>
      %add3A_427 = arith.addf %add3A_423, %mul3A_426 : vector<16xf32>
      %mul3A_428 = arith.mulf %get3A_388, %get3A_388 : vector<16xf32>
      %add3A_429 = arith.addf %add3A_425, %mul3A_428 : vector<16xf32>
      %mul3A_430 = arith.mulf %get3A_400, %get3A_400 : vector<16xf32>
      %add3A_431 = arith.addf %add3A_427, %mul3A_430 : vector<16xf32>
      %mul3A_432 = arith.mulf %get3A_391, %get3A_391 : vector<16xf32>
      %add3A_433 = arith.addf %add3A_429, %mul3A_432 : vector<16xf32>
      %mul3A_434 = arith.mulf %get3A_403, %get3A_403 : vector<16xf32>
      %add3A_435 = arith.addf %add3A_431, %mul3A_434 : vector<16xf32>
      %add3A_436 = arith.constant 3 : i32
      %add3A_437 = arith.addi %multiple_of3A, %add3A_436 : i32
      %get3A_438 = arith.index_cast %add3A_437 : i32 to index
      %get3A_439 = arith.constant 0 : index
      %get3A_440 = tpu.vector_load %arg10[%get3A_438, %get3A_439] {strides = array<i32>} : memref<512x64xf32, #tpu.memory_space<vmem>>, vector<16xf32>,
      %get3A_441 = arith.index_cast %add3A_437 : i32 to index
      %get3A_442 = arith.constant 16 : index
      %get3A_443 = tpu.vector_load %arg10[%get3A_441, %get3A_442] {strides = array<i32>} : memref<512x64xf32, #tpu.memory_space<vmem>>, vector<16xf32>,
      %get3A_444 = arith.index_cast %add3A_437 : i32 to index
      %get3A_445 = arith.constant 32 : index
      %get3A_446 = tpu.vector_load %arg10[%get3A_444, %get3A_445] {strides = array<i32>} : memref<512x64xf32, #tpu.memory_space<vmem>>, vector<16xf32>,
      %get3A_447 = arith.index_cast %add3A_437 : i32 to index
      %get3A_448 = arith.constant 48 : index
      %get3A_449 = tpu.vector_load %arg10[%get3A_447, %get3A_448] {strides = array<i32>} : memref<512x64xf32, #tpu.memory_space<vmem>>, vector<16xf32>,
      %get3A_450 = arith.index_cast %add3A_437 : i32 to index
      %get3A_451 = arith.constant 0 : index
      %get3A_452 = tpu.vector_load %arg11[%get3A_450, %get3A_451] {strides = array<i32>} : memref<512x64xf32, #tpu.memory_space<vmem>>, vector<16xf32>,
      %get3A_453 = arith.index_cast %add3A_437 : i32 to index
      %get3A_454 = arith.constant 16 : index
      %get3A_455 = tpu.vector_load %arg11[%get3A_453, %get3A_454] {strides = array<i32>} : memref<512x64xf32, #tpu.memory_space<vmem>>, vector<16xf32>,
      %get3A_456 = arith.index_cast %add3A_437 : i32 to index
      %get3A_457 = arith.constant 32 : index
      %get3A_458 = tpu.vector_load %arg11[%get3A_456, %get3A_457] {strides = array<i32>} : memref<512x64xf32, #tpu.memory_space<vmem>>, vector<16xf32>,
      %get3A_459 = arith.index_cast %add3A_437 : i32 to index
      %get3A_460 = arith.constant 48 : index
      %get3A_461 = tpu.vector_load %arg11[%get3A_459, %get3A_460] {strides = array<i32>} : memref<512x64xf32, #tpu.memory_space<vmem>>, vector<16xf32>,
      %mul3A_462 = arith.mulf %get3A_440, %get3A_452 : vector<16xf32>
      %mul3A_463 = arith.mulf %get3A_443, %get3A_455 : vector<16xf32>
      %add3A_464 = arith.addf %mul3A_462, %mul3A_463 : vector<16xf32>
      %mul3A_465 = arith.mulf %get3A_446, %get3A_458 : vector<16xf32>
      %add3A_466 = arith.addf %add3A_464, %mul3A_465 : vector<16xf32>
      %mul3A_467 = arith.mulf %get3A_449, %get3A_461 : vector<16xf32>
      %add3A_468 = arith.addf %add3A_466, %mul3A_467 : vector<16xf32>
      %reduce_sum3A_469 = arith.constant true
      %reduce_sum3A_470 = vector.broadcast %reduce_sum3A_469 : i1 to vector<16xi1>
      %reduce_sum3A_471 = tpu.scan <sum>, %add3A_468 masked %reduce_sum3A_470 : vector<16xf32>, vector<16xi1> -> vector<16xf32>
      %reduce_sum3A_472 = vector.extract %reduce_sum3A_471[15] : f32 from vector<16xf32>
      %eq3A_473 = arith.constant 3 : i32
      %eq3A_474 = vector.broadcast %eq3A_473 : i32 to vector<16xi32>
      %eq3A_475 = arith.cmpi eq, %iota3A, %eq3A_474 : vector<16xi32>
      %broadcast_in_dim3A_476 = vector.broadcast %reduce_sum3A_472 : f32 to vector<16xf32>
      %select_n3A_477 = arith.select %eq3A_475, %broadcast_in_dim3A_476, %select_n3A_419 : vector<16xi1>, vector<16xf32>
      %mul3A_478 = arith.mulf %get3A_440, %get3A_440 : vector<16xf32>
      %add3A_479 = arith.addf %add3A_433, %mul3A_478 : vector<16xf32>
      %mul3A_480 = arith.mulf %get3A_452, %get3A_452 : vector<16xf32>
      %add3A_481 = arith.addf %add3A_435, %mul3A_480 : vector<16xf32>
      %mul3A_482 = arith.mulf %get3A_443, %get3A_443 : vector<16xf32>
      %add3A_483 = arith.addf %add3A_479, %mul3A_482 : vector<16xf32>
      %mul3A_484 = arith.mulf %get3A_455, %get3A_455 : vector<16xf32>
      %add3A_485 = arith.addf %add3A_481, %mul3A_484 : vector<16xf32>
      %mul3A_486 = arith.mulf %get3A_446, %get3A_446 : vector<16xf32>
      %add3A_487 = arith.addf %add3A_483, %mul3A_486 : vector<16xf32>
      %mul3A_488 = arith.mulf %get3A_458, %get3A_458 : vector<16xf32>
      %add3A_489 = arith.addf %add3A_485, %mul3A_488 : vector<16xf32>
      %mul3A_490 = arith.mulf %get3A_449, %get3A_449 : vector<16xf32>
      %add3A_491 = arith.addf %add3A_487, %mul3A_490 : vector<16xf32>
      %mul3A_492 = arith.mulf %get3A_461, %get3A_461 : vector<16xf32>
      %add3A_493 = arith.addf %add3A_489, %mul3A_492 : vector<16xf32>
      %add3A_494 = arith.constant 4 : i32
      %add3A_495 = arith.addi %multiple_of3A, %add3A_494 : i32
      %get3A_496 = arith.index_cast %add3A_495 : i32 to index
      %get3A_497 = arith.constant 0 : index
      %get3A_498 = tpu.vector_load %arg10[%get3A_496, %get3A_497] {strides = array<i32>} : memref<512x64xf32, #tpu.memory_space<vmem>>, vector<16xf32>,
      %get3A_499 = arith.index_cast %add3A_495 : i32 to index
      %get3A_500 = arith.constant 16 : index
      %get3A_501 = tpu.vector_load %arg10[%get3A_499, %get3A_500] {strides = array<i32>} : memref<512x64xf32, #tpu.memory_space<vmem>>, vector<16xf32>,
      %get3A_502 = arith.index_cast %add3A_495 : i32 to index
      %get3A_503 = arith.constant 32 : index
      %get3A_504 = tpu.vector_load %arg10[%get3A_502, %get3A_503] {strides = array<i32>} : memref<512x64xf32, #tpu.memory_space<vmem>>, vector<16xf32>,
      %get3A_505 = arith.index_cast %add3A_495 : i32 to index
      %get3A_506 = arith.constant 48 : index
      %get3A_507 = tpu.vector_load %arg10[%get3A_505, %get3A_506] {strides = array<i32>} : memref<512x64xf32, #tpu.memory_space<vmem>>, vector<16xf32>,
      %get3A_508 = arith.index_cast %add3A_495 : i32 to index
      %get3A_509 = arith.constant 0 : index
      %get3A_510 = tpu.vector_load %arg11[%get3A_508, %get3A_509] {strides = array<i32>} : memref<512x64xf32, #tpu.memory_space<vmem>>, vector<16xf32>,
      %get3A_511 = arith.index_cast %add3A_495 : i32 to index
      %get3A_512 = arith.constant 16 : index
      %get3A_513 = tpu.vector_load %arg11[%get3A_511, %get3A_512] {strides = array<i32>} : memref<512x64xf32, #tpu.memory_space<vmem>>, vector<16xf32>,
      %get3A_514 = arith.index_cast %add3A_495 : i32 to index
      %get3A_515 = arith.constant 32 : index
      %get3A_516 = tpu.vector_load %arg11[%get3A_514, %get3A_515] {strides = array<i32>} : memref<512x64xf32, #tpu.memory_space<vmem>>, vector<16xf32>,
      %get3A_517 = arith.index_cast %add3A_495 : i32 to index
      %get3A_518 = arith.constant 48 : index
      %get3A_519 = tpu.vector_load %arg11[%get3A_517, %get3A_518] {strides = array<i32>} : memref<512x64xf32, #tpu.memory_space<vmem>>, vector<16xf32>,
      %mul3A_520 = arith.mulf %get3A_498, %get3A_510 : vector<16xf32>
      %mul3A_521 = arith.mulf %get3A_501, %get3A_513 : vector<16xf32>
      %add3A_522 = arith.addf %mul3A_520, %mul3A_521 : vector<16xf32>
      %mul3A_523 = arith.mulf %get3A_504, %get3A_516 : vector<16xf32>
      %add3A_524 = arith.addf %add3A_522, %mul3A_523 : vector<16xf32>
      %mul3A_525 = arith.mulf %get3A_507, %get3A_519 : vector<16xf32>
      %add3A_526 = arith.addf %add3A_524, %mul3A_525 : vector<16xf32>
      %reduce_sum3A_527 = arith.constant true
      %reduce_sum3A_528 = vector.broadcast %reduce_sum3A_527 : i1 to vector<16xi1>
      %reduce_sum3A_529 = tpu.scan <sum>, %add3A_526 masked %reduce_sum3A_528 : vector<16xf32>, vector<16xi1> -> vector<16xf32>
      %reduce_sum3A_530 = vector.extract %reduce_sum3A_529[15] : f32 from vector<16xf32>
      %eq3A_531 = arith.constant 4 : i32
      %eq3A_532 = vector.broadcast %eq3A_531 : i32 to vector<16xi32>
      %eq3A_533 = arith.cmpi eq, %iota3A, %eq3A_532 : vector<16xi32>
      %broadcast_in_dim3A_534 = vector.broadcast %reduce_sum3A_530 : f32 to vector<16xf32>
      %select_n3A_535 = arith.select %eq3A_533, %broadcast_in_dim3A_534, %select_n3A_477 : vector<16xi1>, vector<16xf32>
      %mul3A_536 = arith.mulf %get3A_498, %get3A_498 : vector<16xf32>
      %add3A_537 = arith.addf %add3A_491, %mul3A_536 : vector<16xf32>
      %mul3A_538 = arith.mulf %get3A_510, %get3A_510 : vector<16xf32>
      %add3A_539 = arith.addf %add3A_493, %mul3A_538 : vector<16xf32>
      %mul3A_540 = arith.mulf %get3A_501, %get3A_501 : vector<16xf32>
      %add3A_541 = arith.addf %add3A_537, %mul3A_540 : vector<16xf32>
      %mul3A_542 = arith.mulf %get3A_513, %get3A_513 : vector<16xf32>
      %add3A_543 = arith.addf %add3A_539, %mul3A_542 : vector<16xf32>
      %mul3A_544 = arith.mulf %get3A_504, %get3A_504 : vector<16xf32>
      %add3A_545 = arith.addf %add3A_541, %mul3A_544 : vector<16xf32>
      %mul3A_546 = arith.mulf %get3A_516, %get3A_516 : vector<16xf32>
      %add3A_547 = arith.addf %add3A_543, %mul3A_546 : vector<16xf32>
      %mul3A_548 = arith.mulf %get3A_507, %get3A_507 : vector<16xf32>
      %add3A_549 = arith.addf %add3A_545, %mul3A_548 : vector<16xf32>
      %mul3A_550 = arith.mulf %get3A_519, %get3A_519 : vector<16xf32>
      %add3A_551 = arith.addf %add3A_547, %mul3A_550 : vector<16xf32>
      %add3A_552 = arith.constant 5 : i32
      %add3A_553 = arith.addi %multiple_of3A, %add3A_552 : i32
      %get3A_554 = arith.index_cast %add3A_553 : i32 to index
      %get3A_555 = arith.constant 0 : index
      %get3A_556 = tpu.vector_load %arg10[%get3A_554, %get3A_555] {strides = array<i32>} : memref<512x64xf32, #tpu.memory_space<vmem>>, vector<16xf32>,
      %get3A_557 = arith.index_cast %add3A_553 : i32 to index
      %get3A_558 = arith.constant 16 : index
      %get3A_559 = tpu.vector_load %arg10[%get3A_557, %get3A_558] {strides = array<i32>} : memref<512x64xf32, #tpu.memory_space<vmem>>, vector<16xf32>,
      %get3A_560 = arith.index_cast %add3A_553 : i32 to index
      %get3A_561 = arith.constant 32 : index
      %get3A_562 = tpu.vector_load %arg10[%get3A_560, %get3A_561] {strides = array<i32>} : memref<512x64xf32, #tpu.memory_space<vmem>>, vector<16xf32>,
      %get3A_563 = arith.index_cast %add3A_553 : i32 to index
      %get3A_564 = arith.constant 48 : index
      %get3A_565 = tpu.vector_load %arg10[%get3A_563, %get3A_564] {strides = array<i32>} : memref<512x64xf32, #tpu.memory_space<vmem>>, vector<16xf32>,
      %get3A_566 = arith.index_cast %add3A_553 : i32 to index
      %get3A_567 = arith.constant 0 : index
      %get3A_568 = tpu.vector_load %arg11[%get3A_566, %get3A_567] {strides = array<i32>} : memref<512x64xf32, #tpu.memory_space<vmem>>, vector<16xf32>,
      %get3A_569 = arith.index_cast %add3A_553 : i32 to index
      %get3A_570 = arith.constant 16 : index
      %get3A_571 = tpu.vector_load %arg11[%get3A_569, %get3A_570] {strides = array<i32>} : memref<512x64xf32, #tpu.memory_space<vmem>>, vector<16xf32>,
      %get3A_572 = arith.index_cast %add3A_553 : i32 to index
      %get3A_573 = arith.constant 32 : index
      %get3A_574 = tpu.vector_load %arg11[%get3A_572, %get3A_573] {strides = array<i32>} : memref<512x64xf32, #tpu.memory_space<vmem>>, vector<16xf32>,
      %get3A_575 = arith.index_cast %add3A_553 : i32 to index
      %get3A_576 = arith.constant 48 : index
      %get3A_577 = tpu.vector_load %arg11[%get3A_575, %get3A_576] {strides = array<i32>} : memref<512x64xf32, #tpu.memory_space<vmem>>, vector<16xf32>,
      %mul3A_578 = arith.mulf %get3A_556, %get3A_568 : vector<16xf32>
      %mul3A_579 = arith.mulf %get3A_559, %get3A_571 : vector<16xf32>
      %add3A_580 = arith.addf %mul3A_578, %mul3A_579 : vector<16xf32>
      %mul3A_581 = arith.mulf %get3A_562, %get3A_574 : vector<16xf32>
      %add3A_582 = arith.addf %add3A_580, %mul3A_581 : vector<16xf32>
      %mul3A_583 = arith.mulf %get3A_565, %get3A_577 : vector<16xf32>
      %add3A_584 = arith.addf %add3A_582, %mul3A_583 : vector<16xf32>
      %reduce_sum3A_585 = arith.constant true
      %reduce_sum3A_586 = vector.broadcast %reduce_sum3A_585 : i1 to vector<16xi1>
      %reduce_sum3A_587 = tpu.scan <sum>, %add3A_584 masked %reduce_sum3A_586 : vector<16xf32>, vector<16xi1> -> vector<16xf32>
      %reduce_sum3A_588 = vector.extract %reduce_sum3A_587[15] : f32 from vector<16xf32>
      %eq3A_589 = arith.constant 5 : i32
      %eq3A_590 = vector.broadcast %eq3A_589 : i32 to vector<16xi32>
      %eq3A_591 = arith.cmpi eq, %iota3A, %eq3A_590 : vector<16xi32>
      %broadcast_in_dim3A_592 = vector.broadcast %reduce_sum3A_588 : f32 to vector<16xf32>
      %select_n3A_593 = arith.select %eq3A_591, %broadcast_in_dim3A_592, %select_n3A_535 : vector<16xi1>, vector<16xf32>
      %mul3A_594 = arith.mulf %get3A_556, %get3A_556 : vector<16xf32>
      %add3A_595 = arith.addf %add3A_549, %mul3A_594 : vector<16xf32>
      %mul3A_596 = arith.mulf %get3A_568, %get3A_568 : vector<16xf32>
      %add3A_597 = arith.addf %add3A_551, %mul3A_596 : vector<16xf32>
      %mul3A_598 = arith.mulf %get3A_559, %get3A_559 : vector<16xf32>
      %add3A_599 = arith.addf %add3A_595, %mul3A_598 : vector<16xf32>
      %mul3A_600 = arith.mulf %get3A_571, %get3A_571 : vector<16xf32>
      %add3A_601 = arith.addf %add3A_597, %mul3A_600 : vector<16xf32>
      %mul3A_602 = arith.mulf %get3A_562, %get3A_562 : vector<16xf32>
      %add3A_603 = arith.addf %add3A_599, %mul3A_602 : vector<16xf32>
      %mul3A_604 = arith.mulf %get3A_574, %get3A_574 : vector<16xf32>
      %add3A_605 = arith.addf %add3A_601, %mul3A_604 : vector<16xf32>
      %mul3A_606 = arith.mulf %get3A_565, %get3A_565 : vector<16xf32>
      %add3A_607 = arith.addf %add3A_603, %mul3A_606 : vector<16xf32>
      %mul3A_608 = arith.mulf %get3A_577, %get3A_577 : vector<16xf32>
      %add3A_609 = arith.addf %add3A_605, %mul3A_608 : vector<16xf32>
      %add3A_610 = arith.constant 6 : i32
      %add3A_611 = arith.addi %multiple_of3A, %add3A_610 : i32
      %get3A_612 = arith.index_cast %add3A_611 : i32 to index
      %get3A_613 = arith.constant 0 : index
      %get3A_614 = tpu.vector_load %arg10[%get3A_612, %get3A_613] {strides = array<i32>} : memref<512x64xf32, #tpu.memory_space<vmem>>, vector<16xf32>,
      %get3A_615 = arith.index_cast %add3A_611 : i32 to index
      %get3A_616 = arith.constant 16 : index
      %get3A_617 = tpu.vector_load %arg10[%get3A_615, %get3A_616] {strides = array<i32>} : memref<512x64xf32, #tpu.memory_space<vmem>>, vector<16xf32>,
      %get3A_618 = arith.index_cast %add3A_611 : i32 to index
      %get3A_619 = arith.constant 32 : index
      %get3A_620 = tpu.vector_load %arg10[%get3A_618, %get3A_619] {strides = array<i32>} : memref<512x64xf32, #tpu.memory_space<vmem>>, vector<16xf32>,
      %get3A_621 = arith.index_cast %add3A_611 : i32 to index
      %get3A_622 = arith.constant 48 : index
      %get3A_623 = tpu.vector_load %arg10[%get3A_621, %get3A_622] {strides = array<i32>} : memref<512x64xf32, #tpu.memory_space<vmem>>, vector<16xf32>,
      %get3A_624 = arith.index_cast %add3A_611 : i32 to index
      %get3A_625 = arith.constant 0 : index
      %get3A_626 = tpu.vector_load %arg11[%get3A_624, %get3A_625] {strides = array<i32>} : memref<512x64xf32, #tpu.memory_space<vmem>>, vector<16xf32>,
      %get3A_627 = arith.index_cast %add3A_611 : i32 to index
      %get3A_628 = arith.constant 16 : index
      %get3A_629 = tpu.vector_load %arg11[%get3A_627, %get3A_628] {strides = array<i32>} : memref<512x64xf32, #tpu.memory_space<vmem>>, vector<16xf32>,
      %get3A_630 = arith.index_cast %add3A_611 : i32 to index
      %get3A_631 = arith.constant 32 : index
      %get3A_632 = tpu.vector_load %arg11[%get3A_630, %get3A_631] {strides = array<i32>} : memref<512x64xf32, #tpu.memory_space<vmem>>, vector<16xf32>,
      %get3A_633 = arith.index_cast %add3A_611 : i32 to index
      %get3A_634 = arith.constant 48 : index
      %get3A_635 = tpu.vector_load %arg11[%get3A_633, %get3A_634] {strides = array<i32>} : memref<512x64xf32, #tpu.memory_space<vmem>>, vector<16xf32>,
      %mul3A_636 = arith.mulf %get3A_614, %get3A_626 : vector<16xf32>
      %mul3A_637 = arith.mulf %get3A_617, %get3A_629 : vector<16xf32>
      %add3A_638 = arith.addf %mul3A_636, %mul3A_637 : vector<16xf32>
      %mul3A_639 = arith.mulf %get3A_620, %get3A_632 : vector<16xf32>
      %add3A_640 = arith.addf %add3A_638, %mul3A_639 : vector<16xf32>
      %mul3A_641 = arith.mulf %get3A_623, %get3A_635 : vector<16xf32>
      %add3A_642 = arith.addf %add3A_640, %mul3A_641 : vector<16xf32>
      %reduce_sum3A_643 = arith.constant true
      %reduce_sum3A_644 = vector.broadcast %reduce_sum3A_643 : i1 to vector<16xi1>
      %reduce_sum3A_645 = tpu.scan <sum>, %add3A_642 masked %reduce_sum3A_644 : vector<16xf32>, vector<16xi1> -> vector<16xf32>
      %reduce_sum3A_646 = vector.extract %reduce_sum3A_645[15] : f32 from vector<16xf32>
      %eq3A_647 = arith.constant 6 : i32
      %eq3A_648 = vector.broadcast %eq3A_647 : i32 to vector<16xi32>
      %eq3A_649 = arith.cmpi eq, %iota3A, %eq3A_648 : vector<16xi32>
      %broadcast_in_dim3A_650 = vector.broadcast %reduce_sum3A_646 : f32 to vector<16xf32>
      %select_n3A_651 = arith.select %eq3A_649, %broadcast_in_dim3A_650, %select_n3A_593 : vector<16xi1>, vector<16xf32>
      %mul3A_652 = arith.mulf %get3A_614, %get3A_614 : vector<16xf32>
      %add3A_653 = arith.addf %add3A_607, %mul3A_652 : vector<16xf32>
      %mul3A_654 = arith.mulf %get3A_626, %get3A_626 : vector<16xf32>
      %add3A_655 = arith.addf %add3A_609, %mul3A_654 : vector<16xf32>
      %mul3A_656 = arith.mulf %get3A_617, %get3A_617 : vector<16xf32>
      %add3A_657 = arith.addf %add3A_653, %mul3A_656 : vector<16xf32>
      %mul3A_658 = arith.mulf %get3A_629, %get3A_629 : vector<16xf32>
      %add3A_659 = arith.addf %add3A_655, %mul3A_658 : vector<16xf32>
      %mul3A_660 = arith.mulf %get3A_620, %get3A_620 : vector<16xf32>
      %add3A_661 = arith.addf %add3A_657, %mul3A_660 : vector<16xf32>
      %mul3A_662 = arith.mulf %get3A_632, %get3A_632 : vector<16xf32>
      %add3A_663 = arith.addf %add3A_659, %mul3A_662 : vector<16xf32>
      %mul3A_664 = arith.mulf %get3A_623, %get3A_623 : vector<16xf32>
      %add3A_665 = arith.addf %add3A_661, %mul3A_664 : vector<16xf32>
      %mul3A_666 = arith.mulf %get3A_635, %get3A_635 : vector<16xf32>
      %add3A_667 = arith.addf %add3A_663, %mul3A_666 : vector<16xf32>
      %add3A_668 = arith.constant 7 : i32
      %add3A_669 = arith.addi %multiple_of3A, %add3A_668 : i32
      %get3A_670 = arith.index_cast %add3A_669 : i32 to index
      %get3A_671 = arith.constant 0 : index
      %get3A_672 = tpu.vector_load %arg10[%get3A_670, %get3A_671] {strides = array<i32>} : memref<512x64xf32, #tpu.memory_space<vmem>>, vector<16xf32>,
      %get3A_673 = arith.index_cast %add3A_669 : i32 to index
      %get3A_674 = arith.constant 16 : index
      %get3A_675 = tpu.vector_load %arg10[%get3A_673, %get3A_674] {strides = array<i32>} : memref<512x64xf32, #tpu.memory_space<vmem>>, vector<16xf32>,
      %get3A_676 = arith.index_cast %add3A_669 : i32 to index
      %get3A_677 = arith.constant 32 : index
      %get3A_678 = tpu.vector_load %arg10[%get3A_676, %get3A_677] {strides = array<i32>} : memref<512x64xf32, #tpu.memory_space<vmem>>, vector<16xf32>,
      %get3A_679 = arith.index_cast %add3A_669 : i32 to index
      %get3A_680 = arith.constant 48 : index
      %get3A_681 = tpu.vector_load %arg10[%get3A_679, %get3A_680] {strides = array<i32>} : memref<512x64xf32, #tpu.memory_space<vmem>>, vector<16xf32>,
      %get3A_682 = arith.index_cast %add3A_669 : i32 to index
      %get3A_683 = arith.constant 0 : index
      %get3A_684 = tpu.vector_load %arg11[%get3A_682, %get3A_683] {strides = array<i32>} : memref<512x64xf32, #tpu.memory_space<vmem>>, vector<16xf32>,
      %get3A_685 = arith.index_cast %add3A_669 : i32 to index
      %get3A_686 = arith.constant 16 : index
      %get3A_687 = tpu.vector_load %arg11[%get3A_685, %get3A_686] {strides = array<i32>} : memref<512x64xf32, #tpu.memory_space<vmem>>, vector<16xf32>,
      %get3A_688 = arith.index_cast %add3A_669 : i32 to index
      %get3A_689 = arith.constant 32 : index
      %get3A_690 = tpu.vector_load %arg11[%get3A_688, %get3A_689] {strides = array<i32>} : memref<512x64xf32, #tpu.memory_space<vmem>>, vector<16xf32>,
      %get3A_691 = arith.index_cast %add3A_669 : i32 to index
      %get3A_692 = arith.constant 48 : index
      %get3A_693 = tpu.vector_load %arg11[%get3A_691, %get3A_692] {strides = array<i32>} : memref<512x64xf32, #tpu.memory_space<vmem>>, vector<16xf32>,
      %mul3A_694 = arith.mulf %get3A_672, %get3A_684 : vector<16xf32>
      %mul3A_695 = arith.mulf %get3A_675, %get3A_687 : vector<16xf32>
      %add3A_696 = arith.addf %mul3A_694, %mul3A_695 : vector<16xf32>
      %mul3A_697 = arith.mulf %get3A_678, %get3A_690 : vector<16xf32>
      %add3A_698 = arith.addf %add3A_696, %mul3A_697 : vector<16xf32>
      %mul3A_699 = arith.mulf %get3A_681, %get3A_693 : vector<16xf32>
      %add3A_700 = arith.addf %add3A_698, %mul3A_699 : vector<16xf32>
      %reduce_sum3A_701 = arith.constant true
      %reduce_sum3A_702 = vector.broadcast %reduce_sum3A_701 : i1 to vector<16xi1>
      %reduce_sum3A_703 = tpu.scan <sum>, %add3A_700 masked %reduce_sum3A_702 : vector<16xf32>, vector<16xi1> -> vector<16xf32>
      %reduce_sum3A_704 = vector.extract %reduce_sum3A_703[15] : f32 from vector<16xf32>
      %eq3A_705 = arith.constant 7 : i32
      %eq3A_706 = vector.broadcast %eq3A_705 : i32 to vector<16xi32>
      %eq3A_707 = arith.cmpi eq, %iota3A, %eq3A_706 : vector<16xi32>
      %broadcast_in_dim3A_708 = vector.broadcast %reduce_sum3A_704 : f32 to vector<16xf32>
      %select_n3A_709 = arith.select %eq3A_707, %broadcast_in_dim3A_708, %select_n3A_651 : vector<16xi1>, vector<16xf32>
      %mul3A_710 = arith.mulf %get3A_672, %get3A_672 : vector<16xf32>
      %add3A_711 = arith.addf %add3A_665, %mul3A_710 : vector<16xf32>
      %mul3A_712 = arith.mulf %get3A_684, %get3A_684 : vector<16xf32>
      %add3A_713 = arith.addf %add3A_667, %mul3A_712 : vector<16xf32>
      %mul3A_714 = arith.mulf %get3A_675, %get3A_675 : vector<16xf32>
      %add3A_715 = arith.addf %add3A_711, %mul3A_714 : vector<16xf32>
      %mul3A_716 = arith.mulf %get3A_687, %get3A_687 : vector<16xf32>
      %add3A_717 = arith.addf %add3A_713, %mul3A_716 : vector<16xf32>
      %mul3A_718 = arith.mulf %get3A_678, %get3A_678 : vector<16xf32>
      %add3A_719 = arith.addf %add3A_715, %mul3A_718 : vector<16xf32>
      %mul3A_720 = arith.mulf %get3A_690, %get3A_690 : vector<16xf32>
      %add3A_721 = arith.addf %add3A_717, %mul3A_720 : vector<16xf32>
      %mul3A_722 = arith.mulf %get3A_681, %get3A_681 : vector<16xf32>
      %add3A_723 = arith.addf %add3A_719, %mul3A_722 : vector<16xf32>
      %mul3A_724 = arith.mulf %get3A_693, %get3A_693 : vector<16xf32>
      %add3A_725 = arith.addf %add3A_721, %mul3A_724 : vector<16xf32>
      %add3A_726 = arith.constant 8 : i32
      %add3A_727 = arith.addi %multiple_of3A, %add3A_726 : i32
      %get3A_728 = arith.index_cast %add3A_727 : i32 to index
      %get3A_729 = arith.constant 0 : index
      %get3A_730 = tpu.vector_load %arg10[%get3A_728, %get3A_729] {strides = array<i32>} : memref<512x64xf32, #tpu.memory_space<vmem>>, vector<16xf32>,
      %get3A_731 = arith.index_cast %add3A_727 : i32 to index
      %get3A_732 = arith.constant 16 : index
      %get3A_733 = tpu.vector_load %arg10[%get3A_731, %get3A_732] {strides = array<i32>} : memref<512x64xf32, #tpu.memory_space<vmem>>, vector<16xf32>,
      %get3A_734 = arith.index_cast %add3A_727 : i32 to index
      %get3A_735 = arith.constant 32 : index
      %get3A_736 = tpu.vector_load %arg10[%get3A_734, %get3A_735] {strides = array<i32>} : memref<512x64xf32, #tpu.memory_space<vmem>>, vector<16xf32>,
      %get3A_737 = arith.index_cast %add3A_727 : i32 to index
      %get3A_738 = arith.constant 48 : index
      %get3A_739 = tpu.vector_load %arg10[%get3A_737, %get3A_738] {strides = array<i32>} : memref<512x64xf32, #tpu.memory_space<vmem>>, vector<16xf32>,
      %get3A_740 = arith.index_cast %add3A_727 : i32 to index
      %get3A_741 = arith.constant 0 : index
      %get3A_742 = tpu.vector_load %arg11[%get3A_740, %get3A_741] {strides = array<i32>} : memref<512x64xf32, #tpu.memory_space<vmem>>, vector<16xf32>,
      %get3A_743 = arith.index_cast %add3A_727 : i32 to index
      %get3A_744 = arith.constant 16 : index
      %get3A_745 = tpu.vector_load %arg11[%get3A_743, %get3A_744] {strides = array<i32>} : memref<512x64xf32, #tpu.memory_space<vmem>>, vector<16xf32>,
      %get3A_746 = arith.index_cast %add3A_727 : i32 to index
      %get3A_747 = arith.constant 32 : index
      %get3A_748 = tpu.vector_load %arg11[%get3A_746, %get3A_747] {strides = array<i32>} : memref<512x64xf32, #tpu.memory_space<vmem>>, vector<16xf32>,
      %get3A_749 = arith.index_cast %add3A_727 : i32 to index
      %get3A_750 = arith.constant 48 : index
      %get3A_751 = tpu.vector_load %arg11[%get3A_749, %get3A_750] {strides = array<i32>} : memref<512x64xf32, #tpu.memory_space<vmem>>, vector<16xf32>,
      %mul3A_752 = arith.mulf %get3A_730, %get3A_742 : vector<16xf32>
      %mul3A_753 = arith.mulf %get3A_733, %get3A_745 : vector<16xf32>
      %add3A_754 = arith.addf %mul3A_752, %mul3A_753 : vector<16xf32>
      %mul3A_755 = arith.mulf %get3A_736, %get3A_748 : vector<16xf32>
      %add3A_756 = arith.addf %add3A_754, %mul3A_755 : vector<16xf32>
      %mul3A_757 = arith.mulf %get3A_739, %get3A_751 : vector<16xf32>
      %add3A_758 = arith.addf %add3A_756, %mul3A_757 : vector<16xf32>
      %reduce_sum3A_759 = arith.constant true
      %reduce_sum3A_760 = vector.broadcast %reduce_sum3A_759 : i1 to vector<16xi1>
      %reduce_sum3A_761 = tpu.scan <sum>, %add3A_758 masked %reduce_sum3A_760 : vector<16xf32>, vector<16xi1> -> vector<16xf32>
      %reduce_sum3A_762 = vector.extract %reduce_sum3A_761[15] : f32 from vector<16xf32>
      %eq3A_763 = arith.constant 8 : i32
      %eq3A_764 = vector.broadcast %eq3A_763 : i32 to vector<16xi32>
      %eq3A_765 = arith.cmpi eq, %iota3A, %eq3A_764 : vector<16xi32>
      %broadcast_in_dim3A_766 = vector.broadcast %reduce_sum3A_762 : f32 to vector<16xf32>
      %select_n3A_767 = arith.select %eq3A_765, %broadcast_in_dim3A_766, %select_n3A_709 : vector<16xi1>, vector<16xf32>
      %mul3A_768 = arith.mulf %get3A_730, %get3A_730 : vector<16xf32>
      %add3A_769 = arith.addf %add3A_723, %mul3A_768 : vector<16xf32>
      %mul3A_770 = arith.mulf %get3A_742, %get3A_742 : vector<16xf32>
      %add3A_771 = arith.addf %add3A_725, %mul3A_770 : vector<16xf32>
      %mul3A_772 = arith.mulf %get3A_733, %get3A_733 : vector<16xf32>
      %add3A_773 = arith.addf %add3A_769, %mul3A_772 : vector<16xf32>
      %mul3A_774 = arith.mulf %get3A_745, %get3A_745 : vector<16xf32>
      %add3A_775 = arith.addf %add3A_771, %mul3A_774 : vector<16xf32>
      %mul3A_776 = arith.mulf %get3A_736, %get3A_736 : vector<16xf32>
      %add3A_777 = arith.addf %add3A_773, %mul3A_776 : vector<16xf32>
      %mul3A_778 = arith.mulf %get3A_748, %get3A_748 : vector<16xf32>
      %add3A_779 = arith.addf %add3A_775, %mul3A_778 : vector<16xf32>
      %mul3A_780 = arith.mulf %get3A_739, %get3A_739 : vector<16xf32>
      %add3A_781 = arith.addf %add3A_777, %mul3A_780 : vector<16xf32>
      %mul3A_782 = arith.mulf %get3A_751, %get3A_751 : vector<16xf32>
      %add3A_783 = arith.addf %add3A_779, %mul3A_782 : vector<16xf32>
      %add3A_784 = arith.constant 9 : i32
      %add3A_785 = arith.addi %multiple_of3A, %add3A_784 : i32
      %get3A_786 = arith.index_cast %add3A_785 : i32 to index
      %get3A_787 = arith.constant 0 : index
      %get3A_788 = tpu.vector_load %arg10[%get3A_786, %get3A_787] {strides = array<i32>} : memref<512x64xf32, #tpu.memory_space<vmem>>, vector<16xf32>,
      %get3A_789 = arith.index_cast %add3A_785 : i32 to index
      %get3A_790 = arith.constant 16 : index
      %get3A_791 = tpu.vector_load %arg10[%get3A_789, %get3A_790] {strides = array<i32>} : memref<512x64xf32, #tpu.memory_space<vmem>>, vector<16xf32>,
      %get3A_792 = arith.index_cast %add3A_785 : i32 to index
      %get3A_793 = arith.constant 32 : index
      %get3A_794 = tpu.vector_load %arg10[%get3A_792, %get3A_793] {strides = array<i32>} : memref<512x64xf32, #tpu.memory_space<vmem>>, vector<16xf32>,
      %get3A_795 = arith.index_cast %add3A_785 : i32 to index
      %get3A_796 = arith.constant 48 : index
      %get3A_797 = tpu.vector_load %arg10[%get3A_795, %get3A_796] {strides = array<i32>} : memref<512x64xf32, #tpu.memory_space<vmem>>, vector<16xf32>,
      %get3A_798 = arith.index_cast %add3A_785 : i32 to index
      %get3A_799 = arith.constant 0 : index
      %get3A_800 = tpu.vector_load %arg11[%get3A_798, %get3A_799] {strides = array<i32>} : memref<512x64xf32, #tpu.memory_space<vmem>>, vector<16xf32>,
      %get3A_801 = arith.index_cast %add3A_785 : i32 to index
      %get3A_802 = arith.constant 16 : index
      %get3A_803 = tpu.vector_load %arg11[%get3A_801, %get3A_802] {strides = array<i32>} : memref<512x64xf32, #tpu.memory_space<vmem>>, vector<16xf32>,
      %get3A_804 = arith.index_cast %add3A_785 : i32 to index
      %get3A_805 = arith.constant 32 : index
      %get3A_806 = tpu.vector_load %arg11[%get3A_804, %get3A_805] {strides = array<i32>} : memref<512x64xf32, #tpu.memory_space<vmem>>, vector<16xf32>,
      %get3A_807 = arith.index_cast %add3A_785 : i32 to index
      %get3A_808 = arith.constant 48 : index
      %get3A_809 = tpu.vector_load %arg11[%get3A_807, %get3A_808] {strides = array<i32>} : memref<512x64xf32, #tpu.memory_space<vmem>>, vector<16xf32>,
      %mul3A_810 = arith.mulf %get3A_788, %get3A_800 : vector<16xf32>
      %mul3A_811 = arith.mulf %get3A_791, %get3A_803 : vector<16xf32>
      %add3A_812 = arith.addf %mul3A_810, %mul3A_811 : vector<16xf32>
      %mul3A_813 = arith.mulf %get3A_794, %get3A_806 : vector<16xf32>
      %add3A_814 = arith.addf %add3A_812, %mul3A_813 : vector<16xf32>
      %mul3A_815 = arith.mulf %get3A_797, %get3A_809 : vector<16xf32>
      %add3A_816 = arith.addf %add3A_814, %mul3A_815 : vector<16xf32>
      %reduce_sum3A_817 = arith.constant true
      %reduce_sum3A_818 = vector.broadcast %reduce_sum3A_817 : i1 to vector<16xi1>
      %reduce_sum3A_819 = tpu.scan <sum>, %add3A_816 masked %reduce_sum3A_818 : vector<16xf32>, vector<16xi1> -> vector<16xf32>
      %reduce_sum3A_820 = vector.extract %reduce_sum3A_819[15] : f32 from vector<16xf32>
      %eq3A_821 = arith.constant 9 : i32
      %eq3A_822 = vector.broadcast %eq3A_821 : i32 to vector<16xi32>
      %eq3A_823 = arith.cmpi eq, %iota3A, %eq3A_822 : vector<16xi32>
      %broadcast_in_dim3A_824 = vector.broadcast %reduce_sum3A_820 : f32 to vector<16xf32>
      %select_n3A_825 = arith.select %eq3A_823, %broadcast_in_dim3A_824, %select_n3A_767 : vector<16xi1>, vector<16xf32>
      %mul3A_826 = arith.mulf %get3A_788, %get3A_788 : vector<16xf32>
      %add3A_827 = arith.addf %add3A_781, %mul3A_826 : vector<16xf32>
      %mul3A_828 = arith.mulf %get3A_800, %get3A_800 : vector<16xf32>
      %add3A_829 = arith.addf %add3A_783, %mul3A_828 : vector<16xf32>
      %mul3A_830 = arith.mulf %get3A_791, %get3A_791 : vector<16xf32>
      %add3A_831 = arith.addf %add3A_827, %mul3A_830 : vector<16xf32>
      %mul3A_832 = arith.mulf %get3A_803, %get3A_803 : vector<16xf32>
      %add3A_833 = arith.addf %add3A_829, %mul3A_832 : vector<16xf32>
      %mul3A_834 = arith.mulf %get3A_794, %get3A_794 : vector<16xf32>
      %add3A_835 = arith.addf %add3A_831, %mul3A_834 : vector<16xf32>
      %mul3A_836 = arith.mulf %get3A_806, %get3A_806 : vector<16xf32>
      %add3A_837 = arith.addf %add3A_833, %mul3A_836 : vector<16xf32>
      %mul3A_838 = arith.mulf %get3A_797, %get3A_797 : vector<16xf32>
      %add3A_839 = arith.addf %add3A_835, %mul3A_838 : vector<16xf32>
      %mul3A_840 = arith.mulf %get3A_809, %get3A_809 : vector<16xf32>
      %add3A_841 = arith.addf %add3A_837, %mul3A_840 : vector<16xf32>
      %add3A_842 = arith.constant 10 : i32
      %add3A_843 = arith.addi %multiple_of3A, %add3A_842 : i32
      %get3A_844 = arith.index_cast %add3A_843 : i32 to index
      %get3A_845 = arith.constant 0 : index
      %get3A_846 = tpu.vector_load %arg10[%get3A_844, %get3A_845] {strides = array<i32>} : memref<512x64xf32, #tpu.memory_space<vmem>>, vector<16xf32>,
      %get3A_847 = arith.index_cast %add3A_843 : i32 to index
      %get3A_848 = arith.constant 16 : index
      %get3A_849 = tpu.vector_load %arg10[%get3A_847, %get3A_848] {strides = array<i32>} : memref<512x64xf32, #tpu.memory_space<vmem>>, vector<16xf32>,
      %get3A_850 = arith.index_cast %add3A_843 : i32 to index
      %get3A_851 = arith.constant 32 : index
      %get3A_852 = tpu.vector_load %arg10[%get3A_850, %get3A_851] {strides = array<i32>} : memref<512x64xf32, #tpu.memory_space<vmem>>, vector<16xf32>,
      %get3A_853 = arith.index_cast %add3A_843 : i32 to index
      %get3A_854 = arith.constant 48 : index
      %get3A_855 = tpu.vector_load %arg10[%get3A_853, %get3A_854] {strides = array<i32>} : memref<512x64xf32, #tpu.memory_space<vmem>>, vector<16xf32>,
      %get3A_856 = arith.index_cast %add3A_843 : i32 to index
      %get3A_857 = arith.constant 0 : index
      %get3A_858 = tpu.vector_load %arg11[%get3A_856, %get3A_857] {strides = array<i32>} : memref<512x64xf32, #tpu.memory_space<vmem>>, vector<16xf32>,
      %get3A_859 = arith.index_cast %add3A_843 : i32 to index
      %get3A_860 = arith.constant 16 : index
      %get3A_861 = tpu.vector_load %arg11[%get3A_859, %get3A_860] {strides = array<i32>} : memref<512x64xf32, #tpu.memory_space<vmem>>, vector<16xf32>,
      %get3A_862 = arith.index_cast %add3A_843 : i32 to index
      %get3A_863 = arith.constant 32 : index
      %get3A_864 = tpu.vector_load %arg11[%get3A_862, %get3A_863] {strides = array<i32>} : memref<512x64xf32, #tpu.memory_space<vmem>>, vector<16xf32>,
      %get3A_865 = arith.index_cast %add3A_843 : i32 to index
      %get3A_866 = arith.constant 48 : index
      %get3A_867 = tpu.vector_load %arg11[%get3A_865, %get3A_866] {strides = array<i32>} : memref<512x64xf32, #tpu.memory_space<vmem>>, vector<16xf32>,
      %mul3A_868 = arith.mulf %get3A_846, %get3A_858 : vector<16xf32>
      %mul3A_869 = arith.mulf %get3A_849, %get3A_861 : vector<16xf32>
      %add3A_870 = arith.addf %mul3A_868, %mul3A_869 : vector<16xf32>
      %mul3A_871 = arith.mulf %get3A_852, %get3A_864 : vector<16xf32>
      %add3A_872 = arith.addf %add3A_870, %mul3A_871 : vector<16xf32>
      %mul3A_873 = arith.mulf %get3A_855, %get3A_867 : vector<16xf32>
      %add3A_874 = arith.addf %add3A_872, %mul3A_873 : vector<16xf32>
      %reduce_sum3A_875 = arith.constant true
      %reduce_sum3A_876 = vector.broadcast %reduce_sum3A_875 : i1 to vector<16xi1>
      %reduce_sum3A_877 = tpu.scan <sum>, %add3A_874 masked %reduce_sum3A_876 : vector<16xf32>, vector<16xi1> -> vector<16xf32>
      %reduce_sum3A_878 = vector.extract %reduce_sum3A_877[15] : f32 from vector<16xf32>
      %eq3A_879 = arith.constant 10 : i32
      %eq3A_880 = vector.broadcast %eq3A_879 : i32 to vector<16xi32>
      %eq3A_881 = arith.cmpi eq, %iota3A, %eq3A_880 : vector<16xi32>
      %broadcast_in_dim3A_882 = vector.broadcast %reduce_sum3A_878 : f32 to vector<16xf32>
      %select_n3A_883 = arith.select %eq3A_881, %broadcast_in_dim3A_882, %select_n3A_825 : vector<16xi1>, vector<16xf32>
      %mul3A_884 = arith.mulf %get3A_846, %get3A_846 : vector<16xf32>
      %add3A_885 = arith.addf %add3A_839, %mul3A_884 : vector<16xf32>
      %mul3A_886 = arith.mulf %get3A_858, %get3A_858 : vector<16xf32>
      %add3A_887 = arith.addf %add3A_841, %mul3A_886 : vector<16xf32>
      %mul3A_888 = arith.mulf %get3A_849, %get3A_849 : vector<16xf32>
      %add3A_889 = arith.addf %add3A_885, %mul3A_888 : vector<16xf32>
      %mul3A_890 = arith.mulf %get3A_861, %get3A_861 : vector<16xf32>
      %add3A_891 = arith.addf %add3A_887, %mul3A_890 : vector<16xf32>
      %mul3A_892 = arith.mulf %get3A_852, %get3A_852 : vector<16xf32>
      %add3A_893 = arith.addf %add3A_889, %mul3A_892 : vector<16xf32>
      %mul3A_894 = arith.mulf %get3A_864, %get3A_864 : vector<16xf32>
      %add3A_895 = arith.addf %add3A_891, %mul3A_894 : vector<16xf32>
      %mul3A_896 = arith.mulf %get3A_855, %get3A_855 : vector<16xf32>
      %add3A_897 = arith.addf %add3A_893, %mul3A_896 : vector<16xf32>
      %mul3A_898 = arith.mulf %get3A_867, %get3A_867 : vector<16xf32>
      %add3A_899 = arith.addf %add3A_895, %mul3A_898 : vector<16xf32>
      %add3A_900 = arith.constant 11 : i32
      %add3A_901 = arith.addi %multiple_of3A, %add3A_900 : i32
      %get3A_902 = arith.index_cast %add3A_901 : i32 to index
      %get3A_903 = arith.constant 0 : index
      %get3A_904 = tpu.vector_load %arg10[%get3A_902, %get3A_903] {strides = array<i32>} : memref<512x64xf32, #tpu.memory_space<vmem>>, vector<16xf32>,
      %get3A_905 = arith.index_cast %add3A_901 : i32 to index
      %get3A_906 = arith.constant 16 : index
      %get3A_907 = tpu.vector_load %arg10[%get3A_905, %get3A_906] {strides = array<i32>} : memref<512x64xf32, #tpu.memory_space<vmem>>, vector<16xf32>,
      %get3A_908 = arith.index_cast %add3A_901 : i32 to index
      %get3A_909 = arith.constant 32 : index
      %get3A_910 = tpu.vector_load %arg10[%get3A_908, %get3A_909] {strides = array<i32>} : memref<512x64xf32, #tpu.memory_space<vmem>>, vector<16xf32>,
      %get3A_911 = arith.index_cast %add3A_901 : i32 to index
      %get3A_912 = arith.constant 48 : index
      %get3A_913 = tpu.vector_load %arg10[%get3A_911, %get3A_912] {strides = array<i32>} : memref<512x64xf32, #tpu.memory_space<vmem>>, vector<16xf32>,
      %get3A_914 = arith.index_cast %add3A_901 : i32 to index
      %get3A_915 = arith.constant 0 : index
      %get3A_916 = tpu.vector_load %arg11[%get3A_914, %get3A_915] {strides = array<i32>} : memref<512x64xf32, #tpu.memory_space<vmem>>, vector<16xf32>,
      %get3A_917 = arith.index_cast %add3A_901 : i32 to index
      %get3A_918 = arith.constant 16 : index
      %get3A_919 = tpu.vector_load %arg11[%get3A_917, %get3A_918] {strides = array<i32>} : memref<512x64xf32, #tpu.memory_space<vmem>>, vector<16xf32>,
      %get3A_920 = arith.index_cast %add3A_901 : i32 to index
      %get3A_921 = arith.constant 32 : index
      %get3A_922 = tpu.vector_load %arg11[%get3A_920, %get3A_921] {strides = array<i32>} : memref<512x64xf32, #tpu.memory_space<vmem>>, vector<16xf32>,
      %get3A_923 = arith.index_cast %add3A_901 : i32 to index
      %get3A_924 = arith.constant 48 : index
      %get3A_925 = tpu.vector_load %arg11[%get3A_923, %get3A_924] {strides = array<i32>} : memref<512x64xf32, #tpu.memory_space<vmem>>, vector<16xf32>,
      %mul3A_926 = arith.mulf %get3A_904, %get3A_916 : vector<16xf32>
      %mul3A_927 = arith.mulf %get3A_907, %get3A_919 : vector<16xf32>
      %add3A_928 = arith.addf %mul3A_926, %mul3A_927 : vector<16xf32>
      %mul3A_929 = arith.mulf %get3A_910, %get3A_922 : vector<16xf32>
      %add3A_930 = arith.addf %add3A_928, %mul3A_929 : vector<16xf32>
      %mul3A_931 = arith.mulf %get3A_913, %get3A_925 : vector<16xf32>
      %add3A_932 = arith.addf %add3A_930, %mul3A_931 : vector<16xf32>
      %reduce_sum3A_933 = arith.constant true
      %reduce_sum3A_934 = vector.broadcast %reduce_sum3A_933 : i1 to vector<16xi1>
      %reduce_sum3A_935 = tpu.scan <sum>, %add3A_932 masked %reduce_sum3A_934 : vector<16xf32>, vector<16xi1> -> vector<16xf32>
      %reduce_sum3A_936 = vector.extract %reduce_sum3A_935[15] : f32 from vector<16xf32>
      %eq3A_937 = arith.constant 11 : i32
      %eq3A_938 = vector.broadcast %eq3A_937 : i32 to vector<16xi32>
      %eq3A_939 = arith.cmpi eq, %iota3A, %eq3A_938 : vector<16xi32>
      %broadcast_in_dim3A_940 = vector.broadcast %reduce_sum3A_936 : f32 to vector<16xf32>
      %select_n3A_941 = arith.select %eq3A_939, %broadcast_in_dim3A_940, %select_n3A_883 : vector<16xi1>, vector<16xf32>
      %mul3A_942 = arith.mulf %get3A_904, %get3A_904 : vector<16xf32>
      %add3A_943 = arith.addf %add3A_897, %mul3A_942 : vector<16xf32>
      %mul3A_944 = arith.mulf %get3A_916, %get3A_916 : vector<16xf32>
      %add3A_945 = arith.addf %add3A_899, %mul3A_944 : vector<16xf32>
      %mul3A_946 = arith.mulf %get3A_907, %get3A_907 : vector<16xf32>
      %add3A_947 = arith.addf %add3A_943, %mul3A_946 : vector<16xf32>
      %mul3A_948 = arith.mulf %get3A_919, %get3A_919 : vector<16xf32>
      %add3A_949 = arith.addf %add3A_945, %mul3A_948 : vector<16xf32>
      %mul3A_950 = arith.mulf %get3A_910, %get3A_910 : vector<16xf32>
      %add3A_951 = arith.addf %add3A_947, %mul3A_950 : vector<16xf32>
      %mul3A_952 = arith.mulf %get3A_922, %get3A_922 : vector<16xf32>
      %add3A_953 = arith.addf %add3A_949, %mul3A_952 : vector<16xf32>
      %mul3A_954 = arith.mulf %get3A_913, %get3A_913 : vector<16xf32>
      %add3A_955 = arith.addf %add3A_951, %mul3A_954 : vector<16xf32>
      %mul3A_956 = arith.mulf %get3A_925, %get3A_925 : vector<16xf32>
      %add3A_957 = arith.addf %add3A_953, %mul3A_956 : vector<16xf32>
      %add3A_958 = arith.constant 12 : i32
      %add3A_959 = arith.addi %multiple_of3A, %add3A_958 : i32
      %get3A_960 = arith.index_cast %add3A_959 : i32 to index
      %get3A_961 = arith.constant 0 : index
      %get3A_962 = tpu.vector_load %arg10[%get3A_960, %get3A_961] {strides = array<i32>} : memref<512x64xf32, #tpu.memory_space<vmem>>, vector<16xf32>,
      %get3A_963 = arith.index_cast %add3A_959 : i32 to index
      %get3A_964 = arith.constant 16 : index
      %get3A_965 = tpu.vector_load %arg10[%get3A_963, %get3A_964] {strides = array<i32>} : memref<512x64xf32, #tpu.memory_space<vmem>>, vector<16xf32>,
      %get3A_966 = arith.index_cast %add3A_959 : i32 to index
      %get3A_967 = arith.constant 32 : index
      %get3A_968 = tpu.vector_load %arg10[%get3A_966, %get3A_967] {strides = array<i32>} : memref<512x64xf32, #tpu.memory_space<vmem>>, vector<16xf32>,
      %get3A_969 = arith.index_cast %add3A_959 : i32 to index
      %get3A_970 = arith.constant 48 : index
      %get3A_971 = tpu.vector_load %arg10[%get3A_969, %get3A_970] {strides = array<i32>} : memref<512x64xf32, #tpu.memory_space<vmem>>, vector<16xf32>,
      %get3A_972 = arith.index_cast %add3A_959 : i32 to index
      %get3A_973 = arith.constant 0 : index
      %get3A_974 = tpu.vector_load %arg11[%get3A_972, %get3A_973] {strides = array<i32>} : memref<512x64xf32, #tpu.memory_space<vmem>>, vector<16xf32>,
      %get3A_975 = arith.index_cast %add3A_959 : i32 to index
      %get3A_976 = arith.constant 16 : index
      %get3A_977 = tpu.vector_load %arg11[%get3A_975, %get3A_976] {strides = array<i32>} : memref<512x64xf32, #tpu.memory_space<vmem>>, vector<16xf32>,
      %get3A_978 = arith.index_cast %add3A_959 : i32 to index
      %get3A_979 = arith.constant 32 : index
      %get3A_980 = tpu.vector_load %arg11[%get3A_978, %get3A_979] {strides = array<i32>} : memref<512x64xf32, #tpu.memory_space<vmem>>, vector<16xf32>,
      %get3A_981 = arith.index_cast %add3A_959 : i32 to index
      %get3A_982 = arith.constant 48 : index
      %get3A_983 = tpu.vector_load %arg11[%get3A_981, %get3A_982] {strides = array<i32>} : memref<512x64xf32, #tpu.memory_space<vmem>>, vector<16xf32>,
      %mul3A_984 = arith.mulf %get3A_962, %get3A_974 : vector<16xf32>
      %mul3A_985 = arith.mulf %get3A_965, %get3A_977 : vector<16xf32>
      %add3A_986 = arith.addf %mul3A_984, %mul3A_985 : vector<16xf32>
      %mul3A_987 = arith.mulf %get3A_968, %get3A_980 : vector<16xf32>
      %add3A_988 = arith.addf %add3A_986, %mul3A_987 : vector<16xf32>
      %mul3A_989 = arith.mulf %get3A_971, %get3A_983 : vector<16xf32>
      %add3A_990 = arith.addf %add3A_988, %mul3A_989 : vector<16xf32>
      %reduce_sum3A_991 = arith.constant true
      %reduce_sum3A_992 = vector.broadcast %reduce_sum3A_991 : i1 to vector<16xi1>
      %reduce_sum3A_993 = tpu.scan <sum>, %add3A_990 masked %reduce_sum3A_992 : vector<16xf32>, vector<16xi1> -> vector<16xf32>
      %reduce_sum3A_994 = vector.extract %reduce_sum3A_993[15] : f32 from vector<16xf32>
      %eq3A_995 = arith.constant 12 : i32
      %eq3A_996 = vector.broadcast %eq3A_995 : i32 to vector<16xi32>
      %eq3A_997 = arith.cmpi eq, %iota3A, %eq3A_996 : vector<16xi32>
      %broadcast_in_dim3A_998 = vector.broadcast %reduce_sum3A_994 : f32 to vector<16xf32>
      %select_n3A_999 = arith.select %eq3A_997, %broadcast_in_dim3A_998, %select_n3A_941 : vector<16xi1>, vector<16xf32>
      %mul3A_1000 = arith.mulf %get3A_962, %get3A_962 : vector<16xf32>
      %add3A_1001 = arith.addf %add3A_955, %mul3A_1000 : vector<16xf32>
      %mul3A_1002 = arith.mulf %get3A_974, %get3A_974 : vector<16xf32>
      %add3A_1003 = arith.addf %add3A_957, %mul3A_1002 : vector<16xf32>
      %mul3A_1004 = arith.mulf %get3A_965, %get3A_965 : vector<16xf32>
      %add3A_1005 = arith.addf %add3A_1001, %mul3A_1004 : vector<16xf32>
      %mul3A_1006 = arith.mulf %get3A_977, %get3A_977 : vector<16xf32>
      %add3A_1007 = arith.addf %add3A_1003, %mul3A_1006 : vector<16xf32>
      %mul3A_1008 = arith.mulf %get3A_968, %get3A_968 : vector<16xf32>
      %add3A_1009 = arith.addf %add3A_1005, %mul3A_1008 : vector<16xf32>
      %mul3A_1010 = arith.mulf %get3A_980, %get3A_980 : vector<16xf32>
      %add3A_1011 = arith.addf %add3A_1007, %mul3A_1010 : vector<16xf32>
      %mul3A_1012 = arith.mulf %get3A_971, %get3A_971 : vector<16xf32>
      %add3A_1013 = arith.addf %add3A_1009, %mul3A_1012 : vector<16xf32>
      %mul3A_1014 = arith.mulf %get3A_983, %get3A_983 : vector<16xf32>
      %add3A_1015 = arith.addf %add3A_1011, %mul3A_1014 : vector<16xf32>
      %add3A_1016 = arith.constant 13 : i32
      %add3A_1017 = arith.addi %multiple_of3A, %add3A_1016 : i32
      %get3A_1018 = arith.index_cast %add3A_1017 : i32 to index
      %get3A_1019 = arith.constant 0 : index
      %get3A_1020 = tpu.vector_load %arg10[%get3A_1018, %get3A_1019] {strides = array<i32>} : memref<512x64xf32, #tpu.memory_space<vmem>>, vector<16xf32>,
      %get3A_1021 = arith.index_cast %add3A_1017 : i32 to index
      %get3A_1022 = arith.constant 16 : index
      %get3A_1023 = tpu.vector_load %arg10[%get3A_1021, %get3A_1022] {strides = array<i32>} : memref<512x64xf32, #tpu.memory_space<vmem>>, vector<16xf32>,
      %get3A_1024 = arith.index_cast %add3A_1017 : i32 to index
      %get3A_1025 = arith.constant 32 : index
      %get3A_1026 = tpu.vector_load %arg10[%get3A_1024, %get3A_1025] {strides = array<i32>} : memref<512x64xf32, #tpu.memory_space<vmem>>, vector<16xf32>,
      %get3A_1027 = arith.index_cast %add3A_1017 : i32 to index
      %get3A_1028 = arith.constant 48 : index
      %get3A_1029 = tpu.vector_load %arg10[%get3A_1027, %get3A_1028] {strides = array<i32>} : memref<512x64xf32, #tpu.memory_space<vmem>>, vector<16xf32>,
      %get3A_1030 = arith.index_cast %add3A_1017 : i32 to index
      %get3A_1031 = arith.constant 0 : index
      %get3A_1032 = tpu.vector_load %arg11[%get3A_1030, %get3A_1031] {strides = array<i32>} : memref<512x64xf32, #tpu.memory_space<vmem>>, vector<16xf32>,
      %get3A_1033 = arith.index_cast %add3A_1017 : i32 to index
      %get3A_1034 = arith.constant 16 : index
      %get3A_1035 = tpu.vector_load %arg11[%get3A_1033, %get3A_1034] {strides = array<i32>} : memref<512x64xf32, #tpu.memory_space<vmem>>, vector<16xf32>,
      %get3A_1036 = arith.index_cast %add3A_1017 : i32 to index
      %get3A_1037 = arith.constant 32 : index
      %get3A_1038 = tpu.vector_load %arg11[%get3A_1036, %get3A_1037] {strides = array<i32>} : memref<512x64xf32, #tpu.memory_space<vmem>>, vector<16xf32>,
      %get3A_1039 = arith.index_cast %add3A_1017 : i32 to index
      %get3A_1040 = arith.constant 48 : index
      %get3A_1041 = tpu.vector_load %arg11[%get3A_1039, %get3A_1040] {strides = array<i32>} : memref<512x64xf32, #tpu.memory_space<vmem>>, vector<16xf32>,
      %mul3A_1042 = arith.mulf %get3A_1020, %get3A_1032 : vector<16xf32>
      %mul3A_1043 = arith.mulf %get3A_1023, %get3A_1035 : vector<16xf32>
      %add3A_1044 = arith.addf %mul3A_1042, %mul3A_1043 : vector<16xf32>
      %mul3A_1045 = arith.mulf %get3A_1026, %get3A_1038 : vector<16xf32>
      %add3A_1046 = arith.addf %add3A_1044, %mul3A_1045 : vector<16xf32>
      %mul3A_1047 = arith.mulf %get3A_1029, %get3A_1041 : vector<16xf32>
      %add3A_1048 = arith.addf %add3A_1046, %mul3A_1047 : vector<16xf32>
      %reduce_sum3A_1049 = arith.constant true
      %reduce_sum3A_1050 = vector.broadcast %reduce_sum3A_1049 : i1 to vector<16xi1>
      %reduce_sum3A_1051 = tpu.scan <sum>, %add3A_1048 masked %reduce_sum3A_1050 : vector<16xf32>, vector<16xi1> -> vector<16xf32>
      %reduce_sum3A_1052 = vector.extract %reduce_sum3A_1051[15] : f32 from vector<16xf32>
      %eq3A_1053 = arith.constant 13 : i32
      %eq3A_1054 = vector.broadcast %eq3A_1053 : i32 to vector<16xi32>
      %eq3A_1055 = arith.cmpi eq, %iota3A, %eq3A_1054 : vector<16xi32>
      %broadcast_in_dim3A_1056 = vector.broadcast %reduce_sum3A_1052 : f32 to vector<16xf32>
      %select_n3A_1057 = arith.select %eq3A_1055, %broadcast_in_dim3A_1056, %select_n3A_999 : vector<16xi1>, vector<16xf32>
      %mul3A_1058 = arith.mulf %get3A_1020, %get3A_1020 : vector<16xf32>
      %add3A_1059 = arith.addf %add3A_1013, %mul3A_1058 : vector<16xf32>
      %mul3A_1060 = arith.mulf %get3A_1032, %get3A_1032 : vector<16xf32>
      %add3A_1061 = arith.addf %add3A_1015, %mul3A_1060 : vector<16xf32>
      %mul3A_1062 = arith.mulf %get3A_1023, %get3A_1023 : vector<16xf32>
      %add3A_1063 = arith.addf %add3A_1059, %mul3A_1062 : vector<16xf32>
      %mul3A_1064 = arith.mulf %get3A_1035, %get3A_1035 : vector<16xf32>
      %add3A_1065 = arith.addf %add3A_1061, %mul3A_1064 : vector<16xf32>
      %mul3A_1066 = arith.mulf %get3A_1026, %get3A_1026 : vector<16xf32>
      %add3A_1067 = arith.addf %add3A_1063, %mul3A_1066 : vector<16xf32>
      %mul3A_1068 = arith.mulf %get3A_1038, %get3A_1038 : vector<16xf32>
      %add3A_1069 = arith.addf %add3A_1065, %mul3A_1068 : vector<16xf32>
      %mul3A_1070 = arith.mulf %get3A_1029, %get3A_1029 : vector<16xf32>
      %add3A_1071 = arith.addf %add3A_1067, %mul3A_1070 : vector<16xf32>
      %mul3A_1072 = arith.mulf %get3A_1041, %get3A_1041 : vector<16xf32>
      %add3A_1073 = arith.addf %add3A_1069, %mul3A_1072 : vector<16xf32>
      %add3A_1074 = arith.constant 14 : i32
      %add3A_1075 = arith.addi %multiple_of3A, %add3A_1074 : i32
      %get3A_1076 = arith.index_cast %add3A_1075 : i32 to index
      %get3A_1077 = arith.constant 0 : index
      %get3A_1078 = tpu.vector_load %arg10[%get3A_1076, %get3A_1077] {strides = array<i32>} : memref<512x64xf32, #tpu.memory_space<vmem>>, vector<16xf32>,
      %get3A_1079 = arith.index_cast %add3A_1075 : i32 to index
      %get3A_1080 = arith.constant 16 : index
      %get3A_1081 = tpu.vector_load %arg10[%get3A_1079, %get3A_1080] {strides = array<i32>} : memref<512x64xf32, #tpu.memory_space<vmem>>, vector<16xf32>,
      %get3A_1082 = arith.index_cast %add3A_1075 : i32 to index
      %get3A_1083 = arith.constant 32 : index
      %get3A_1084 = tpu.vector_load %arg10[%get3A_1082, %get3A_1083] {strides = array<i32>} : memref<512x64xf32, #tpu.memory_space<vmem>>, vector<16xf32>,
      %get3A_1085 = arith.index_cast %add3A_1075 : i32 to index
      %get3A_1086 = arith.constant 48 : index
      %get3A_1087 = tpu.vector_load %arg10[%get3A_1085, %get3A_1086] {strides = array<i32>} : memref<512x64xf32, #tpu.memory_space<vmem>>, vector<16xf32>,
      %get3A_1088 = arith.index_cast %add3A_1075 : i32 to index
      %get3A_1089 = arith.constant 0 : index
      %get3A_1090 = tpu.vector_load %arg11[%get3A_1088, %get3A_1089] {strides = array<i32>} : memref<512x64xf32, #tpu.memory_space<vmem>>, vector<16xf32>,
      %get3A_1091 = arith.index_cast %add3A_1075 : i32 to index
      %get3A_1092 = arith.constant 16 : index
      %get3A_1093 = tpu.vector_load %arg11[%get3A_1091, %get3A_1092] {strides = array<i32>} : memref<512x64xf32, #tpu.memory_space<vmem>>, vector<16xf32>,
      %get3A_1094 = arith.index_cast %add3A_1075 : i32 to index
      %get3A_1095 = arith.constant 32 : index
      %get3A_1096 = tpu.vector_load %arg11[%get3A_1094, %get3A_1095] {strides = array<i32>} : memref<512x64xf32, #tpu.memory_space<vmem>>, vector<16xf32>,
      %get3A_1097 = arith.index_cast %add3A_1075 : i32 to index
      %get3A_1098 = arith.constant 48 : index
      %get3A_1099 = tpu.vector_load %arg11[%get3A_1097, %get3A_1098] {strides = array<i32>} : memref<512x64xf32, #tpu.memory_space<vmem>>, vector<16xf32>,
      %mul3A_1100 = arith.mulf %get3A_1078, %get3A_1090 : vector<16xf32>
      %mul3A_1101 = arith.mulf %get3A_1081, %get3A_1093 : vector<16xf32>
      %add3A_1102 = arith.addf %mul3A_1100, %mul3A_1101 : vector<16xf32>
      %mul3A_1103 = arith.mulf %get3A_1084, %get3A_1096 : vector<16xf32>
      %add3A_1104 = arith.addf %add3A_1102, %mul3A_1103 : vector<16xf32>
      %mul3A_1105 = arith.mulf %get3A_1087, %get3A_1099 : vector<16xf32>
      %add3A_1106 = arith.addf %add3A_1104, %mul3A_1105 : vector<16xf32>
      %reduce_sum3A_1107 = arith.constant true
      %reduce_sum3A_1108 = vector.broadcast %reduce_sum3A_1107 : i1 to vector<16xi1>
      %reduce_sum3A_1109 = tpu.scan <sum>, %add3A_1106 masked %reduce_sum3A_1108 : vector<16xf32>, vector<16xi1> -> vector<16xf32>
      %reduce_sum3A_1110 = vector.extract %reduce_sum3A_1109[15] : f32 from vector<16xf32>
      %eq3A_1111 = arith.constant 14 : i32
      %eq3A_1112 = vector.broadcast %eq3A_1111 : i32 to vector<16xi32>
      %eq3A_1113 = arith.cmpi eq, %iota3A, %eq3A_1112 : vector<16xi32>
      %broadcast_in_dim3A_1114 = vector.broadcast %reduce_sum3A_1110 : f32 to vector<16xf32>
      %select_n3A_1115 = arith.select %eq3A_1113, %broadcast_in_dim3A_1114, %select_n3A_1057 : vector<16xi1>, vector<16xf32>
      %mul3A_1116 = arith.mulf %get3A_1078, %get3A_1078 : vector<16xf32>
      %add3A_1117 = arith.addf %add3A_1071, %mul3A_1116 : vector<16xf32>
      %mul3A_1118 = arith.mulf %get3A_1090, %get3A_1090 : vector<16xf32>
      %add3A_1119 = arith.addf %add3A_1073, %mul3A_1118 : vector<16xf32>
      %mul3A_1120 = arith.mulf %get3A_1081, %get3A_1081 : vector<16xf32>
      %add3A_1121 = arith.addf %add3A_1117, %mul3A_1120 : vector<16xf32>
      %mul3A_1122 = arith.mulf %get3A_1093, %get3A_1093 : vector<16xf32>
      %add3A_1123 = arith.addf %add3A_1119, %mul3A_1122 : vector<16xf32>
      %mul3A_1124 = arith.mulf %get3A_1084, %get3A_1084 : vector<16xf32>
      %add3A_1125 = arith.addf %add3A_1121, %mul3A_1124 : vector<16xf32>
      %mul3A_1126 = arith.mulf %get3A_1096, %get3A_1096 : vector<16xf32>
      %add3A_1127 = arith.addf %add3A_1123, %mul3A_1126 : vector<16xf32>
      %mul3A_1128 = arith.mulf %get3A_1087, %get3A_1087 : vector<16xf32>
      %add3A_1129 = arith.addf %add3A_1125, %mul3A_1128 : vector<16xf32>
      %mul3A_1130 = arith.mulf %get3A_1099, %get3A_1099 : vector<16xf32>
      %add3A_1131 = arith.addf %add3A_1127, %mul3A_1130 : vector<16xf32>
      %add3A_1132 = arith.constant 15 : i32
      %add3A_1133 = arith.addi %multiple_of3A, %add3A_1132 : i32
      %get3A_1134 = arith.index_cast %add3A_1133 : i32 to index
      %get3A_1135 = arith.constant 0 : index
      %get3A_1136 = tpu.vector_load %arg10[%get3A_1134, %get3A_1135] {strides = array<i32>} : memref<512x64xf32, #tpu.memory_space<vmem>>, vector<16xf32>,
      %get3A_1137 = arith.index_cast %add3A_1133 : i32 to index
      %get3A_1138 = arith.constant 16 : index
      %get3A_1139 = tpu.vector_load %arg10[%get3A_1137, %get3A_1138] {strides = array<i32>} : memref<512x64xf32, #tpu.memory_space<vmem>>, vector<16xf32>,
      %get3A_1140 = arith.index_cast %add3A_1133 : i32 to index
      %get3A_1141 = arith.constant 32 : index
      %get3A_1142 = tpu.vector_load %arg10[%get3A_1140, %get3A_1141] {strides = array<i32>} : memref<512x64xf32, #tpu.memory_space<vmem>>, vector<16xf32>,
      %get3A_1143 = arith.index_cast %add3A_1133 : i32 to index
      %get3A_1144 = arith.constant 48 : index
      %get3A_1145 = tpu.vector_load %arg10[%get3A_1143, %get3A_1144] {strides = array<i32>} : memref<512x64xf32, #tpu.memory_space<vmem>>, vector<16xf32>,
      %get3A_1146 = arith.index_cast %add3A_1133 : i32 to index
      %get3A_1147 = arith.constant 0 : index
      %get3A_1148 = tpu.vector_load %arg11[%get3A_1146, %get3A_1147] {strides = array<i32>} : memref<512x64xf32, #tpu.memory_space<vmem>>, vector<16xf32>,
      %get3A_1149 = arith.index_cast %add3A_1133 : i32 to index
      %get3A_1150 = arith.constant 16 : index
      %get3A_1151 = tpu.vector_load %arg11[%get3A_1149, %get3A_1150] {strides = array<i32>} : memref<512x64xf32, #tpu.memory_space<vmem>>, vector<16xf32>,
      %get3A_1152 = arith.index_cast %add3A_1133 : i32 to index
      %get3A_1153 = arith.constant 32 : index
      %get3A_1154 = tpu.vector_load %arg11[%get3A_1152, %get3A_1153] {strides = array<i32>} : memref<512x64xf32, #tpu.memory_space<vmem>>, vector<16xf32>,
      %get3A_1155 = arith.index_cast %add3A_1133 : i32 to index
      %get3A_1156 = arith.constant 48 : index
      %get3A_1157 = tpu.vector_load %arg11[%get3A_1155, %get3A_1156] {strides = array<i32>} : memref<512x64xf32, #tpu.memory_space<vmem>>, vector<16xf32>,
      %mul3A_1158 = arith.mulf %get3A_1136, %get3A_1148 : vector<16xf32>
      %mul3A_1159 = arith.mulf %get3A_1139, %get3A_1151 : vector<16xf32>
      %add3A_1160 = arith.addf %mul3A_1158, %mul3A_1159 : vector<16xf32>
      %mul3A_1161 = arith.mulf %get3A_1142, %get3A_1154 : vector<16xf32>
      %add3A_1162 = arith.addf %add3A_1160, %mul3A_1161 : vector<16xf32>
      %mul3A_1163 = arith.mulf %get3A_1145, %get3A_1157 : vector<16xf32>
      %add3A_1164 = arith.addf %add3A_1162, %mul3A_1163 : vector<16xf32>
      %reduce_sum3A_1165 = arith.constant true
      %reduce_sum3A_1166 = vector.broadcast %reduce_sum3A_1165 : i1 to vector<16xi1>
      %reduce_sum3A_1167 = tpu.scan <sum>, %add3A_1164 masked %reduce_sum3A_1166 : vector<16xf32>, vector<16xi1> -> vector<16xf32>
      %reduce_sum3A_1168 = vector.extract %reduce_sum3A_1167[15] : f32 from vector<16xf32>
      %eq3A_1169 = arith.constant 15 : i32
      %eq3A_1170 = vector.broadcast %eq3A_1169 : i32 to vector<16xi32>
      %eq3A_1171 = arith.cmpi eq, %iota3A, %eq3A_1170 : vector<16xi32>
      %broadcast_in_dim3A_1172 = vector.broadcast %reduce_sum3A_1168 : f32 to vector<16xf32>
      %select_n3A_1173 = arith.select %eq3A_1171, %broadcast_in_dim3A_1172, %select_n3A_1115 : vector<16xi1>, vector<16xf32>
      %mul3A_1174 = arith.mulf %get3A_1136, %get3A_1136 : vector<16xf32>
      %add3A_1175 = arith.addf %add3A_1129, %mul3A_1174 : vector<16xf32>
      %mul3A_1176 = arith.mulf %get3A_1148, %get3A_1148 : vector<16xf32>
      %add3A_1177 = arith.addf %add3A_1131, %mul3A_1176 : vector<16xf32>
      %mul3A_1178 = arith.mulf %get3A_1139, %get3A_1139 : vector<16xf32>
      %add3A_1179 = arith.addf %add3A_1175, %mul3A_1178 : vector<16xf32>
      %mul3A_1180 = arith.mulf %get3A_1151, %get3A_1151 : vector<16xf32>
      %add3A_1181 = arith.addf %add3A_1177, %mul3A_1180 : vector<16xf32>
      %mul3A_1182 = arith.mulf %get3A_1142, %get3A_1142 : vector<16xf32>
      %add3A_1183 = arith.addf %add3A_1179, %mul3A_1182 : vector<16xf32>
      %mul3A_1184 = arith.mulf %get3A_1154, %get3A_1154 : vector<16xf32>
      %add3A_1185 = arith.addf %add3A_1181, %mul3A_1184 : vector<16xf32>
      %mul3A_1186 = arith.mulf %get3A_1145, %get3A_1145 : vector<16xf32>
      %add3A_1187 = arith.addf %add3A_1183, %mul3A_1186 : vector<16xf32>
      %mul3A_1188 = arith.mulf %get3A_1157, %get3A_1157 : vector<16xf32>
      %add3A_1189 = arith.addf %add3A_1185, %mul3A_1188 : vector<16xf32>
      %get3A_1190 = arith.index_cast %multiple_of3A : i32 to index
      %get3A_1191 = tpu.vector_load %arg12[%get3A_1190] {strides = array<i32>} : memref<512xf32, #tpu.memory_space<vmem>>, vector<16xf32>,
      %mul3A_1192 = arith.mulf %get3A_1191, %get3A_1191 : vector<16xf32>
      %add3A_1193 = arith.addf %scan3A_263, %mul3A_1192 : vector<16xf32>
      %add3A_1194 = arith.addf %select_n3A_1173, %get3A_1191 : vector<16xf32>
      %swap3A_1195 = arith.index_cast %multiple_of3A : i32 to index
      %swap3A_1196 = tpu.vector_load %arg13[%swap3A_1195] {strides = array<i32>} : memref<512xf32, #tpu.memory_space<vmem>>, vector<16xf32>,
      tpu.vector_store %arg13[%swap3A_1195], %add3A_1194 {strides = array<i32>} : memref<512xf32, #tpu.memory_space<vmem>>, vector<16xf32>,
      scf.yield %add3A_1187, %add3A_1189, %add3A_1193 : vector<16xf32>, vector<16xf32>, vector<16xf32>
    }
    %scan3A_220 = arith.constant 8 : i32
    %dma_wait3A_221 = arith.constant 3 : i32
    %dma_wait3A_222 = arith.constant 384 : i32
    %dma_wait3A_223 = arith.constant 0 : i32
    %dma_wait3A_224 = tpu.memref_slice %arg10[%dma_wait3A_222, %dma_wait3A_223] : memref<512x64xf32, #tpu.memory_space<vmem>> -> memref<128x64xf32, #tpu.memory_space<vmem>>
    %dma_wait3A_225 = arith.constant 0 : i32
    %dma_wait3A_226 = tpu.memref_slice %arg8[%dma_wait3A_221, %dma_wait3A_225] : memref<4x128xi32, #tpu.memory_space<vmem>> -> memref<1x128xi32, #tpu.memory_space<vmem>>
    %dma_wait3A_227 = tpu.memref_squeeze %dma_wait3A_226 : memref<1x128xi32, #tpu.memory_space<vmem>> -> memref<128xi32, #tpu.memory_space<vmem>>
    %dma_wait3A_228 = arith.constant 0 : i32
    %dma_wait3A_229 = arith.constant 0 : i32
    %dma_wait3A_230 = tpu.memref_slice %arg4[%dma_wait3A_228, %dma_wait3A_229] : memref<100000x64xf32, #tpu.memory_space<hbm>> -> memref<100000x64xf32, #tpu.memory_space<hbm>>
    tpu.wait_indirect_dma semaphore(%arg16 : memref<!tpu.dma_semaphore, #tpu.memory_space<semaphore_mem>>) src(%dma_wait3A_230 : memref<100000x64xf32, #tpu.memory_space<hbm>>) dst(%dma_wait3A_224 : memref<128x64xf32, #tpu.memory_space<vmem>>)
    %dma_wait3A_231 = arith.constant 3 : i32
    %dma_wait3A_232 = arith.constant 384 : i32
    %dma_wait3A_233 = arith.constant 0 : i32
    %dma_wait3A_234 = tpu.memref_slice %arg11[%dma_wait3A_232, %dma_wait3A_233] : memref<512x64xf32, #tpu.memory_space<vmem>> -> memref<128x64xf32, #tpu.memory_space<vmem>>
    %dma_wait3A_235 = arith.constant 0 : i32
    %dma_wait3A_236 = tpu.memref_slice %arg9[%dma_wait3A_231, %dma_wait3A_235] : memref<4x128xi32, #tpu.memory_space<vmem>> -> memref<1x128xi32, #tpu.memory_space<vmem>>
    %dma_wait3A_237 = tpu.memref_squeeze %dma_wait3A_236 : memref<1x128xi32, #tpu.memory_space<vmem>> -> memref<128xi32, #tpu.memory_space<vmem>>
    %dma_wait3A_238 = arith.constant 0 : i32
    %dma_wait3A_239 = arith.constant 0 : i32
    %dma_wait3A_240 = tpu.memref_slice %arg4[%dma_wait3A_238, %dma_wait3A_239] : memref<100000x64xf32, #tpu.memory_space<hbm>> -> memref<100000x64xf32, #tpu.memory_space<hbm>>
    tpu.wait_indirect_dma semaphore(%arg16 : memref<!tpu.dma_semaphore, #tpu.memory_space<semaphore_mem>>) src(%dma_wait3A_240 : memref<100000x64xf32, #tpu.memory_space<hbm>>) dst(%dma_wait3A_234 : memref<128x64xf32, #tpu.memory_space<vmem>>)
    %scan3A_241 = arith.constant 24 : i32
    %scan3A_242 = arith.constant 8 : i32
    %scan3A_243 = arith.addi %scan3A_241, %scan3A_242 : i32
    %scan3A_244 = arith.constant 1 : i32
    %scan3A_245:3 = scf.for %scan3A_260 = %scan3A_241 to %scan3A_243 step %scan3A_244 iter_args(%scan3A_261 = %scan3A_219#0, %scan3A_262 = %scan3A_219#1, %scan3A_263 = %scan3A_219#2) -> (vector<16xf32>, vector<16xf32>, vector<16xf32>)  : i32 {
      %mul3A_264 = arith.constant 16 : i32
      %mul3A_265 = arith.muli %scan3A_260, %mul3A_264 : i32
      %multiple_of3A = tpu.assume_multiple %mul3A_265, 16 : i32
      %add3A_266 = arith.constant 0 : i32
      %add3A_267 = arith.addi %multiple_of3A, %add3A_266 : i32
      %get3A = arith.index_cast %add3A_267 : i32 to index
      %get3A_268 = arith.constant 0 : index
      %get3A_269 = tpu.vector_load %arg10[%get3A, %get3A_268] {strides = array<i32>} : memref<512x64xf32, #tpu.memory_space<vmem>>, vector<16xf32>,
      %get3A_270 = arith.index_cast %add3A_267 : i32 to index
      %get3A_271 = arith.constant 16 : index
      %get3A_272 = tpu.vector_load %arg10[%get3A_270, %get3A_271] {strides = array<i32>} : memref<512x64xf32, #tpu.memory_space<vmem>>, vector<16xf32>,
      %get3A_273 = arith.index_cast %add3A_267 : i32 to index
      %get3A_274 = arith.constant 32 : index
      %get3A_275 = tpu.vector_load %arg10[%get3A_273, %get3A_274] {strides = array<i32>} : memref<512x64xf32, #tpu.memory_space<vmem>>, vector<16xf32>,
      %get3A_276 = arith.index_cast %add3A_267 : i32 to index
      %get3A_277 = arith.constant 48 : index
      %get3A_278 = tpu.vector_load %arg10[%get3A_276, %get3A_277] {strides = array<i32>} : memref<512x64xf32, #tpu.memory_space<vmem>>, vector<16xf32>,
      %get3A_279 = arith.index_cast %add3A_267 : i32 to index
      %get3A_280 = arith.constant 0 : index
      %get3A_281 = tpu.vector_load %arg11[%get3A_279, %get3A_280] {strides = array<i32>} : memref<512x64xf32, #tpu.memory_space<vmem>>, vector<16xf32>,
      %get3A_282 = arith.index_cast %add3A_267 : i32 to index
      %get3A_283 = arith.constant 16 : index
      %get3A_284 = tpu.vector_load %arg11[%get3A_282, %get3A_283] {strides = array<i32>} : memref<512x64xf32, #tpu.memory_space<vmem>>, vector<16xf32>,
      %get3A_285 = arith.index_cast %add3A_267 : i32 to index
      %get3A_286 = arith.constant 32 : index
      %get3A_287 = tpu.vector_load %arg11[%get3A_285, %get3A_286] {strides = array<i32>} : memref<512x64xf32, #tpu.memory_space<vmem>>, vector<16xf32>,
      %get3A_288 = arith.index_cast %add3A_267 : i32 to index
      %get3A_289 = arith.constant 48 : index
      %get3A_290 = tpu.vector_load %arg11[%get3A_288, %get3A_289] {strides = array<i32>} : memref<512x64xf32, #tpu.memory_space<vmem>>, vector<16xf32>,
      %mul3A_291 = arith.mulf %get3A_269, %get3A_281 : vector<16xf32>
      %mul3A_292 = arith.mulf %get3A_272, %get3A_284 : vector<16xf32>
      %add3A_293 = arith.addf %mul3A_291, %mul3A_292 : vector<16xf32>
      %mul3A_294 = arith.mulf %get3A_275, %get3A_287 : vector<16xf32>
      %add3A_295 = arith.addf %add3A_293, %mul3A_294 : vector<16xf32>
      %mul3A_296 = arith.mulf %get3A_278, %get3A_290 : vector<16xf32>
      %add3A_297 = arith.addf %add3A_295, %mul3A_296 : vector<16xf32>
      %reduce_sum3A = arith.constant true
      %reduce_sum3A_298 = vector.broadcast %reduce_sum3A : i1 to vector<16xi1>
      %reduce_sum3A_299 = tpu.scan <sum>, %add3A_297 masked %reduce_sum3A_298 : vector<16xf32>, vector<16xi1> -> vector<16xf32>
      %reduce_sum3A_300 = vector.extract %reduce_sum3A_299[15] : f32 from vector<16xf32>
      %eq3A = arith.constant 0 : i32
      %eq3A_301 = vector.broadcast %eq3A : i32 to vector<16xi32>
      %eq3A_302 = arith.cmpi eq, %iota3A, %eq3A_301 : vector<16xi32>
      %broadcast_in_dim3A_303 = vector.broadcast %reduce_sum3A_300 : f32 to vector<16xf32>
      %select_n3A = arith.select %eq3A_302, %broadcast_in_dim3A_303, %broadcast_in_dim3A_83 : vector<16xi1>, vector<16xf32>
      %mul3A_304 = arith.mulf %get3A_269, %get3A_269 : vector<16xf32>
      %add3A_305 = arith.addf %scan3A_261, %mul3A_304 : vector<16xf32>
      %mul3A_306 = arith.mulf %get3A_281, %get3A_281 : vector<16xf32>
      %add3A_307 = arith.addf %scan3A_262, %mul3A_306 : vector<16xf32>
      %mul3A_308 = arith.mulf %get3A_272, %get3A_272 : vector<16xf32>
      %add3A_309 = arith.addf %add3A_305, %mul3A_308 : vector<16xf32>
      %mul3A_310 = arith.mulf %get3A_284, %get3A_284 : vector<16xf32>
      %add3A_311 = arith.addf %add3A_307, %mul3A_310 : vector<16xf32>
      %mul3A_312 = arith.mulf %get3A_275, %get3A_275 : vector<16xf32>
      %add3A_313 = arith.addf %add3A_309, %mul3A_312 : vector<16xf32>
      %mul3A_314 = arith.mulf %get3A_287, %get3A_287 : vector<16xf32>
      %add3A_315 = arith.addf %add3A_311, %mul3A_314 : vector<16xf32>
      %mul3A_316 = arith.mulf %get3A_278, %get3A_278 : vector<16xf32>
      %add3A_317 = arith.addf %add3A_313, %mul3A_316 : vector<16xf32>
      %mul3A_318 = arith.mulf %get3A_290, %get3A_290 : vector<16xf32>
      %add3A_319 = arith.addf %add3A_315, %mul3A_318 : vector<16xf32>
      %add3A_320 = arith.constant 1 : i32
      %add3A_321 = arith.addi %multiple_of3A, %add3A_320 : i32
      %get3A_322 = arith.index_cast %add3A_321 : i32 to index
      %get3A_323 = arith.constant 0 : index
      %get3A_324 = tpu.vector_load %arg10[%get3A_322, %get3A_323] {strides = array<i32>} : memref<512x64xf32, #tpu.memory_space<vmem>>, vector<16xf32>,
      %get3A_325 = arith.index_cast %add3A_321 : i32 to index
      %get3A_326 = arith.constant 16 : index
      %get3A_327 = tpu.vector_load %arg10[%get3A_325, %get3A_326] {strides = array<i32>} : memref<512x64xf32, #tpu.memory_space<vmem>>, vector<16xf32>,
      %get3A_328 = arith.index_cast %add3A_321 : i32 to index
      %get3A_329 = arith.constant 32 : index
      %get3A_330 = tpu.vector_load %arg10[%get3A_328, %get3A_329] {strides = array<i32>} : memref<512x64xf32, #tpu.memory_space<vmem>>, vector<16xf32>,
      %get3A_331 = arith.index_cast %add3A_321 : i32 to index
      %get3A_332 = arith.constant 48 : index
      %get3A_333 = tpu.vector_load %arg10[%get3A_331, %get3A_332] {strides = array<i32>} : memref<512x64xf32, #tpu.memory_space<vmem>>, vector<16xf32>,
      %get3A_334 = arith.index_cast %add3A_321 : i32 to index
      %get3A_335 = arith.constant 0 : index
      %get3A_336 = tpu.vector_load %arg11[%get3A_334, %get3A_335] {strides = array<i32>} : memref<512x64xf32, #tpu.memory_space<vmem>>, vector<16xf32>,
      %get3A_337 = arith.index_cast %add3A_321 : i32 to index
      %get3A_338 = arith.constant 16 : index
      %get3A_339 = tpu.vector_load %arg11[%get3A_337, %get3A_338] {strides = array<i32>} : memref<512x64xf32, #tpu.memory_space<vmem>>, vector<16xf32>,
      %get3A_340 = arith.index_cast %add3A_321 : i32 to index
      %get3A_341 = arith.constant 32 : index
      %get3A_342 = tpu.vector_load %arg11[%get3A_340, %get3A_341] {strides = array<i32>} : memref<512x64xf32, #tpu.memory_space<vmem>>, vector<16xf32>,
      %get3A_343 = arith.index_cast %add3A_321 : i32 to index
      %get3A_344 = arith.constant 48 : index
      %get3A_345 = tpu.vector_load %arg11[%get3A_343, %get3A_344] {strides = array<i32>} : memref<512x64xf32, #tpu.memory_space<vmem>>, vector<16xf32>,
      %mul3A_346 = arith.mulf %get3A_324, %get3A_336 : vector<16xf32>
      %mul3A_347 = arith.mulf %get3A_327, %get3A_339 : vector<16xf32>
      %add3A_348 = arith.addf %mul3A_346, %mul3A_347 : vector<16xf32>
      %mul3A_349 = arith.mulf %get3A_330, %get3A_342 : vector<16xf32>
      %add3A_350 = arith.addf %add3A_348, %mul3A_349 : vector<16xf32>
      %mul3A_351 = arith.mulf %get3A_333, %get3A_345 : vector<16xf32>
      %add3A_352 = arith.addf %add3A_350, %mul3A_351 : vector<16xf32>
      %reduce_sum3A_353 = arith.constant true
      %reduce_sum3A_354 = vector.broadcast %reduce_sum3A_353 : i1 to vector<16xi1>
      %reduce_sum3A_355 = tpu.scan <sum>, %add3A_352 masked %reduce_sum3A_354 : vector<16xf32>, vector<16xi1> -> vector<16xf32>
      %reduce_sum3A_356 = vector.extract %reduce_sum3A_355[15] : f32 from vector<16xf32>
      %eq3A_357 = arith.constant 1 : i32
      %eq3A_358 = vector.broadcast %eq3A_357 : i32 to vector<16xi32>
      %eq3A_359 = arith.cmpi eq, %iota3A, %eq3A_358 : vector<16xi32>
      %broadcast_in_dim3A_360 = vector.broadcast %reduce_sum3A_356 : f32 to vector<16xf32>
      %select_n3A_361 = arith.select %eq3A_359, %broadcast_in_dim3A_360, %select_n3A : vector<16xi1>, vector<16xf32>
      %mul3A_362 = arith.mulf %get3A_324, %get3A_324 : vector<16xf32>
      %add3A_363 = arith.addf %add3A_317, %mul3A_362 : vector<16xf32>
      %mul3A_364 = arith.mulf %get3A_336, %get3A_336 : vector<16xf32>
      %add3A_365 = arith.addf %add3A_319, %mul3A_364 : vector<16xf32>
      %mul3A_366 = arith.mulf %get3A_327, %get3A_327 : vector<16xf32>
      %add3A_367 = arith.addf %add3A_363, %mul3A_366 : vector<16xf32>
      %mul3A_368 = arith.mulf %get3A_339, %get3A_339 : vector<16xf32>
      %add3A_369 = arith.addf %add3A_365, %mul3A_368 : vector<16xf32>
      %mul3A_370 = arith.mulf %get3A_330, %get3A_330 : vector<16xf32>
      %add3A_371 = arith.addf %add3A_367, %mul3A_370 : vector<16xf32>
      %mul3A_372 = arith.mulf %get3A_342, %get3A_342 : vector<16xf32>
      %add3A_373 = arith.addf %add3A_369, %mul3A_372 : vector<16xf32>
      %mul3A_374 = arith.mulf %get3A_333, %get3A_333 : vector<16xf32>
      %add3A_375 = arith.addf %add3A_371, %mul3A_374 : vector<16xf32>
      %mul3A_376 = arith.mulf %get3A_345, %get3A_345 : vector<16xf32>
      %add3A_377 = arith.addf %add3A_373, %mul3A_376 : vector<16xf32>
      %add3A_378 = arith.constant 2 : i32
      %add3A_379 = arith.addi %multiple_of3A, %add3A_378 : i32
      %get3A_380 = arith.index_cast %add3A_379 : i32 to index
      %get3A_381 = arith.constant 0 : index
      %get3A_382 = tpu.vector_load %arg10[%get3A_380, %get3A_381] {strides = array<i32>} : memref<512x64xf32, #tpu.memory_space<vmem>>, vector<16xf32>,
      %get3A_383 = arith.index_cast %add3A_379 : i32 to index
      %get3A_384 = arith.constant 16 : index
      %get3A_385 = tpu.vector_load %arg10[%get3A_383, %get3A_384] {strides = array<i32>} : memref<512x64xf32, #tpu.memory_space<vmem>>, vector<16xf32>,
      %get3A_386 = arith.index_cast %add3A_379 : i32 to index
      %get3A_387 = arith.constant 32 : index
      %get3A_388 = tpu.vector_load %arg10[%get3A_386, %get3A_387] {strides = array<i32>} : memref<512x64xf32, #tpu.memory_space<vmem>>, vector<16xf32>,
      %get3A_389 = arith.index_cast %add3A_379 : i32 to index
      %get3A_390 = arith.constant 48 : index
      %get3A_391 = tpu.vector_load %arg10[%get3A_389, %get3A_390] {strides = array<i32>} : memref<512x64xf32, #tpu.memory_space<vmem>>, vector<16xf32>,
      %get3A_392 = arith.index_cast %add3A_379 : i32 to index
      %get3A_393 = arith.constant 0 : index
      %get3A_394 = tpu.vector_load %arg11[%get3A_392, %get3A_393] {strides = array<i32>} : memref<512x64xf32, #tpu.memory_space<vmem>>, vector<16xf32>,
      %get3A_395 = arith.index_cast %add3A_379 : i32 to index
      %get3A_396 = arith.constant 16 : index
      %get3A_397 = tpu.vector_load %arg11[%get3A_395, %get3A_396] {strides = array<i32>} : memref<512x64xf32, #tpu.memory_space<vmem>>, vector<16xf32>,
      %get3A_398 = arith.index_cast %add3A_379 : i32 to index
      %get3A_399 = arith.constant 32 : index
      %get3A_400 = tpu.vector_load %arg11[%get3A_398, %get3A_399] {strides = array<i32>} : memref<512x64xf32, #tpu.memory_space<vmem>>, vector<16xf32>,
      %get3A_401 = arith.index_cast %add3A_379 : i32 to index
      %get3A_402 = arith.constant 48 : index
      %get3A_403 = tpu.vector_load %arg11[%get3A_401, %get3A_402] {strides = array<i32>} : memref<512x64xf32, #tpu.memory_space<vmem>>, vector<16xf32>,
      %mul3A_404 = arith.mulf %get3A_382, %get3A_394 : vector<16xf32>
      %mul3A_405 = arith.mulf %get3A_385, %get3A_397 : vector<16xf32>
      %add3A_406 = arith.addf %mul3A_404, %mul3A_405 : vector<16xf32>
      %mul3A_407 = arith.mulf %get3A_388, %get3A_400 : vector<16xf32>
      %add3A_408 = arith.addf %add3A_406, %mul3A_407 : vector<16xf32>
      %mul3A_409 = arith.mulf %get3A_391, %get3A_403 : vector<16xf32>
      %add3A_410 = arith.addf %add3A_408, %mul3A_409 : vector<16xf32>
      %reduce_sum3A_411 = arith.constant true
      %reduce_sum3A_412 = vector.broadcast %reduce_sum3A_411 : i1 to vector<16xi1>
      %reduce_sum3A_413 = tpu.scan <sum>, %add3A_410 masked %reduce_sum3A_412 : vector<16xf32>, vector<16xi1> -> vector<16xf32>
      %reduce_sum3A_414 = vector.extract %reduce_sum3A_413[15] : f32 from vector<16xf32>
      %eq3A_415 = arith.constant 2 : i32
      %eq3A_416 = vector.broadcast %eq3A_415 : i32 to vector<16xi32>
      %eq3A_417 = arith.cmpi eq, %iota3A, %eq3A_416 : vector<16xi32>
      %broadcast_in_dim3A_418 = vector.broadcast %reduce_sum3A_414 : f32 to vector<16xf32>
      %select_n3A_419 = arith.select %eq3A_417, %broadcast_in_dim3A_418, %select_n3A_361 : vector<16xi1>, vector<16xf32>
      %mul3A_420 = arith.mulf %get3A_382, %get3A_382 : vector<16xf32>
      %add3A_421 = arith.addf %add3A_375, %mul3A_420 : vector<16xf32>
      %mul3A_422 = arith.mulf %get3A_394, %get3A_394 : vector<16xf32>
      %add3A_423 = arith.addf %add3A_377, %mul3A_422 : vector<16xf32>
      %mul3A_424 = arith.mulf %get3A_385, %get3A_385 : vector<16xf32>
      %add3A_425 = arith.addf %add3A_421, %mul3A_424 : vector<16xf32>
      %mul3A_426 = arith.mulf %get3A_397, %get3A_397 : vector<16xf32>
      %add3A_427 = arith.addf %add3A_423, %mul3A_426 : vector<16xf32>
      %mul3A_428 = arith.mulf %get3A_388, %get3A_388 : vector<16xf32>
      %add3A_429 = arith.addf %add3A_425, %mul3A_428 : vector<16xf32>
      %mul3A_430 = arith.mulf %get3A_400, %get3A_400 : vector<16xf32>
      %add3A_431 = arith.addf %add3A_427, %mul3A_430 : vector<16xf32>
      %mul3A_432 = arith.mulf %get3A_391, %get3A_391 : vector<16xf32>
      %add3A_433 = arith.addf %add3A_429, %mul3A_432 : vector<16xf32>
      %mul3A_434 = arith.mulf %get3A_403, %get3A_403 : vector<16xf32>
      %add3A_435 = arith.addf %add3A_431, %mul3A_434 : vector<16xf32>
      %add3A_436 = arith.constant 3 : i32
      %add3A_437 = arith.addi %multiple_of3A, %add3A_436 : i32
      %get3A_438 = arith.index_cast %add3A_437 : i32 to index
      %get3A_439 = arith.constant 0 : index
      %get3A_440 = tpu.vector_load %arg10[%get3A_438, %get3A_439] {strides = array<i32>} : memref<512x64xf32, #tpu.memory_space<vmem>>, vector<16xf32>,
      %get3A_441 = arith.index_cast %add3A_437 : i32 to index
      %get3A_442 = arith.constant 16 : index
      %get3A_443 = tpu.vector_load %arg10[%get3A_441, %get3A_442] {strides = array<i32>} : memref<512x64xf32, #tpu.memory_space<vmem>>, vector<16xf32>,
      %get3A_444 = arith.index_cast %add3A_437 : i32 to index
      %get3A_445 = arith.constant 32 : index
      %get3A_446 = tpu.vector_load %arg10[%get3A_444, %get3A_445] {strides = array<i32>} : memref<512x64xf32, #tpu.memory_space<vmem>>, vector<16xf32>,
      %get3A_447 = arith.index_cast %add3A_437 : i32 to index
      %get3A_448 = arith.constant 48 : index
      %get3A_449 = tpu.vector_load %arg10[%get3A_447, %get3A_448] {strides = array<i32>} : memref<512x64xf32, #tpu.memory_space<vmem>>, vector<16xf32>,
      %get3A_450 = arith.index_cast %add3A_437 : i32 to index
      %get3A_451 = arith.constant 0 : index
      %get3A_452 = tpu.vector_load %arg11[%get3A_450, %get3A_451] {strides = array<i32>} : memref<512x64xf32, #tpu.memory_space<vmem>>, vector<16xf32>,
      %get3A_453 = arith.index_cast %add3A_437 : i32 to index
      %get3A_454 = arith.constant 16 : index
      %get3A_455 = tpu.vector_load %arg11[%get3A_453, %get3A_454] {strides = array<i32>} : memref<512x64xf32, #tpu.memory_space<vmem>>, vector<16xf32>,
      %get3A_456 = arith.index_cast %add3A_437 : i32 to index
      %get3A_457 = arith.constant 32 : index
      %get3A_458 = tpu.vector_load %arg11[%get3A_456, %get3A_457] {strides = array<i32>} : memref<512x64xf32, #tpu.memory_space<vmem>>, vector<16xf32>,
      %get3A_459 = arith.index_cast %add3A_437 : i32 to index
      %get3A_460 = arith.constant 48 : index
      %get3A_461 = tpu.vector_load %arg11[%get3A_459, %get3A_460] {strides = array<i32>} : memref<512x64xf32, #tpu.memory_space<vmem>>, vector<16xf32>,
      %mul3A_462 = arith.mulf %get3A_440, %get3A_452 : vector<16xf32>
      %mul3A_463 = arith.mulf %get3A_443, %get3A_455 : vector<16xf32>
      %add3A_464 = arith.addf %mul3A_462, %mul3A_463 : vector<16xf32>
      %mul3A_465 = arith.mulf %get3A_446, %get3A_458 : vector<16xf32>
      %add3A_466 = arith.addf %add3A_464, %mul3A_465 : vector<16xf32>
      %mul3A_467 = arith.mulf %get3A_449, %get3A_461 : vector<16xf32>
      %add3A_468 = arith.addf %add3A_466, %mul3A_467 : vector<16xf32>
      %reduce_sum3A_469 = arith.constant true
      %reduce_sum3A_470 = vector.broadcast %reduce_sum3A_469 : i1 to vector<16xi1>
      %reduce_sum3A_471 = tpu.scan <sum>, %add3A_468 masked %reduce_sum3A_470 : vector<16xf32>, vector<16xi1> -> vector<16xf32>
      %reduce_sum3A_472 = vector.extract %reduce_sum3A_471[15] : f32 from vector<16xf32>
      %eq3A_473 = arith.constant 3 : i32
      %eq3A_474 = vector.broadcast %eq3A_473 : i32 to vector<16xi32>
      %eq3A_475 = arith.cmpi eq, %iota3A, %eq3A_474 : vector<16xi32>
      %broadcast_in_dim3A_476 = vector.broadcast %reduce_sum3A_472 : f32 to vector<16xf32>
      %select_n3A_477 = arith.select %eq3A_475, %broadcast_in_dim3A_476, %select_n3A_419 : vector<16xi1>, vector<16xf32>
      %mul3A_478 = arith.mulf %get3A_440, %get3A_440 : vector<16xf32>
      %add3A_479 = arith.addf %add3A_433, %mul3A_478 : vector<16xf32>
      %mul3A_480 = arith.mulf %get3A_452, %get3A_452 : vector<16xf32>
      %add3A_481 = arith.addf %add3A_435, %mul3A_480 : vector<16xf32>
      %mul3A_482 = arith.mulf %get3A_443, %get3A_443 : vector<16xf32>
      %add3A_483 = arith.addf %add3A_479, %mul3A_482 : vector<16xf32>
      %mul3A_484 = arith.mulf %get3A_455, %get3A_455 : vector<16xf32>
      %add3A_485 = arith.addf %add3A_481, %mul3A_484 : vector<16xf32>
      %mul3A_486 = arith.mulf %get3A_446, %get3A_446 : vector<16xf32>
      %add3A_487 = arith.addf %add3A_483, %mul3A_486 : vector<16xf32>
      %mul3A_488 = arith.mulf %get3A_458, %get3A_458 : vector<16xf32>
      %add3A_489 = arith.addf %add3A_485, %mul3A_488 : vector<16xf32>
      %mul3A_490 = arith.mulf %get3A_449, %get3A_449 : vector<16xf32>
      %add3A_491 = arith.addf %add3A_487, %mul3A_490 : vector<16xf32>
      %mul3A_492 = arith.mulf %get3A_461, %get3A_461 : vector<16xf32>
      %add3A_493 = arith.addf %add3A_489, %mul3A_492 : vector<16xf32>
      %add3A_494 = arith.constant 4 : i32
      %add3A_495 = arith.addi %multiple_of3A, %add3A_494 : i32
      %get3A_496 = arith.index_cast %add3A_495 : i32 to index
      %get3A_497 = arith.constant 0 : index
      %get3A_498 = tpu.vector_load %arg10[%get3A_496, %get3A_497] {strides = array<i32>} : memref<512x64xf32, #tpu.memory_space<vmem>>, vector<16xf32>,
      %get3A_499 = arith.index_cast %add3A_495 : i32 to index
      %get3A_500 = arith.constant 16 : index
      %get3A_501 = tpu.vector_load %arg10[%get3A_499, %get3A_500] {strides = array<i32>} : memref<512x64xf32, #tpu.memory_space<vmem>>, vector<16xf32>,
      %get3A_502 = arith.index_cast %add3A_495 : i32 to index
      %get3A_503 = arith.constant 32 : index
      %get3A_504 = tpu.vector_load %arg10[%get3A_502, %get3A_503] {strides = array<i32>} : memref<512x64xf32, #tpu.memory_space<vmem>>, vector<16xf32>,
      %get3A_505 = arith.index_cast %add3A_495 : i32 to index
      %get3A_506 = arith.constant 48 : index
      %get3A_507 = tpu.vector_load %arg10[%get3A_505, %get3A_506] {strides = array<i32>} : memref<512x64xf32, #tpu.memory_space<vmem>>, vector<16xf32>,
      %get3A_508 = arith.index_cast %add3A_495 : i32 to index
      %get3A_509 = arith.constant 0 : index
      %get3A_510 = tpu.vector_load %arg11[%get3A_508, %get3A_509] {strides = array<i32>} : memref<512x64xf32, #tpu.memory_space<vmem>>, vector<16xf32>,
      %get3A_511 = arith.index_cast %add3A_495 : i32 to index
      %get3A_512 = arith.constant 16 : index
      %get3A_513 = tpu.vector_load %arg11[%get3A_511, %get3A_512] {strides = array<i32>} : memref<512x64xf32, #tpu.memory_space<vmem>>, vector<16xf32>,
      %get3A_514 = arith.index_cast %add3A_495 : i32 to index
      %get3A_515 = arith.constant 32 : index
      %get3A_516 = tpu.vector_load %arg11[%get3A_514, %get3A_515] {strides = array<i32>} : memref<512x64xf32, #tpu.memory_space<vmem>>, vector<16xf32>,
      %get3A_517 = arith.index_cast %add3A_495 : i32 to index
      %get3A_518 = arith.constant 48 : index
      %get3A_519 = tpu.vector_load %arg11[%get3A_517, %get3A_518] {strides = array<i32>} : memref<512x64xf32, #tpu.memory_space<vmem>>, vector<16xf32>,
      %mul3A_520 = arith.mulf %get3A_498, %get3A_510 : vector<16xf32>
      %mul3A_521 = arith.mulf %get3A_501, %get3A_513 : vector<16xf32>
      %add3A_522 = arith.addf %mul3A_520, %mul3A_521 : vector<16xf32>
      %mul3A_523 = arith.mulf %get3A_504, %get3A_516 : vector<16xf32>
      %add3A_524 = arith.addf %add3A_522, %mul3A_523 : vector<16xf32>
      %mul3A_525 = arith.mulf %get3A_507, %get3A_519 : vector<16xf32>
      %add3A_526 = arith.addf %add3A_524, %mul3A_525 : vector<16xf32>
      %reduce_sum3A_527 = arith.constant true
      %reduce_sum3A_528 = vector.broadcast %reduce_sum3A_527 : i1 to vector<16xi1>
      %reduce_sum3A_529 = tpu.scan <sum>, %add3A_526 masked %reduce_sum3A_528 : vector<16xf32>, vector<16xi1> -> vector<16xf32>
      %reduce_sum3A_530 = vector.extract %reduce_sum3A_529[15] : f32 from vector<16xf32>
      %eq3A_531 = arith.constant 4 : i32
      %eq3A_532 = vector.broadcast %eq3A_531 : i32 to vector<16xi32>
      %eq3A_533 = arith.cmpi eq, %iota3A, %eq3A_532 : vector<16xi32>
      %broadcast_in_dim3A_534 = vector.broadcast %reduce_sum3A_530 : f32 to vector<16xf32>
      %select_n3A_535 = arith.select %eq3A_533, %broadcast_in_dim3A_534, %select_n3A_477 : vector<16xi1>, vector<16xf32>
      %mul3A_536 = arith.mulf %get3A_498, %get3A_498 : vector<16xf32>
      %add3A_537 = arith.addf %add3A_491, %mul3A_536 : vector<16xf32>
      %mul3A_538 = arith.mulf %get3A_510, %get3A_510 : vector<16xf32>
      %add3A_539 = arith.addf %add3A_493, %mul3A_538 : vector<16xf32>
      %mul3A_540 = arith.mulf %get3A_501, %get3A_501 : vector<16xf32>
      %add3A_541 = arith.addf %add3A_537, %mul3A_540 : vector<16xf32>
      %mul3A_542 = arith.mulf %get3A_513, %get3A_513 : vector<16xf32>
      %add3A_543 = arith.addf %add3A_539, %mul3A_542 : vector<16xf32>
      %mul3A_544 = arith.mulf %get3A_504, %get3A_504 : vector<16xf32>
      %add3A_545 = arith.addf %add3A_541, %mul3A_544 : vector<16xf32>
      %mul3A_546 = arith.mulf %get3A_516, %get3A_516 : vector<16xf32>
      %add3A_547 = arith.addf %add3A_543, %mul3A_546 : vector<16xf32>
      %mul3A_548 = arith.mulf %get3A_507, %get3A_507 : vector<16xf32>
      %add3A_549 = arith.addf %add3A_545, %mul3A_548 : vector<16xf32>
      %mul3A_550 = arith.mulf %get3A_519, %get3A_519 : vector<16xf32>
      %add3A_551 = arith.addf %add3A_547, %mul3A_550 : vector<16xf32>
      %add3A_552 = arith.constant 5 : i32
      %add3A_553 = arith.addi %multiple_of3A, %add3A_552 : i32
      %get3A_554 = arith.index_cast %add3A_553 : i32 to index
      %get3A_555 = arith.constant 0 : index
      %get3A_556 = tpu.vector_load %arg10[%get3A_554, %get3A_555] {strides = array<i32>} : memref<512x64xf32, #tpu.memory_space<vmem>>, vector<16xf32>,
      %get3A_557 = arith.index_cast %add3A_553 : i32 to index
      %get3A_558 = arith.constant 16 : index
      %get3A_559 = tpu.vector_load %arg10[%get3A_557, %get3A_558] {strides = array<i32>} : memref<512x64xf32, #tpu.memory_space<vmem>>, vector<16xf32>,
      %get3A_560 = arith.index_cast %add3A_553 : i32 to index
      %get3A_561 = arith.constant 32 : index
      %get3A_562 = tpu.vector_load %arg10[%get3A_560, %get3A_561] {strides = array<i32>} : memref<512x64xf32, #tpu.memory_space<vmem>>, vector<16xf32>,
      %get3A_563 = arith.index_cast %add3A_553 : i32 to index
      %get3A_564 = arith.constant 48 : index
      %get3A_565 = tpu.vector_load %arg10[%get3A_563, %get3A_564] {strides = array<i32>} : memref<512x64xf32, #tpu.memory_space<vmem>>, vector<16xf32>,
      %get3A_566 = arith.index_cast %add3A_553 : i32 to index
      %get3A_567 = arith.constant 0 : index
      %get3A_568 = tpu.vector_load %arg11[%get3A_566, %get3A_567] {strides = array<i32>} : memref<512x64xf32, #tpu.memory_space<vmem>>, vector<16xf32>,
      %get3A_569 = arith.index_cast %add3A_553 : i32 to index
      %get3A_570 = arith.constant 16 : index
      %get3A_571 = tpu.vector_load %arg11[%get3A_569, %get3A_570] {strides = array<i32>} : memref<512x64xf32, #tpu.memory_space<vmem>>, vector<16xf32>,
      %get3A_572 = arith.index_cast %add3A_553 : i32 to index
      %get3A_573 = arith.constant 32 : index
      %get3A_574 = tpu.vector_load %arg11[%get3A_572, %get3A_573] {strides = array<i32>} : memref<512x64xf32, #tpu.memory_space<vmem>>, vector<16xf32>,
      %get3A_575 = arith.index_cast %add3A_553 : i32 to index
      %get3A_576 = arith.constant 48 : index
      %get3A_577 = tpu.vector_load %arg11[%get3A_575, %get3A_576] {strides = array<i32>} : memref<512x64xf32, #tpu.memory_space<vmem>>, vector<16xf32>,
      %mul3A_578 = arith.mulf %get3A_556, %get3A_568 : vector<16xf32>
      %mul3A_579 = arith.mulf %get3A_559, %get3A_571 : vector<16xf32>
      %add3A_580 = arith.addf %mul3A_578, %mul3A_579 : vector<16xf32>
      %mul3A_581 = arith.mulf %get3A_562, %get3A_574 : vector<16xf32>
      %add3A_582 = arith.addf %add3A_580, %mul3A_581 : vector<16xf32>
      %mul3A_583 = arith.mulf %get3A_565, %get3A_577 : vector<16xf32>
      %add3A_584 = arith.addf %add3A_582, %mul3A_583 : vector<16xf32>
      %reduce_sum3A_585 = arith.constant true
      %reduce_sum3A_586 = vector.broadcast %reduce_sum3A_585 : i1 to vector<16xi1>
      %reduce_sum3A_587 = tpu.scan <sum>, %add3A_584 masked %reduce_sum3A_586 : vector<16xf32>, vector<16xi1> -> vector<16xf32>
      %reduce_sum3A_588 = vector.extract %reduce_sum3A_587[15] : f32 from vector<16xf32>
      %eq3A_589 = arith.constant 5 : i32
      %eq3A_590 = vector.broadcast %eq3A_589 : i32 to vector<16xi32>
      %eq3A_591 = arith.cmpi eq, %iota3A, %eq3A_590 : vector<16xi32>
      %broadcast_in_dim3A_592 = vector.broadcast %reduce_sum3A_588 : f32 to vector<16xf32>
      %select_n3A_593 = arith.select %eq3A_591, %broadcast_in_dim3A_592, %select_n3A_535 : vector<16xi1>, vector<16xf32>
      %mul3A_594 = arith.mulf %get3A_556, %get3A_556 : vector<16xf32>
      %add3A_595 = arith.addf %add3A_549, %mul3A_594 : vector<16xf32>
      %mul3A_596 = arith.mulf %get3A_568, %get3A_568 : vector<16xf32>
      %add3A_597 = arith.addf %add3A_551, %mul3A_596 : vector<16xf32>
      %mul3A_598 = arith.mulf %get3A_559, %get3A_559 : vector<16xf32>
      %add3A_599 = arith.addf %add3A_595, %mul3A_598 : vector<16xf32>
      %mul3A_600 = arith.mulf %get3A_571, %get3A_571 : vector<16xf32>
      %add3A_601 = arith.addf %add3A_597, %mul3A_600 : vector<16xf32>
      %mul3A_602 = arith.mulf %get3A_562, %get3A_562 : vector<16xf32>
      %add3A_603 = arith.addf %add3A_599, %mul3A_602 : vector<16xf32>
      %mul3A_604 = arith.mulf %get3A_574, %get3A_574 : vector<16xf32>
      %add3A_605 = arith.addf %add3A_601, %mul3A_604 : vector<16xf32>
      %mul3A_606 = arith.mulf %get3A_565, %get3A_565 : vector<16xf32>
      %add3A_607 = arith.addf %add3A_603, %mul3A_606 : vector<16xf32>
      %mul3A_608 = arith.mulf %get3A_577, %get3A_577 : vector<16xf32>
      %add3A_609 = arith.addf %add3A_605, %mul3A_608 : vector<16xf32>
      %add3A_610 = arith.constant 6 : i32
      %add3A_611 = arith.addi %multiple_of3A, %add3A_610 : i32
      %get3A_612 = arith.index_cast %add3A_611 : i32 to index
      %get3A_613 = arith.constant 0 : index
      %get3A_614 = tpu.vector_load %arg10[%get3A_612, %get3A_613] {strides = array<i32>} : memref<512x64xf32, #tpu.memory_space<vmem>>, vector<16xf32>,
      %get3A_615 = arith.index_cast %add3A_611 : i32 to index
      %get3A_616 = arith.constant 16 : index
      %get3A_617 = tpu.vector_load %arg10[%get3A_615, %get3A_616] {strides = array<i32>} : memref<512x64xf32, #tpu.memory_space<vmem>>, vector<16xf32>,
      %get3A_618 = arith.index_cast %add3A_611 : i32 to index
      %get3A_619 = arith.constant 32 : index
      %get3A_620 = tpu.vector_load %arg10[%get3A_618, %get3A_619] {strides = array<i32>} : memref<512x64xf32, #tpu.memory_space<vmem>>, vector<16xf32>,
      %get3A_621 = arith.index_cast %add3A_611 : i32 to index
      %get3A_622 = arith.constant 48 : index
      %get3A_623 = tpu.vector_load %arg10[%get3A_621, %get3A_622] {strides = array<i32>} : memref<512x64xf32, #tpu.memory_space<vmem>>, vector<16xf32>,
      %get3A_624 = arith.index_cast %add3A_611 : i32 to index
      %get3A_625 = arith.constant 0 : index
      %get3A_626 = tpu.vector_load %arg11[%get3A_624, %get3A_625] {strides = array<i32>} : memref<512x64xf32, #tpu.memory_space<vmem>>, vector<16xf32>,
      %get3A_627 = arith.index_cast %add3A_611 : i32 to index
      %get3A_628 = arith.constant 16 : index
      %get3A_629 = tpu.vector_load %arg11[%get3A_627, %get3A_628] {strides = array<i32>} : memref<512x64xf32, #tpu.memory_space<vmem>>, vector<16xf32>,
      %get3A_630 = arith.index_cast %add3A_611 : i32 to index
      %get3A_631 = arith.constant 32 : index
      %get3A_632 = tpu.vector_load %arg11[%get3A_630, %get3A_631] {strides = array<i32>} : memref<512x64xf32, #tpu.memory_space<vmem>>, vector<16xf32>,
      %get3A_633 = arith.index_cast %add3A_611 : i32 to index
      %get3A_634 = arith.constant 48 : index
      %get3A_635 = tpu.vector_load %arg11[%get3A_633, %get3A_634] {strides = array<i32>} : memref<512x64xf32, #tpu.memory_space<vmem>>, vector<16xf32>,
      %mul3A_636 = arith.mulf %get3A_614, %get3A_626 : vector<16xf32>
      %mul3A_637 = arith.mulf %get3A_617, %get3A_629 : vector<16xf32>
      %add3A_638 = arith.addf %mul3A_636, %mul3A_637 : vector<16xf32>
      %mul3A_639 = arith.mulf %get3A_620, %get3A_632 : vector<16xf32>
      %add3A_640 = arith.addf %add3A_638, %mul3A_639 : vector<16xf32>
      %mul3A_641 = arith.mulf %get3A_623, %get3A_635 : vector<16xf32>
      %add3A_642 = arith.addf %add3A_640, %mul3A_641 : vector<16xf32>
      %reduce_sum3A_643 = arith.constant true
      %reduce_sum3A_644 = vector.broadcast %reduce_sum3A_643 : i1 to vector<16xi1>
      %reduce_sum3A_645 = tpu.scan <sum>, %add3A_642 masked %reduce_sum3A_644 : vector<16xf32>, vector<16xi1> -> vector<16xf32>
      %reduce_sum3A_646 = vector.extract %reduce_sum3A_645[15] : f32 from vector<16xf32>
      %eq3A_647 = arith.constant 6 : i32
      %eq3A_648 = vector.broadcast %eq3A_647 : i32 to vector<16xi32>
      %eq3A_649 = arith.cmpi eq, %iota3A, %eq3A_648 : vector<16xi32>
      %broadcast_in_dim3A_650 = vector.broadcast %reduce_sum3A_646 : f32 to vector<16xf32>
      %select_n3A_651 = arith.select %eq3A_649, %broadcast_in_dim3A_650, %select_n3A_593 : vector<16xi1>, vector<16xf32>
      %mul3A_652 = arith.mulf %get3A_614, %get3A_614 : vector<16xf32>
      %add3A_653 = arith.addf %add3A_607, %mul3A_652 : vector<16xf32>
      %mul3A_654 = arith.mulf %get3A_626, %get3A_626 : vector<16xf32>
      %add3A_655 = arith.addf %add3A_609, %mul3A_654 : vector<16xf32>
      %mul3A_656 = arith.mulf %get3A_617, %get3A_617 : vector<16xf32>
      %add3A_657 = arith.addf %add3A_653, %mul3A_656 : vector<16xf32>
      %mul3A_658 = arith.mulf %get3A_629, %get3A_629 : vector<16xf32>
      %add3A_659 = arith.addf %add3A_655, %mul3A_658 : vector<16xf32>
      %mul3A_660 = arith.mulf %get3A_620, %get3A_620 : vector<16xf32>
      %add3A_661 = arith.addf %add3A_657, %mul3A_660 : vector<16xf32>
      %mul3A_662 = arith.mulf %get3A_632, %get3A_632 : vector<16xf32>
      %add3A_663 = arith.addf %add3A_659, %mul3A_662 : vector<16xf32>
      %mul3A_664 = arith.mulf %get3A_623, %get3A_623 : vector<16xf32>
      %add3A_665 = arith.addf %add3A_661, %mul3A_664 : vector<16xf32>
      %mul3A_666 = arith.mulf %get3A_635, %get3A_635 : vector<16xf32>
      %add3A_667 = arith.addf %add3A_663, %mul3A_666 : vector<16xf32>
      %add3A_668 = arith.constant 7 : i32
      %add3A_669 = arith.addi %multiple_of3A, %add3A_668 : i32
      %get3A_670 = arith.index_cast %add3A_669 : i32 to index
      %get3A_671 = arith.constant 0 : index
      %get3A_672 = tpu.vector_load %arg10[%get3A_670, %get3A_671] {strides = array<i32>} : memref<512x64xf32, #tpu.memory_space<vmem>>, vector<16xf32>,
      %get3A_673 = arith.index_cast %add3A_669 : i32 to index
      %get3A_674 = arith.constant 16 : index
      %get3A_675 = tpu.vector_load %arg10[%get3A_673, %get3A_674] {strides = array<i32>} : memref<512x64xf32, #tpu.memory_space<vmem>>, vector<16xf32>,
      %get3A_676 = arith.index_cast %add3A_669 : i32 to index
      %get3A_677 = arith.constant 32 : index
      %get3A_678 = tpu.vector_load %arg10[%get3A_676, %get3A_677] {strides = array<i32>} : memref<512x64xf32, #tpu.memory_space<vmem>>, vector<16xf32>,
      %get3A_679 = arith.index_cast %add3A_669 : i32 to index
      %get3A_680 = arith.constant 48 : index
      %get3A_681 = tpu.vector_load %arg10[%get3A_679, %get3A_680] {strides = array<i32>} : memref<512x64xf32, #tpu.memory_space<vmem>>, vector<16xf32>,
      %get3A_682 = arith.index_cast %add3A_669 : i32 to index
      %get3A_683 = arith.constant 0 : index
      %get3A_684 = tpu.vector_load %arg11[%get3A_682, %get3A_683] {strides = array<i32>} : memref<512x64xf32, #tpu.memory_space<vmem>>, vector<16xf32>,
      %get3A_685 = arith.index_cast %add3A_669 : i32 to index
      %get3A_686 = arith.constant 16 : index
      %get3A_687 = tpu.vector_load %arg11[%get3A_685, %get3A_686] {strides = array<i32>} : memref<512x64xf32, #tpu.memory_space<vmem>>, vector<16xf32>,
      %get3A_688 = arith.index_cast %add3A_669 : i32 to index
      %get3A_689 = arith.constant 32 : index
      %get3A_690 = tpu.vector_load %arg11[%get3A_688, %get3A_689] {strides = array<i32>} : memref<512x64xf32, #tpu.memory_space<vmem>>, vector<16xf32>,
      %get3A_691 = arith.index_cast %add3A_669 : i32 to index
      %get3A_692 = arith.constant 48 : index
      %get3A_693 = tpu.vector_load %arg11[%get3A_691, %get3A_692] {strides = array<i32>} : memref<512x64xf32, #tpu.memory_space<vmem>>, vector<16xf32>,
      %mul3A_694 = arith.mulf %get3A_672, %get3A_684 : vector<16xf32>
      %mul3A_695 = arith.mulf %get3A_675, %get3A_687 : vector<16xf32>
      %add3A_696 = arith.addf %mul3A_694, %mul3A_695 : vector<16xf32>
      %mul3A_697 = arith.mulf %get3A_678, %get3A_690 : vector<16xf32>
      %add3A_698 = arith.addf %add3A_696, %mul3A_697 : vector<16xf32>
      %mul3A_699 = arith.mulf %get3A_681, %get3A_693 : vector<16xf32>
      %add3A_700 = arith.addf %add3A_698, %mul3A_699 : vector<16xf32>
      %reduce_sum3A_701 = arith.constant true
      %reduce_sum3A_702 = vector.broadcast %reduce_sum3A_701 : i1 to vector<16xi1>
      %reduce_sum3A_703 = tpu.scan <sum>, %add3A_700 masked %reduce_sum3A_702 : vector<16xf32>, vector<16xi1> -> vector<16xf32>
      %reduce_sum3A_704 = vector.extract %reduce_sum3A_703[15] : f32 from vector<16xf32>
      %eq3A_705 = arith.constant 7 : i32
      %eq3A_706 = vector.broadcast %eq3A_705 : i32 to vector<16xi32>
      %eq3A_707 = arith.cmpi eq, %iota3A, %eq3A_706 : vector<16xi32>
      %broadcast_in_dim3A_708 = vector.broadcast %reduce_sum3A_704 : f32 to vector<16xf32>
      %select_n3A_709 = arith.select %eq3A_707, %broadcast_in_dim3A_708, %select_n3A_651 : vector<16xi1>, vector<16xf32>
      %mul3A_710 = arith.mulf %get3A_672, %get3A_672 : vector<16xf32>
      %add3A_711 = arith.addf %add3A_665, %mul3A_710 : vector<16xf32>
      %mul3A_712 = arith.mulf %get3A_684, %get3A_684 : vector<16xf32>
      %add3A_713 = arith.addf %add3A_667, %mul3A_712 : vector<16xf32>
      %mul3A_714 = arith.mulf %get3A_675, %get3A_675 : vector<16xf32>
      %add3A_715 = arith.addf %add3A_711, %mul3A_714 : vector<16xf32>
      %mul3A_716 = arith.mulf %get3A_687, %get3A_687 : vector<16xf32>
      %add3A_717 = arith.addf %add3A_713, %mul3A_716 : vector<16xf32>
      %mul3A_718 = arith.mulf %get3A_678, %get3A_678 : vector<16xf32>
      %add3A_719 = arith.addf %add3A_715, %mul3A_718 : vector<16xf32>
      %mul3A_720 = arith.mulf %get3A_690, %get3A_690 : vector<16xf32>
      %add3A_721 = arith.addf %add3A_717, %mul3A_720 : vector<16xf32>
      %mul3A_722 = arith.mulf %get3A_681, %get3A_681 : vector<16xf32>
      %add3A_723 = arith.addf %add3A_719, %mul3A_722 : vector<16xf32>
      %mul3A_724 = arith.mulf %get3A_693, %get3A_693 : vector<16xf32>
      %add3A_725 = arith.addf %add3A_721, %mul3A_724 : vector<16xf32>
      %add3A_726 = arith.constant 8 : i32
      %add3A_727 = arith.addi %multiple_of3A, %add3A_726 : i32
      %get3A_728 = arith.index_cast %add3A_727 : i32 to index
      %get3A_729 = arith.constant 0 : index
      %get3A_730 = tpu.vector_load %arg10[%get3A_728, %get3A_729] {strides = array<i32>} : memref<512x64xf32, #tpu.memory_space<vmem>>, vector<16xf32>,
      %get3A_731 = arith.index_cast %add3A_727 : i32 to index
      %get3A_732 = arith.constant 16 : index
      %get3A_733 = tpu.vector_load %arg10[%get3A_731, %get3A_732] {strides = array<i32>} : memref<512x64xf32, #tpu.memory_space<vmem>>, vector<16xf32>,
      %get3A_734 = arith.index_cast %add3A_727 : i32 to index
      %get3A_735 = arith.constant 32 : index
      %get3A_736 = tpu.vector_load %arg10[%get3A_734, %get3A_735] {strides = array<i32>} : memref<512x64xf32, #tpu.memory_space<vmem>>, vector<16xf32>,
      %get3A_737 = arith.index_cast %add3A_727 : i32 to index
      %get3A_738 = arith.constant 48 : index
      %get3A_739 = tpu.vector_load %arg10[%get3A_737, %get3A_738] {strides = array<i32>} : memref<512x64xf32, #tpu.memory_space<vmem>>, vector<16xf32>,
      %get3A_740 = arith.index_cast %add3A_727 : i32 to index
      %get3A_741 = arith.constant 0 : index
      %get3A_742 = tpu.vector_load %arg11[%get3A_740, %get3A_741] {strides = array<i32>} : memref<512x64xf32, #tpu.memory_space<vmem>>, vector<16xf32>,
      %get3A_743 = arith.index_cast %add3A_727 : i32 to index
      %get3A_744 = arith.constant 16 : index
      %get3A_745 = tpu.vector_load %arg11[%get3A_743, %get3A_744] {strides = array<i32>} : memref<512x64xf32, #tpu.memory_space<vmem>>, vector<16xf32>,
      %get3A_746 = arith.index_cast %add3A_727 : i32 to index
      %get3A_747 = arith.constant 32 : index
      %get3A_748 = tpu.vector_load %arg11[%get3A_746, %get3A_747] {strides = array<i32>} : memref<512x64xf32, #tpu.memory_space<vmem>>, vector<16xf32>,
      %get3A_749 = arith.index_cast %add3A_727 : i32 to index
      %get3A_750 = arith.constant 48 : index
      %get3A_751 = tpu.vector_load %arg11[%get3A_749, %get3A_750] {strides = array<i32>} : memref<512x64xf32, #tpu.memory_space<vmem>>, vector<16xf32>,
      %mul3A_752 = arith.mulf %get3A_730, %get3A_742 : vector<16xf32>
      %mul3A_753 = arith.mulf %get3A_733, %get3A_745 : vector<16xf32>
      %add3A_754 = arith.addf %mul3A_752, %mul3A_753 : vector<16xf32>
      %mul3A_755 = arith.mulf %get3A_736, %get3A_748 : vector<16xf32>
      %add3A_756 = arith.addf %add3A_754, %mul3A_755 : vector<16xf32>
      %mul3A_757 = arith.mulf %get3A_739, %get3A_751 : vector<16xf32>
      %add3A_758 = arith.addf %add3A_756, %mul3A_757 : vector<16xf32>
      %reduce_sum3A_759 = arith.constant true
      %reduce_sum3A_760 = vector.broadcast %reduce_sum3A_759 : i1 to vector<16xi1>
      %reduce_sum3A_761 = tpu.scan <sum>, %add3A_758 masked %reduce_sum3A_760 : vector<16xf32>, vector<16xi1> -> vector<16xf32>
      %reduce_sum3A_762 = vector.extract %reduce_sum3A_761[15] : f32 from vector<16xf32>
      %eq3A_763 = arith.constant 8 : i32
      %eq3A_764 = vector.broadcast %eq3A_763 : i32 to vector<16xi32>
      %eq3A_765 = arith.cmpi eq, %iota3A, %eq3A_764 : vector<16xi32>
      %broadcast_in_dim3A_766 = vector.broadcast %reduce_sum3A_762 : f32 to vector<16xf32>
      %select_n3A_767 = arith.select %eq3A_765, %broadcast_in_dim3A_766, %select_n3A_709 : vector<16xi1>, vector<16xf32>
      %mul3A_768 = arith.mulf %get3A_730, %get3A_730 : vector<16xf32>
      %add3A_769 = arith.addf %add3A_723, %mul3A_768 : vector<16xf32>
      %mul3A_770 = arith.mulf %get3A_742, %get3A_742 : vector<16xf32>
      %add3A_771 = arith.addf %add3A_725, %mul3A_770 : vector<16xf32>
      %mul3A_772 = arith.mulf %get3A_733, %get3A_733 : vector<16xf32>
      %add3A_773 = arith.addf %add3A_769, %mul3A_772 : vector<16xf32>
      %mul3A_774 = arith.mulf %get3A_745, %get3A_745 : vector<16xf32>
      %add3A_775 = arith.addf %add3A_771, %mul3A_774 : vector<16xf32>
      %mul3A_776 = arith.mulf %get3A_736, %get3A_736 : vector<16xf32>
      %add3A_777 = arith.addf %add3A_773, %mul3A_776 : vector<16xf32>
      %mul3A_778 = arith.mulf %get3A_748, %get3A_748 : vector<16xf32>
      %add3A_779 = arith.addf %add3A_775, %mul3A_778 : vector<16xf32>
      %mul3A_780 = arith.mulf %get3A_739, %get3A_739 : vector<16xf32>
      %add3A_781 = arith.addf %add3A_777, %mul3A_780 : vector<16xf32>
      %mul3A_782 = arith.mulf %get3A_751, %get3A_751 : vector<16xf32>
      %add3A_783 = arith.addf %add3A_779, %mul3A_782 : vector<16xf32>
      %add3A_784 = arith.constant 9 : i32
      %add3A_785 = arith.addi %multiple_of3A, %add3A_784 : i32
      %get3A_786 = arith.index_cast %add3A_785 : i32 to index
      %get3A_787 = arith.constant 0 : index
      %get3A_788 = tpu.vector_load %arg10[%get3A_786, %get3A_787] {strides = array<i32>} : memref<512x64xf32, #tpu.memory_space<vmem>>, vector<16xf32>,
      %get3A_789 = arith.index_cast %add3A_785 : i32 to index
      %get3A_790 = arith.constant 16 : index
      %get3A_791 = tpu.vector_load %arg10[%get3A_789, %get3A_790] {strides = array<i32>} : memref<512x64xf32, #tpu.memory_space<vmem>>, vector<16xf32>,
      %get3A_792 = arith.index_cast %add3A_785 : i32 to index
      %get3A_793 = arith.constant 32 : index
      %get3A_794 = tpu.vector_load %arg10[%get3A_792, %get3A_793] {strides = array<i32>} : memref<512x64xf32, #tpu.memory_space<vmem>>, vector<16xf32>,
      %get3A_795 = arith.index_cast %add3A_785 : i32 to index
      %get3A_796 = arith.constant 48 : index
      %get3A_797 = tpu.vector_load %arg10[%get3A_795, %get3A_796] {strides = array<i32>} : memref<512x64xf32, #tpu.memory_space<vmem>>, vector<16xf32>,
      %get3A_798 = arith.index_cast %add3A_785 : i32 to index
      %get3A_799 = arith.constant 0 : index
      %get3A_800 = tpu.vector_load %arg11[%get3A_798, %get3A_799] {strides = array<i32>} : memref<512x64xf32, #tpu.memory_space<vmem>>, vector<16xf32>,
      %get3A_801 = arith.index_cast %add3A_785 : i32 to index
      %get3A_802 = arith.constant 16 : index
      %get3A_803 = tpu.vector_load %arg11[%get3A_801, %get3A_802] {strides = array<i32>} : memref<512x64xf32, #tpu.memory_space<vmem>>, vector<16xf32>,
      %get3A_804 = arith.index_cast %add3A_785 : i32 to index
      %get3A_805 = arith.constant 32 : index
      %get3A_806 = tpu.vector_load %arg11[%get3A_804, %get3A_805] {strides = array<i32>} : memref<512x64xf32, #tpu.memory_space<vmem>>, vector<16xf32>,
      %get3A_807 = arith.index_cast %add3A_785 : i32 to index
      %get3A_808 = arith.constant 48 : index
      %get3A_809 = tpu.vector_load %arg11[%get3A_807, %get3A_808] {strides = array<i32>} : memref<512x64xf32, #tpu.memory_space<vmem>>, vector<16xf32>,
      %mul3A_810 = arith.mulf %get3A_788, %get3A_800 : vector<16xf32>
      %mul3A_811 = arith.mulf %get3A_791, %get3A_803 : vector<16xf32>
      %add3A_812 = arith.addf %mul3A_810, %mul3A_811 : vector<16xf32>
      %mul3A_813 = arith.mulf %get3A_794, %get3A_806 : vector<16xf32>
      %add3A_814 = arith.addf %add3A_812, %mul3A_813 : vector<16xf32>
      %mul3A_815 = arith.mulf %get3A_797, %get3A_809 : vector<16xf32>
      %add3A_816 = arith.addf %add3A_814, %mul3A_815 : vector<16xf32>
      %reduce_sum3A_817 = arith.constant true
      %reduce_sum3A_818 = vector.broadcast %reduce_sum3A_817 : i1 to vector<16xi1>
      %reduce_sum3A_819 = tpu.scan <sum>, %add3A_816 masked %reduce_sum3A_818 : vector<16xf32>, vector<16xi1> -> vector<16xf32>
      %reduce_sum3A_820 = vector.extract %reduce_sum3A_819[15] : f32 from vector<16xf32>
      %eq3A_821 = arith.constant 9 : i32
      %eq3A_822 = vector.broadcast %eq3A_821 : i32 to vector<16xi32>
      %eq3A_823 = arith.cmpi eq, %iota3A, %eq3A_822 : vector<16xi32>
      %broadcast_in_dim3A_824 = vector.broadcast %reduce_sum3A_820 : f32 to vector<16xf32>
      %select_n3A_825 = arith.select %eq3A_823, %broadcast_in_dim3A_824, %select_n3A_767 : vector<16xi1>, vector<16xf32>
      %mul3A_826 = arith.mulf %get3A_788, %get3A_788 : vector<16xf32>
      %add3A_827 = arith.addf %add3A_781, %mul3A_826 : vector<16xf32>
      %mul3A_828 = arith.mulf %get3A_800, %get3A_800 : vector<16xf32>
      %add3A_829 = arith.addf %add3A_783, %mul3A_828 : vector<16xf32>
      %mul3A_830 = arith.mulf %get3A_791, %get3A_791 : vector<16xf32>
      %add3A_831 = arith.addf %add3A_827, %mul3A_830 : vector<16xf32>
      %mul3A_832 = arith.mulf %get3A_803, %get3A_803 : vector<16xf32>
      %add3A_833 = arith.addf %add3A_829, %mul3A_832 : vector<16xf32>
      %mul3A_834 = arith.mulf %get3A_794, %get3A_794 : vector<16xf32>
      %add3A_835 = arith.addf %add3A_831, %mul3A_834 : vector<16xf32>
      %mul3A_836 = arith.mulf %get3A_806, %get3A_806 : vector<16xf32>
      %add3A_837 = arith.addf %add3A_833, %mul3A_836 : vector<16xf32>
      %mul3A_838 = arith.mulf %get3A_797, %get3A_797 : vector<16xf32>
      %add3A_839 = arith.addf %add3A_835, %mul3A_838 : vector<16xf32>
      %mul3A_840 = arith.mulf %get3A_809, %get3A_809 : vector<16xf32>
      %add3A_841 = arith.addf %add3A_837, %mul3A_840 : vector<16xf32>
      %add3A_842 = arith.constant 10 : i32
      %add3A_843 = arith.addi %multiple_of3A, %add3A_842 : i32
      %get3A_844 = arith.index_cast %add3A_843 : i32 to index
      %get3A_845 = arith.constant 0 : index
      %get3A_846 = tpu.vector_load %arg10[%get3A_844, %get3A_845] {strides = array<i32>} : memref<512x64xf32, #tpu.memory_space<vmem>>, vector<16xf32>,
      %get3A_847 = arith.index_cast %add3A_843 : i32 to index
      %get3A_848 = arith.constant 16 : index
      %get3A_849 = tpu.vector_load %arg10[%get3A_847, %get3A_848] {strides = array<i32>} : memref<512x64xf32, #tpu.memory_space<vmem>>, vector<16xf32>,
      %get3A_850 = arith.index_cast %add3A_843 : i32 to index
      %get3A_851 = arith.constant 32 : index
      %get3A_852 = tpu.vector_load %arg10[%get3A_850, %get3A_851] {strides = array<i32>} : memref<512x64xf32, #tpu.memory_space<vmem>>, vector<16xf32>,
      %get3A_853 = arith.index_cast %add3A_843 : i32 to index
      %get3A_854 = arith.constant 48 : index
      %get3A_855 = tpu.vector_load %arg10[%get3A_853, %get3A_854] {strides = array<i32>} : memref<512x64xf32, #tpu.memory_space<vmem>>, vector<16xf32>,
      %get3A_856 = arith.index_cast %add3A_843 : i32 to index
      %get3A_857 = arith.constant 0 : index
      %get3A_858 = tpu.vector_load %arg11[%get3A_856, %get3A_857] {strides = array<i32>} : memref<512x64xf32, #tpu.memory_space<vmem>>, vector<16xf32>,
      %get3A_859 = arith.index_cast %add3A_843 : i32 to index
      %get3A_860 = arith.constant 16 : index
      %get3A_861 = tpu.vector_load %arg11[%get3A_859, %get3A_860] {strides = array<i32>} : memref<512x64xf32, #tpu.memory_space<vmem>>, vector<16xf32>,
      %get3A_862 = arith.index_cast %add3A_843 : i32 to index
      %get3A_863 = arith.constant 32 : index
      %get3A_864 = tpu.vector_load %arg11[%get3A_862, %get3A_863] {strides = array<i32>} : memref<512x64xf32, #tpu.memory_space<vmem>>, vector<16xf32>,
      %get3A_865 = arith.index_cast %add3A_843 : i32 to index
      %get3A_866 = arith.constant 48 : index
      %get3A_867 = tpu.vector_load %arg11[%get3A_865, %get3A_866] {strides = array<i32>} : memref<512x64xf32, #tpu.memory_space<vmem>>, vector<16xf32>,
      %mul3A_868 = arith.mulf %get3A_846, %get3A_858 : vector<16xf32>
      %mul3A_869 = arith.mulf %get3A_849, %get3A_861 : vector<16xf32>
      %add3A_870 = arith.addf %mul3A_868, %mul3A_869 : vector<16xf32>
      %mul3A_871 = arith.mulf %get3A_852, %get3A_864 : vector<16xf32>
      %add3A_872 = arith.addf %add3A_870, %mul3A_871 : vector<16xf32>
      %mul3A_873 = arith.mulf %get3A_855, %get3A_867 : vector<16xf32>
      %add3A_874 = arith.addf %add3A_872, %mul3A_873 : vector<16xf32>
      %reduce_sum3A_875 = arith.constant true
      %reduce_sum3A_876 = vector.broadcast %reduce_sum3A_875 : i1 to vector<16xi1>
      %reduce_sum3A_877 = tpu.scan <sum>, %add3A_874 masked %reduce_sum3A_876 : vector<16xf32>, vector<16xi1> -> vector<16xf32>
      %reduce_sum3A_878 = vector.extract %reduce_sum3A_877[15] : f32 from vector<16xf32>
      %eq3A_879 = arith.constant 10 : i32
      %eq3A_880 = vector.broadcast %eq3A_879 : i32 to vector<16xi32>
      %eq3A_881 = arith.cmpi eq, %iota3A, %eq3A_880 : vector<16xi32>
      %broadcast_in_dim3A_882 = vector.broadcast %reduce_sum3A_878 : f32 to vector<16xf32>
      %select_n3A_883 = arith.select %eq3A_881, %broadcast_in_dim3A_882, %select_n3A_825 : vector<16xi1>, vector<16xf32>
      %mul3A_884 = arith.mulf %get3A_846, %get3A_846 : vector<16xf32>
      %add3A_885 = arith.addf %add3A_839, %mul3A_884 : vector<16xf32>
      %mul3A_886 = arith.mulf %get3A_858, %get3A_858 : vector<16xf32>
      %add3A_887 = arith.addf %add3A_841, %mul3A_886 : vector<16xf32>
      %mul3A_888 = arith.mulf %get3A_849, %get3A_849 : vector<16xf32>
      %add3A_889 = arith.addf %add3A_885, %mul3A_888 : vector<16xf32>
      %mul3A_890 = arith.mulf %get3A_861, %get3A_861 : vector<16xf32>
      %add3A_891 = arith.addf %add3A_887, %mul3A_890 : vector<16xf32>
      %mul3A_892 = arith.mulf %get3A_852, %get3A_852 : vector<16xf32>
      %add3A_893 = arith.addf %add3A_889, %mul3A_892 : vector<16xf32>
      %mul3A_894 = arith.mulf %get3A_864, %get3A_864 : vector<16xf32>
      %add3A_895 = arith.addf %add3A_891, %mul3A_894 : vector<16xf32>
      %mul3A_896 = arith.mulf %get3A_855, %get3A_855 : vector<16xf32>
      %add3A_897 = arith.addf %add3A_893, %mul3A_896 : vector<16xf32>
      %mul3A_898 = arith.mulf %get3A_867, %get3A_867 : vector<16xf32>
      %add3A_899 = arith.addf %add3A_895, %mul3A_898 : vector<16xf32>
      %add3A_900 = arith.constant 11 : i32
      %add3A_901 = arith.addi %multiple_of3A, %add3A_900 : i32
      %get3A_902 = arith.index_cast %add3A_901 : i32 to index
      %get3A_903 = arith.constant 0 : index
      %get3A_904 = tpu.vector_load %arg10[%get3A_902, %get3A_903] {strides = array<i32>} : memref<512x64xf32, #tpu.memory_space<vmem>>, vector<16xf32>,
      %get3A_905 = arith.index_cast %add3A_901 : i32 to index
      %get3A_906 = arith.constant 16 : index
      %get3A_907 = tpu.vector_load %arg10[%get3A_905, %get3A_906] {strides = array<i32>} : memref<512x64xf32, #tpu.memory_space<vmem>>, vector<16xf32>,
      %get3A_908 = arith.index_cast %add3A_901 : i32 to index
      %get3A_909 = arith.constant 32 : index
      %get3A_910 = tpu.vector_load %arg10[%get3A_908, %get3A_909] {strides = array<i32>} : memref<512x64xf32, #tpu.memory_space<vmem>>, vector<16xf32>,
      %get3A_911 = arith.index_cast %add3A_901 : i32 to index
      %get3A_912 = arith.constant 48 : index
      %get3A_913 = tpu.vector_load %arg10[%get3A_911, %get3A_912] {strides = array<i32>} : memref<512x64xf32, #tpu.memory_space<vmem>>, vector<16xf32>,
      %get3A_914 = arith.index_cast %add3A_901 : i32 to index
      %get3A_915 = arith.constant 0 : index
      %get3A_916 = tpu.vector_load %arg11[%get3A_914, %get3A_915] {strides = array<i32>} : memref<512x64xf32, #tpu.memory_space<vmem>>, vector<16xf32>,
      %get3A_917 = arith.index_cast %add3A_901 : i32 to index
      %get3A_918 = arith.constant 16 : index
      %get3A_919 = tpu.vector_load %arg11[%get3A_917, %get3A_918] {strides = array<i32>} : memref<512x64xf32, #tpu.memory_space<vmem>>, vector<16xf32>,
      %get3A_920 = arith.index_cast %add3A_901 : i32 to index
      %get3A_921 = arith.constant 32 : index
      %get3A_922 = tpu.vector_load %arg11[%get3A_920, %get3A_921] {strides = array<i32>} : memref<512x64xf32, #tpu.memory_space<vmem>>, vector<16xf32>,
      %get3A_923 = arith.index_cast %add3A_901 : i32 to index
      %get3A_924 = arith.constant 48 : index
      %get3A_925 = tpu.vector_load %arg11[%get3A_923, %get3A_924] {strides = array<i32>} : memref<512x64xf32, #tpu.memory_space<vmem>>, vector<16xf32>,
      %mul3A_926 = arith.mulf %get3A_904, %get3A_916 : vector<16xf32>
      %mul3A_927 = arith.mulf %get3A_907, %get3A_919 : vector<16xf32>
      %add3A_928 = arith.addf %mul3A_926, %mul3A_927 : vector<16xf32>
      %mul3A_929 = arith.mulf %get3A_910, %get3A_922 : vector<16xf32>
      %add3A_930 = arith.addf %add3A_928, %mul3A_929 : vector<16xf32>
      %mul3A_931 = arith.mulf %get3A_913, %get3A_925 : vector<16xf32>
      %add3A_932 = arith.addf %add3A_930, %mul3A_931 : vector<16xf32>
      %reduce_sum3A_933 = arith.constant true
      %reduce_sum3A_934 = vector.broadcast %reduce_sum3A_933 : i1 to vector<16xi1>
      %reduce_sum3A_935 = tpu.scan <sum>, %add3A_932 masked %reduce_sum3A_934 : vector<16xf32>, vector<16xi1> -> vector<16xf32>
      %reduce_sum3A_936 = vector.extract %reduce_sum3A_935[15] : f32 from vector<16xf32>
      %eq3A_937 = arith.constant 11 : i32
      %eq3A_938 = vector.broadcast %eq3A_937 : i32 to vector<16xi32>
      %eq3A_939 = arith.cmpi eq, %iota3A, %eq3A_938 : vector<16xi32>
      %broadcast_in_dim3A_940 = vector.broadcast %reduce_sum3A_936 : f32 to vector<16xf32>
      %select_n3A_941 = arith.select %eq3A_939, %broadcast_in_dim3A_940, %select_n3A_883 : vector<16xi1>, vector<16xf32>
      %mul3A_942 = arith.mulf %get3A_904, %get3A_904 : vector<16xf32>
      %add3A_943 = arith.addf %add3A_897, %mul3A_942 : vector<16xf32>
      %mul3A_944 = arith.mulf %get3A_916, %get3A_916 : vector<16xf32>
      %add3A_945 = arith.addf %add3A_899, %mul3A_944 : vector<16xf32>
      %mul3A_946 = arith.mulf %get3A_907, %get3A_907 : vector<16xf32>
      %add3A_947 = arith.addf %add3A_943, %mul3A_946 : vector<16xf32>
      %mul3A_948 = arith.mulf %get3A_919, %get3A_919 : vector<16xf32>
      %add3A_949 = arith.addf %add3A_945, %mul3A_948 : vector<16xf32>
      %mul3A_950 = arith.mulf %get3A_910, %get3A_910 : vector<16xf32>
      %add3A_951 = arith.addf %add3A_947, %mul3A_950 : vector<16xf32>
      %mul3A_952 = arith.mulf %get3A_922, %get3A_922 : vector<16xf32>
      %add3A_953 = arith.addf %add3A_949, %mul3A_952 : vector<16xf32>
      %mul3A_954 = arith.mulf %get3A_913, %get3A_913 : vector<16xf32>
      %add3A_955 = arith.addf %add3A_951, %mul3A_954 : vector<16xf32>
      %mul3A_956 = arith.mulf %get3A_925, %get3A_925 : vector<16xf32>
      %add3A_957 = arith.addf %add3A_953, %mul3A_956 : vector<16xf32>
      %add3A_958 = arith.constant 12 : i32
      %add3A_959 = arith.addi %multiple_of3A, %add3A_958 : i32
      %get3A_960 = arith.index_cast %add3A_959 : i32 to index
      %get3A_961 = arith.constant 0 : index
      %get3A_962 = tpu.vector_load %arg10[%get3A_960, %get3A_961] {strides = array<i32>} : memref<512x64xf32, #tpu.memory_space<vmem>>, vector<16xf32>,
      %get3A_963 = arith.index_cast %add3A_959 : i32 to index
      %get3A_964 = arith.constant 16 : index
      %get3A_965 = tpu.vector_load %arg10[%get3A_963, %get3A_964] {strides = array<i32>} : memref<512x64xf32, #tpu.memory_space<vmem>>, vector<16xf32>,
      %get3A_966 = arith.index_cast %add3A_959 : i32 to index
      %get3A_967 = arith.constant 32 : index
      %get3A_968 = tpu.vector_load %arg10[%get3A_966, %get3A_967] {strides = array<i32>} : memref<512x64xf32, #tpu.memory_space<vmem>>, vector<16xf32>,
      %get3A_969 = arith.index_cast %add3A_959 : i32 to index
      %get3A_970 = arith.constant 48 : index
      %get3A_971 = tpu.vector_load %arg10[%get3A_969, %get3A_970] {strides = array<i32>} : memref<512x64xf32, #tpu.memory_space<vmem>>, vector<16xf32>,
      %get3A_972 = arith.index_cast %add3A_959 : i32 to index
      %get3A_973 = arith.constant 0 : index
      %get3A_974 = tpu.vector_load %arg11[%get3A_972, %get3A_973] {strides = array<i32>} : memref<512x64xf32, #tpu.memory_space<vmem>>, vector<16xf32>,
      %get3A_975 = arith.index_cast %add3A_959 : i32 to index
      %get3A_976 = arith.constant 16 : index
      %get3A_977 = tpu.vector_load %arg11[%get3A_975, %get3A_976] {strides = array<i32>} : memref<512x64xf32, #tpu.memory_space<vmem>>, vector<16xf32>,
      %get3A_978 = arith.index_cast %add3A_959 : i32 to index
      %get3A_979 = arith.constant 32 : index
      %get3A_980 = tpu.vector_load %arg11[%get3A_978, %get3A_979] {strides = array<i32>} : memref<512x64xf32, #tpu.memory_space<vmem>>, vector<16xf32>,
      %get3A_981 = arith.index_cast %add3A_959 : i32 to index
      %get3A_982 = arith.constant 48 : index
      %get3A_983 = tpu.vector_load %arg11[%get3A_981, %get3A_982] {strides = array<i32>} : memref<512x64xf32, #tpu.memory_space<vmem>>, vector<16xf32>,
      %mul3A_984 = arith.mulf %get3A_962, %get3A_974 : vector<16xf32>
      %mul3A_985 = arith.mulf %get3A_965, %get3A_977 : vector<16xf32>
      %add3A_986 = arith.addf %mul3A_984, %mul3A_985 : vector<16xf32>
      %mul3A_987 = arith.mulf %get3A_968, %get3A_980 : vector<16xf32>
      %add3A_988 = arith.addf %add3A_986, %mul3A_987 : vector<16xf32>
      %mul3A_989 = arith.mulf %get3A_971, %get3A_983 : vector<16xf32>
      %add3A_990 = arith.addf %add3A_988, %mul3A_989 : vector<16xf32>
      %reduce_sum3A_991 = arith.constant true
      %reduce_sum3A_992 = vector.broadcast %reduce_sum3A_991 : i1 to vector<16xi1>
      %reduce_sum3A_993 = tpu.scan <sum>, %add3A_990 masked %reduce_sum3A_992 : vector<16xf32>, vector<16xi1> -> vector<16xf32>
      %reduce_sum3A_994 = vector.extract %reduce_sum3A_993[15] : f32 from vector<16xf32>
      %eq3A_995 = arith.constant 12 : i32
      %eq3A_996 = vector.broadcast %eq3A_995 : i32 to vector<16xi32>
      %eq3A_997 = arith.cmpi eq, %iota3A, %eq3A_996 : vector<16xi32>
      %broadcast_in_dim3A_998 = vector.broadcast %reduce_sum3A_994 : f32 to vector<16xf32>
      %select_n3A_999 = arith.select %eq3A_997, %broadcast_in_dim3A_998, %select_n3A_941 : vector<16xi1>, vector<16xf32>
      %mul3A_1000 = arith.mulf %get3A_962, %get3A_962 : vector<16xf32>
      %add3A_1001 = arith.addf %add3A_955, %mul3A_1000 : vector<16xf32>
      %mul3A_1002 = arith.mulf %get3A_974, %get3A_974 : vector<16xf32>
      %add3A_1003 = arith.addf %add3A_957, %mul3A_1002 : vector<16xf32>
      %mul3A_1004 = arith.mulf %get3A_965, %get3A_965 : vector<16xf32>
      %add3A_1005 = arith.addf %add3A_1001, %mul3A_1004 : vector<16xf32>
      %mul3A_1006 = arith.mulf %get3A_977, %get3A_977 : vector<16xf32>
      %add3A_1007 = arith.addf %add3A_1003, %mul3A_1006 : vector<16xf32>
      %mul3A_1008 = arith.mulf %get3A_968, %get3A_968 : vector<16xf32>
      %add3A_1009 = arith.addf %add3A_1005, %mul3A_1008 : vector<16xf32>
      %mul3A_1010 = arith.mulf %get3A_980, %get3A_980 : vector<16xf32>
      %add3A_1011 = arith.addf %add3A_1007, %mul3A_1010 : vector<16xf32>
      %mul3A_1012 = arith.mulf %get3A_971, %get3A_971 : vector<16xf32>
      %add3A_1013 = arith.addf %add3A_1009, %mul3A_1012 : vector<16xf32>
      %mul3A_1014 = arith.mulf %get3A_983, %get3A_983 : vector<16xf32>
      %add3A_1015 = arith.addf %add3A_1011, %mul3A_1014 : vector<16xf32>
      %add3A_1016 = arith.constant 13 : i32
      %add3A_1017 = arith.addi %multiple_of3A, %add3A_1016 : i32
      %get3A_1018 = arith.index_cast %add3A_1017 : i32 to index
      %get3A_1019 = arith.constant 0 : index
      %get3A_1020 = tpu.vector_load %arg10[%get3A_1018, %get3A_1019] {strides = array<i32>} : memref<512x64xf32, #tpu.memory_space<vmem>>, vector<16xf32>,
      %get3A_1021 = arith.index_cast %add3A_1017 : i32 to index
      %get3A_1022 = arith.constant 16 : index
      %get3A_1023 = tpu.vector_load %arg10[%get3A_1021, %get3A_1022] {strides = array<i32>} : memref<512x64xf32, #tpu.memory_space<vmem>>, vector<16xf32>,
      %get3A_1024 = arith.index_cast %add3A_1017 : i32 to index
      %get3A_1025 = arith.constant 32 : index
      %get3A_1026 = tpu.vector_load %arg10[%get3A_1024, %get3A_1025] {strides = array<i32>} : memref<512x64xf32, #tpu.memory_space<vmem>>, vector<16xf32>,
      %get3A_1027 = arith.index_cast %add3A_1017 : i32 to index
      %get3A_1028 = arith.constant 48 : index
      %get3A_1029 = tpu.vector_load %arg10[%get3A_1027, %get3A_1028] {strides = array<i32>} : memref<512x64xf32, #tpu.memory_space<vmem>>, vector<16xf32>,
      %get3A_1030 = arith.index_cast %add3A_1017 : i32 to index
      %get3A_1031 = arith.constant 0 : index
      %get3A_1032 = tpu.vector_load %arg11[%get3A_1030, %get3A_1031] {strides = array<i32>} : memref<512x64xf32, #tpu.memory_space<vmem>>, vector<16xf32>,
      %get3A_1033 = arith.index_cast %add3A_1017 : i32 to index
      %get3A_1034 = arith.constant 16 : index
      %get3A_1035 = tpu.vector_load %arg11[%get3A_1033, %get3A_1034] {strides = array<i32>} : memref<512x64xf32, #tpu.memory_space<vmem>>, vector<16xf32>,
      %get3A_1036 = arith.index_cast %add3A_1017 : i32 to index
      %get3A_1037 = arith.constant 32 : index
      %get3A_1038 = tpu.vector_load %arg11[%get3A_1036, %get3A_1037] {strides = array<i32>} : memref<512x64xf32, #tpu.memory_space<vmem>>, vector<16xf32>,
      %get3A_1039 = arith.index_cast %add3A_1017 : i32 to index
      %get3A_1040 = arith.constant 48 : index
      %get3A_1041 = tpu.vector_load %arg11[%get3A_1039, %get3A_1040] {strides = array<i32>} : memref<512x64xf32, #tpu.memory_space<vmem>>, vector<16xf32>,
      %mul3A_1042 = arith.mulf %get3A_1020, %get3A_1032 : vector<16xf32>
      %mul3A_1043 = arith.mulf %get3A_1023, %get3A_1035 : vector<16xf32>
      %add3A_1044 = arith.addf %mul3A_1042, %mul3A_1043 : vector<16xf32>
      %mul3A_1045 = arith.mulf %get3A_1026, %get3A_1038 : vector<16xf32>
      %add3A_1046 = arith.addf %add3A_1044, %mul3A_1045 : vector<16xf32>
      %mul3A_1047 = arith.mulf %get3A_1029, %get3A_1041 : vector<16xf32>
      %add3A_1048 = arith.addf %add3A_1046, %mul3A_1047 : vector<16xf32>
      %reduce_sum3A_1049 = arith.constant true
      %reduce_sum3A_1050 = vector.broadcast %reduce_sum3A_1049 : i1 to vector<16xi1>
      %reduce_sum3A_1051 = tpu.scan <sum>, %add3A_1048 masked %reduce_sum3A_1050 : vector<16xf32>, vector<16xi1> -> vector<16xf32>
      %reduce_sum3A_1052 = vector.extract %reduce_sum3A_1051[15] : f32 from vector<16xf32>
      %eq3A_1053 = arith.constant 13 : i32
      %eq3A_1054 = vector.broadcast %eq3A_1053 : i32 to vector<16xi32>
      %eq3A_1055 = arith.cmpi eq, %iota3A, %eq3A_1054 : vector<16xi32>
      %broadcast_in_dim3A_1056 = vector.broadcast %reduce_sum3A_1052 : f32 to vector<16xf32>
      %select_n3A_1057 = arith.select %eq3A_1055, %broadcast_in_dim3A_1056, %select_n3A_999 : vector<16xi1>, vector<16xf32>
      %mul3A_1058 = arith.mulf %get3A_1020, %get3A_1020 : vector<16xf32>
      %add3A_1059 = arith.addf %add3A_1013, %mul3A_1058 : vector<16xf32>
      %mul3A_1060 = arith.mulf %get3A_1032, %get3A_1032 : vector<16xf32>
      %add3A_1061 = arith.addf %add3A_1015, %mul3A_1060 : vector<16xf32>
      %mul3A_1062 = arith.mulf %get3A_1023, %get3A_1023 : vector<16xf32>
      %add3A_1063 = arith.addf %add3A_1059, %mul3A_1062 : vector<16xf32>
      %mul3A_1064 = arith.mulf %get3A_1035, %get3A_1035 : vector<16xf32>
      %add3A_1065 = arith.addf %add3A_1061, %mul3A_1064 : vector<16xf32>
      %mul3A_1066 = arith.mulf %get3A_1026, %get3A_1026 : vector<16xf32>
      %add3A_1067 = arith.addf %add3A_1063, %mul3A_1066 : vector<16xf32>
      %mul3A_1068 = arith.mulf %get3A_1038, %get3A_1038 : vector<16xf32>
      %add3A_1069 = arith.addf %add3A_1065, %mul3A_1068 : vector<16xf32>
      %mul3A_1070 = arith.mulf %get3A_1029, %get3A_1029 : vector<16xf32>
      %add3A_1071 = arith.addf %add3A_1067, %mul3A_1070 : vector<16xf32>
      %mul3A_1072 = arith.mulf %get3A_1041, %get3A_1041 : vector<16xf32>
      %add3A_1073 = arith.addf %add3A_1069, %mul3A_1072 : vector<16xf32>
      %add3A_1074 = arith.constant 14 : i32
      %add3A_1075 = arith.addi %multiple_of3A, %add3A_1074 : i32
      %get3A_1076 = arith.index_cast %add3A_1075 : i32 to index
      %get3A_1077 = arith.constant 0 : index
      %get3A_1078 = tpu.vector_load %arg10[%get3A_1076, %get3A_1077] {strides = array<i32>} : memref<512x64xf32, #tpu.memory_space<vmem>>, vector<16xf32>,
      %get3A_1079 = arith.index_cast %add3A_1075 : i32 to index
      %get3A_1080 = arith.constant 16 : index
      %get3A_1081 = tpu.vector_load %arg10[%get3A_1079, %get3A_1080] {strides = array<i32>} : memref<512x64xf32, #tpu.memory_space<vmem>>, vector<16xf32>,
      %get3A_1082 = arith.index_cast %add3A_1075 : i32 to index
      %get3A_1083 = arith.constant 32 : index
      %get3A_1084 = tpu.vector_load %arg10[%get3A_1082, %get3A_1083] {strides = array<i32>} : memref<512x64xf32, #tpu.memory_space<vmem>>, vector<16xf32>,
      %get3A_1085 = arith.index_cast %add3A_1075 : i32 to index
      %get3A_1086 = arith.constant 48 : index
      %get3A_1087 = tpu.vector_load %arg10[%get3A_1085, %get3A_1086] {strides = array<i32>} : memref<512x64xf32, #tpu.memory_space<vmem>>, vector<16xf32>,
      %get3A_1088 = arith.index_cast %add3A_1075 : i32 to index
      %get3A_1089 = arith.constant 0 : index
      %get3A_1090 = tpu.vector_load %arg11[%get3A_1088, %get3A_1089] {strides = array<i32>} : memref<512x64xf32, #tpu.memory_space<vmem>>, vector<16xf32>,
      %get3A_1091 = arith.index_cast %add3A_1075 : i32 to index
      %get3A_1092 = arith.constant 16 : index
      %get3A_1093 = tpu.vector_load %arg11[%get3A_1091, %get3A_1092] {strides = array<i32>} : memref<512x64xf32, #tpu.memory_space<vmem>>, vector<16xf32>,
      %get3A_1094 = arith.index_cast %add3A_1075 : i32 to index
      %get3A_1095 = arith.constant 32 : index
      %get3A_1096 = tpu.vector_load %arg11[%get3A_1094, %get3A_1095] {strides = array<i32>} : memref<512x64xf32, #tpu.memory_space<vmem>>, vector<16xf32>,
      %get3A_1097 = arith.index_cast %add3A_1075 : i32 to index
      %get3A_1098 = arith.constant 48 : index
      %get3A_1099 = tpu.vector_load %arg11[%get3A_1097, %get3A_1098] {strides = array<i32>} : memref<512x64xf32, #tpu.memory_space<vmem>>, vector<16xf32>,
      %mul3A_1100 = arith.mulf %get3A_1078, %get3A_1090 : vector<16xf32>
      %mul3A_1101 = arith.mulf %get3A_1081, %get3A_1093 : vector<16xf32>
      %add3A_1102 = arith.addf %mul3A_1100, %mul3A_1101 : vector<16xf32>
      %mul3A_1103 = arith.mulf %get3A_1084, %get3A_1096 : vector<16xf32>
      %add3A_1104 = arith.addf %add3A_1102, %mul3A_1103 : vector<16xf32>
      %mul3A_1105 = arith.mulf %get3A_1087, %get3A_1099 : vector<16xf32>
      %add3A_1106 = arith.addf %add3A_1104, %mul3A_1105 : vector<16xf32>
      %reduce_sum3A_1107 = arith.constant true
      %reduce_sum3A_1108 = vector.broadcast %reduce_sum3A_1107 : i1 to vector<16xi1>
      %reduce_sum3A_1109 = tpu.scan <sum>, %add3A_1106 masked %reduce_sum3A_1108 : vector<16xf32>, vector<16xi1> -> vector<16xf32>
      %reduce_sum3A_1110 = vector.extract %reduce_sum3A_1109[15] : f32 from vector<16xf32>
      %eq3A_1111 = arith.constant 14 : i32
      %eq3A_1112 = vector.broadcast %eq3A_1111 : i32 to vector<16xi32>
      %eq3A_1113 = arith.cmpi eq, %iota3A, %eq3A_1112 : vector<16xi32>
      %broadcast_in_dim3A_1114 = vector.broadcast %reduce_sum3A_1110 : f32 to vector<16xf32>
      %select_n3A_1115 = arith.select %eq3A_1113, %broadcast_in_dim3A_1114, %select_n3A_1057 : vector<16xi1>, vector<16xf32>
      %mul3A_1116 = arith.mulf %get3A_1078, %get3A_1078 : vector<16xf32>
      %add3A_1117 = arith.addf %add3A_1071, %mul3A_1116 : vector<16xf32>
      %mul3A_1118 = arith.mulf %get3A_1090, %get3A_1090 : vector<16xf32>
      %add3A_1119 = arith.addf %add3A_1073, %mul3A_1118 : vector<16xf32>
      %mul3A_1120 = arith.mulf %get3A_1081, %get3A_1081 : vector<16xf32>
      %add3A_1121 = arith.addf %add3A_1117, %mul3A_1120 : vector<16xf32>
      %mul3A_1122 = arith.mulf %get3A_1093, %get3A_1093 : vector<16xf32>
      %add3A_1123 = arith.addf %add3A_1119, %mul3A_1122 : vector<16xf32>
      %mul3A_1124 = arith.mulf %get3A_1084, %get3A_1084 : vector<16xf32>
      %add3A_1125 = arith.addf %add3A_1121, %mul3A_1124 : vector<16xf32>
      %mul3A_1126 = arith.mulf %get3A_1096, %get3A_1096 : vector<16xf32>
      %add3A_1127 = arith.addf %add3A_1123, %mul3A_1126 : vector<16xf32>
      %mul3A_1128 = arith.mulf %get3A_1087, %get3A_1087 : vector<16xf32>
      %add3A_1129 = arith.addf %add3A_1125, %mul3A_1128 : vector<16xf32>
      %mul3A_1130 = arith.mulf %get3A_1099, %get3A_1099 : vector<16xf32>
      %add3A_1131 = arith.addf %add3A_1127, %mul3A_1130 : vector<16xf32>
      %add3A_1132 = arith.constant 15 : i32
      %add3A_1133 = arith.addi %multiple_of3A, %add3A_1132 : i32
      %get3A_1134 = arith.index_cast %add3A_1133 : i32 to index
      %get3A_1135 = arith.constant 0 : index
      %get3A_1136 = tpu.vector_load %arg10[%get3A_1134, %get3A_1135] {strides = array<i32>} : memref<512x64xf32, #tpu.memory_space<vmem>>, vector<16xf32>,
      %get3A_1137 = arith.index_cast %add3A_1133 : i32 to index
      %get3A_1138 = arith.constant 16 : index
      %get3A_1139 = tpu.vector_load %arg10[%get3A_1137, %get3A_1138] {strides = array<i32>} : memref<512x64xf32, #tpu.memory_space<vmem>>, vector<16xf32>,
      %get3A_1140 = arith.index_cast %add3A_1133 : i32 to index
      %get3A_1141 = arith.constant 32 : index
      %get3A_1142 = tpu.vector_load %arg10[%get3A_1140, %get3A_1141] {strides = array<i32>} : memref<512x64xf32, #tpu.memory_space<vmem>>, vector<16xf32>,
      %get3A_1143 = arith.index_cast %add3A_1133 : i32 to index
      %get3A_1144 = arith.constant 48 : index
      %get3A_1145 = tpu.vector_load %arg10[%get3A_1143, %get3A_1144] {strides = array<i32>} : memref<512x64xf32, #tpu.memory_space<vmem>>, vector<16xf32>,
      %get3A_1146 = arith.index_cast %add3A_1133 : i32 to index
      %get3A_1147 = arith.constant 0 : index
      %get3A_1148 = tpu.vector_load %arg11[%get3A_1146, %get3A_1147] {strides = array<i32>} : memref<512x64xf32, #tpu.memory_space<vmem>>, vector<16xf32>,
      %get3A_1149 = arith.index_cast %add3A_1133 : i32 to index
      %get3A_1150 = arith.constant 16 : index
      %get3A_1151 = tpu.vector_load %arg11[%get3A_1149, %get3A_1150] {strides = array<i32>} : memref<512x64xf32, #tpu.memory_space<vmem>>, vector<16xf32>,
      %get3A_1152 = arith.index_cast %add3A_1133 : i32 to index
      %get3A_1153 = arith.constant 32 : index
      %get3A_1154 = tpu.vector_load %arg11[%get3A_1152, %get3A_1153] {strides = array<i32>} : memref<512x64xf32, #tpu.memory_space<vmem>>, vector<16xf32>,
      %get3A_1155 = arith.index_cast %add3A_1133 : i32 to index
      %get3A_1156 = arith.constant 48 : index
      %get3A_1157 = tpu.vector_load %arg11[%get3A_1155, %get3A_1156] {strides = array<i32>} : memref<512x64xf32, #tpu.memory_space<vmem>>, vector<16xf32>,
      %mul3A_1158 = arith.mulf %get3A_1136, %get3A_1148 : vector<16xf32>
      %mul3A_1159 = arith.mulf %get3A_1139, %get3A_1151 : vector<16xf32>
      %add3A_1160 = arith.addf %mul3A_1158, %mul3A_1159 : vector<16xf32>
      %mul3A_1161 = arith.mulf %get3A_1142, %get3A_1154 : vector<16xf32>
      %add3A_1162 = arith.addf %add3A_1160, %mul3A_1161 : vector<16xf32>
      %mul3A_1163 = arith.mulf %get3A_1145, %get3A_1157 : vector<16xf32>
      %add3A_1164 = arith.addf %add3A_1162, %mul3A_1163 : vector<16xf32>
      %reduce_sum3A_1165 = arith.constant true
      %reduce_sum3A_1166 = vector.broadcast %reduce_sum3A_1165 : i1 to vector<16xi1>
      %reduce_sum3A_1167 = tpu.scan <sum>, %add3A_1164 masked %reduce_sum3A_1166 : vector<16xf32>, vector<16xi1> -> vector<16xf32>
      %reduce_sum3A_1168 = vector.extract %reduce_sum3A_1167[15] : f32 from vector<16xf32>
      %eq3A_1169 = arith.constant 15 : i32
      %eq3A_1170 = vector.broadcast %eq3A_1169 : i32 to vector<16xi32>
      %eq3A_1171 = arith.cmpi eq, %iota3A, %eq3A_1170 : vector<16xi32>
      %broadcast_in_dim3A_1172 = vector.broadcast %reduce_sum3A_1168 : f32 to vector<16xf32>
      %select_n3A_1173 = arith.select %eq3A_1171, %broadcast_in_dim3A_1172, %select_n3A_1115 : vector<16xi1>, vector<16xf32>
      %mul3A_1174 = arith.mulf %get3A_1136, %get3A_1136 : vector<16xf32>
      %add3A_1175 = arith.addf %add3A_1129, %mul3A_1174 : vector<16xf32>
      %mul3A_1176 = arith.mulf %get3A_1148, %get3A_1148 : vector<16xf32>
      %add3A_1177 = arith.addf %add3A_1131, %mul3A_1176 : vector<16xf32>
      %mul3A_1178 = arith.mulf %get3A_1139, %get3A_1139 : vector<16xf32>
      %add3A_1179 = arith.addf %add3A_1175, %mul3A_1178 : vector<16xf32>
      %mul3A_1180 = arith.mulf %get3A_1151, %get3A_1151 : vector<16xf32>
      %add3A_1181 = arith.addf %add3A_1177, %mul3A_1180 : vector<16xf32>
      %mul3A_1182 = arith.mulf %get3A_1142, %get3A_1142 : vector<16xf32>
      %add3A_1183 = arith.addf %add3A_1179, %mul3A_1182 : vector<16xf32>
      %mul3A_1184 = arith.mulf %get3A_1154, %get3A_1154 : vector<16xf32>
      %add3A_1185 = arith.addf %add3A_1181, %mul3A_1184 : vector<16xf32>
      %mul3A_1186 = arith.mulf %get3A_1145, %get3A_1145 : vector<16xf32>
      %add3A_1187 = arith.addf %add3A_1183, %mul3A_1186 : vector<16xf32>
      %mul3A_1188 = arith.mulf %get3A_1157, %get3A_1157 : vector<16xf32>
      %add3A_1189 = arith.addf %add3A_1185, %mul3A_1188 : vector<16xf32>
      %get3A_1190 = arith.index_cast %multiple_of3A : i32 to index
      %get3A_1191 = tpu.vector_load %arg12[%get3A_1190] {strides = array<i32>} : memref<512xf32, #tpu.memory_space<vmem>>, vector<16xf32>,
      %mul3A_1192 = arith.mulf %get3A_1191, %get3A_1191 : vector<16xf32>
      %add3A_1193 = arith.addf %scan3A_263, %mul3A_1192 : vector<16xf32>
      %add3A_1194 = arith.addf %select_n3A_1173, %get3A_1191 : vector<16xf32>
      %swap3A_1195 = arith.index_cast %multiple_of3A : i32 to index
      %swap3A_1196 = tpu.vector_load %arg13[%swap3A_1195] {strides = array<i32>} : memref<512xf32, #tpu.memory_space<vmem>>, vector<16xf32>,
      tpu.vector_store %arg13[%swap3A_1195], %add3A_1194 {strides = array<i32>} : memref<512xf32, #tpu.memory_space<vmem>>, vector<16xf32>,
      scf.yield %add3A_1187, %add3A_1189, %add3A_1193 : vector<16xf32>, vector<16xf32>, vector<16xf32>
    }
    %scan3A_246 = arith.constant 8 : i32
    %swap3A = arith.constant 0 : i32
    %swap3A_247 = arith.index_cast %swap3A : i32 to index
    %swap3A_248 = arith.constant 0 : index
    %swap3A_249 = tpu.vector_load %arg14[%swap3A_247, %swap3A_248] {strides = array<i32>} : memref<3x16xf32, #tpu.memory_space<vmem>>, vector<16xf32>,
    tpu.vector_store %arg14[%swap3A_247, %swap3A_248], %scan3A_245#0 {strides = array<i32>} : memref<3x16xf32, #tpu.memory_space<vmem>>, vector<16xf32>,
    %swap3A_250 = arith.constant 1 : i32
    %swap3A_251 = arith.index_cast %swap3A_250 : i32 to index
    %swap3A_252 = arith.constant 0 : index
    %swap3A_253 = tpu.vector_load %arg14[%swap3A_251, %swap3A_252] {strides = array<i32>} : memref<3x16xf32, #tpu.memory_space<vmem>>, vector<16xf32>,
    tpu.vector_store %arg14[%swap3A_251, %swap3A_252], %scan3A_245#1 {strides = array<i32>} : memref<3x16xf32, #tpu.memory_space<vmem>>, vector<16xf32>,
    %swap3A_254 = arith.constant 2 : i32
    %swap3A_255 = arith.index_cast %swap3A_254 : i32 to index
    %swap3A_256 = arith.constant 0 : index
    %swap3A_257 = tpu.vector_load %arg14[%swap3A_255, %swap3A_256] {strides = array<i32>} : memref<3x16xf32, #tpu.memory_space<vmem>>, vector<16xf32>,
    tpu.vector_store %arg14[%swap3A_255, %swap3A_256], %scan3A_245#2 {strides = array<i32>} : memref<3x16xf32, #tpu.memory_space<vmem>>, vector<16xf32>,
    %mul3A_258 = arith.constant 512 : i32
    %mul3A_259 = arith.muli %add3A, %mul3A_258 : i32
    "tpu.region"() ({
      %run_scoped3A = tpu.sem_alloc : memref<!tpu.dma_semaphore, #tpu.memory_space<semaphore_mem>>
      %dma_start3A_260 = tpu.memref_slice %arg6[%mul3A_259] : memref<16384xf32, #tpu.memory_space<hbm>> -> memref<512xf32, #tpu.memory_space<hbm>>
      %dma_start3A_261 = tpu.memref_slice %arg6[%mul3A_259] : memref<16384xf32, #tpu.memory_space<hbm>> -> memref<512xf32, #tpu.memory_space<hbm>>
      tpu.enqueue_dma source(%arg13 : memref<512xf32, #tpu.memory_space<vmem>>) target(%dma_start3A_261 : memref<512xf32, #tpu.memory_space<hbm>>) target_semaphore(%run_scoped3A : memref<!tpu.dma_semaphore, #tpu.memory_space<semaphore_mem>>)
      %dma_wait3A_262 = tpu.memref_slice %arg6[%mul3A_259] : memref<16384xf32, #tpu.memory_space<hbm>> -> memref<512xf32, #tpu.memory_space<hbm>>
      %dma_wait3A_263 = tpu.memref_slice %arg6[%mul3A_259] : memref<16384xf32, #tpu.memory_space<hbm>> -> memref<512xf32, #tpu.memory_space<hbm>>
      tpu.wait_dma2 semaphore(%run_scoped3A : memref<!tpu.dma_semaphore, #tpu.memory_space<semaphore_mem>>) src(%arg13 : memref<512xf32, #tpu.memory_space<vmem>>) dst(%dma_wait3A_263 : memref<512xf32, #tpu.memory_space<hbm>>)
      tpu.yield
    }) : () -> ()
    "tpu.region"() ({
      %run_scoped3A = tpu.sem_alloc : memref<!tpu.dma_semaphore, #tpu.memory_space<semaphore_mem>>
      %dma_start3A_260 = arith.constant 0 : i32
      %dma_start3A_261 = arith.constant 0 : i32
      %dma_start3A_262 = tpu.memref_slice %arg7[%add3A, %dma_start3A_260, %dma_start3A_261] : memref<32x3x16xf32, #tpu.memory_space<hbm>> -> memref<1x3x16xf32, #tpu.memory_space<hbm>>
      %dma_start3A_263 = tpu.memref_squeeze %dma_start3A_262 : memref<1x3x16xf32, #tpu.memory_space<hbm>> -> memref<3x16xf32, #tpu.memory_space<hbm>>
      %dma_start3A_264 = arith.constant 0 : i32
      %dma_start3A_265 = arith.constant 0 : i32
      %dma_start3A_266 = tpu.memref_slice %arg7[%add3A, %dma_start3A_264, %dma_start3A_265] : memref<32x3x16xf32, #tpu.memory_space<hbm>> -> memref<1x3x16xf32, #tpu.memory_space<hbm>>
      %dma_start3A_267 = tpu.memref_squeeze %dma_start3A_266 : memref<1x3x16xf32, #tpu.memory_space<hbm>> -> memref<3x16xf32, #tpu.memory_space<hbm>>
      tpu.enqueue_dma source(%arg14 : memref<3x16xf32, #tpu.memory_space<vmem>>) target(%dma_start3A_267 : memref<3x16xf32, #tpu.memory_space<hbm>>) target_semaphore(%run_scoped3A : memref<!tpu.dma_semaphore, #tpu.memory_space<semaphore_mem>>)
      %dma_wait3A_268 = arith.constant 0 : i32
      %dma_wait3A_269 = arith.constant 0 : i32
      %dma_wait3A_270 = tpu.memref_slice %arg7[%add3A, %dma_wait3A_268, %dma_wait3A_269] : memref<32x3x16xf32, #tpu.memory_space<hbm>> -> memref<1x3x16xf32, #tpu.memory_space<hbm>>
      %dma_wait3A_271 = tpu.memref_squeeze %dma_wait3A_270 : memref<1x3x16xf32, #tpu.memory_space<hbm>> -> memref<3x16xf32, #tpu.memory_space<hbm>>
      %dma_wait3A_272 = arith.constant 0 : i32
      %dma_wait3A_273 = arith.constant 0 : i32
      %dma_wait3A_274 = tpu.memref_slice %arg7[%add3A, %dma_wait3A_272, %dma_wait3A_273] : memref<32x3x16xf32, #tpu.memory_space<hbm>> -> memref<1x3x16xf32, #tpu.memory_space<hbm>>
      %dma_wait3A_275 = tpu.memref_squeeze %dma_wait3A_274 : memref<1x3x16xf32, #tpu.memory_space<hbm>> -> memref<3x16xf32, #tpu.memory_space<hbm>>
      tpu.wait_dma2 semaphore(%run_scoped3A : memref<!tpu.dma_semaphore, #tpu.memory_space<semaphore_mem>>) src(%arg14 : memref<3x16xf32, #tpu.memory_space<vmem>>) dst(%dma_wait3A_275 : memref<3x16xf32, #tpu.memory_space<hbm>>)
      tpu.yield
    }) : () -> ()
    return
  }
}

module attributes {stable_mosaic.version = 14 : i64} {
  func.func @body(%arg0: memref<128x128xf32, #tpu.memory_space<vmem>>, %arg1: memref<128x128xf32, #tpu.memory_space<vmem>>, %arg2: memref<12x128xf32, #tpu.memory_space<vmem>>, %arg3: memref<1x1xf32, #tpu.memory_space<smem>>) attributes {dimension_semantics = [], scalar_prefetch = 0 : i64, scratch_operands = 0 : i64, tpu.core_type = #tpu.core_type<tc>} {
    %get3A = arith.constant 0 : index
    %get3A_0 = arith.constant 0 : index
    %get3A_1 = vector.load %arg0[%get3A, %get3A_0] : memref<128x128xf32, #tpu.memory_space<vmem>>, vector<128x128xf32>
    %get3A_2 = arith.constant 0 : index
    %get3A_3 = arith.constant 0 : index
    %get3A_4 = vector.load %arg1[%get3A_2, %get3A_3] : memref<128x128xf32, #tpu.memory_space<vmem>>, vector<128x128xf32>
    %max3A = arith.constant 0.000000e+00 : f32
    %max3A_5 = vector.broadcast %max3A : f32 to vector<128x128xf32>
    %max3A_6 = arith.maximumf %get3A_1, %max3A_5 : vector<128x128xf32>
    %mul3A = arith.mulf %get3A_1, %get3A_4 : vector<128x128xf32>
    %sub3A = arith.subf %max3A_6, %mul3A : vector<128x128xf32>
    %abs3A = math.absf %get3A_1 : vector<128x128xf32>
    %neg3A = arith.constant 0.000000e+00 : f32
    %neg3A_7 = vector.broadcast %neg3A : f32 to vector<128x128xf32>
    %neg3A_8 = arith.subf %neg3A_7, %abs3A : vector<128x128xf32>
    %exp3A = math.exp %neg3A_8 : vector<128x128xf32>
    %log1p3A = math.log1p %exp3A : vector<128x128xf32>
    %add3A = arith.addf %sub3A, %log1p3A : vector<128x128xf32>
    %reduce_sum3A = vector.shape_cast %add3A : vector<128x128xf32> to vector<1x128x128xf32>
    %reduce_sum3A_9 = arith.constant dense<0.000000e+00> : vector<1xf32>
    %reduce_sum3A_10 = vector.multi_reduction <add>, %reduce_sum3A, %reduce_sum3A_9 [1, 2] : vector<1x128x128xf32> to vector<1xf32>
    %reduce_sum3A_11 = vector.shape_cast %reduce_sum3A_10 : vector<1xf32> to vector<1x1x1xf32>
    %reduce_sum3A_12 = vector.extract %reduce_sum3A_11[0, 0, 0] : f32 from vector<1x1x1xf32>
    %mul3A_13 = arith.constant 6.10351563E-5 : f32
    %mul3A_14 = arith.mulf %reduce_sum3A_12, %mul3A_13 : f32
    %get3A_15 = arith.constant 0 : index
    %get3A_16 = arith.constant 0 : index
    %get3A_17 = vector.load %arg2[%get3A_15, %get3A_16] : memref<12x128xf32, #tpu.memory_space<vmem>>, vector<12x128xf32>
    %reduce_sum3A_18 = vector.shape_cast %get3A_17 : vector<12x128xf32> to vector<1x12x128xf32>
    %reduce_sum3A_19 = arith.constant dense<0.000000e+00> : vector<1xf32>
    %reduce_sum3A_20 = vector.multi_reduction <add>, %reduce_sum3A_18, %reduce_sum3A_19 [1, 2] : vector<1x12x128xf32> to vector<1xf32>
    %reduce_sum3A_21 = vector.shape_cast %reduce_sum3A_20 : vector<1xf32> to vector<1x1x1xf32>
    %reduce_sum3A_22 = vector.extract %reduce_sum3A_21[0, 0, 0] : f32 from vector<1x1x1xf32>
    %mul3A_23 = arith.constant 5.000000e-06 : f32
    %mul3A_24 = arith.mulf %mul3A_23, %reduce_sum3A_22 : f32
    %add3A_25 = arith.addf %mul3A_14, %mul3A_24 : f32
    %swap3A = arith.constant 0 : index
    %swap3A_26 = arith.constant 0 : index
    %swap3A_27 = memref.load %arg3[%swap3A, %swap3A_26] : memref<1x1xf32, #tpu.memory_space<smem>>
    memref.store %add3A_25, %arg3[%swap3A, %swap3A_26] : memref<1x1xf32, #tpu.memory_space<smem>>
    return
  }
}

</mosaic_0001>

<sc_bundles>
// kernel: kernel.4.cloned.1.call-start
scs
__scs_entry_jumppad:
0x0: {  	(pc) =	sbr.rel $0x88, $3  }
0x1: {  	(tag) =	ssettag $0x0;
	lr =	simm.s32 $0x1  }
0x2: {  	[smem:$0x3F9C] =	sst lr;
	_ =	strace $0xD0000000  }
0x3: {  	_ = 	snop  }
0x4: {  	_ = 	snop  }
0x5: {  	_ = 	snop  }
0x6: {  	_ = 	snop  }
0x7: {  	_ = 	snop  }
__scs_overlays_trampoline_lowered:
0x8: {  	[smem:$0x3FAB] =	sst s0  }
0x9: {  	[smem:$0x3FAC] =	sst s1  }
0xa: {  	[smem:$0x3FAD] =	sst s2  }
0xb: {  	[smem:$0x3FAE] =	sst s3  }
0xc: {  	[smem:$0x3FAF] =	sst s4  }
0xd: {  	[smem:$0x3FB0] =	sst s5  }
0xe: {  	[smem:$0x3FB1] =	sst s6  }
0xf: {  	[smem:$0x3FB2] =	sst s7  }
0x10: {  	[smem:$0x3FB3] =	sst s8  }
0x11: {  	[smem:$0x3FB4] =	sst s9;
	s0 =	simm.s32 @!p0 $0x0  }
0x12: {  	s1 =	sld [smem:$0x3F9A];
	s0 =	simm.s32 @p0 $0x1  }
0x13: {  	[smem:$0x3FB5] =	sst s0;
	s0 =	simm.s32 @!p1 $0x0  }
0x14: {  	s2 =	sld [smem:$0x3F99];
	s0 =	simm.s32 @p1 $0x1  }
0x15: {  	[smem:$0x3FB6] =	sst s0;
	s0 =	simm.s32 @!p2 $0x0  }
0x16: {  	s3 =	sld [smem:$0x3FDB];
	s0 =	simm.s32 @p2 $0x1  }
0x17: {  	s4 =	simm.s32 $0x1BF5;
	[smem:$0x3FB8] =	sst s0  }
0x18: {  	s0 =	sld [smem:$0x3F9B];
	_ =	swait.ge [sflag:s4], $0x0  }
0x19: {  	s7 =	sld [smem:$0x3F9C]  }
0x1a: {  	s8 =	sadd.s32 $0xFFFFE003, lr  }
0x1b: {  	s9 =	sadd.s32 $0xFFFFFEF7, lr;
	s5 =	simm.s32 $0xFFFFFFFF;
	p2 =	slt.u32 s8, $0xFFFFF086  }
0x1c: {  	p1 =	slt.u32 s9, $0xF7A;
	s5 =	simm.s32 @!p2 $0x0  }
0x1d: {  	s5 =	simm.s32 @p1 $0x1;
	p0 =	seq.s32 s7, s2  }
0x1e: {  	s7 =	smul.u32 @!p0 $0xF7A, s2;
	p2 =	seq.s32 @!p0 s5, $0x0  }
0x1f: {  	s9 =	smul.u32 $0xF7A, s1;
	s8 =	simm.s32 @!p0 $0x1BF5;
	p2 =	por !p2, p0  }
0x20: {  	[sflag:s8] =	ssyncset.s32 @!p0 $0xFFFFF086;
	s6 =	sadd.s32 @!p0 s3, s7;
	s7 =	simm.s32 @!p0 $0x108  }
0x21: {  	s3 =	sadd.s32 s3, s9;
	s6 =	sadd.s32 @!p0 $0x88, s6;
	s7 =	simm.s32 @p2 $0x1082  }
0x22: {  	[simem:s7], [sflag:s8] =	dma.local @!p0 [hbm:s6], $0xF7A  }
0x23: {  	s9 =	sor.u32 $0xD0000000, s2;
	s6 =	simm.s32 $0x108;
	_ =	swait.ge @!p0 [sflag:s8], $0x0  }
0x24: {  	s3 =	sadd.s32 $0x88, s3;
	s6 =	simm.s32 @!p1 $0x1082;
	[sflag:s4] =	ssyncset.s32 $0xFFFFF086  }
0x25: {  	[simem:s6], [sflag:s4] =	dma.local [hbm:s3], $0xF7A  }
0x26: {  	[smem:$0x3F9C] =	sst s1;
	(tag) =	ssettag s2;
	_ =	strace s9  }
0x27: {  	s1 =	sld [smem:$0x3FAC]  }
0x28: {  	s2 =	sld [smem:$0x3FAD]  }
0x29: {  	s4 =	sld [smem:$0x3FAF]  }
0x2a: {  	p0 =	seq.s32 s5, $0x0;
	s5 =	sld [smem:$0x3FB0]  }
0x2b: {  	s6 =	sld [smem:$0x3FB1]  }
0x2c: {  	s7 =	sld [smem:$0x3FB2]  }
0x2d: {  	s3 =	simm.s32 $0x108;
	s8 =	sld [smem:$0x3FB3]  }
0x2e: {  	s3 =	simm.s32 @!p0 $0x1082;
	s9 =	sld [smem:$0x3FB4]  }
0x2f: {  	lr =	sadd.s32 s0, s3;
	s0 =	sld [smem:$0x3FAB]  }
0x30: {  	s3 =	sld [smem:$0x3FAE]  }
0x31: {  	[smem:$0x3FB7] =	sst s10  }
0x32: {  	s10 =	sld [smem:$0x3FB5];
	_ =	sdelay $0x3  }
0x33: {  	p0 =	seq.s32 s10, $0x1;
	s10 =	sld [smem:$0x3FB7];
	_ =	sdelay $0x3  }
0x34: {  	[smem:$0x3FB7] =	sst s10  }
0x35: {  	s10 =	sld [smem:$0x3FB6];
	_ =	sdelay $0x3  }
0x36: {  	p1 =	seq.s32 s10, $0x1;
	s10 =	sld [smem:$0x3FB7];
	_ =	sdelay $0x3  }
0x37: {  	[smem:$0x3FB7] =	sst s10  }
0x38: {  	s10 =	sld [smem:$0x3FB8]  }
0x39: {  	_ = 	snop;
	(pc) =	sbr.ind lr, $3  }
0x3a: {  	_ = 	snop  }
0x3b: {  	_ = 	snop  }
0x3c: {  	p2 =	seq.s32 s10, $0x1;
	s10 =	sld [smem:$0x3FB7]  }
0x3d: {  	_ =	shalt  }
0x3e: {  	_ =	shalt  }
0x3f: {  	_ =	shalt  }
0x40: {  	_ =	shalt  }
0x41: {  	_ =	shalt  }
0x42: {  	_ =	shalt  }
0x43: {  	_ =	shalt  }
0x44: {  	_ =	shalt  }
0x45: {  	_ =	shalt  }
0x46: {  	_ =	shalt  }
0x47: {  	_ =	shalt  }
0x48: {  	_ =	shalt  }
0x49: {  	_ =	shalt  }
0x4a: {  	_ =	shalt  }
0x4b: {  	_ =	shalt  }
0x4c: {  	_ =	shalt  }
0x4d: {  	_ =	shalt  }
0x4e: {  	_ =	shalt  }
0x4f: {  	_ =	shalt  }
0x50: {  	_ =	shalt  }
0x51: {  	_ =	shalt  }
0x52: {  	_ =	shalt  }
0x53: {  	_ =	shalt  }
0x54: {  	_ =	shalt  }
0x55: {  	_ =	shalt  }
0x56: {  	_ =	shalt  }
0x57: {  	_ =	shalt  }
0x58: {  	_ =	shalt  }
0x59: {  	_ =	shalt  }
0x5a: {  	_ =	shalt  }
0x5b: {  	_ =	shalt  }
0x5c: {  	_ =	shalt  }
0x5d: {  	_ =	shalt  }
0x5e: {  	_ =	shalt  }
0x5f: {  	_ =	shalt  }
0x60: {  	_ =	shalt  }
0x61: {  	_ =	shalt  }
0x62: {  	_ =	shalt  }
0x63: {  	_ =	shalt  }
0x64: {  	_ =	shalt  }
0x65: {  	_ =	shalt  }
0x66: {  	_ =	shalt  }
0x67: {  	_ =	shalt  }
0x68: {  	_ =	shalt  }
0x69: {  	_ =	shalt  }
0x6a: {  	_ =	shalt  }
0x6b: {  	_ =	shalt  }
0x6c: {  	_ =	shalt  }
0x6d: {  	_ =	shalt  }
0x6e: {  	_ =	shalt  }
0x6f: {  	_ =	shalt  }
0x70: {  	_ =	shalt  }
0x71: {  	_ =	shalt  }
0x72: {  	_ =	shalt  }
0x73: {  	_ =	shalt  }
0x74: {  	_ =	shalt  }
0x75: {  	_ =	shalt  }
0x76: {  	_ =	shalt  }
0x77: {  	_ =	shalt  }
0x78: {  	_ =	shalt  }
0x79: {  	_ =	shalt  }
0x7a: {  	_ =	shalt  }
0x7b: {  	_ =	shalt  }
0x7c: {  	_ =	shalt  }
0x7d: {  	_ =	shalt  }
0x7e: {  	_ =	shalt  }
0x7f: {  	_ =	shalt  }
0x80: {  	_ =	shalt  }
0x81: {  	_ =	shalt  }
0x82: {  	_ =	shalt  }
0x83: {  	_ =	shalt  }
0x84: {  	_ =	shalt  }
0x85: {  	_ =	shalt  }
0x86: {  	_ =	shalt  }
0x87: {  	_ =	shalt  }
.Lfunc_end0:
.L_simem_size_0:
called_computation_lowered:
.L_overlay_start_0:
0x88: {  	s2 =	sld [smem:$0x3FD9]  }
0x89: {  	s3 =	sld [smem:$0x3FFE];
	_ =	sdelay $0x1  }
0x8a: {  	s1 =	srdreg.scid  }
0x8b: {  	s0 =	sand.u32 $0x1, s1  }
0x8c: {  	s17 =	sshll.u32 s0, $0xA;
	s2 =	sadd.s32 s3, s2  }
0x8d: {  	s2 =	sadd.s32 s2, s17  }
0x8e: {  	[smem:$0x3FC3] =	sst s2  }
0x8f: {  	_ = 	snop  }
0x90: {  	s2 =	sld [smem:$0x3FC9]  }
0x91: {  	s18 =	sld [smem:$0x3FC8]  }
0x92: {  	s4 =	sld [smem:$0x3FC5];
	(tm) =	ssettm $0x1  }
0x93: {  	s5 =	sld [smem:$0x3FFB];
	_ =	sdelay $0x3  }
0x94: {  	_ =	strace s5  }
0x95: {  	s5 =	sld [smem:$0x3FFC];
	_ =	sdelay $0x3  }
0x96: {  	_ =	strace s5  }
0x97: {  	s5 =	sld [smem:$0x3FFD];
	_ =	sdelay $0x3  }
0x98: {  	_ =	strace s5  }
0x99: {  	_ =	strace $0x8FFFFFFF  }
0x9a: {  	s19 =	sld [smem:$0x3FDB];
	_ =	sdelay $0x1  }
0x9b: {  	s6 =	simm.s32 $_scs_section_size  }
0x9c: {  	s7 =	simm.s32 $_size__tile_overlayer_lowered;
	s8 =	simm.s32 $_tile_overlayer_lowered  }
0x9d: {  	s22 =	simm.s32 $0x1BFF;
	s21 =	sshll.u32 s8, $0x1;
	s5 =	sadd.s32 s6, s19  }
0x9e: {  	s9 =	simm.s32 $0x0;
	s20 =	sshll.u32 s7, $0x1;
	s7 =	sadd.s32 s21, s5  }
0x9f: {  	[timem:s9], [sflag:s22] =	dma.local [hbm:s7], s20  }
0xa0: {  	_ =	swait.ge [sflag:s22], s20  }
0xa1: {  	s6 =	ssub.s32 $0x0, s20;
	[sflag:s22] =	ssyncset.done $0x0  }
0xa2: {  	[sflag:s22] =	ssyncadd.s32 s6;
	_ =	sdelay $0x1  }
0xa3: {  	s23 =	simm.s32 $0x1B8B  }
0xa4: {  	_ =	swait.ge [sflag:s23], $0x1  }
0xa5: {  	[sflag:s23] =	ssyncset.done $0x0  }
0xa6: {  	s25 =	simm.s32 $0x1B8E;
	s24 =	sld [smem:$0x3FFE];
	[sflag:s23] =	ssyncadd.s32 $0xFFFFFFFF  }
0xa7: {  	s26 =	simm.s32 $execute0_lowered;
	[smem:$0x3FD2] =	sst s25  }
0xa8: {  	s7 =	sshll.u32 s26, $0x1;
	_ =	strace $0x80000046;
	[dreg:$0x1] =	wrdreg $0xFFFFFFFF  }
0xa9: {  	s28 =	simm.s32 $_size_execute0_lowered;
	s5 =	sadd.s32 s5, s7;
	[dreg:$0x0] =	wrdreg $0x0  }
0xaa: {  	s7 =	sshll.u32 s28, $0x1;
	[dreg:$0x2] =	wrdreg s5  }
0xab: {  	[dreg:$0x3] =	wrdreg s7  }
0xac: {  	[dreg:$0x4] =	wrdreg $0xC0  }
0xad: {  	_ =	task [dreg:s9], $0x5FFFF  }
0xae: {  	[dreg:$0x1] =	wrdreg $0xFFFFFFFF  }
0xaf: {  	[dreg:$0x0] =	wrdreg $0x60  }
0xb0: {  	[dreg:$0x2] =	wrdreg s2  }
0xb1: {  	[dreg:$0x3] =	wrdreg s18  }
0xb2: {  	[dreg:$0x4] =	wrdreg s24  }
0xb3: {  	[dreg:$0x5] =	wrdreg s4  }
0xb4: {  	[dreg:$0x6] =	wrdreg $0x9  }
0xb5: {  	_ =	task.clear_ibuf [dreg:s9], $0x7FFFF;
	_ =	strace $0x90000046  }
0xb6: {  	s29 =	simm.s32 $0x9;
	_ =	strace $0x80000048  }
0xb7: {  	_ =	swait.ge [sflag:s29], $0x1  }
0xb8: {  	[sflag:s29] =	ssyncadd.s32 $0xFFFFFFFF  }
0xb9: {  	_ =	strace $0x90000048  }
0xba: {  	_ =	sfence  }
0xbb: {  	s30 =	sld [smem:$0x0];
	_ =	sdelay $0x2  }
0xbc: {  	s31 =	sshll.u32 s1, $0xD;
	s1 =	sshrl.u32 s1, $0x2  }
0xbd: {  	s3 =	sand.u32 $0x4000, s31;
	s1 =	sadd.s32 s1, s30  }
0xbe: {  	s0 =	sor.u32 s3, s0;
	s1 =	sshll.u32 s1, $0x11  }
0xbf: {  	s0 =	sor.u32 s1, s0  }
0xc0: {  	s0 =	sadd.s32 $0x8F2B, s0  }
0xc1: {  	[sflag:s0] =	ssyncadd.remote.s32 $0x1  }
0xc2: {  	_ =	sfence.sel $0xFFFF  }
0xc3: {  	[dreg:$0x0] =	wrdreg $0xFFFFFFFF;
	(pc) =	sbr.abs _section_cstart, $3  }
0xc4: {  	[dreg:$0x1] =	wrdreg $0xFFFFFFFF  }
0xc5: {  	_ =	task.clear_ibuf [dreg:s9], $0x2FFFF;
	_ =	strace $0x9FFFFFFF  }
0xc6: {  	(tm) =	ssettm $0x7FFFFFFF  }
0xc7: {  	_ =	shalt  }
tec
execute0_lowered:
.L_overlay_start_1:
0x0: {  	(tag) =	ssettag $0x1  }
0x1: {  	s0 =	rddreg [dreg:$0x0]  }
0x2: {  	s1 =	rddreg [dreg:$0x1]  }
0x3: {  	s5 =	rddreg [dreg:$0x2]  }
0x4: {  	s2 =	rddreg [dreg:$0x3];
	s3 =	simm.s32 $0x0  }
0x5: {  	s4 =	srdreg.scid;
	s6 =	stileid.u32;
	s12 =	simm.s32 $0x80  }
0x6: {  	s14 =	simm.s32 $0x280;
	s16 =	simm.s32 $0x300;
	s18 =	simm.s32 $0x380  }
0x7: {  	s22 =	simm.s32 $0x3;
	s24 =	simm.s32 $0xA400;
	s25 =	simm.s32 $0x1  }
0x8: {  	s26 =	simm.s32 $0x100;
	s28 =	simm.s32 $0x4400;
	s29 =	simm.s32 $0xC400  }
0x9: {  	s30 =	simm.s32 $0x2;
	s31 =	simm.s32 $0x180;
	s13 =	simm.s32 $0x10600  }
0xa: {  	s15 =	simm.s32 $0x10800;
	s4 =	sand.u32 $0x1, s4;
	s6 =	sshll.u32 s6, $0x1  }
0xb: {  	s17 =	simm.s32 $0x0;
	[smem:$0x7FF] =	sst s3;
	s6 =	sor.u32 s4, s6  }
0xc: {  	s8 =	ssub.s32 $0x2, s4;
	s7 =	sshll.u32 s6, $0x6;
	s6 =	smul.u32 $0x6, s6  }
0xd: {  	vm0 =	vmmov $0x1;
	vm1 =	vmmov $0x3;
	vm2 =	vmmov $0x7;
	_ =	strace $0x80000047;
	s4 =	sadd.s32 $0x187800, s5;
	s10 =	sshrl.u32 s8, $0x1  }
0xe: {  	vm3 =	vmmov $0xf;
	vm4 =	vmmov $0x1f;
	vm5 =	vmmov $0x3f;
	s9 =	sadd.s32 s7, s5;
	s10 =	ssub.s32 s8, s10;
	s11 =	sadd.s32 s6, s5  }
0xf: {  	vm6 =	vmmov $0x7f;
	vm7 =	vmmov $0xff;
	vm8 =	vmmov $0x1ff;
	s5 =	sadd.s32 s0, s7;
	s6 =	sadd.s32 s1, s7;
	s7 =	sadd.s32 $0xE00, s9  }
0x10: {  	vm9 =	vmmov $0x3ff;
	vm10 =	vmmov $0x7ff;
	vm11 =	vmmov $0xfff;
	s9 =	smax.u32 s10, $0x1;
	s10 =	simm.s32 $0x4;
	s0 =	simm.s32 $0x6400  }
0x11: {  	vm12 =	vmmov $0x1fff;
	vm13 =	vmmov $0x3fff;
	vm14 =	vmmov $0x7fff;
	s1 =	simm.s32 $0xE400;
	s8 =	sadd.s32 $0x1600, s11;
	s11 =	simm.s32 $0x200  }
.LBB2_1:
0x12: {  	[tilespmem:s3], [sflag:$0x4] =	stream.linear.gather [hbm4b:s5+s3], $0x200, $0x38;
	[tilespmem:$0x10830] =	vst v63  }
0x13: {  	_ =	swait.ge [sflag:s10], $0x200  }
0x14: {  	[sflag:s10] =	ssyncset.done $0x0  }
0x15: {  	[sflag:s10] =	ssyncadd.s32 $0xFFFFFE00  }
0x16: {  	[tilespmem:s11], [sflag:$0x4] =	stream.linear.gather [hbm4b:s6+s3], $0x200, $0x38;
	[tilespmem:$0x10830] =	vst v63  }
0x17: {  	_ =	swait.ge [sflag:s10], $0x200  }
0x18: {  	[sflag:s10] =	ssyncset.done $0x0  }
0x19: {  	s19 =	simm.s32 $0x10400;
	[sflag:s10] =	ssyncadd.s32 $0xFFFFFE00  }
0x1a: {  	[tilespmem:s19], [sflag:$0x3] =	stream.indirect.gather [hbm4b:s2+s12], $0x1, s11, s12, $0xb8;
	[tilespmem:$0x10830] =	vst v63  }
0x1b: {  	s20 =	simm.s32 $0x10480  }
0x1c: {  	[tilespmem:s20], [sflag:$0x3] =	stream.indirect.gather [hbm4b:s2+s12], $0x1, s14, s12, $0xb8;
	[tilespmem:$0x10830] =	vst v63  }
0x1d: {  	s21 =	simm.s32 $0x10500  }
0x1e: {  	[tilespmem:s21], [sflag:$0x3] =	stream.indirect.gather [hbm4b:s2+s12], $0x1, s16, s12, $0xb8;
	[tilespmem:$0x10830] =	vst v63  }
0x1f: {  	s23 =	simm.s32 $0x10580  }
0x20: {  	[tilespmem:s23], [sflag:$0x3] =	stream.indirect.gather [hbm4b:s2+s12], $0x1, s18, s12, $0xb8;
	[tilespmem:$0x10830] =	vst v63  }
0x21: {  	s20 =	simm.s32 $0x400  }
0x22: {  	[tilespmem:s20], [sflag:$0x1] =	stream.indirect.gather [hbm4b:s4+s12], $0x40, s3, s12, $0xb8;
	[tilespmem:$0x10830] =	vst v63  }
0x23: {  	s21 =	simm.s32 $0x8400  }
0x24: {  	[tilespmem:s21], [sflag:$0x1] =	stream.indirect.gather [hbm4b:s4+s12], $0x40, s11, s12, $0xb8;
	[tilespmem:$0x10830] =	vst v63  }
0x25: {  	_ =	swait.ge [sflag:s22], $0x80  }
0x26: {  	[sflag:s22] =	ssyncset.done $0x0  }
0x27: {  	[sflag:s22] =	ssyncadd.s32 $0xFFFFFF80  }
0x28: {  	_ =	swait.ge [sflag:s22], $0x80  }
0x29: {  	[sflag:s22] =	ssyncset.done $0x0  }
0x2a: {  	[sflag:s22] =	ssyncadd.s32 $0xFFFFFF80  }
0x2b: {  	_ =	swait.ge [sflag:s22], $0x80  }
0x2c: {  	[sflag:s22] =	ssyncset.done $0x0  }
0x2d: {  	[sflag:s22] =	ssyncadd.s32 $0xFFFFFF80  }
0x2e: {  	_ =	swait.ge [sflag:s22], $0x80  }
0x2f: {  	[sflag:s22] =	ssyncset.done $0x0  }
0x30: {  	s23 =	simm.s32 $0x2400;
	[sflag:s22] =	ssyncadd.s32 $0xFFFFFF80  }
0x31: {  	[tilespmem:s23], [sflag:$0x2] =	stream.indirect.gather [hbm4b:s4+s12], $0x40, s12, s12, $0xb8;
	[tilespmem:$0x10830] =	vst v63  }
0x32: {  	_ = 	snop  }
0x33: {  	[tilespmem:s24], [sflag:$0x2] =	stream.indirect.gather [hbm4b:s4+s12], $0x40, s14, s12, $0xb8;
	[tilespmem:$0x10830] =	vst v63  }
0x34: {  	_ =	swait.ge [sflag:s25], $0x2000  }
0x35: {  	[sflag:s25] =	ssyncset.done $0x0  }
0x36: {  	[sflag:s25] =	ssyncadd.s32 $0xFFFFE000  }
0x37: {  	_ =	swait.ge [sflag:s25], $0x2000  }
0x38: {  	s19 =	simm.s32 $0x600;
	[sflag:s25] =	ssyncset.done $0x0  }
0x39: {  	v0 =	vimm.f32 $0.0e+00;
	v1 =	vimm.f32 $0.0e+00;
	v2 =	vimm.f32 $0.0e+00;
	s20 =	simm.s32 $0x8600;
	s21 =	simm.s32 $0x0;
	[sflag:s25] =	ssyncadd.s32 $0xFFFFE000  }
.LBB2_2:
0x3a: {  	v3 =	vld [tilespmem:s19+$0xFFFFFE00]  }
0x3b: {  	v4 =	vld [tilespmem:s19+$0xFFFFFE10]  }
0x3c: {  	v5 =	vld [tilespmem:s19+$0xFFFFFE20]  }
0x3d: {  	v6 =	vld [tilespmem:s19+$0xFFFFFE30]  }
0x3e: {  	v7 =	vld [tilespmem:s20+$0xFFFFFE00]  }
0x3f: {  	v8 =	vld [tilespmem:s20+$0xFFFFFE10]  }
0x40: {  	v9 =	vld [tilespmem:s20+$0xFFFFFE20]  }
0x41: {  	v10 =	vld [tilespmem:s20+$0xFFFFFE30]  }
0x42: {  	v11 =	vld [tilespmem:s19+$0xFFFFFE40]  }
0x43: {  	v12 =	vld [tilespmem:s19+$0xFFFFFE50]  }
0x44: {  	v17 =	vld [tilespmem:s20+$0xFFFFFE40]  }
0x45: {  	v18 =	vld [tilespmem:s20+$0xFFFFFE50]  }
0x46: {  	v19 =	vld [tilespmem:s20+$0xFFFFFE60]  }
0x47: {  	v20 =	vld [tilespmem:s20+$0xFFFFFE70]  }
0x48: {  	v47 =	vld [tilespmem:s19+$0xFFFFFE90]  }
0x49: {  	v50 =	vld [tilespmem:s19+$0xFFFFFEB0]  }
0x4a: {  	v51 =	vld [tilespmem:s20+$0xFFFFFE80]  }
0x4b: {  	v53 =	vld [tilespmem:s20+$0xFFFFFE90];
	v14 =	vmul.f32 v7, v3  }
0x4c: {  	v54 =	vld [tilespmem:s20+$0xFFFFFEA0];
	v15 =	vmul.f32 v8, v4;
	v43 =	vmul.f32 v9, v5  }
0x4d: {  	v56 =	vld [tilespmem:s20+$0xFFFFFEB0];
	v3 =	vmul.f32 v3, v3;
	v44 =	vmul.f32 v10, v6  }
0x4e: {  	v21 =	vld [tilespmem:s19+$0xFFFFFEC0];
	v7 =	vmul.f32 v7, v7;
	v46 =	vmul.f32 v8, v8  }
0x4f: {  	v58 =	vld [tilespmem:s19+$0xFFFFFED0];
	v49 =	vmul.f32 v9, v9;
	v52 =	vmul.f32 v10, v10  }
0x50: {  	v61 =	vld [tilespmem:s20+$0xFFFFFEC0];
	v55 =	vmul.f32 v17, v17;
	v57 =	vmul.f32 v18, v18  }
0x51: {  	v24 =	vld [tilespmem:s20+$0xFFFFFED0];
	v60 =	vmul.f32 v19, v19;
	v62 =	vmul.f32 v20, v20  }
0x52: {  	v31 =	vld [tilespmem:s19+$0xFFFFFF20];
	v27 =	vmul.f32 v51, v51;
	v8 =	vmul.f32 v53, v47  }
0x53: {  	v36 =	vld [tilespmem:s20+$0xFFFFFF10];
	v10 =	vmul.f32 v53, v53;
	v2 =	vadd.f32 v3, v2;
	v3 =	vmul.f32 v4, v4  }
0x54: {  	v45 =	vld [tilespmem:s19+$0xFFFFFE80];
	v32 =	vmul.f32 v54, v54;
	v35 =	vmul.f32 v56, v56  }
0x55: {  	v30 =	vld [tilespmem:s19+$0xFFFFFF10];
	v38 =	vmul.f32 v61, v21;
	v2 =	vadd.f32 v3, v2;
	v3 =	vmul.f32 v5, v5  }
0x56: {  	v13 =	vld [tilespmem:s19+$0xFFFFFE60];
	v25 =	vmul.f32 v24, v58;
	v9 =	vmul.f32 v56, v50;
	v1 =	vadd.f32 v7, v1  }
0x57: {  	v48 =	vld [tilespmem:s19+$0xFFFFFEA0];
	v41 =	vmul.f32 v24, v24;
	v2 =	vadd.f32 v3, v2;
	v3 =	vmul.f32 v6, v6  }
0x58: {  	v16 =	vld [tilespmem:s19+$0xFFFFFE70];
	v53 =	vmul.f32 v36, v36;
	v56 =	vmul.f32 v31, v31;
	v1 =	vadd.f32 v46, v1  }
0x59: {  	v42 =	vld [tilespmem:s19+$0xFFFFFF50];
	v14 =	vadd.f32 v15, v14;
	v2 =	vadd.f32 v3, v2;
	v3 =	vmul.f32 v11, v11  }
0x5a: {  	v63 =	vld [tilespmem:s20+$0xFFFFFEE0];
	v4 =	vmul.f32 v51, v45;
	v51 =	vmul.f32 v30, v30;
	v1 =	vadd.f32 v49, v1  }
0x5b: {  	v29 =	vld [tilespmem:s19+$0xFFFFFF00];
	v14 =	vadd.f32 v43, v14;
	v2 =	vadd.f32 v3, v2;
	v3 =	vmul.f32 v12, v12  }
0x5c: {  	v37 =	vld [tilespmem:s20+$0xFFFFFF20];
	v4 =	vadd.f32 v8, v4;
	v5 =	vmul.f32 v54, v48;
	v1 =	vadd.f32 v52, v1  }
0x5d: {  	v8 =	vadd.f32 v25, v38;
	v2 =	vadd.f32 v3, v2;
	v3 =	vmul.f32 v13, v13  }
0x5e: {  	v34 =	vld [tilespmem:s20+$0xFFFFFF00];
	v15 =	vmul.f32 v42, v42;
	v14 =	vadd.f32 v44, v14;
	v1 =	vadd.f32 v55, v1  }
0x5f: {  	v40 =	vld [tilespmem:s19+$0xFFFFFF40];
	v4 =	vadd.f32 v5, v4;
	v2 =	vadd.f32 v3, v2;
	v3 =	vmul.f32 v16, v16  }
0x60: {  	v59 =	vld [tilespmem:s19+$0xFFFFFEE0];
	v44 =	vmul.f32 v63, v63;
	v6 =	vmul.f32 v29, v29;
	v1 =	vadd.f32 v57, v1  }
0x61: {  	v49 =	vld [tilespmem:s20+$0xFFFFFF60];
	v5 =	vmul.f32 v37, v37;
	v2 =	vadd.f32 v3, v2;
	v3 =	vmul.f32 v45, v45  }
0x62: {  	v11 =	vmul.f32 v17, v11;
	v4 =	vadd.f32 v9, v4;
	v7 =	vadd.f32 v60, v1  }
0x63: {  	v22 =	vld [tilespmem:s19+$0xFFFFFEF0];
	(xrf2) =	vadd.scan.msk.f32 $0xffff, v14;
	v14 =	vmul.f32 v34, v34;
	v2 =	vadd.f32 v3, v2;
	v3 =	vmul.f32 v47, v47  }
0x64: {  	v28 =	vld [tilespmem:s20+$0xFFFFFEF0];
	v17 =	vmul.f32 v40, v40;
	v12 =	vmul.f32 v18, v12;
	v7 =	vadd.f32 v62, v7  }
0x65: {  	v46 =	vld [tilespmem:s20+$0xFFFFFF40];
	v18 =	vmul.f32 v63, v59;
	v2 =	vadd.f32 v3, v2;
	v3 =	vmul.f32 v48, v48  }
0x66: {  	v33 =	vld [tilespmem:s19+$0xFFFFFF30];
	v55 =	vmul.f32 v37, v31;
	v37 =	vmul.f32 v49, v49;
	v7 =	vadd.f32 v27, v7  }
0x67: {  	v39 =	vld [tilespmem:s20+$0xFFFFFF30];
	v11 =	vadd.f32 v12, v11;
	v2 =	vadd.f32 v3, v2;
	v3 =	vmul.f32 v50, v50  }
0x68: {  	v26 =	vld [tilespmem:s20+$0xFFFFFF70];
	v13 =	vmul.f32 v19, v13;
	v12 =	vmul.f32 v61, v61;
	v7 =	vadd.f32 v10, v7  }
0x69: {  	v54 =	vld [tilespmem:s19+$0xFFFFFF90];
	v8 =	vadd.f32 v18, v8;
	v2 =	vadd.f32 v3, v2;
	v3 =	vmul.f32 v21, v21  }
0x6a: {  	v31 =	vld [tilespmem:s19+$0xFFFFFFC0];
	v19 =	vmul.f32 v28, v22;
	v61 =	vmul.f32 v46, v40;
	v7 =	vadd.f32 v32, v7  }
0x6b: {  	v11 =	vadd.f32 v13, v11;
	v45 =	vld [tilespmem:s19+$0xFFFFFF70];
	v2 =	vadd.f32 v3, v2;
	v3 =	vmul.f32 v58, v58  }
0x6c: {  	v16 =	vmul.f32 v20, v16;
	v8 =	vadd.f32 v19, v8;
	v62 =	vld [tilespmem:s20+$0xFFFFFF90];
	v7 =	vadd.f32 v35, v7  }
0x6d: {  	v43 =	vld [tilespmem:s19+$0xFFFFFF60];
	v60 =	vmul.f32 v39, v39;
	v2 =	vadd.f32 v3, v2;
	v3 =	vmul.f32 v59, v59  }
0x6e: {  	v57 =	vld [tilespmem:s19+$0xFFFFFFA0];
	v11 =	vadd.f32 v16, v11;
	v47 =	vmul.f32 v28, v28;
	v7 =	vadd.f32 v12, v7  }
0x6f: {  	v23, _, _ =	vpop (xrf2);
	v28 =	vmul.f32 v31, v31;
	v48 =	vld [tilespmem:s20+$0xFFFFFF50];
	v2 =	vadd.f32 v3, v2;
	v3 =	vmul.f32 v22, v22  }
0x70: {  	v27 =	vld [tilespmem:s20+$0xFFFFFFA0];
	v1 =	vbroadcast v23, $0xF;
	v10 =	vmul.f32 v39, v33;
	v7 =	vadd.f32 v41, v7  }
0x71: {  	v39 =	vmul.f32 v62, v54;
	v23 =	vmul.f32 v26, v45;
	v2 =	vadd.f32 v3, v2  }
0x72: {  	v50 =	vmul.f32 v36, v30;
	v30 =	vld [tilespmem:s20+$0xFFFFFFB0];
	v32 =	vmul.f32 v49, v43;
	v7 =	vadd.f32 v44, v7  }
0x73: {  	v35 =	vmul.f32 v43, v43;
	v43 =	vmul.f32 v26, v26;
	v12 =	vld [tilespmem:s19+$0xFFFFFFB0];
	v2 =	vadd.f32 v6, v2  }
0x74: {  	v52 =	vld [tilespmem:s19+$0xFFFFFF80];
	v63 =	vmul.f32 v48, v42;
	v42 =	vmul.f32 v45, v45;
	v7 =	vadd.f32 v47, v7  }
0x75: {  	v45 =	vmul.f32 v27, v57;
	v57 =	vmul.f32 v57, v57;
	v59 =	vld [tilespmem:s20+$0xFFFFFF80];
	v2 =	vadd.f32 v51, v2  }
0x76: {  	v40 =	vld [tilespmem:s20+$0xFFFFFFC0];
	v58 =	vmul.f32 v33, v33;
	v33 =	vmul.f32 v48, v48;
	v7 =	vadd.f32 v14, v7  }
0x77: {  	v20 =	vld [tilespmem:s20+$0x30];
	(xrf2) =	vadd.scan.msk.f32 $0xffff, v11;
	v9 =	vmul.f32 v30, v30;
	v3 =	vmul.f32 v34, v29;
	v2 =	vadd.f32 v56, v2  }
0x78: {  	v36 =	vld [tilespmem:s19+$0xFFFFFFE0];
	v49 =	vmul.f32 v30, v12;
	v29 =	vmul.f32 v46, v46;
	v7 =	vadd.f32 v53, v7  }
0x79: {  	v44 =	vld [tilespmem:s20+$0xFFFFFFD0];
	v47 =	vmul.f32 v52, v52;
	v3 =	vadd.f32 v50, v3;
	v2 =	vadd.f32 v58, v2  }
0x7a: {  	(xrf2) =	vadd.scan.msk.f32 $0xffff, v4;
	v34 =	vld [tilespmem:s19+$0xFFFFFFD0];
	v38 =	vmul.f32 v59, v52;
	v6 =	vadd.f32 v63, v61;
	v5 =	vadd.f32 v5, v7  }
0x7b: {  	v16 =	vmul.f32 v59, v59;
	v52 =	vld [tilespmem:s19+$0x10];
	v3 =	vadd.f32 v55, v3;
	v2 =	vadd.f32 v17, v2  }
0x7c: {  	v59 =	vld [tilespmem:s20+$0x0];
	v6 =	vadd.f32 v32, v6;
	v51 =	vmul.f32 v54, v54;
	v5 =	vadd.f32 v60, v5  }
0x7d: {  	(xrf2) =	vadd.scan.msk.f32 $0xffff, v8;
	v50 =	vld [tilespmem:s19+$0x0];
	v53 =	vmul.f32 v62, v62;
	v54 =	vmul.f32 v40, v31;
	v2 =	vadd.f32 v15, v2  }
0x7e: {  	v61 =	vld [tilespmem:s20+$0x10];
	v62 =	vmul.f32 v12, v12;
	v32 =	vmul.f32 v44, v44;
	v5 =	vadd.f32 v29, v5  }
0x7f: {  	v55 =	vmul.f32 v44, v34;
	v3 =	vadd.f32 v10, v3;
	v2 =	vadd.f32 v35, v2  }
0x80: {  	v46 =	vld [tilespmem:s20+$0xFFFFFFE0];
	v30 =	vmul.f32 v34, v34;
	v10 =	vadd.f32 v39, v38;
	v5 =	vadd.f32 v33, v5  }
0x81: {  	v24 =	vld [tilespmem:s19+$0x120];
	v34 =	vmul.f32 v36, v36;
	v6 =	vadd.f32 v23, v6;
	v56, _, _ =	vpop (xrf2);
	v2 =	vadd.f32 v42, v2  }
0x82: {  	v18 =	vld [tilespmem:s19+$0x60];
	v22 =	vbroadcast v56, $0xF;
	v19 =	vmul.f32 v59, v50;
	v41 =	vadd.f32 v37, v5  }
0x83: {  	v13 =	vld [tilespmem:s19+$0x20];
	v8 =	vmul.f32 v61, v52;
	v56 =	vmul.f32 v20, v20;
	v2 =	vadd.f32 v47, v2  }
0x84: {  	v48 =	vld [tilespmem:s20+$0xFFFFFFF0];
	v26, _, _ =	vpop (xrf2);
	v10 =	vadd.f32 v45, v10;
	v58 =	vmul.f32 v27, v27;
	v4 =	vadd.f32 v43, v41  }
0x85: {  	v63 =	vld [tilespmem:s20+$0x20];
	v60 =	vmul.f32 v46, v36;
	v12 =	vbroadcast v26, $0xF;
	v2 =	vadd.f32 v51, v2  }
0x86: {  	v39 =	vld [tilespmem:s20+$0x60];
	v36 =	vmul.f32 v46, v46;
	v45 =	vmul.f32 v59, v59;
	v4 =	vadd.f32 v16, v4  }
0x87: {  	(xrf2) =	vadd.scan.msk.f32 $0xffff, v3;
	v31, _, _ =	vpop (xrf2);
	v59 =	vld [tilespmem:s19+$0xC0];
	v1 =	vsel vm0, v1, v22;
	v3 =	vadd.f32 v49, v10;
	v2 =	vadd.f32 v57, v2  }
0x88: {  	(xrf2) =	vadd.scan.msk.f32 $0xffff, v6;
	v1 =	vsel vm1, v1, v12;
	v12 =	vbroadcast v31, $0xF;
	v31 =	vld [tilespmem:s20+$0xC0];
	v4 =	vadd.f32 v53, v4  }
0x89: {  	v14 =	vld [tilespmem:s19+$0x130];
	v8 =	vadd.f32 v8, v19;
	v29 =	vmul.f32 v40, v40;
	v2 =	vadd.f32 v62, v2  }
0x8a: {  	v49 =	vmul.f32 v13, v13;
	v10 =	vmul.f32 v63, v13;
	v15 =	vld [tilespmem:s19+$0xFFFFFFF0];
	(xrf2) =	vadd.scan.msk.f32 $0xffff, v3;
	v3 =	vadd.f32 v58, v4  }
0x8b: {  	v44 =	vld [tilespmem:s19+$0x80];
	v1 =	vsel vm2, v1, v12;
	v5 =	vadd.f32 v55, v54;
	v2 =	vadd.f32 v28, v2  }
0x8c: {  	v46 =	vld [tilespmem:s19+$0x90];
	v8 =	vadd.f32 v10, v8;
	v12 =	vmul.f32 v39, v18;
	v3 =	vadd.f32 v9, v3  }
0x8d: {  	v35 =	vld [tilespmem:s20+$0x40];
	v13 =	vmul.f32 v31, v59;
	v5 =	vadd.f32 v60, v5;
	v2 =	vadd.f32 v30, v2  }
0x8e: {  	v17 =	vld [tilespmem:s19+$0x40];
	v41 =	vmul.f32 v48, v48;
	v43 =	vmul.f32 v50, v50;
	v3 =	vadd.f32 v29, v3  }
0x8f: {  	v50 =	vld [tilespmem:s20+$0x80];
	v27 =	vmul.f32 v48, v15;
	v38 =	vmul.f32 v15, v15;
	v2 =	vadd.f32 v34, v2  }
0x90: {  	v37 =	vld [tilespmem:s20+$0x50];
	v48 =	vmul.f32 v61, v61;
	v47 =	vmul.f32 v52, v52;
	v3 =	vadd.f32 v32, v3  }
0x91: {  	v16 =	vld [tilespmem:s19+$0x30];
	v33, _, _ =	vpop (xrf2);
	v52 =	vmul.f32 v63, v63;
	v5 =	vadd.f32 v27, v5;
	v2 =	vadd.f32 v38, v2  }
0x92: {  	v63 =	vld [tilespmem:s19+$0xE0];
	v21 =	vbroadcast v33, $0xF;
	v40, _, _ =	vpop (xrf2);
	v60 =	vmul.f32 v35, v35;
	v3 =	vadd.f32 v36, v3  }
0x93: {  	v11 =	vmul.f32 v35, v17;
	v35 =	vld [tilespmem:s20+$0xE0];
	v15 =	vbroadcast v40, $0xF;
	v2 =	vadd.f32 v43, v2  }
0x94: {  	v55 =	vld [tilespmem:s20+$0xA0];
	v1 =	vsel vm3, v1, v21;
	v40 =	vmul.f32 v50, v50;
	v3 =	vadd.f32 v41, v3  }
0x95: {  	v53 =	vld [tilespmem:s20+$0x90];
	v23 =	vmul.f32 v50, v44;
	v42, _, _ =	vpop (xrf2);
	v1 =	vsel vm4, v1, v15;
	v2 =	vadd.f32 v47, v2  }
0x96: {  	v58 =	vmul.f32 v17, v17;
	v21 =	vbroadcast v42, $0xF;
	v9 =	vld [tilespmem:s19+$0x50];
	v3 =	vadd.f32 v45, v3  }
0x97: {  	(xrf2) =	vadd.scan.msk.f32 $0xffff, v5;
	v57 =	vld [tilespmem:s20+$0xB0];
	v54 =	vmul.f32 v16, v16;
	v16 =	vmul.f32 v20, v16;
	v2 =	vadd.f32 v49, v2  }
0x98: {  	v7 =	vld [tilespmem:s20+$0x70];
	v42 =	vmul.f32 v46, v46;
	v10 =	vmul.f32 v35, v63;
	v3 =	vadd.f32 v48, v3  }
0x99: {  	v6 =	vld [tilespmem:s19+$0x70];
	v1 =	vsel vm5, v1, v21;
	v8 =	vadd.f32 v16, v8;
	v2 =	vadd.f32 v54, v2  }
0x9a: {  	v33 =	vld [tilespmem:s20+$0xD0];
	v25 =	vmul.f32 v53, v46;
	v46 =	vmul.f32 v55, v55;
	v3 =	vadd.f32 v52, v3  }
0x9b: {  	v21 =	vld [tilespmem:s19+$0xB0];
	v29 =	vmul.f32 v37, v37;
	v62 =	vmul.f32 v9, v9;
	v2 =	vadd.f32 v58, v2  }
0x9c: {  	v22 =	vld [tilespmem:s19+$0x160];
	v23 =	vadd.f32 v25, v23;
	v50 =	vmul.f32 v57, v57;
	v3 =	vadd.f32 v56, v3  }
0x9d: {  	v15 =	vld [tilespmem:s19+$0xA0];
	v30 =	vmul.f32 v18, v18;
	v32 =	vmul.f32 v39, v39;
	v2 =	vadd.f32 v62, v2  }
0x9e: {  	v61 =	vld [tilespmem:s19+$0xD0];
	v9 =	vmul.f32 v37, v9;
	v34 =	vmul.f32 v6, v6;
	v3 =	vadd.f32 v60, v3  }
0x9f: {  	v27 =	vld [tilespmem:s20+$0x1B0];
	v36 =	vmul.f32 v7, v7;
	v6 =	vmul.f32 v7, v6;
	v2 =	vadd.f32 v30, v2  }
0xa0: {  	v17 =	vld [tilespmem:s19+$0xF0];
	v19 =	vmul.f32 v57, v21;
	v57 =	vmul.f32 v33, v33;
	v3 =	vadd.f32 v29, v3  }
0xa1: {  	v37 =	vld [tilespmem:s20+$0xF0];
	v51, _, _ =	vpop (xrf2);
	v9 =	vadd.f32 v9, v11;
	v38 =	vmul.f32 v44, v44;
	v2 =	vadd.f32 v34, v2  }
0xa2: {  	v20 =	vld [tilespmem:s19+$0x170];
	v26 =	vbroadcast v51, $0xF;
	v44 =	vmul.f32 v15, v15;
	v3 =	vadd.f32 v32, v3  }
0xa3: {  	v16 =	vld [tilespmem:s19+$0x190];
	v15 =	vmul.f32 v55, v15;
	v9 =	vadd.f32 v12, v9;
	v2 =	vadd.f32 v38, v2  }
0xa4: {  	v39 =	vld [tilespmem:s19+$0x100];
	v1 =	vsel vm6, v1, v26;
	v43 =	vmul.f32 v53, v53;
	v3 =	vadd.f32 v36, v3  }
0xa5: {  	v41 =	vld [tilespmem:s19+$0x110];
	v15 =	vadd.f32 v15, v23;
	v26 =	vmul.f32 v33, v61;
	v2 =	vadd.f32 v42, v2  }
0xa6: {  	v33 =	vmul.f32 v37, v37;
	v6 =	vadd.f32 v6, v9;
	v47 =	vld [tilespmem:s20+$0x110];
	v3 =	vadd.f32 v40, v3  }
0xa7: {  	v45 =	vld [tilespmem:s20+$0x100];
	v48 =	vmul.f32 v21, v21;
	v13 =	vadd.f32 v26, v13;
	v2 =	vadd.f32 v44, v2  }
0xa8: {  	v15 =	vadd.f32 v19, v15;
	v26 =	vmul.f32 v20, v20;
	v49 =	vld [tilespmem:s20+$0x120];
	v3 =	vadd.f32 v43, v3  }
0xa9: {  	v25 =	vld [tilespmem:s20+$0x1A0];
	v52 =	vmul.f32 v59, v59;
	v10 =	vadd.f32 v10, v13;
	v2 =	vadd.f32 v48, v2  }
0xaa: {  	v11 =	vld [tilespmem:s19+$0x1B0];
	v54 =	vmul.f32 v31, v31;
	v56 =	vmul.f32 v61, v61;
	v3 =	vadd.f32 v46, v3  }
0xab: {  	v28 =	vmul.f32 v47, v41;
	v58 =	vmul.f32 v63, v63;
	v63 =	vld [tilespmem:s20+$0x160];
	v2 =	vadd.f32 v52, v2  }
0xac: {  	v55 =	vld [tilespmem:s19+$0x150];
	v60 =	vmul.f32 v35, v35;
	v35 =	vmul.f32 v45, v39;
	v3 =	vadd.f32 v50, v3  }
0xad: {  	v7 =	vmul.f32 v45, v45;
	v45 =	vmul.f32 v49, v49;
	v29 =	vld [tilespmem:s19+$0x180];
	v2 =	vadd.f32 v56, v2  }
0xae: {  	v53 =	vld [tilespmem:s19+$0x140];
	v62 =	vmul.f32 v37, v17;
	v13 =	vadd.f32 v28, v35;
	v3 =	vadd.f32 v54, v3  }
0xaf: {  	v61 =	vld [tilespmem:s20+$0x150];
	v37 =	vmul.f32 v49, v24;
	v32 =	vmul.f32 v17, v17;
	v2 =	vadd.f32 v58, v2  }
0xb0: {  	v59 =	vld [tilespmem:s20+$0x140];
	v10 =	vadd.f32 v62, v10;
	v49 =	vmul.f32 v63, v22;
	v3 =	vadd.f32 v57, v3  }
0xb1: {  	v51 =	vld [tilespmem:s20+$0x130];
	v4 =	vmul.f32 v63, v63;
	v36 =	vmul.f32 v39, v39;
	v2 =	vadd.f32 v32, v2  }
0xb2: {  	v34 =	vld [tilespmem:s20+$0x170];
	v39 =	vadd.f32 v37, v13;
	v35 =	vmul.f32 v29, v29;
	v3 =	vadd.f32 v60, v3  }
0xb3: {  	v23 =	vld [tilespmem:s20+$0x1C0];
	v38 =	vmul.f32 v41, v41;
	v40 =	vmul.f32 v47, v47;
	v2 =	vadd.f32 v36, v2  }
0xb4: {  	v9 =	vld [tilespmem:s19+$0x1C0];
	v47 =	vmul.f32 v61, v55;
	v55 =	vmul.f32 v55, v55;
	v3 =	vadd.f32 v33, v3  }
0xb5: {  	v41 =	vld [tilespmem:s20+$0x180];
	v43 =	vmul.f32 v24, v24;
	v46 =	vmul.f32 v59, v53;
	v2 =	vadd.f32 v38, v2  }
0xb6: {  	(xrf2) =	vadd.scan.msk.f32 $0xffff, v8;
	v42 =	vmul.f32 v51, v14;
	v14 =	vmul.f32 v14, v14;
	v44 =	vld [tilespmem:s20+$0x190];
	v3 =	vadd.f32 v7, v3  }
0xb7: {  	(xrf2) =	vadd.scan.msk.f32 $0xffff, v6;
	v28 =	vld [tilespmem:s19+$0x1A0];
	v31 =	vmul.f32 v34, v34;
	v5 =	vadd.f32 v47, v46;
	v2 =	vadd.f32 v43, v2  }
0xb8: {  	(xrf2) =	vadd.scan.msk.f32 $0xffff, v15;
	v30 =	vld [tilespmem:s20+$0x1D0];
	v48 =	vmul.f32 v51, v51;
	v50 =	vmul.f32 v34, v20;
	v3 =	vadd.f32 v40, v3  }
0xb9: {  	v51 =	vmul.f32 v53, v53;
	v5 =	vadd.f32 v49, v5;
	v2 =	vadd.f32 v14, v2;
	v14 =	vld [tilespmem:s19+$0x1D0]  }
0xba: {  	v8 =	vld [tilespmem:s20+$0x1E0];
	v52 =	vmul.f32 v41, v29;
	v54 =	vmul.f32 v59, v59;
	v3 =	vadd.f32 v45, v3  }
0xbb: {  	v19 =	vld [tilespmem:s19+$0x1E0];
	v12 =	vadd.f32 v42, v39;
	v59 =	vmul.f32 v27, v11;
	v53 =	vmul.f32 v44, v16  }
0xbc: {  	v21 =	vld [tilespmem:s20+$0x1F0];
	v5 =	vadd.f32 v50, v5;
	v56 =	vmul.f32 v25, v28;
	v3 =	vadd.f32 v48, v3  }
0xbd: {  	v17 =	vld [tilespmem:s19+$0x1F0];
	v57 =	vmul.f32 v61, v61;
	v6 =	vadd.f32 v53, v52;
	v2 =	vadd.f32 v51, v2  }
0xbe: {  	(xrf2) =	vadd.scan.msk.f32 $0xffff, v10;
	v60 =	vmul.f32 v23, v9;
	v3 =	vadd.f32 v54, v3;
	v61 =	vmul.f32 v30, v14  }
0xbf: {  	(xrf2) =	vadd.scan.msk.f32 $0xffff, v12;
	v58 =	vmul.f32 v22, v22;
	v6 =	vadd.f32 v56, v6;
	v2 =	vadd.f32 v55, v2  }
0xc0: {  	v62, _, _ =	vpop (xrf2);
	v22 =	vmul.f32 v8, v19;
	v3 =	vadd.f32 v57, v3;
	v63 =	vadd.f32 v61, v60  }
0xc1: {  	v34, _, _ =	vpop (xrf2);
	v46 =	vmul.f32 v25, v25;
	v6 =	vadd.f32 v59, v6;
	v2 =	vadd.f32 v58, v2  }
0xc2: {  	v37, _, _ =	vpop (xrf2);
	(xrf2) =	vadd.scan.msk.f32 $0xffff, v5;
	v33 =	vmul.f32 v21, v17;
	v3 =	vadd.f32 v4, v3;
	v32 =	vadd.f32 v22, v63  }
0xc3: {  	v39 =	vbroadcast v37, $0xF;
	v49 =	vmul.f32 v27, v27;
	(xrf2) =	vadd.scan.msk.f32 $0xffff, v6;
	v2 =	vadd.f32 v26, v2  }
0xc4: {  	v38 =	vmul.f32 v41, v41;
	v3 =	vadd.f32 v31, v3;
	v6 =	vadd.f32 v33, v32  }
0xc5: {  	v56 =	vmul.f32 v30, v30;
	v40 =	vmul.f32 v16, v16;
	v2 =	vadd.f32 v35, v2  }
0xc6: {  	v7 =	vbroadcast v62, $0xF;
	v41 =	vmul.f32 v44, v44;
	v3 =	vadd.f32 v38, v3;
	(xrf2) =	vadd.scan.msk.f32 $0xffff, v6  }
0xc7: {  	v36 =	vbroadcast v34, $0xF;
	v43 =	vmul.f32 v28, v28;
	v2 =	vadd.f32 v40, v2  }
0xc8: {  	v42, _, _ =	vpop (xrf2);
	v59 =	vmul.f32 v19, v19;
	v1 =	vsel vm7, v1, v7;
	v3 =	vadd.f32 v41, v3  }
0xc9: {  	v44, _, _ =	vpop (xrf2);
	v1 =	vsel vm8, v1, v36;
	v48 =	vmul.f32 v11, v11;
	v2 =	vadd.f32 v43, v2  }
0xca: {  	v47 =	vbroadcast v44, $0xF;
	v45 =	vbroadcast v42, $0xF;
	v3 =	vadd.f32 v46, v3  }
0xcb: {  	s23 =	sshra.s32 s21, $0x2;
	v1 =	vsel vm9, v1, v39;
	v51 =	vmul.f32 v9, v9;
	v2 =	vadd.f32 v48, v2  }
0xcc: {  	v1 =	vsel vm10, v1, v45;
	v50, _, _ =	vpop (xrf2);
	v54 =	vmul.f32 v23, v23;
	v57 =	vld [tilespmem:s23+$0x10400];
	v3 =	vadd.f32 v49, v3  }
0xcd: {  	v53 =	vbroadcast v50, $0xF;
	v52, _, _ =	vpop (xrf2);
	v55 =	vmul.f32 v14, v14;
	v2 =	vadd.f32 v51, v2  }
0xce: {  	v1 =	vsel vm11, v1, v47;
	v7 =	vbroadcast v52, $0xF;
	v3 =	vadd.f32 v54, v3  }
0xcf: {  	p0 =	sne.s32 s21, $0x1C0;
	v62 =	vmul.f32 v21, v21;
	v1 =	vsel vm12, v1, v53;
	v2 =	vadd.f32 v55, v2  }
.Ltmp0:
0xd0: {  	v60 =	vmul.f32 v8, v8;
	v1 =	vsel vm13, v1, v7;
	v3 =	vadd.f32 v56, v3;
	v58, _, _ =	vpop (xrf2);
	(pc) =	sbr.rel @p0 .LBB2_2-.Ltmp0, $4  }
0xd1: {  	v63 =	vmul.f32 v57, v57;
	v2 =	vadd.f32 v59, v2;
	v1 =	vsel vm14, v1, v58  }
0xd2: {  	v61 =	vmul.f32 v17, v17;
	v3 =	vadd.f32 v60, v3;
	v6 =	vadd.f32 v1, v57  }
0xd3: {  	v0 =	vadd.f32 v63, v0  }
0xd4: {  	s21 =	sadd.s32 $0x40, s21;
	s20 =	sadd.s32 $0x400, s20;
	s19 =	sadd.s32 $0x400, s19;
	v2 =	vadd.f32 v61, v2;
	v1 =	vadd.f32 v62, v3;
	[tilespmem:s23+$0x10600] =	vst v6  }
0xd5: {  	[tilespmem:s28], [sflag:$0x1] =	stream.indirect.gather [hbm4b:s4+s12], $0x40, s26, s12, $0xb8;
	[tilespmem:$0x10830] =	vst v63  }
0xd6: {  	_ = 	snop  }
0xd7: {  	[tilespmem:s29], [sflag:$0x1] =	stream.indirect.gather [hbm4b:s4+s12], $0x40, s16, s12, $0xb8;
	[tilespmem:$0x10830] =	vst v63  }
0xd8: {  	_ =	swait.ge [sflag:s30], $0x2000  }
0xd9: {  	[sflag:s30] =	ssyncset.done $0x0  }
0xda: {  	[sflag:s30] =	ssyncadd.s32 $0xFFFFE000  }
0xdb: {  	_ =	swait.ge [sflag:s30], $0x2000  }
0xdc: {  	s19 =	simm.s32 $0x0;
	[sflag:s30] =	ssyncset.done $0x0  }
0xdd: {  	s20 =	simm.s32 $0x27F0;
	s21 =	simm.s32 $0xA7F0;
	[sflag:s30] =	ssyncadd.s32 $0xFFFFE000  }
.LBB2_4:
0xde: {  	v3 =	vld [tilespmem:s20+$0xFFFFFC10]  }
0xdf: {  	v4 =	vld [tilespmem:s20+$0xFFFFFC20]  }
0xe0: {  	v5 =	vld [tilespmem:s20+$0xFFFFFC30]  }
0xe1: {  	v6 =	vld [tilespmem:s20+$0xFFFFFC40]  }
0xe2: {  	v7 =	vld [tilespmem:s21+$0xFFFFFC10]  }
0xe3: {  	v8 =	vld [tilespmem:s21+$0xFFFFFC20]  }
0xe4: {  	v9 =	vld [tilespmem:s21+$0xFFFFFC30]  }
0xe5: {  	v10 =	vld [tilespmem:s21+$0xFFFFFC40]  }
0xe6: {  	v11 =	vld [tilespmem:s20+$0xFFFFFC50]  }
0xe7: {  	v12 =	vld [tilespmem:s20+$0xFFFFFC60]  }
0xe8: {  	v17 =	vld [tilespmem:s21+$0xFFFFFC50]  }
0xe9: {  	v18 =	vld [tilespmem:s21+$0xFFFFFC60]  }
0xea: {  	v19 =	vld [tilespmem:s21+$0xFFFFFC70]  }
0xeb: {  	v20 =	vld [tilespmem:s21+$0xFFFFFC80]  }
0xec: {  	v47 =	vld [tilespmem:s20+$0xFFFFFCA0]  }
0xed: {  	v50 =	vld [tilespmem:s20+$0xFFFFFCC0]  }
0xee: {  	v51 =	vld [tilespmem:s21+$0xFFFFFC90]  }
0xef: {  	v53 =	vld [tilespmem:s21+$0xFFFFFCA0];
	v14 =	vmul.f32 v7, v3  }
0xf0: {  	v54 =	vld [tilespmem:s21+$0xFFFFFCB0];
	v15 =	vmul.f32 v8, v4;
	v43 =	vmul.f32 v9, v5  }
0xf1: {  	v56 =	vld [tilespmem:s21+$0xFFFFFCC0];
	v3 =	vmul.f32 v3, v3;
	v44 =	vmul.f32 v10, v6  }
0xf2: {  	v21 =	vld [tilespmem:s20+$0xFFFFFCD0];
	v7 =	vmul.f32 v7, v7;
	v46 =	vmul.f32 v8, v8  }
0xf3: {  	v58 =	vld [tilespmem:s20+$0xFFFFFCE0];
	v49 =	vmul.f32 v9, v9;
	v52 =	vmul.f32 v10, v10  }
0xf4: {  	v61 =	vld [tilespmem:s21+$0xFFFFFCD0];
	v55 =	vmul.f32 v17, v17;
	v57 =	vmul.f32 v18, v18  }
0xf5: {  	v24 =	vld [tilespmem:s21+$0xFFFFFCE0];
	v60 =	vmul.f32 v19, v19;
	v62 =	vmul.f32 v20, v20  }
0xf6: {  	v31 =	vld [tilespmem:s20+$0xFFFFFD30];
	v27 =	vmul.f32 v51, v51;
	v8 =	vmul.f32 v53, v47  }
0xf7: {  	v36 =	vld [tilespmem:s21+$0xFFFFFD20];
	v10 =	vmul.f32 v53, v53;
	v2 =	vadd.f32 v3, v2;
	v3 =	vmul.f32 v4, v4  }
0xf8: {  	v45 =	vld [tilespmem:s20+$0xFFFFFC90];
	v32 =	vmul.f32 v54, v54;
	v35 =	vmul.f32 v56, v56  }
0xf9: {  	v30 =	vld [tilespmem:s20+$0xFFFFFD20];
	v38 =	vmul.f32 v61, v21;
	v2 =	vadd.f32 v3, v2;
	v3 =	vmul.f32 v5, v5  }
0xfa: {  	v13 =	vld [tilespmem:s20+$0xFFFFFC70];
	v25 =	vmul.f32 v24, v58;
	v9 =	vmul.f32 v56, v50;
	v1 =	vadd.f32 v7, v1  }
0xfb: {  	v48 =	vld [tilespmem:s20+$0xFFFFFCB0];
	v41 =	vmul.f32 v24, v24;
	v2 =	vadd.f32 v3, v2;
	v3 =	vmul.f32 v6, v6  }
0xfc: {  	v16 =	vld [tilespmem:s20+$0xFFFFFC80];
	v53 =	vmul.f32 v36, v36;
	v56 =	vmul.f32 v31, v31;
	v1 =	vadd.f32 v46, v1  }
0xfd: {  	v42 =	vld [tilespmem:s20+$0xFFFFFD60];
	v14 =	vadd.f32 v15, v14;
	v2 =	vadd.f32 v3, v2;
	v3 =	vmul.f32 v11, v11  }
0xfe: {  	v63 =	vld [tilespmem:s21+$0xFFFFFCF0];
	v4 =	vmul.f32 v51, v45;
	v51 =	vmul.f32 v30, v30;
	v1 =	vadd.f32 v49, v1  }
0xff: {  	v29 =	vld [tilespmem:s20+$0xFFFFFD10];
	v14 =	vadd.f32 v43, v14;
	v2 =	vadd.f32 v3, v2;
	v3 =	vmul.f32 v12, v12  }
0x100: {  	v37 =	vld [tilespmem:s21+$0xFFFFFD30];
	v4 =	vadd.f32 v8, v4;
	v5 =	vmul.f32 v54, v48;
	v1 =	vadd.f32 v52, v1  }
0x101: {  	v8 =	vadd.f32 v25, v38;
	v2 =	vadd.f32 v3, v2;
	v3 =	vmul.f32 v13, v13  }
0x102: {  	v34 =	vld [tilespmem:s21+$0xFFFFFD10];
	v15 =	vmul.f32 v42, v42;
	v14 =	vadd.f32 v44, v14;
	v1 =	vadd.f32 v55, v1  }
0x103: {  	v40 =	vld [tilespmem:s20+$0xFFFFFD50];
	v4 =	vadd.f32 v5, v4;
	v2 =	vadd.f32 v3, v2;
	v3 =	vmul.f32 v16, v16  }
0x104: {  	v59 =	vld [tilespmem:s20+$0xFFFFFCF0];
	v44 =	vmul.f32 v63, v63;
	v6 =	vmul.f32 v29, v29;
	v1 =	vadd.f32 v57, v1  }
0x105: {  	v49 =	vld [tilespmem:s21+$0xFFFFFD70];
	v5 =	vmul.f32 v37, v37;
	v2 =	vadd.f32 v3, v2;
	v3 =	vmul.f32 v45, v45  }
0x106: {  	v11 =	vmul.f32 v17, v11;
	v4 =	vadd.f32 v9, v4;
	v7 =	vadd.f32 v60, v1  }
0x107: {  	v22 =	vld [tilespmem:s20+$0xFFFFFD00];
	(xrf2) =	vadd.scan.msk.f32 $0xffff, v14;
	v14 =	vmul.f32 v34, v34;
	v2 =	vadd.f32 v3, v2;
	v3 =	vmul.f32 v47, v47  }
0x108: {  	v28 =	vld [tilespmem:s21+$0xFFFFFD00];
	v17 =	vmul.f32 v40, v40;
	v12 =	vmul.f32 v18, v12;
	v7 =	vadd.f32 v62, v7  }
0x109: {  	v46 =	vld [tilespmem:s21+$0xFFFFFD50];
	v18 =	vmul.f32 v63, v59;
	v2 =	vadd.f32 v3, v2;
	v3 =	vmul.f32 v48, v48  }
0x10a: {  	v33 =	vld [tilespmem:s20+$0xFFFFFD40];
	v55 =	vmul.f32 v37, v31;
	v37 =	vmul.f32 v49, v49;
	v7 =	vadd.f32 v27, v7  }
0x10b: {  	v39 =	vld [tilespmem:s21+$0xFFFFFD40];
	v11 =	vadd.f32 v12, v11;
	v2 =	vadd.f32 v3, v2;
	v3 =	vmul.f32 v50, v50  }
0x10c: {  	v26 =	vld [tilespmem:s21+$0xFFFFFD80];
	v13 =	vmul.f32 v19, v13;
	v12 =	vmul.f32 v61, v61;
	v7 =	vadd.f32 v10, v7  }
0x10d: {  	v54 =	vld [tilespmem:s20+$0xFFFFFDA0];
	v8 =	vadd.f32 v18, v8;
	v2 =	vadd.f32 v3, v2;
	v3 =	vmul.f32 v21, v21  }
0x10e: {  	v31 =	vld [tilespmem:s20+$0xFFFFFDD0];
	v19 =	vmul.f32 v28, v22;
	v61 =	vmul.f32 v46, v40;
	v7 =	vadd.f32 v32, v7  }
0x10f: {  	v11 =	vadd.f32 v13, v11;
	v45 =	vld [tilespmem:s20+$0xFFFFFD80];
	v2 =	vadd.f32 v3, v2;
	v3 =	vmul.f32 v58, v58  }
0x110: {  	v16 =	vmul.f32 v20, v16;
	v8 =	vadd.f32 v19, v8;
	v62 =	vld [tilespmem:s21+$0xFFFFFDA0];
	v7 =	vadd.f32 v35, v7  }
0x111: {  	v43 =	vld [tilespmem:s20+$0xFFFFFD70];
	v60 =	vmul.f32 v39, v39;
	v2 =	vadd.f32 v3, v2;
	v3 =	vmul.f32 v59, v59  }
0x112: {  	v57 =	vld [tilespmem:s20+$0xFFFFFDB0];
	v11 =	vadd.f32 v16, v11;
	v47 =	vmul.f32 v28, v28;
	v7 =	vadd.f32 v12, v7  }
0x113: {  	v23, _, _ =	vpop (xrf2);
	v28 =	vmul.f32 v31, v31;
	v48 =	vld [tilespmem:s21+$0xFFFFFD60];
	v2 =	vadd.f32 v3, v2;
	v3 =	vmul.f32 v22, v22  }
0x114: {  	v27 =	vld [tilespmem:s21+$0xFFFFFDB0];
	v1 =	vbroadcast v23, $0xF;
	v10 =	vmul.f32 v39, v33;
	v7 =	vadd.f32 v41, v7  }
0x115: {  	v39 =	vmul.f32 v62, v54;
	v23 =	vmul.f32 v26, v45;
	v2 =	vadd.f32 v3, v2  }
0x116: {  	v50 =	vmul.f32 v36, v30;
	v30 =	vld [tilespmem:s21+$0xFFFFFDC0];
	v32 =	vmul.f32 v49, v43;
	v7 =	vadd.f32 v44, v7  }
0x117: {  	v35 =	vmul.f32 v43, v43;
	v43 =	vmul.f32 v26, v26;
	v12 =	vld [tilespmem:s20+$0xFFFFFDC0];
	v2 =	vadd.f32 v6, v2  }
0x118: {  	v52 =	vld [tilespmem:s20+$0xFFFFFD90];
	v63 =	vmul.f32 v48, v42;
	v42 =	vmul.f32 v45, v45;
	v7 =	vadd.f32 v47, v7  }
0x119: {  	v45 =	vmul.f32 v27, v57;
	v57 =	vmul.f32 v57, v57;
	v59 =	vld [tilespmem:s21+$0xFFFFFD90];
	v2 =	vadd.f32 v51, v2  }
0x11a: {  	v40 =	vld [tilespmem:s21+$0xFFFFFDD0];
	v58 =	vmul.f32 v33, v33;
	v33 =	vmul.f32 v48, v48;
	v7 =	vadd.f32 v14, v7  }
0x11b: {  	v20 =	vld [tilespmem:s21+$0xFFFFFE40];
	(xrf2) =	vadd.scan.msk.f32 $0xffff, v11;
	v9 =	vmul.f32 v30, v30;
	v3 =	vmul.f32 v34, v29;
	v2 =	vadd.f32 v56, v2  }
0x11c: {  	v36 =	vld [tilespmem:s20+$0xFFFFFDF0];
	v49 =	vmul.f32 v30, v12;
	v29 =	vmul.f32 v46, v46;
	v7 =	vadd.f32 v53, v7  }
0x11d: {  	v44 =	vld [tilespmem:s21+$0xFFFFFDE0];
	v47 =	vmul.f32 v52, v52;
	v3 =	vadd.f32 v50, v3;
	v2 =	vadd.f32 v58, v2  }
0x11e: {  	(xrf2) =	vadd.scan.msk.f32 $0xffff, v4;
	v34 =	vld [tilespmem:s20+$0xFFFFFDE0];
	v38 =	vmul.f32 v59, v52;
	v6 =	vadd.f32 v63, v61;
	v5 =	vadd.f32 v5, v7  }
0x11f: {  	v16 =	vmul.f32 v59, v59;
	v52 =	vld [tilespmem:s20+$0xFFFFFE20];
	v3 =	vadd.f32 v55, v3;
	v2 =	vadd.f32 v17, v2  }
0x120: {  	v59 =	vld [tilespmem:s21+$0xFFFFFE10];
	v6 =	vadd.f32 v32, v6;
	v51 =	vmul.f32 v54, v54;
	v5 =	vadd.f32 v60, v5  }
0x121: {  	(xrf2) =	vadd.scan.msk.f32 $0xffff, v8;
	v50 =	vld [tilespmem:s20+$0xFFFFFE10];
	v53 =	vmul.f32 v62, v62;
	v54 =	vmul.f32 v40, v31;
	v2 =	vadd.f32 v15, v2  }
0x122: {  	v61 =	vld [tilespmem:s21+$0xFFFFFE20];
	v62 =	vmul.f32 v12, v12;
	v32 =	vmul.f32 v44, v44;
	v5 =	vadd.f32 v29, v5  }
0x123: {  	v55 =	vmul.f32 v44, v34;
	v3 =	vadd.f32 v10, v3;
	v2 =	vadd.f32 v35, v2  }
0x124: {  	v46 =	vld [tilespmem:s21+$0xFFFFFDF0];
	v30 =	vmul.f32 v34, v34;
	v10 =	vadd.f32 v39, v38;
	v5 =	vadd.f32 v33, v5  }
0x125: {  	v24 =	vld [tilespmem:s20+$0xFFFFFF30];
	v34 =	vmul.f32 v36, v36;
	v6 =	vadd.f32 v23, v6;
	v56, _, _ =	vpop (xrf2);
	v2 =	vadd.f32 v42, v2  }
0x126: {  	v18 =	vld [tilespmem:s20+$0xFFFFFE70];
	v22 =	vbroadcast v56, $0xF;
	v19 =	vmul.f32 v59, v50;
	v41 =	vadd.f32 v37, v5  }
0x127: {  	v13 =	vld [tilespmem:s20+$0xFFFFFE30];
	v8 =	vmul.f32 v61, v52;
	v56 =	vmul.f32 v20, v20;
	v2 =	vadd.f32 v47, v2  }
0x128: {  	v48 =	vld [tilespmem:s21+$0xFFFFFE00];
	v26, _, _ =	vpop (xrf2);
	v10 =	vadd.f32 v45, v10;
	v58 =	vmul.f32 v27, v27;
	v4 =	vadd.f32 v43, v41  }
0x129: {  	v63 =	vld [tilespmem:s21+$0xFFFFFE30];
	v60 =	vmul.f32 v46, v36;
	v12 =	vbroadcast v26, $0xF;
	v2 =	vadd.f32 v51, v2  }
0x12a: {  	v39 =	vld [tilespmem:s21+$0xFFFFFE70];
	v36 =	vmul.f32 v46, v46;
	v45 =	vmul.f32 v59, v59;
	v4 =	vadd.f32 v16, v4  }
0x12b: {  	(xrf2) =	vadd.scan.msk.f32 $0xffff, v3;
	v31, _, _ =	vpop (xrf2);
	v59 =	vld [tilespmem:s20+$0xFFFFFED0];
	v1 =	vsel vm0, v1, v22;
	v3 =	vadd.f32 v49, v10;
	v2 =	vadd.f32 v57, v2  }
0x12c: {  	(xrf2) =	vadd.scan.msk.f32 $0xffff, v6;
	v1 =	vsel vm1, v1, v12;
	v12 =	vbroadcast v31, $0xF;
	v31 =	vld [tilespmem:s21+$0xFFFFFED0];
	v4 =	vadd.f32 v53, v4  }
0x12d: {  	v14 =	vld [tilespmem:s20+$0xFFFFFF40];
	v8 =	vadd.f32 v8, v19;
	v29 =	vmul.f32 v40, v40;
	v2 =	vadd.f32 v62, v2  }
0x12e: {  	v49 =	vmul.f32 v13, v13;
	v10 =	vmul.f32 v63, v13;
	v15 =	vld [tilespmem:s20+$0xFFFFFE00];
	(xrf2) =	vadd.scan.msk.f32 $0xffff, v3;
	v3 =	vadd.f32 v58, v4  }
0x12f: {  	v44 =	vld [tilespmem:s20+$0xFFFFFE90];
	v1 =	vsel vm2, v1, v12;
	v5 =	vadd.f32 v55, v54;
	v2 =	vadd.f32 v28, v2  }
0x130: {  	v46 =	vld [tilespmem:s20+$0xFFFFFEA0];
	v8 =	vadd.f32 v10, v8;
	v12 =	vmul.f32 v39, v18;
	v3 =	vadd.f32 v9, v3  }
0x131: {  	v35 =	vld [tilespmem:s21+$0xFFFFFE50];
	v13 =	vmul.f32 v31, v59;
	v5 =	vadd.f32 v60, v5;
	v2 =	vadd.f32 v30, v2  }
0x132: {  	v17 =	vld [tilespmem:s20+$0xFFFFFE50];
	v41 =	vmul.f32 v48, v48;
	v43 =	vmul.f32 v50, v50;
	v3 =	vadd.f32 v29, v3  }
0x133: {  	v50 =	vld [tilespmem:s21+$0xFFFFFE90];
	v27 =	vmul.f32 v48, v15;
	v38 =	vmul.f32 v15, v15;
	v2 =	vadd.f32 v34, v2  }
0x134: {  	v37 =	vld [tilespmem:s21+$0xFFFFFE60];
	v48 =	vmul.f32 v61, v61;
	v47 =	vmul.f32 v52, v52;
	v3 =	vadd.f32 v32, v3  }
0x135: {  	v16 =	vld [tilespmem:s20+$0xFFFFFE40];
	v33, _, _ =	vpop (xrf2);
	v52 =	vmul.f32 v63, v63;
	v5 =	vadd.f32 v27, v5;
	v2 =	vadd.f32 v38, v2  }
0x136: {  	v63 =	vld [tilespmem:s20+$0xFFFFFEF0];
	v21 =	vbroadcast v33, $0xF;
	v40, _, _ =	vpop (xrf2);
	v60 =	vmul.f32 v35, v35;
	v3 =	vadd.f32 v36, v3  }
0x137: {  	v11 =	vmul.f32 v35, v17;
	v35 =	vld [tilespmem:s21+$0xFFFFFEF0];
	v15 =	vbroadcast v40, $0xF;
	v2 =	vadd.f32 v43, v2  }
0x138: {  	v55 =	vld [tilespmem:s21+$0xFFFFFEB0];
	v1 =	vsel vm3, v1, v21;
	v40 =	vmul.f32 v50, v50;
	v3 =	vadd.f32 v41, v3  }
0x139: {  	v53 =	vld [tilespmem:s21+$0xFFFFFEA0];
	v23 =	vmul.f32 v50, v44;
	v42, _, _ =	vpop (xrf2);
	v1 =	vsel vm4, v1, v15;
	v2 =	vadd.f32 v47, v2  }
0x13a: {  	v58 =	vmul.f32 v17, v17;
	v21 =	vbroadcast v42, $0xF;
	v9 =	vld [tilespmem:s20+$0xFFFFFE60];
	v3 =	vadd.f32 v45, v3  }
0x13b: {  	(xrf2) =	vadd.scan.msk.f32 $0xffff, v5;
	v57 =	vld [tilespmem:s21+$0xFFFFFEC0];
	v54 =	vmul.f32 v16, v16;
	v16 =	vmul.f32 v20, v16;
	v2 =	vadd.f32 v49, v2  }
0x13c: {  	v7 =	vld [tilespmem:s21+$0xFFFFFE80];
	v42 =	vmul.f32 v46, v46;
	v10 =	vmul.f32 v35, v63;
	v3 =	vadd.f32 v48, v3  }
0x13d: {  	v6 =	vld [tilespmem:s20+$0xFFFFFE80];
	v1 =	vsel vm5, v1, v21;
	v8 =	vadd.f32 v16, v8;
	v2 =	vadd.f32 v54, v2  }
0x13e: {  	v33 =	vld [tilespmem:s21+$0xFFFFFEE0];
	v25 =	vmul.f32 v53, v46;
	v46 =	vmul.f32 v55, v55;
	v3 =	vadd.f32 v52, v3  }
0x13f: {  	v21 =	vld [tilespmem:s20+$0xFFFFFEC0];
	v29 =	vmul.f32 v37, v37;
	v62 =	vmul.f32 v9, v9;
	v2 =	vadd.f32 v58, v2  }
0x140: {  	v22 =	vld [tilespmem:s20+$0xFFFFFF70];
	v23 =	vadd.f32 v25, v23;
	v50 =	vmul.f32 v57, v57;
	v3 =	vadd.f32 v56, v3  }
0x141: {  	v15 =	vld [tilespmem:s20+$0xFFFFFEB0];
	v30 =	vmul.f32 v18, v18;
	v32 =	vmul.f32 v39, v39;
	v2 =	vadd.f32 v62, v2  }
0x142: {  	v61 =	vld [tilespmem:s20+$0xFFFFFEE0];
	v9 =	vmul.f32 v37, v9;
	v34 =	vmul.f32 v6, v6;
	v3 =	vadd.f32 v60, v3  }
0x143: {  	v27 =	vld [tilespmem:s21+$0xFFFFFFC0];
	v36 =	vmul.f32 v7, v7;
	v6 =	vmul.f32 v7, v6;
	v2 =	vadd.f32 v30, v2  }
0x144: {  	v17 =	vld [tilespmem:s20+$0xFFFFFF00];
	v19 =	vmul.f32 v57, v21;
	v57 =	vmul.f32 v33, v33;
	v3 =	vadd.f32 v29, v3  }
0x145: {  	v37 =	vld [tilespmem:s21+$0xFFFFFF00];
	v51, _, _ =	vpop (xrf2);
	v9 =	vadd.f32 v9, v11;
	v38 =	vmul.f32 v44, v44;
	v2 =	vadd.f32 v34, v2  }
0x146: {  	v20 =	vld [tilespmem:s20+$0xFFFFFF80];
	v26 =	vbroadcast v51, $0xF;
	v44 =	vmul.f32 v15, v15;
	v3 =	vadd.f32 v32, v3  }
0x147: {  	v16 =	vld [tilespmem:s20+$0xFFFFFFA0];
	v15 =	vmul.f32 v55, v15;
	v9 =	vadd.f32 v12, v9;
	v2 =	vadd.f32 v38, v2  }
0x148: {  	v39 =	vld [tilespmem:s20+$0xFFFFFF10];
	v1 =	vsel vm6, v1, v26;
	v43 =	vmul.f32 v53, v53;
	v3 =	vadd.f32 v36, v3  }
0x149: {  	v41 =	vld [tilespmem:s20+$0xFFFFFF20];
	v15 =	vadd.f32 v15, v23;
	v26 =	vmul.f32 v33, v61;
	v2 =	vadd.f32 v42, v2  }
0x14a: {  	v33 =	vmul.f32 v37, v37;
	v6 =	vadd.f32 v6, v9;
	v47 =	vld [tilespmem:s21+$0xFFFFFF20];
	v3 =	vadd.f32 v40, v3  }
0x14b: {  	v45 =	vld [tilespmem:s21+$0xFFFFFF10];
	v48 =	vmul.f32 v21, v21;
	v13 =	vadd.f32 v26, v13;
	v2 =	vadd.f32 v44, v2  }
0x14c: {  	v15 =	vadd.f32 v19, v15;
	v26 =	vmul.f32 v20, v20;
	v49 =	vld [tilespmem:s21+$0xFFFFFF30];
	v3 =	vadd.f32 v43, v3  }
0x14d: {  	v25 =	vld [tilespmem:s21+$0xFFFFFFB0];
	v52 =	vmul.f32 v59, v59;
	v10 =	vadd.f32 v10, v13;
	v2 =	vadd.f32 v48, v2  }
0x14e: {  	v11 =	vld [tilespmem:s20+$0xFFFFFFC0];
	v54 =	vmul.f32 v31, v31;
	v56 =	vmul.f32 v61, v61;
	v3 =	vadd.f32 v46, v3  }
0x14f: {  	v28 =	vmul.f32 v47, v41;
	v58 =	vmul.f32 v63, v63;
	v63 =	vld [tilespmem:s21+$0xFFFFFF70];
	v2 =	vadd.f32 v52, v2  }
0x150: {  	v55 =	vld [tilespmem:s20+$0xFFFFFF60];
	v60 =	vmul.f32 v35, v35;
	v35 =	vmul.f32 v45, v39;
	v3 =	vadd.f32 v50, v3  }
0x151: {  	v7 =	vmul.f32 v45, v45;
	v45 =	vmul.f32 v49, v49;
	v29 =	vld [tilespmem:s20+$0xFFFFFF90];
	v2 =	vadd.f32 v56, v2  }
0x152: {  	v53 =	vld [tilespmem:s20+$0xFFFFFF50];
	v62 =	vmul.f32 v37, v17;
	v13 =	vadd.f32 v28, v35;
	v3 =	vadd.f32 v54, v3  }
0x153: {  	v61 =	vld [tilespmem:s21+$0xFFFFFF60];
	v37 =	vmul.f32 v49, v24;
	v32 =	vmul.f32 v17, v17;
	v2 =	vadd.f32 v58, v2  }
0x154: {  	v59 =	vld [tilespmem:s21+$0xFFFFFF50];
	v10 =	vadd.f32 v62, v10;
	v49 =	vmul.f32 v63, v22;
	v3 =	vadd.f32 v57, v3  }
0x155: {  	v51 =	vld [tilespmem:s21+$0xFFFFFF40];
	v4 =	vmul.f32 v63, v63;
	v36 =	vmul.f32 v39, v39;
	v2 =	vadd.f32 v32, v2  }
0x156: {  	v34 =	vld [tilespmem:s21+$0xFFFFFF80];
	v39 =	vadd.f32 v37, v13;
	v35 =	vmul.f32 v29, v29;
	v3 =	vadd.f32 v60, v3  }
0x157: {  	v23 =	vld [tilespmem:s21+$0xFFFFFFD0];
	v38 =	vmul.f32 v41, v41;
	v40 =	vmul.f32 v47, v47;
	v2 =	vadd.f32 v36, v2  }
0x158: {  	v9 =	vld [tilespmem:s20+$0xFFFFFFD0];
	v47 =	vmul.f32 v61, v55;
	v55 =	vmul.f32 v55, v55;
	v3 =	vadd.f32 v33, v3  }
0x159: {  	v41 =	vld [tilespmem:s21+$0xFFFFFF90];
	v43 =	vmul.f32 v24, v24;
	v46 =	vmul.f32 v59, v53;
	v2 =	vadd.f32 v38, v2  }
0x15a: {  	(xrf2) =	vadd.scan.msk.f32 $0xffff, v8;
	v42 =	vmul.f32 v51, v14;
	v14 =	vmul.f32 v14, v14;
	v44 =	vld [tilespmem:s21+$0xFFFFFFA0];
	v3 =	vadd.f32 v7, v3  }
0x15b: {  	(xrf2) =	vadd.scan.msk.f32 $0xffff, v6;
	v28 =	vld [tilespmem:s20+$0xFFFFFFB0];
	v31 =	vmul.f32 v34, v34;
	v5 =	vadd.f32 v47, v46;
	v2 =	vadd.f32 v43, v2  }
0x15c: {  	(xrf2) =	vadd.scan.msk.f32 $0xffff, v15;
	v30 =	vld [tilespmem:s21+$0xFFFFFFE0];
	v48 =	vmul.f32 v51, v51;
	v50 =	vmul.f32 v34, v20;
	v3 =	vadd.f32 v40, v3  }
0x15d: {  	v51 =	vmul.f32 v53, v53;
	v5 =	vadd.f32 v49, v5;
	v2 =	vadd.f32 v14, v2;
	v14 =	vld [tilespmem:s20+$0xFFFFFFE0]  }
0x15e: {  	v8 =	vld [tilespmem:s21+$0xFFFFFFF0];
	v52 =	vmul.f32 v41, v29;
	v54 =	vmul.f32 v59, v59;
	v3 =	vadd.f32 v45, v3  }
0x15f: {  	v19 =	vld [tilespmem:s20+$0xFFFFFFF0];
	v12 =	vadd.f32 v42, v39;
	v59 =	vmul.f32 v27, v11;
	v53 =	vmul.f32 v44, v16  }
0x160: {  	v21 =	vld [tilespmem:s21+$0x0];
	v5 =	vadd.f32 v50, v5;
	v56 =	vmul.f32 v25, v28;
	v3 =	vadd.f32 v48, v3  }
0x161: {  	v17 =	vld [tilespmem:s20+$0x0];
	v57 =	vmul.f32 v61, v61;
	v6 =	vadd.f32 v53, v52;
	v2 =	vadd.f32 v51, v2  }
0x162: {  	(xrf2) =	vadd.scan.msk.f32 $0xffff, v10;
	v60 =	vmul.f32 v23, v9;
	v3 =	vadd.f32 v54, v3;
	v61 =	vmul.f32 v30, v14  }
0x163: {  	(xrf2) =	vadd.scan.msk.f32 $0xffff, v12;
	v58 =	vmul.f32 v22, v22;
	v6 =	vadd.f32 v56, v6;
	v2 =	vadd.f32 v55, v2  }
0x164: {  	v62, _, _ =	vpop (xrf2);
	v22 =	vmul.f32 v8, v19;
	v3 =	vadd.f32 v57, v3;
	v63 =	vadd.f32 v61, v60  }
0x165: {  	v34, _, _ =	vpop (xrf2);
	v46 =	vmul.f32 v25, v25;
	v6 =	vadd.f32 v59, v6;
	v2 =	vadd.f32 v58, v2  }
0x166: {  	v37, _, _ =	vpop (xrf2);
	(xrf2) =	vadd.scan.msk.f32 $0xffff, v5;
	v33 =	vmul.f32 v21, v17;
	v3 =	vadd.f32 v4, v3;
	v32 =	vadd.f32 v22, v63  }
0x167: {  	v39 =	vbroadcast v37, $0xF;
	v49 =	vmul.f32 v27, v27;
	(xrf2) =	vadd.scan.msk.f32 $0xffff, v6;
	v2 =	vadd.f32 v26, v2  }
0x168: {  	v38 =	vmul.f32 v41, v41;
	v3 =	vadd.f32 v31, v3;
	v6 =	vadd.f32 v33, v32  }
0x169: {  	v56 =	vmul.f32 v30, v30;
	v40 =	vmul.f32 v16, v16;
	v2 =	vadd.f32 v35, v2  }
0x16a: {  	v7 =	vbroadcast v62, $0xF;
	v41 =	vmul.f32 v44, v44;
	v3 =	vadd.f32 v38, v3;
	(xrf2) =	vadd.scan.msk.f32 $0xffff, v6  }
0x16b: {  	v36 =	vbroadcast v34, $0xF;
	v43 =	vmul.f32 v28, v28;
	v2 =	vadd.f32 v40, v2  }
0x16c: {  	v42, _, _ =	vpop (xrf2);
	v59 =	vmul.f32 v19, v19;
	v1 =	vsel vm7, v1, v7;
	v3 =	vadd.f32 v41, v3  }
0x16d: {  	v44, _, _ =	vpop (xrf2);
	v1 =	vsel vm8, v1, v36;
	v48 =	vmul.f32 v11, v11;
	v2 =	vadd.f32 v43, v2  }
0x16e: {  	v47 =	vbroadcast v44, $0xF;
	v45 =	vbroadcast v42, $0xF;
	v3 =	vadd.f32 v46, v3  }
0x16f: {  	s23 =	sshra.s32 s19, $0x2;
	v1 =	vsel vm9, v1, v39;
	v51 =	vmul.f32 v9, v9;
	v2 =	vadd.f32 v48, v2  }
0x170: {  	v1 =	vsel vm10, v1, v45;
	v50, _, _ =	vpop (xrf2);
	v54 =	vmul.f32 v23, v23;
	v57 =	vld [tilespmem:s23+$0x10480];
	v3 =	vadd.f32 v49, v3  }
0x171: {  	v53 =	vbroadcast v50, $0xF;
	v52, _, _ =	vpop (xrf2);
	v55 =	vmul.f32 v14, v14;
	v2 =	vadd.f32 v51, v2  }
0x172: {  	v1 =	vsel vm11, v1, v47;
	v7 =	vbroadcast v52, $0xF;
	v3 =	vadd.f32 v54, v3  }
0x173: {  	p0 =	sne.s32 s19, $0x1C0;
	v62 =	vmul.f32 v21, v21;
	v1 =	vsel vm12, v1, v53;
	v2 =	vadd.f32 v55, v2  }
.Ltmp1:
0x174: {  	v60 =	vmul.f32 v8, v8;
	v1 =	vsel vm13, v1, v7;
	v3 =	vadd.f32 v56, v3;
	v58, _, _ =	vpop (xrf2);
	(pc) =	sbr.rel @p0 .LBB2_4-.Ltmp1, $4  }
0x175: {  	v63 =	vmul.f32 v57, v57;
	v2 =	vadd.f32 v59, v2;
	v1 =	vsel vm14, v1, v58  }
0x176: {  	v61 =	vmul.f32 v17, v17;
	v3 =	vadd.f32 v60, v3;
	v6 =	vadd.f32 v1, v57  }
0x177: {  	v0 =	vadd.f32 v63, v0  }
0x178: {  	s19 =	sadd.s32 $0x40, s19;
	s21 =	sadd.s32 $0x400, s21;
	s20 =	sadd.s32 $0x400, s20;
	v2 =	vadd.f32 v61, v2;
	v1 =	vadd.f32 v62, v3;
	[tilespmem:s23+$0x10680] =	vst v6  }
0x179: {  	[tilespmem:s0], [sflag:$0x2] =	stream.indirect.gather [hbm4b:s4+s12], $0x40, s31, s12, $0xb8;
	[tilespmem:$0x10830] =	vst v63  }
0x17a: {  	_ = 	snop  }
0x17b: {  	[tilespmem:s1], [sflag:$0x2] =	stream.indirect.gather [hbm4b:s4+s12], $0x40, s18, s12, $0xb8;
	[tilespmem:$0x10830] =	vst v63  }
0x17c: {  	_ =	swait.ge [sflag:s25], $0x2000  }
0x17d: {  	[sflag:s25] =	ssyncset.done $0x0  }
0x17e: {  	[sflag:s25] =	ssyncadd.s32 $0xFFFFE000  }
0x17f: {  	_ =	swait.ge [sflag:s25], $0x2000  }
0x180: {  	s19 =	simm.s32 $0x0;
	[sflag:s25] =	ssyncset.done $0x0  }
0x181: {  	s20 =	simm.s32 $0x10500;
	s21 =	simm.s32 $0x10700;
	[sflag:s25] =	ssyncadd.s32 $0xFFFFE000  }
.LBB2_6:
0x182: {  	s23 =	sshra.s32 s19, $0x2  }
0x183: {  	v3 =	vld [tilespmem:s23+$0x4400]  }
0x184: {  	v4 =	vld [tilespmem:s23+$0x4410]  }
0x185: {  	v5 =	vld [tilespmem:s23+$0x4420]  }
0x186: {  	v6 =	vld [tilespmem:s23+$0x4430]  }
0x187: {  	v7 =	vld [tilespmem:s23+$0xC400]  }
0x188: {  	v8 =	vld [tilespmem:s23+$0xC410]  }
0x189: {  	v9 =	vld [tilespmem:s23+$0xC420]  }
0x18a: {  	v10 =	vld [tilespmem:s23+$0xC430]  }
0x18b: {  	v11 =	vld [tilespmem:s23+$0x4440]  }
0x18c: {  	v12 =	vld [tilespmem:s23+$0x4450]  }
0x18d: {  	v13 =	vld [tilespmem:s23+$0x4460]  }
0x18e: {  	v14 =	vld [tilespmem:s23+$0x4470]  }
0x18f: {  	v17 =	vld [tilespmem:s23+$0xC440]  }
0x190: {  	v18 =	vld [tilespmem:s23+$0xC450]  }
0x191: {  	v19 =	vld [tilespmem:s23+$0xC460]  }
0x192: {  	v20 =	vld [tilespmem:s23+$0xC470]  }
0x193: {  	v21 =	vld [tilespmem:s23+$0x4480]  }
0x194: {  	v45 =	vld [tilespmem:s23+$0x4490]  }
0x195: {  	v47 =	vld [tilespmem:s23+$0x44A0]  }
0x196: {  	v48 =	vld [tilespmem:s23+$0x44B0]  }
0x197: {  	v50 =	vld [tilespmem:s23+$0xC480]  }
0x198: {  	v51 =	vld [tilespmem:s23+$0xC490];
	v15 =	vmul.f32 v7, v3  }
0x199: {  	v53 =	vld [tilespmem:s23+$0xC4A0];
	v16 =	vmul.f32 v8, v4;
	v43 =	vmul.f32 v9, v5  }
0x19a: {  	v54 =	vld [tilespmem:s23+$0xC4B0];
	v3 =	vmul.f32 v3, v3;
	v44 =	vmul.f32 v10, v6  }
0x19b: {  	v56 =	vld [tilespmem:s23+$0x44C0];
	v7 =	vmul.f32 v7, v7;
	v46 =	vmul.f32 v8, v8  }
0x19c: {  	v22 =	vld [tilespmem:s23+$0x44D0];
	v49 =	vmul.f32 v9, v9;
	v52 =	vmul.f32 v10, v10  }
0x19d: {  	v23 =	vld [tilespmem:s23+$0xC4C0];
	v55 =	vmul.f32 v17, v17;
	v57 =	vmul.f32 v18, v18  }
0x19e: {  	v58 =	vld [tilespmem:s23+$0x44E0];
	v60 =	vmul.f32 v19, v19;
	v62 =	vmul.f32 v20, v20  }
0x19f: {  	v61 =	vld [tilespmem:s23+$0xC4D0];
	v29 =	vmul.f32 v50, v50;
	v9 =	vmul.f32 v50, v21  }
0x1a0: {  	v59 =	vld [tilespmem:s23+$0x44F0];
	v34 =	vmul.f32 v53, v53;
	v8 =	vmul.f32 v53, v47  }
0x1a1: {  	v42 =	vld [tilespmem:s23+$0x4540];
	v37 =	vmul.f32 v54, v54;
	v2 =	vadd.f32 v3, v2;
	v3 =	vmul.f32 v4, v4  }
0x1a2: {  	v35 =	vld [tilespmem:s23+$0xC500];
	v40 =	vmul.f32 v23, v56;
	v41 =	vmul.f32 v23, v23;
	v1 =	vadd.f32 v7, v1  }
0x1a3: {  	v36 =	vld [tilespmem:s23+$0xC510];
	v15 =	vadd.f32 v16, v15;
	v2 =	vadd.f32 v3, v2;
	v3 =	vmul.f32 v5, v5  }
0x1a4: {  	v25 =	vld [tilespmem:s23+$0xC4E0];
	v26 =	vmul.f32 v61, v22;
	v4 =	vmul.f32 v51, v45;
	v1 =	vadd.f32 v46, v1  }
0x1a5: {  	v31 =	vld [tilespmem:s23+$0x4510];
	v15 =	vadd.f32 v43, v15;
	v2 =	vadd.f32 v3, v2;
	v3 =	vmul.f32 v6, v6  }
0x1a6: {  	v33 =	vld [tilespmem:s23+$0x4530];
	v23 =	vmul.f32 v42, v42;
	v4 =	vadd.f32 v4, v9;
	v1 =	vadd.f32 v49, v1  }
0x1a7: {  	v39 =	vld [tilespmem:s23+$0xC530];
	v5 =	vmul.f32 v54, v48;
	v2 =	vadd.f32 v3, v2;
	v3 =	vmul.f32 v11, v11  }
0x1a8: {  	v63 =	vld [tilespmem:s23+$0xC4F0];
	v9 =	vmul.f32 v35, v35;
	v54 =	vmul.f32 v36, v36;
	v1 =	vadd.f32 v52, v1  }
0x1a9: {  	v32 =	vld [tilespmem:s23+$0x4520];
	v15 =	vadd.f32 v44, v15;
	v2 =	vadd.f32 v3, v2;
	v3 =	vmul.f32 v12, v12  }
0x1aa: {  	v38 =	vld [tilespmem:s23+$0xC520];
	v6 =	vmul.f32 v51, v51;
	v4 =	vadd.f32 v8, v4;
	v1 =	vadd.f32 v55, v1  }
0x1ab: {  	v44 =	vld [tilespmem:s23+$0x4560];
	v51 =	vmul.f32 v36, v31;
	v2 =	vadd.f32 v3, v2;
	v3 =	vmul.f32 v13, v13  }
0x1ac: {  	v49 =	vld [tilespmem:s23+$0xC560];
	v8 =	vmul.f32 v39, v33;
	v11 =	vmul.f32 v17, v11;
	v1 =	vadd.f32 v57, v1  }
0x1ad: {  	v17 =	vmul.f32 v25, v58;
	v2 =	vadd.f32 v3, v2;
	v3 =	vmul.f32 v14, v14  }
0x1ae: {  	v4 =	vadd.f32 v5, v4;
	v52 =	vmul.f32 v31, v31;
	v7 =	vadd.f32 v60, v1  }
0x1af: {  	v30 =	vld [tilespmem:s23+$0x4500];
	v12 =	vmul.f32 v18, v12;
	v2 =	vadd.f32 v3, v2;
	v3 =	vmul.f32 v21, v21  }
0x1b0: {  	(xrf2) =	vadd.scan.msk.f32 $0xffff, v15;
	v18 =	vmul.f32 v63, v59;
	v55 =	vmul.f32 v38, v32;
	v7 =	vadd.f32 v62, v7  }
0x1b1: {  	v46 =	vld [tilespmem:s23+$0xC540];
	v36 =	vmul.f32 v49, v44;
	v2 =	vadd.f32 v3, v2;
	v3 =	vmul.f32 v45, v45  }
0x1b2: {  	v11 =	vadd.f32 v12, v11;
	v13 =	vmul.f32 v19, v13;
	v7 =	vadd.f32 v29, v7  }
0x1b3: {  	v12 =	vmul.f32 v61, v61;
	v2 =	vadd.f32 v3, v2;
	v3 =	vmul.f32 v47, v47  }
0x1b4: {  	v19 =	vmul.f32 v30, v30;
	v57 =	vld [tilespmem:s23+$0xC580];
	v11 =	vadd.f32 v13, v11;
	v6 =	vadd.f32 v6, v7  }
0x1b5: {  	v14 =	vmul.f32 v20, v14;
	v2 =	vadd.f32 v3, v2;
	v3 =	vmul.f32 v48, v48  }
0x1b6: {  	v61 =	vmul.f32 v46, v42;
	v13 =	vmul.f32 v32, v32;
	v6 =	vadd.f32 v34, v6  }
0x1b7: {  	v27 =	vld [tilespmem:s23+$0x4580];
	v11 =	vadd.f32 v14, v11;
	v2 =	vadd.f32 v3, v2;
	v3 =	vmul.f32 v56, v56  }
0x1b8: {  	v60 =	vmul.f32 v39, v39;
	v32 =	vmul.f32 v46, v46;
	v6 =	vadd.f32 v37, v6  }
0x1b9: {  	v43 =	vld [tilespmem:s23+$0x4550];
	v14 =	vmul.f32 v57, v57;
	(xrf2) =	vadd.scan.msk.f32 $0xffff, v11;
	v2 =	vadd.f32 v3, v2;
	v3 =	vmul.f32 v22, v22  }
0x1ba: {  	v50 =	vld [tilespmem:s23+$0xC570];
	v24, _, _ =	vpop (xrf2);
	v45 =	vmul.f32 v25, v25;
	v7 =	vadd.f32 v26, v40;
	v6 =	vadd.f32 v41, v6  }
0x1bb: {  	v16 =	vld [tilespmem:s23+$0x4570];
	v1 =	vbroadcast v24, $0xF;
	v2 =	vadd.f32 v3, v2;
	v3 =	vmul.f32 v58, v58  }
0x1bc: {  	v47 =	vld [tilespmem:s23+$0xC550];
	v40 =	vmul.f32 v57, v27;
	v7 =	vadd.f32 v17, v7;
	v6 =	vadd.f32 v12, v6  }
0x1bd: {  	v10 =	vld [tilespmem:s23+$0x45A0];
	v48 =	vmul.f32 v63, v63;
	v2 =	vadd.f32 v3, v2;
	v3 =	vmul.f32 v59, v59  }
0x1be: {  	v62 =	vld [tilespmem:s23+$0xC5A0];
	v34 =	vmul.f32 v43, v43;
	v7 =	vadd.f32 v18, v7;
	v6 =	vadd.f32 v45, v6  }
0x1bf: {  	v28 =	vld [tilespmem:s23+$0xC5B0];
	v56 =	vmul.f32 v38, v38;
	v37 =	vmul.f32 v44, v44;
	v2 =	vadd.f32 v3, v2  }
0x1c0: {  	v53 =	vld [tilespmem:s23+$0x4590];
	v38 =	vmul.f32 v49, v49;
	v44 =	vmul.f32 v16, v16;
	v6 =	vadd.f32 v48, v6  }
0x1c1: {  	v42 =	vld [tilespmem:s23+$0xC5D0];
	v16 =	vmul.f32 v50, v16;
	v63 =	vmul.f32 v47, v43;
	v2 =	vadd.f32 v19, v2  }
0x1c2: {  	v39 =	vld [tilespmem:s23+$0xC5C0];
	v49 =	vmul.f32 v27, v27;
	v5 =	vmul.f32 v47, v47;
	v6 =	vadd.f32 v9, v6  }
0x1c3: {  	v46 =	vld [tilespmem:s23+$0xC5E0];
	v47 =	vmul.f32 v62, v10;
	v12 =	vadd.f32 v63, v61;
	v57, _, _ =	vpop (xrf2);
	v2 =	vadd.f32 v52, v2  }
0x1c4: {  	v58 =	vmul.f32 v33, v33;
	v17 =	vbroadcast v57, $0xF;
	v59 =	vld [tilespmem:s23+$0xC590];
	v6 =	vadd.f32 v54, v6  }
0x1c5: {  	v11 =	vld [tilespmem:s23+$0x45F0];
	v12 =	vadd.f32 v36, v12;
	v3 =	vmul.f32 v35, v30;
	v2 =	vadd.f32 v13, v2  }
0x1c6: {  	(xrf2) =	vadd.scan.msk.f32 $0xffff, v4;
	v33 =	vld [tilespmem:s23+$0x45C0];
	v45 =	vmul.f32 v50, v50;
	v36 =	vmul.f32 v42, v42;
	v6 =	vadd.f32 v56, v6  }
0x1c7: {  	v1 =	vsel vm0, v1, v17;
	v35 =	vld [tilespmem:s23+$0x45D0];
	v3 =	vadd.f32 v51, v3;
	v2 =	vadd.f32 v58, v2  }
0x1c8: {  	v48 =	vld [tilespmem:s23+$0xC5F0];
	v30 =	vmul.f32 v28, v28;
	v51 =	vadd.f32 v16, v12;
	v6 =	vadd.f32 v60, v6  }
0x1c9: {  	v19 =	vld [tilespmem:s23+$0x45B0];
	v41 =	vmul.f32 v59, v53;
	v3 =	vadd.f32 v55, v3;
	v2 =	vadd.f32 v23, v2  }
0x1ca: {  	(xrf2) =	vadd.scan.msk.f32 $0xffff, v7;
	v9 =	vld [tilespmem:s23+$0x45E0];
	v52 =	vmul.f32 v53, v53;
	v53 =	vmul.f32 v59, v59;
	v6 =	vadd.f32 v32, v6  }
0x1cb: {  	v15 =	vld [tilespmem:s23+$0x4660];
	v54 =	vmul.f32 v39, v33;
	v59 =	vmul.f32 v62, v62;
	v2 =	vadd.f32 v34, v2  }
0x1cc: {  	v20 =	vld [tilespmem:s23+$0x4650];
	v55 =	vmul.f32 v42, v35;
	v3 =	vadd.f32 v8, v3;
	v5 =	vadd.f32 v5, v6  }
0x1cd: {  	v25 =	vld [tilespmem:s23+$0x46A0];
	v31 =	vmul.f32 v48, v11;
	v8 =	vadd.f32 v41, v40;
	v2 =	vadd.f32 v37, v2  }
0x1ce: {  	v24 =	vld [tilespmem:s23+$0x4640];
	v41 =	vmul.f32 v46, v46;
	v50 =	vmul.f32 v28, v19;
	v43 =	vadd.f32 v38, v5  }
0x1cf: {  	v26 =	vld [tilespmem:s23+$0x4610];
	v61 =	vmul.f32 v46, v9;
	v8 =	vadd.f32 v47, v8;
	v2 =	vadd.f32 v44, v2  }
0x1d0: {  	v29, _, _ =	vpop (xrf2);
	v40 =	vld [tilespmem:s23+$0xC650];
	v63 =	vmul.f32 v19, v19;
	v58 =	vmul.f32 v10, v10;
	v4 =	vadd.f32 v45, v43  }
0x1d1: {  	(xrf2) =	vadd.scan.msk.f32 $0xffff, v3;
	v60 =	vld [tilespmem:s23+$0xC610];
	v10 =	vbroadcast v29, $0xF;
	v3 =	vadd.f32 v50, v8;
	v2 =	vadd.f32 v49, v2  }
0x1d2: {  	v42 =	vld [tilespmem:s23+$0xC660];
	v32 =	vmul.f32 v33, v33;
	v33 =	vmul.f32 v39, v39;
	v4 =	vadd.f32 v14, v4  }
0x1d3: {  	v13 =	vld [tilespmem:s23+$0x4630];
	v1 =	vsel vm1, v1, v10;
	v39 =	vmul.f32 v9, v9;
	v2 =	vadd.f32 v52, v2  }
0x1d4: {  	v8 =	vld [tilespmem:s23+$0xC630];
	v50 =	vmul.f32 v26, v26;
	v34 =	vmul.f32 v35, v35;
	v35, _, _ =	vpop (xrf2);
	v4 =	vadd.f32 v53, v4  }
0x1d5: {  	v57 =	vld [tilespmem:s23+$0xC6A0];
	(xrf2) =	vadd.scan.msk.f32 $0xffff, v51;
	v9 =	vmul.f32 v40, v20;
	v10 =	vbroadcast v35, $0xF;
	v2 =	vadd.f32 v58, v2  }
0x1d6: {  	v6 =	vld [tilespmem:s23+$0x4600];
	(xrf2) =	vadd.scan.msk.f32 $0xffff, v3;
	v51 =	vmul.f32 v60, v60;
	v21 =	vmul.f32 v60, v26;
	v3 =	vadd.f32 v59, v4  }
0x1d7: {  	v56 =	vld [tilespmem:s23+$0xC600];
	v35 =	vmul.f32 v15, v15;
	v15 =	vmul.f32 v42, v15;
	v2 =	vadd.f32 v63, v2  }
0x1d8: {  	v62 =	vld [tilespmem:s23+$0xC620];
	v5 =	vadd.f32 v55, v54;
	v1 =	vsel vm2, v1, v10;
	v3 =	vadd.f32 v30, v3  }
0x1d9: {  	v17 =	vld [tilespmem:s23+$0x4670];
	v60 =	vmul.f32 v8, v8;
	v8 =	vmul.f32 v8, v13;
	v2 =	vadd.f32 v32, v2  }
0x1da: {  	v37 =	vld [tilespmem:s23+$0xC640];
	v5 =	vadd.f32 v61, v5;
	v43 =	vmul.f32 v11, v11;
	v3 =	vadd.f32 v33, v3  }
0x1db: {  	v12 =	vld [tilespmem:s23+$0x4620];
	v45 =	vmul.f32 v48, v48;
	v47 =	vmul.f32 v6, v6;
	v2 =	vadd.f32 v34, v2  }
0x1dc: {  	v28 =	vld [tilespmem:s23+$0x4760];
	v6 =	vmul.f32 v56, v6;
	v5 =	vadd.f32 v31, v5;
	v3 =	vadd.f32 v36, v3  }
0x1dd: {  	v54 =	vld [tilespmem:s23+$0xC690];
	v38, _, _ =	vpop (xrf2);
	v49 =	vmul.f32 v56, v56;
	v56 =	vmul.f32 v62, v62;
	v2 =	vadd.f32 v39, v2  }
0x1de: {  	v48 =	vld [tilespmem:s23+$0x4690];
	v31 =	vmul.f32 v20, v20;
	v18 =	vbroadcast v38, $0xF;
	v3 =	vadd.f32 v41, v3  }
0x1df: {  	v19 =	vld [tilespmem:s23+$0xC7E0];
	v44, _, _ =	vpop (xrf2);
	v6 =	vadd.f32 v21, v6;
	v7 =	vmul.f32 v37, v24;
	v2 =	vadd.f32 v43, v2  }
0x1e0: {  	v10 =	vld [tilespmem:s23+$0xC670];
	(xrf2) =	vadd.scan.msk.f32 $0xffff, v5;
	v11 =	vbroadcast v44, $0xF;
	v53 =	vmul.f32 v12, v12;
	v3 =	vadd.f32 v45, v3  }
0x1e1: {  	v61 =	vld [tilespmem:s23+$0x46C0];
	v12 =	vmul.f32 v62, v12;
	v62 =	vmul.f32 v24, v24;
	v2 =	vadd.f32 v47, v2  }
0x1e2: {  	v38 =	vld [tilespmem:s23+$0xC6E0];
	v1 =	vsel vm3, v1, v18;
	v7 =	vadd.f32 v9, v7;
	v3 =	vadd.f32 v49, v3  }
0x1e3: {  	v52 =	vld [tilespmem:s23+$0xC680];
	v23 =	vmul.f32 v54, v48;
	v46, _, _ =	vpop (xrf2);
	v1 =	vsel vm4, v1, v11;
	v2 =	vadd.f32 v50, v2  }
0x1e4: {  	v22 =	vbroadcast v46, $0xF;
	v46 =	vmul.f32 v48, v48;
	v48 =	vld [tilespmem:s23+$0xC700];
	v3 =	vadd.f32 v51, v3  }
0x1e5: {  	v18 =	vld [tilespmem:s23+$0x4680];
	v58 =	vmul.f32 v13, v13;
	v6 =	vadd.f32 v12, v6;
	v2 =	vadd.f32 v53, v2  }
0x1e6: {  	v59 =	vld [tilespmem:s23+$0xC6B0];
	v7 =	vadd.f32 v15, v7;
	v30 =	vmul.f32 v37, v37;
	v3 =	vadd.f32 v56, v3  }
0x1e7: {  	v37 =	vmul.f32 v42, v42;
	v33 =	vmul.f32 v40, v40;
	v40 =	vld [tilespmem:s23+$0xC6F0];
	v2 =	vadd.f32 v58, v2  }
0x1e8: {  	v63 =	vld [tilespmem:s23+$0x46D0];
	v6 =	vadd.f32 v8, v6;
	v1 =	vsel vm5, v1, v22;
	v3 =	vadd.f32 v60, v3  }
0x1e9: {  	v34 =	vld [tilespmem:s23+$0xC6C0];
	v16 =	vmul.f32 v48, v48;
	v39 =	vmul.f32 v17, v17;
	v2 =	vadd.f32 v62, v2  }
0x1ea: {  	v36 =	vld [tilespmem:s23+$0xC6D0];
	v55, _, _ =	vpop (xrf2);
	v41 =	vmul.f32 v10, v10;
	v10 =	vmul.f32 v10, v17;
	v3 =	vadd.f32 v30, v3  }
0x1eb: {  	v44 =	vld [tilespmem:s23+$0x4710];
	v27 =	vbroadcast v55, $0xF;
	v55 =	vmul.f32 v59, v59;
	v2 =	vadd.f32 v31, v2  }
0x1ec: {  	v24 =	vld [tilespmem:s23+$0x4770];
	v9 =	vmul.f32 v40, v40;
	v43 =	vmul.f32 v18, v18;
	v3 =	vadd.f32 v33, v3  }
0x1ed: {  	v11 =	vld [tilespmem:s23+$0x46B0];
	v45 =	vmul.f32 v52, v52;
	v18 =	vmul.f32 v52, v18;
	v2 =	vadd.f32 v35, v2  }
0x1ee: {  	v12 =	vld [tilespmem:s23+$0x4780];
	v7 =	vadd.f32 v10, v7;
	v1 =	vsel vm6, v1, v27;
	v3 =	vadd.f32 v37, v3  }
0x1ef: {  	v15 =	vld [tilespmem:s23+$0x4720];
	v21 =	vmul.f32 v34, v61;
	v14 =	vmul.f32 v36, v63;
	v2 =	vadd.f32 v39, v2  }
0x1f0: {  	v27 =	vld [tilespmem:s23+$0x46E0];
	v47 =	vmul.f32 v54, v54;
	v49 =	vmul.f32 v25, v25;
	v3 =	vadd.f32 v41, v3  }
0x1f1: {  	v42 =	vld [tilespmem:s23+$0x4700];
	v18 =	vadd.f32 v23, v18;
	v25 =	vmul.f32 v57, v25;
	v2 =	vadd.f32 v43, v2  }
0x1f2: {  	v14 =	vadd.f32 v14, v21;
	v50 =	vld [tilespmem:s23+$0xC710];
	v51 =	vmul.f32 v57, v57;
	v3 =	vadd.f32 v45, v3  }
0x1f3: {  	v18 =	vadd.f32 v25, v18;
	v53 =	vmul.f32 v11, v11;
	v56 =	vld [tilespmem:s23+$0x4740];
	v2 =	vadd.f32 v46, v2  }
0x1f4: {  	v11 =	vmul.f32 v59, v11;
	v59 =	vmul.f32 v63, v63;
	v63 =	vld [tilespmem:s23+$0xC750];
	v3 =	vadd.f32 v47, v3  }
0x1f5: {  	v52 =	vld [tilespmem:s23+$0xC720];
	v57 =	vmul.f32 v61, v61;
	v13 =	vmul.f32 v38, v27;
	v2 =	vadd.f32 v49, v2  }
0x1f6: {  	v60 =	vmul.f32 v36, v36;
	v11 =	vadd.f32 v11, v18;
	v36 =	vld [tilespmem:s23+$0xC770];
	v3 =	vadd.f32 v51, v3  }
0x1f7: {  	v32 =	vld [tilespmem:s23+$0x46F0];
	v58 =	vmul.f32 v34, v34;
	v13 =	vadd.f32 v13, v14;
	v2 =	vadd.f32 v53, v2  }
0x1f8: {  	v22 =	vld [tilespmem:s23+$0x4730];
	v29 =	vmul.f32 v50, v44;
	v62 =	vmul.f32 v27, v27;
	v3 =	vadd.f32 v55, v3  }
0x1f9: {  	v54 =	vld [tilespmem:s23+$0xC730];
	v10 =	vmul.f32 v56, v56;
	v18 =	vmul.f32 v63, v63;
	v2 =	vadd.f32 v57, v2  }
0x1fa: {  	v23 =	vld [tilespmem:s23+$0xC7B0];
	v33 =	vmul.f32 v38, v38;
	v38 =	vmul.f32 v48, v42;
	v3 =	vadd.f32 v58, v3  }
0x1fb: {  	v25 =	vld [tilespmem:s23+$0x4750];
	v48 =	vmul.f32 v52, v52;
	v4 =	vmul.f32 v36, v36;
	v2 =	vadd.f32 v59, v2  }
0x1fc: {  	v61 =	vld [tilespmem:s23+$0xC740];
	v35 =	vmul.f32 v40, v32;
	v37 =	vmul.f32 v32, v32;
	v3 =	vadd.f32 v60, v3  }
0x1fd: {  	v34 =	vld [tilespmem:s23+$0xC760];
	v14 =	vadd.f32 v29, v38;
	v40 =	vmul.f32 v52, v15;
	v2 =	vadd.f32 v62, v2  }
0x1fe: {  	v30 =	vld [tilespmem:s23+$0x4790];
	v15 =	vmul.f32 v15, v15;
	v52 =	vmul.f32 v54, v54;
	v3 =	vadd.f32 v33, v3  }
0x1ff: {  	v31 =	vld [tilespmem:s23+$0x47C0];
	v39 =	vmul.f32 v42, v42;
	v13 =	vadd.f32 v35, v13;
	v2 =	vadd.f32 v37, v2  }
0x200: {  	v41 =	vmul.f32 v44, v44;
	v42 =	vld [tilespmem:s23+$0xC780];
	v14 =	vadd.f32 v40, v14;
	v3 =	vadd.f32 v9, v3  }
0x201: {  	v44 =	vld [tilespmem:s23+$0xC790];
	v45 =	vmul.f32 v61, v56;
	v46 =	vmul.f32 v63, v25;
	v2 =	vadd.f32 v39, v2  }
0x202: {  	v43 =	vmul.f32 v50, v50;
	v47 =	vld [tilespmem:s23+$0xC7A0];
	v49 =	vmul.f32 v54, v22;
	v3 =	vadd.f32 v16, v3  }
0x203: {  	v38 =	vmul.f32 v12, v12;
	v5 =	vadd.f32 v46, v45;
	v54 =	vld [tilespmem:s23+$0xC7C0];
	v2 =	vadd.f32 v41, v2  }
0x204: {  	(xrf2) =	vadd.scan.msk.f32 $0xffff, v6;
	v50 =	vmul.f32 v34, v28;
	v6 =	vadd.f32 v49, v14;
	v14 =	vld [tilespmem:s23+$0xC7D0];
	v3 =	vadd.f32 v43, v3  }
0x205: {  	v40 =	vmul.f32 v30, v30;
	v51 =	vmul.f32 v22, v22;
	v9 =	vld [tilespmem:s23+$0x47A0];
	v2 =	vadd.f32 v15, v2  }
0x206: {  	v5 =	vadd.f32 v50, v5;
	v53 =	vmul.f32 v36, v24;
	v16 =	vld [tilespmem:s23+$0x47D0];
	v3 =	vadd.f32 v48, v3  }
0x207: {  	(xrf2) =	vadd.scan.msk.f32 $0xffff, v7;
	v29 =	vld [tilespmem:s23+$0x47B0];
	v56 =	vmul.f32 v42, v12;
	v55 =	vmul.f32 v61, v61;
	v2 =	vadd.f32 v51, v2  }
0x208: {  	(xrf2) =	vadd.scan.msk.f32 $0xffff, v11;
	v5 =	vadd.f32 v53, v5;
	v57 =	vmul.f32 v44, v30;
	v15 =	vld [tilespmem:s23+$0x47E0];
	v3 =	vadd.f32 v52, v3  }
0x209: {  	v20 =	vld [tilespmem:s23+$0x47F0];
	(xrf2) =	vadd.scan.msk.f32 $0xffff, v13;
	v58 =	vmul.f32 v25, v25;
	v61 =	vmul.f32 v54, v31;
	v2 =	vadd.f32 v10, v2  }
0x20a: {  	v25 =	vld [tilespmem:s23+$0xC7F0];
	(xrf2) =	vadd.scan.msk.f32 $0xffff, v6;
	v60 =	vmul.f32 v47, v9;
	v3 =	vadd.f32 v55, v3;
	v10 =	vadd.f32 v57, v56  }
0x20b: {  	v59 =	vmul.f32 v28, v28;
	v62 =	vmul.f32 v14, v16;
	v2 =	vadd.f32 v58, v2  }
0x20c: {  	v3 =	vadd.f32 v18, v3;
	v63 =	vadd.f32 v60, v10;
	v18 =	vmul.f32 v23, v29  }
0x20d: {  	v33 =	vmul.f32 v34, v34;
	v7 =	vadd.f32 v62, v61;
	v28 =	vmul.f32 v19, v15  }
0x20e: {  	v34 =	vmul.f32 v24, v24;
	v2 =	vadd.f32 v59, v2;
	v6 =	vadd.f32 v18, v63  }
0x20f: {  	v22, _, _ =	vpop (xrf2);
	(xrf2) =	vadd.scan.msk.f32 $0xffff, v5;
	v35 =	vmul.f32 v25, v20;
	v7 =	vadd.f32 v28, v7;
	v3 =	vadd.f32 v33, v3  }
0x210: {  	v8 =	vmul.f32 v42, v42;
	v32 =	vbroadcast v22, $0xF;
	(xrf2) =	vadd.scan.msk.f32 $0xffff, v6;
	v2 =	vadd.f32 v34, v2  }
0x211: {  	v36, _, _ =	vpop (xrf2);
	v49 =	vmul.f32 v23, v23;
	v37 =	vadd.f32 v35, v7;
	v3 =	vadd.f32 v4, v3  }
0x212: {  	v1 =	vsel vm7, v1, v32;
	v46 =	vmul.f32 v47, v47;
	v39, _, _ =	vpop (xrf2);
	v2 =	vadd.f32 v38, v2  }
0x213: {  	v53 =	vmul.f32 v54, v54;
	v42, _, _ =	vpop (xrf2);
	v41 =	vmul.f32 v44, v44;
	(xrf2) =	vadd.scan.msk.f32 $0xffff, v37;
	v3 =	vadd.f32 v8, v3  }
0x214: {  	v44, _, _ =	vpop (xrf2);
	v45 =	vbroadcast v42, $0xF;
	v43 =	vmul.f32 v9, v9;
	v2 =	vadd.f32 v40, v2  }
0x215: {  	v47 =	vbroadcast v44, $0xF;
	v48 =	vmul.f32 v29, v29;
	v3 =	vadd.f32 v41, v3  }
0x216: {  	v51 =	vmul.f32 v31, v31;
	v6 =	vbroadcast v36, $0xF;
	v2 =	vadd.f32 v43, v2  }
0x217: {  	v61 =	vmul.f32 v20, v20;
	v4 =	vbroadcast v39, $0xF;
	v3 =	vadd.f32 v46, v3  }
0x218: {  	v56 =	vmul.f32 v16, v16;
	v1 =	vsel vm8, v1, v6;
	v2 =	vadd.f32 v48, v2  }
0x219: {  	v54 =	vld [tilespmem:s20+$0x0];
	v50, _, _ =	vpop (xrf2);
	v57 =	vmul.f32 v14, v14;
	v1 =	vsel vm9, v1, v4;
	v3 =	vadd.f32 v49, v3  }
0x21a: {  	v7 =	vbroadcast v50, $0xF;
	v1 =	vsel vm10, v1, v45;
	v52, _, _ =	vpop (xrf2);
	v2 =	vadd.f32 v51, v2  }
0x21b: {  	v1 =	vsel vm11, v1, v47;
	v3 =	vadd.f32 v53, v3;
	v55 =	vbroadcast v52, $0xF  }
0x21c: {  	p0 =	sne.s32 s19, $0x7000;
	v59 =	vmul.f32 v15, v15;
	v1 =	vsel vm12, v1, v7;
	v2 =	vadd.f32 v56, v2  }
.Ltmp2:
0x21d: {  	v60 =	vmul.f32 v19, v19;
	v58, _, _ =	vpop (xrf2);
	v3 =	vadd.f32 v57, v3;
	v1 =	vsel vm13, v1, v55;
	(pc) =	sbr.rel @p0 .LBB2_6-.Ltmp2, $4  }
0x21e: {  	v63 =	vmul.f32 v54, v54;
	v1 =	vsel vm14, v1, v58;
	v2 =	vadd.f32 v59, v2  }
0x21f: {  	v62 =	vmul.f32 v25, v25;
	v3 =	vadd.f32 v60, v3;
	v1 =	vadd.f32 v1, v54  }
0x220: {  	v0 =	vadd.f32 v63, v0  }
0x221: {  	s19 =	sadd.s32 $0x1000, s19;
	s20 =	sadd.s32 $0x10, s20;
	v2 =	vadd.f32 v61, v2;
	[tilespmem:s21+$0x0] =	vst v1;
	v1 =	vadd.f32 v62, v3;
	s21 =	sadd.s32 $0x10, s21  }
0x222: {  	_ =	swait.ge [sflag:s30], $0x2000  }
0x223: {  	[sflag:s30] =	ssyncset.done $0x0  }
0x224: {  	[sflag:s30] =	ssyncadd.s32 $0xFFFFE000  }
0x225: {  	_ =	swait.ge [sflag:s30], $0x2000  }
0x226: {  	s19 =	simm.s32 $0x0;
	[sflag:s30] =	ssyncset.done $0x0  }
0x227: {  	s20 =	simm.s32 $0x10580;
	s21 =	simm.s32 $0x10780;
	[sflag:s30] =	ssyncadd.s32 $0xFFFFE000  }
.LBB2_8:
0x228: {  	s23 =	sshra.s32 s19, $0x2  }
0x229: {  	v3 =	vld [tilespmem:s23+$0x6400]  }
0x22a: {  	v4 =	vld [tilespmem:s23+$0x6410]  }
0x22b: {  	v5 =	vld [tilespmem:s23+$0x6420]  }
0x22c: {  	v6 =	vld [tilespmem:s23+$0x6430]  }
0x22d: {  	v7 =	vld [tilespmem:s23+$0xE400]  }
0x22e: {  	v8 =	vld [tilespmem:s23+$0xE410]  }
0x22f: {  	v9 =	vld [tilespmem:s23+$0xE420]  }
0x230: {  	v10 =	vld [tilespmem:s23+$0xE430]  }
0x231: {  	v11 =	vld [tilespmem:s23+$0x6440]  }
0x232: {  	v12 =	vld [tilespmem:s23+$0x6450]  }
0x233: {  	v13 =	vld [tilespmem:s23+$0x6460]  }
0x234: {  	v14 =	vld [tilespmem:s23+$0x6470]  }
0x235: {  	v17 =	vld [tilespmem:s23+$0xE440]  }
0x236: {  	v18 =	vld [tilespmem:s23+$0xE450]  }
0x237: {  	v19 =	vld [tilespmem:s23+$0xE460]  }
0x238: {  	v20 =	vld [tilespmem:s23+$0xE470]  }
0x239: {  	v21 =	vld [tilespmem:s23+$0x6480]  }
0x23a: {  	v45 =	vld [tilespmem:s23+$0x6490]  }
0x23b: {  	v47 =	vld [tilespmem:s23+$0x64A0]  }
0x23c: {  	v48 =	vld [tilespmem:s23+$0x64B0]  }
0x23d: {  	v50 =	vld [tilespmem:s23+$0xE480]  }
0x23e: {  	v51 =	vld [tilespmem:s23+$0xE490];
	v15 =	vmul.f32 v7, v3  }
0x23f: {  	v53 =	vld [tilespmem:s23+$0xE4A0];
	v16 =	vmul.f32 v8, v4;
	v43 =	vmul.f32 v9, v5  }
0x240: {  	v54 =	vld [tilespmem:s23+$0xE4B0];
	v3 =	vmul.f32 v3, v3;
	v44 =	vmul.f32 v10, v6  }
0x241: {  	v56 =	vld [tilespmem:s23+$0x64C0];
	v7 =	vmul.f32 v7, v7;
	v46 =	vmul.f32 v8, v8  }
0x242: {  	v22 =	vld [tilespmem:s23+$0x64D0];
	v49 =	vmul.f32 v9, v9;
	v52 =	vmul.f32 v10, v10  }
0x243: {  	v23 =	vld [tilespmem:s23+$0xE4C0];
	v55 =	vmul.f32 v17, v17;
	v57 =	vmul.f32 v18, v18  }
0x244: {  	v58 =	vld [tilespmem:s23+$0x64E0];
	v60 =	vmul.f32 v19, v19;
	v62 =	vmul.f32 v20, v20  }
0x245: {  	v61 =	vld [tilespmem:s23+$0xE4D0];
	v29 =	vmul.f32 v50, v50;
	v9 =	vmul.f32 v50, v21  }
0x246: {  	v59 =	vld [tilespmem:s23+$0x64F0];
	v34 =	vmul.f32 v53, v53;
	v8 =	vmul.f32 v53, v47  }
0x247: {  	v42 =	vld [tilespmem:s23+$0x6540];
	v37 =	vmul.f32 v54, v54;
	v2 =	vadd.f32 v3, v2;
	v3 =	vmul.f32 v4, v4  }
0x248: {  	v35 =	vld [tilespmem:s23+$0xE500];
	v40 =	vmul.f32 v23, v56;
	v41 =	vmul.f32 v23, v23;
	v1 =	vadd.f32 v7, v1  }
0x249: {  	v36 =	vld [tilespmem:s23+$0xE510];
	v15 =	vadd.f32 v16, v15;
	v2 =	vadd.f32 v3, v2;
	v3 =	vmul.f32 v5, v5  }
0x24a: {  	v25 =	vld [tilespmem:s23+$0xE4E0];
	v26 =	vmul.f32 v61, v22;
	v4 =	vmul.f32 v51, v45;
	v1 =	vadd.f32 v46, v1  }
0x24b: {  	v31 =	vld [tilespmem:s23+$0x6510];
	v15 =	vadd.f32 v43, v15;
	v2 =	vadd.f32 v3, v2;
	v3 =	vmul.f32 v6, v6  }
0x24c: {  	v33 =	vld [tilespmem:s23+$0x6530];
	v23 =	vmul.f32 v42, v42;
	v4 =	vadd.f32 v4, v9;
	v1 =	vadd.f32 v49, v1  }
0x24d: {  	v39 =	vld [tilespmem:s23+$0xE530];
	v5 =	vmul.f32 v54, v48;
	v2 =	vadd.f32 v3, v2;
	v3 =	vmul.f32 v11, v11  }
0x24e: {  	v63 =	vld [tilespmem:s23+$0xE4F0];
	v9 =	vmul.f32 v35, v35;
	v54 =	vmul.f32 v36, v36;
	v1 =	vadd.f32 v52, v1  }
0x24f: {  	v32 =	vld [tilespmem:s23+$0x6520];
	v15 =	vadd.f32 v44, v15;
	v2 =	vadd.f32 v3, v2;
	v3 =	vmul.f32 v12, v12  }
0x250: {  	v38 =	vld [tilespmem:s23+$0xE520];
	v6 =	vmul.f32 v51, v51;
	v4 =	vadd.f32 v8, v4;
	v1 =	vadd.f32 v55, v1  }
0x251: {  	v44 =	vld [tilespmem:s23+$0x6560];
	v51 =	vmul.f32 v36, v31;
	v2 =	vadd.f32 v3, v2;
	v3 =	vmul.f32 v13, v13  }
0x252: {  	v49 =	vld [tilespmem:s23+$0xE560];
	v8 =	vmul.f32 v39, v33;
	v11 =	vmul.f32 v17, v11;
	v1 =	vadd.f32 v57, v1  }
0x253: {  	v17 =	vmul.f32 v25, v58;
	v2 =	vadd.f32 v3, v2;
	v3 =	vmul.f32 v14, v14  }
0x254: {  	v4 =	vadd.f32 v5, v4;
	v52 =	vmul.f32 v31, v31;
	v7 =	vadd.f32 v60, v1  }
0x255: {  	v30 =	vld [tilespmem:s23+$0x6500];
	v12 =	vmul.f32 v18, v12;
	v2 =	vadd.f32 v3, v2;
	v3 =	vmul.f32 v21, v21  }
0x256: {  	(xrf2) =	vadd.scan.msk.f32 $0xffff, v15;
	v18 =	vmul.f32 v63, v59;
	v55 =	vmul.f32 v38, v32;
	v7 =	vadd.f32 v62, v7  }
0x257: {  	v46 =	vld [tilespmem:s23+$0xE540];
	v36 =	vmul.f32 v49, v44;
	v2 =	vadd.f32 v3, v2;
	v3 =	vmul.f32 v45, v45  }
0x258: {  	v11 =	vadd.f32 v12, v11;
	v13 =	vmul.f32 v19, v13;
	v7 =	vadd.f32 v29, v7  }
0x259: {  	v12 =	vmul.f32 v61, v61;
	v2 =	vadd.f32 v3, v2;
	v3 =	vmul.f32 v47, v47  }
0x25a: {  	v19 =	vmul.f32 v30, v30;
	v57 =	vld [tilespmem:s23+$0xE580];
	v11 =	vadd.f32 v13, v11;
	v6 =	vadd.f32 v6, v7  }
0x25b: {  	v14 =	vmul.f32 v20, v14;
	v2 =	vadd.f32 v3, v2;
	v3 =	vmul.f32 v48, v48  }
0x25c: {  	v61 =	vmul.f32 v46, v42;
	v13 =	vmul.f32 v32, v32;
	v6 =	vadd.f32 v34, v6  }
0x25d: {  	v27 =	vld [tilespmem:s23+$0x6580];
	v11 =	vadd.f32 v14, v11;
	v2 =	vadd.f32 v3, v2;
	v3 =	vmul.f32 v56, v56  }
0x25e: {  	v60 =	vmul.f32 v39, v39;
	v32 =	vmul.f32 v46, v46;
	v6 =	vadd.f32 v37, v6  }
0x25f: {  	v43 =	vld [tilespmem:s23+$0x6550];
	v14 =	vmul.f32 v57, v57;
	(xrf2) =	vadd.scan.msk.f32 $0xffff, v11;
	v2 =	vadd.f32 v3, v2;
	v3 =	vmul.f32 v22, v22  }
0x260: {  	v50 =	vld [tilespmem:s23+$0xE570];
	v24, _, _ =	vpop (xrf2);
	v45 =	vmul.f32 v25, v25;
	v7 =	vadd.f32 v26, v40;
	v6 =	vadd.f32 v41, v6  }
0x261: {  	v16 =	vld [tilespmem:s23+$0x6570];
	v1 =	vbroadcast v24, $0xF;
	v2 =	vadd.f32 v3, v2;
	v3 =	vmul.f32 v58, v58  }
0x262: {  	v47 =	vld [tilespmem:s23+$0xE550];
	v40 =	vmul.f32 v57, v27;
	v7 =	vadd.f32 v17, v7;
	v6 =	vadd.f32 v12, v6  }
0x263: {  	v10 =	vld [tilespmem:s23+$0x65A0];
	v48 =	vmul.f32 v63, v63;
	v2 =	vadd.f32 v3, v2;
	v3 =	vmul.f32 v59, v59  }
0x264: {  	v62 =	vld [tilespmem:s23+$0xE5A0];
	v34 =	vmul.f32 v43, v43;
	v7 =	vadd.f32 v18, v7;
	v6 =	vadd.f32 v45, v6  }
0x265: {  	v28 =	vld [tilespmem:s23+$0xE5B0];
	v56 =	vmul.f32 v38, v38;
	v37 =	vmul.f32 v44, v44;
	v2 =	vadd.f32 v3, v2  }
0x266: {  	v53 =	vld [tilespmem:s23+$0x6590];
	v38 =	vmul.f32 v49, v49;
	v44 =	vmul.f32 v16, v16;
	v6 =	vadd.f32 v48, v6  }
0x267: {  	v42 =	vld [tilespmem:s23+$0xE5D0];
	v16 =	vmul.f32 v50, v16;
	v63 =	vmul.f32 v47, v43;
	v2 =	vadd.f32 v19, v2  }
0x268: {  	v39 =	vld [tilespmem:s23+$0xE5C0];
	v49 =	vmul.f32 v27, v27;
	v5 =	vmul.f32 v47, v47;
	v6 =	vadd.f32 v9, v6  }
0x269: {  	v46 =	vld [tilespmem:s23+$0xE5E0];
	v47 =	vmul.f32 v62, v10;
	v12 =	vadd.f32 v63, v61;
	v57, _, _ =	vpop (xrf2);
	v2 =	vadd.f32 v52, v2  }
0x26a: {  	v58 =	vmul.f32 v33, v33;
	v17 =	vbroadcast v57, $0xF;
	v59 =	vld [tilespmem:s23+$0xE590];
	v6 =	vadd.f32 v54, v6  }
0x26b: {  	v11 =	vld [tilespmem:s23+$0x65F0];
	v12 =	vadd.f32 v36, v12;
	v3 =	vmul.f32 v35, v30;
	v2 =	vadd.f32 v13, v2  }
0x26c: {  	(xrf2) =	vadd.scan.msk.f32 $0xffff, v4;
	v33 =	vld [tilespmem:s23+$0x65C0];
	v45 =	vmul.f32 v50, v50;
	v36 =	vmul.f32 v42, v42;
	v6 =	vadd.f32 v56, v6  }
0x26d: {  	v1 =	vsel vm0, v1, v17;
	v35 =	vld [tilespmem:s23+$0x65D0];
	v3 =	vadd.f32 v51, v3;
	v2 =	vadd.f32 v58, v2  }
0x26e: {  	v48 =	vld [tilespmem:s23+$0xE5F0];
	v30 =	vmul.f32 v28, v28;
	v51 =	vadd.f32 v16, v12;
	v6 =	vadd.f32 v60, v6  }
0x26f: {  	v19 =	vld [tilespmem:s23+$0x65B0];
	v41 =	vmul.f32 v59, v53;
	v3 =	vadd.f32 v55, v3;
	v2 =	vadd.f32 v23, v2  }
0x270: {  	(xrf2) =	vadd.scan.msk.f32 $0xffff, v7;
	v9 =	vld [tilespmem:s23+$0x65E0];
	v52 =	vmul.f32 v53, v53;
	v53 =	vmul.f32 v59, v59;
	v6 =	vadd.f32 v32, v6  }
0x271: {  	v15 =	vld [tilespmem:s23+$0x6660];
	v54 =	vmul.f32 v39, v33;
	v59 =	vmul.f32 v62, v62;
	v2 =	vadd.f32 v34, v2  }
0x272: {  	v20 =	vld [tilespmem:s23+$0x6650];
	v55 =	vmul.f32 v42, v35;
	v3 =	vadd.f32 v8, v3;
	v5 =	vadd.f32 v5, v6  }
0x273: {  	v25 =	vld [tilespmem:s23+$0x66A0];
	v31 =	vmul.f32 v48, v11;
	v8 =	vadd.f32 v41, v40;
	v2 =	vadd.f32 v37, v2  }
0x274: {  	v24 =	vld [tilespmem:s23+$0x6640];
	v41 =	vmul.f32 v46, v46;
	v50 =	vmul.f32 v28, v19;
	v43 =	vadd.f32 v38, v5  }
0x275: {  	v26 =	vld [tilespmem:s23+$0x6610];
	v61 =	vmul.f32 v46, v9;
	v8 =	vadd.f32 v47, v8;
	v2 =	vadd.f32 v44, v2  }
0x276: {  	v29, _, _ =	vpop (xrf2);
	v40 =	vld [tilespmem:s23+$0xE650];
	v63 =	vmul.f32 v19, v19;
	v58 =	vmul.f32 v10, v10;
	v4 =	vadd.f32 v45, v43  }
0x277: {  	(xrf2) =	vadd.scan.msk.f32 $0xffff, v3;
	v60 =	vld [tilespmem:s23+$0xE610];
	v10 =	vbroadcast v29, $0xF;
	v3 =	vadd.f32 v50, v8;
	v2 =	vadd.f32 v49, v2  }
0x278: {  	v42 =	vld [tilespmem:s23+$0xE660];
	v32 =	vmul.f32 v33, v33;
	v33 =	vmul.f32 v39, v39;
	v4 =	vadd.f32 v14, v4  }
0x279: {  	v13 =	vld [tilespmem:s23+$0x6630];
	v1 =	vsel vm1, v1, v10;
	v39 =	vmul.f32 v9, v9;
	v2 =	vadd.f32 v52, v2  }
0x27a: {  	v8 =	vld [tilespmem:s23+$0xE630];
	v50 =	vmul.f32 v26, v26;
	v34 =	vmul.f32 v35, v35;
	v35, _, _ =	vpop (xrf2);
	v4 =	vadd.f32 v53, v4  }
0x27b: {  	v57 =	vld [tilespmem:s23+$0xE6A0];
	(xrf2) =	vadd.scan.msk.f32 $0xffff, v51;
	v9 =	vmul.f32 v40, v20;
	v10 =	vbroadcast v35, $0xF;
	v2 =	vadd.f32 v58, v2  }
0x27c: {  	v6 =	vld [tilespmem:s23+$0x6600];
	(xrf2) =	vadd.scan.msk.f32 $0xffff, v3;
	v51 =	vmul.f32 v60, v60;
	v21 =	vmul.f32 v60, v26;
	v3 =	vadd.f32 v59, v4  }
0x27d: {  	v56 =	vld [tilespmem:s23+$0xE600];
	v35 =	vmul.f32 v15, v15;
	v15 =	vmul.f32 v42, v15;
	v2 =	vadd.f32 v63, v2  }
0x27e: {  	v62 =	vld [tilespmem:s23+$0xE620];
	v5 =	vadd.f32 v55, v54;
	v1 =	vsel vm2, v1, v10;
	v3 =	vadd.f32 v30, v3  }
0x27f: {  	v17 =	vld [tilespmem:s23+$0x6670];
	v60 =	vmul.f32 v8, v8;
	v8 =	vmul.f32 v8, v13;
	v2 =	vadd.f32 v32, v2  }
0x280: {  	v37 =	vld [tilespmem:s23+$0xE640];
	v5 =	vadd.f32 v61, v5;
	v43 =	vmul.f32 v11, v11;
	v3 =	vadd.f32 v33, v3  }
0x281: {  	v12 =	vld [tilespmem:s23+$0x6620];
	v45 =	vmul.f32 v48, v48;
	v47 =	vmul.f32 v6, v6;
	v2 =	vadd.f32 v34, v2  }
0x282: {  	v28 =	vld [tilespmem:s23+$0x6760];
	v6 =	vmul.f32 v56, v6;
	v5 =	vadd.f32 v31, v5;
	v3 =	vadd.f32 v36, v3  }
0x283: {  	v54 =	vld [tilespmem:s23+$0xE690];
	v38, _, _ =	vpop (xrf2);
	v49 =	vmul.f32 v56, v56;
	v56 =	vmul.f32 v62, v62;
	v2 =	vadd.f32 v39, v2  }
0x284: {  	v48 =	vld [tilespmem:s23+$0x6690];
	v31 =	vmul.f32 v20, v20;
	v18 =	vbroadcast v38, $0xF;
	v3 =	vadd.f32 v41, v3  }
0x285: {  	v19 =	vld [tilespmem:s23+$0xE7E0];
	v44, _, _ =	vpop (xrf2);
	v6 =	vadd.f32 v21, v6;
	v7 =	vmul.f32 v37, v24;
	v2 =	vadd.f32 v43, v2  }
0x286: {  	v10 =	vld [tilespmem:s23+$0xE670];
	(xrf2) =	vadd.scan.msk.f32 $0xffff, v5;
	v11 =	vbroadcast v44, $0xF;
	v53 =	vmul.f32 v12, v12;
	v3 =	vadd.f32 v45, v3  }
0x287: {  	v61 =	vld [tilespmem:s23+$0x66C0];
	v12 =	vmul.f32 v62, v12;
	v62 =	vmul.f32 v24, v24;
	v2 =	vadd.f32 v47, v2  }
0x288: {  	v38 =	vld [tilespmem:s23+$0xE6E0];
	v1 =	vsel vm3, v1, v18;
	v7 =	vadd.f32 v9, v7;
	v3 =	vadd.f32 v49, v3  }
0x289: {  	v52 =	vld [tilespmem:s23+$0xE680];
	v23 =	vmul.f32 v54, v48;
	v46, _, _ =	vpop (xrf2);
	v1 =	vsel vm4, v1, v11;
	v2 =	vadd.f32 v50, v2  }
0x28a: {  	v22 =	vbroadcast v46, $0xF;
	v46 =	vmul.f32 v48, v48;
	v48 =	vld [tilespmem:s23+$0xE700];
	v3 =	vadd.f32 v51, v3  }
0x28b: {  	v18 =	vld [tilespmem:s23+$0x6680];
	v58 =	vmul.f32 v13, v13;
	v6 =	vadd.f32 v12, v6;
	v2 =	vadd.f32 v53, v2  }
0x28c: {  	v59 =	vld [tilespmem:s23+$0xE6B0];
	v7 =	vadd.f32 v15, v7;
	v30 =	vmul.f32 v37, v37;
	v3 =	vadd.f32 v56, v3  }
0x28d: {  	v37 =	vmul.f32 v42, v42;
	v33 =	vmul.f32 v40, v40;
	v40 =	vld [tilespmem:s23+$0xE6F0];
	v2 =	vadd.f32 v58, v2  }
0x28e: {  	v63 =	vld [tilespmem:s23+$0x66D0];
	v6 =	vadd.f32 v8, v6;
	v1 =	vsel vm5, v1, v22;
	v3 =	vadd.f32 v60, v3  }
0x28f: {  	v34 =	vld [tilespmem:s23+$0xE6C0];
	v16 =	vmul.f32 v48, v48;
	v39 =	vmul.f32 v17, v17;
	v2 =	vadd.f32 v62, v2  }
0x290: {  	v36 =	vld [tilespmem:s23+$0xE6D0];
	v55, _, _ =	vpop (xrf2);
	v41 =	vmul.f32 v10, v10;
	v10 =	vmul.f32 v10, v17;
	v3 =	vadd.f32 v30, v3  }
0x291: {  	v44 =	vld [tilespmem:s23+$0x6710];
	v27 =	vbroadcast v55, $0xF;
	v55 =	vmul.f32 v59, v59;
	v2 =	vadd.f32 v31, v2  }
0x292: {  	v24 =	vld [tilespmem:s23+$0x6770];
	v9 =	vmul.f32 v40, v40;
	v43 =	vmul.f32 v18, v18;
	v3 =	vadd.f32 v33, v3  }
0x293: {  	v11 =	vld [tilespmem:s23+$0x66B0];
	v45 =	vmul.f32 v52, v52;
	v18 =	vmul.f32 v52, v18;
	v2 =	vadd.f32 v35, v2  }
0x294: {  	v12 =	vld [tilespmem:s23+$0x6780];
	v7 =	vadd.f32 v10, v7;
	v1 =	vsel vm6, v1, v27;
	v3 =	vadd.f32 v37, v3  }
0x295: {  	v15 =	vld [tilespmem:s23+$0x6720];
	v21 =	vmul.f32 v34, v61;
	v14 =	vmul.f32 v36, v63;
	v2 =	vadd.f32 v39, v2  }
0x296: {  	v27 =	vld [tilespmem:s23+$0x66E0];
	v47 =	vmul.f32 v54, v54;
	v49 =	vmul.f32 v25, v25;
	v3 =	vadd.f32 v41, v3  }
0x297: {  	v42 =	vld [tilespmem:s23+$0x6700];
	v18 =	vadd.f32 v23, v18;
	v25 =	vmul.f32 v57, v25;
	v2 =	vadd.f32 v43, v2  }
0x298: {  	v14 =	vadd.f32 v14, v21;
	v50 =	vld [tilespmem:s23+$0xE710];
	v51 =	vmul.f32 v57, v57;
	v3 =	vadd.f32 v45, v3  }
0x299: {  	v18 =	vadd.f32 v25, v18;
	v53 =	vmul.f32 v11, v11;
	v56 =	vld [tilespmem:s23+$0x6740];
	v2 =	vadd.f32 v46, v2  }
0x29a: {  	v11 =	vmul.f32 v59, v11;
	v59 =	vmul.f32 v63, v63;
	v63 =	vld [tilespmem:s23+$0xE750];
	v3 =	vadd.f32 v47, v3  }
0x29b: {  	v52 =	vld [tilespmem:s23+$0xE720];
	v57 =	vmul.f32 v61, v61;
	v13 =	vmul.f32 v38, v27;
	v2 =	vadd.f32 v49, v2  }
0x29c: {  	v60 =	vmul.f32 v36, v36;
	v11 =	vadd.f32 v11, v18;
	v36 =	vld [tilespmem:s23+$0xE770];
	v3 =	vadd.f32 v51, v3  }
0x29d: {  	v32 =	vld [tilespmem:s23+$0x66F0];
	v58 =	vmul.f32 v34, v34;
	v13 =	vadd.f32 v13, v14;
	v2 =	vadd.f32 v53, v2  }
0x29e: {  	v22 =	vld [tilespmem:s23+$0x6730];
	v29 =	vmul.f32 v50, v44;
	v62 =	vmul.f32 v27, v27;
	v3 =	vadd.f32 v55, v3  }
0x29f: {  	v54 =	vld [tilespmem:s23+$0xE730];
	v10 =	vmul.f32 v56, v56;
	v18 =	vmul.f32 v63, v63;
	v2 =	vadd.f32 v57, v2  }
0x2a0: {  	v23 =	vld [tilespmem:s23+$0xE7B0];
	v33 =	vmul.f32 v38, v38;
	v38 =	vmul.f32 v48, v42;
	v3 =	vadd.f32 v58, v3  }
0x2a1: {  	v25 =	vld [tilespmem:s23+$0x6750];
	v48 =	vmul.f32 v52, v52;
	v4 =	vmul.f32 v36, v36;
	v2 =	vadd.f32 v59, v2  }
0x2a2: {  	v61 =	vld [tilespmem:s23+$0xE740];
	v35 =	vmul.f32 v40, v32;
	v37 =	vmul.f32 v32, v32;
	v3 =	vadd.f32 v60, v3  }
0x2a3: {  	v34 =	vld [tilespmem:s23+$0xE760];
	v14 =	vadd.f32 v29, v38;
	v40 =	vmul.f32 v52, v15;
	v2 =	vadd.f32 v62, v2  }
0x2a4: {  	v30 =	vld [tilespmem:s23+$0x6790];
	v15 =	vmul.f32 v15, v15;
	v52 =	vmul.f32 v54, v54;
	v3 =	vadd.f32 v33, v3  }
0x2a5: {  	v31 =	vld [tilespmem:s23+$0x67C0];
	v39 =	vmul.f32 v42, v42;
	v13 =	vadd.f32 v35, v13;
	v2 =	vadd.f32 v37, v2  }
0x2a6: {  	v41 =	vmul.f32 v44, v44;
	v42 =	vld [tilespmem:s23+$0xE780];
	v14 =	vadd.f32 v40, v14;
	v3 =	vadd.f32 v9, v3  }
0x2a7: {  	v44 =	vld [tilespmem:s23+$0xE790];
	v45 =	vmul.f32 v61, v56;
	v46 =	vmul.f32 v63, v25;
	v2 =	vadd.f32 v39, v2  }
0x2a8: {  	v43 =	vmul.f32 v50, v50;
	v47 =	vld [tilespmem:s23+$0xE7A0];
	v49 =	vmul.f32 v54, v22;
	v3 =	vadd.f32 v16, v3  }
0x2a9: {  	v38 =	vmul.f32 v12, v12;
	v5 =	vadd.f32 v46, v45;
	v54 =	vld [tilespmem:s23+$0xE7C0];
	v2 =	vadd.f32 v41, v2  }
0x2aa: {  	(xrf2) =	vadd.scan.msk.f32 $0xffff, v6;
	v50 =	vmul.f32 v34, v28;
	v6 =	vadd.f32 v49, v14;
	v14 =	vld [tilespmem:s23+$0xE7D0];
	v3 =	vadd.f32 v43, v3  }
0x2ab: {  	v40 =	vmul.f32 v30, v30;
	v51 =	vmul.f32 v22, v22;
	v9 =	vld [tilespmem:s23+$0x67A0];
	v2 =	vadd.f32 v15, v2  }
0x2ac: {  	v5 =	vadd.f32 v50, v5;
	v53 =	vmul.f32 v36, v24;
	v16 =	vld [tilespmem:s23+$0x67D0];
	v3 =	vadd.f32 v48, v3  }
0x2ad: {  	(xrf2) =	vadd.scan.msk.f32 $0xffff, v7;
	v29 =	vld [tilespmem:s23+$0x67B0];
	v56 =	vmul.f32 v42, v12;
	v55 =	vmul.f32 v61, v61;
	v2 =	vadd.f32 v51, v2  }
0x2ae: {  	(xrf2) =	vadd.scan.msk.f32 $0xffff, v11;
	v5 =	vadd.f32 v53, v5;
	v57 =	vmul.f32 v44, v30;
	v15 =	vld [tilespmem:s23+$0x67E0];
	v3 =	vadd.f32 v52, v3  }
0x2af: {  	v20 =	vld [tilespmem:s23+$0x67F0];
	(xrf2) =	vadd.scan.msk.f32 $0xffff, v13;
	v58 =	vmul.f32 v25, v25;
	v61 =	vmul.f32 v54, v31;
	v2 =	vadd.f32 v10, v2  }
0x2b0: {  	v25 =	vld [tilespmem:s23+$0xE7F0];
	(xrf2) =	vadd.scan.msk.f32 $0xffff, v6;
	v60 =	vmul.f32 v47, v9;
	v3 =	vadd.f32 v55, v3;
	v10 =	vadd.f32 v57, v56  }
0x2b1: {  	v59 =	vmul.f32 v28, v28;
	v62 =	vmul.f32 v14, v16;
	v2 =	vadd.f32 v58, v2  }
0x2b2: {  	v3 =	vadd.f32 v18, v3;
	v63 =	vadd.f32 v60, v10;
	v18 =	vmul.f32 v23, v29  }
0x2b3: {  	v33 =	vmul.f32 v34, v34;
	v7 =	vadd.f32 v62, v61;
	v28 =	vmul.f32 v19, v15  }
0x2b4: {  	v34 =	vmul.f32 v24, v24;
	v2 =	vadd.f32 v59, v2;
	v6 =	vadd.f32 v18, v63  }
0x2b5: {  	v22, _, _ =	vpop (xrf2);
	(xrf2) =	vadd.scan.msk.f32 $0xffff, v5;
	v35 =	vmul.f32 v25, v20;
	v7 =	vadd.f32 v28, v7;
	v3 =	vadd.f32 v33, v3  }
0x2b6: {  	v8 =	vmul.f32 v42, v42;
	v32 =	vbroadcast v22, $0xF;
	(xrf2) =	vadd.scan.msk.f32 $0xffff, v6;
	v2 =	vadd.f32 v34, v2  }
0x2b7: {  	v36, _, _ =	vpop (xrf2);
	v49 =	vmul.f32 v23, v23;
	v37 =	vadd.f32 v35, v7;
	v3 =	vadd.f32 v4, v3  }
0x2b8: {  	v1 =	vsel vm7, v1, v32;
	v46 =	vmul.f32 v47, v47;
	v39, _, _ =	vpop (xrf2);
	v2 =	vadd.f32 v38, v2  }
0x2b9: {  	v53 =	vmul.f32 v54, v54;
	v42, _, _ =	vpop (xrf2);
	v41 =	vmul.f32 v44, v44;
	(xrf2) =	vadd.scan.msk.f32 $0xffff, v37;
	v3 =	vadd.f32 v8, v3  }
0x2ba: {  	v44, _, _ =	vpop (xrf2);
	v45 =	vbroadcast v42, $0xF;
	v43 =	vmul.f32 v9, v9;
	v2 =	vadd.f32 v40, v2  }
0x2bb: {  	v47 =	vbroadcast v44, $0xF;
	v48 =	vmul.f32 v29, v29;
	v3 =	vadd.f32 v41, v3  }
0x2bc: {  	v51 =	vmul.f32 v31, v31;
	v6 =	vbroadcast v36, $0xF;
	v2 =	vadd.f32 v43, v2  }
0x2bd: {  	v61 =	vmul.f32 v20, v20;
	v4 =	vbroadcast v39, $0xF;
	v3 =	vadd.f32 v46, v3  }
0x2be: {  	v56 =	vmul.f32 v16, v16;
	v1 =	vsel vm8, v1, v6;
	v2 =	vadd.f32 v48, v2  }
0x2bf: {  	v54 =	vld [tilespmem:s20+$0x0];
	v50, _, _ =	vpop (xrf2);
	v57 =	vmul.f32 v14, v14;
	v1 =	vsel vm9, v1, v4;
	v3 =	vadd.f32 v49, v3  }
0x2c0: {  	v7 =	vbroadcast v50, $0xF;
	v1 =	vsel vm10, v1, v45;
	v52, _, _ =	vpop (xrf2);
	v2 =	vadd.f32 v51, v2  }
0x2c1: {  	v1 =	vsel vm11, v1, v47;
	v3 =	vadd.f32 v53, v3;
	v55 =	vbroadcast v52, $0xF  }
0x2c2: {  	p0 =	sne.s32 s19, $0x7000;
	v59 =	vmul.f32 v15, v15;
	v1 =	vsel vm12, v1, v7;
	v2 =	vadd.f32 v56, v2  }
.Ltmp3:
0x2c3: {  	v60 =	vmul.f32 v19, v19;
	v58, _, _ =	vpop (xrf2);
	v3 =	vadd.f32 v57, v3;
	v1 =	vsel vm13, v1, v55;
	(pc) =	sbr.rel @p0 .LBB2_8-.Ltmp3, $4  }
0x2c4: {  	v63 =	vmul.f32 v54, v54;
	v1 =	vsel vm14, v1, v58;
	v2 =	vadd.f32 v59, v2  }
0x2c5: {  	v62 =	vmul.f32 v25, v25;
	v3 =	vadd.f32 v60, v3;
	v1 =	vadd.f32 v1, v54  }
0x2c6: {  	v0 =	vadd.f32 v63, v0  }
0x2c7: {  	s19 =	sadd.s32 $0x1000, s19;
	s20 =	sadd.s32 $0x10, s20;
	v2 =	vadd.f32 v61, v2;
	[tilespmem:s21+$0x0] =	vst v1;
	v1 =	vadd.f32 v62, v3;
	s21 =	sadd.s32 $0x10, s21  }
0x2c8: {  	[tilespmem:$0x10820] =	vst v0  }
0x2c9: {  	[tilespmem:$0x10800] =	vst v2  }
0x2ca: {  	[tilespmem:$0x10810] =	vst v1  }
0x2cb: {  	[hbm4b:s7+s3] =	stream.linear.scatter [tilespmem:s13], [sflag:$0x4], $0x200, $0x38;
	[tilespmem:$0x10830] =	vst v63  }
0x2cc: {  	s17 =	sadd.s32 $0x1, s17;
	_ =	swait.ge [sflag:s10], $0x200  }
0x2cd: {  	p0 =	sne.s32 s17, s9;
	[sflag:s10] =	ssyncset.done $0x0  }
.Ltmp4:
0x2ce: {  	[sflag:s10] =	ssyncadd.s32 $0xFFFFFE00;
	(pc) =	sbr.rel @p0 .LBB2_1-.Ltmp4, $4  }
0x2cf: {  	[hbm4b:s8+s3] =	stream.linear.scatter [tilespmem:s15], [sflag:$0x4], $0x30, $0x38;
	[tilespmem:$0x10830] =	vst v63  }
0x2d0: {  	_ =	swait.ge [sflag:s10], $0x30  }
0x2d1: {  	[sflag:s10] =	ssyncset.done $0x0  }
0x2d2: {  	[sflag:s10] =	ssyncadd.s32 $0xFFFFFFD0  }
0x2d3: {  	_ =	sfence.sel $0x180000  }
0x2d4: {  	[bflag:$0x0] =	sbarrier.arrive $0xFFFF  }
0x2d5: {  	_ =	strace $0x90000047  }
0x2d6: {  	s0 =	stileid.u32;
	[bflag:$0x2] =	sbarrier.arrive $0xFFFF  }
0x2d7: {  	p0 =	sne.s32 s0, $0x0;
	s0 =	rddreg [dreg:$0x4]  }
0x2d8: {  	s0 =	sadd.s32 @!p0 $0x100000, s0  }
0x2d9: {  	[sflag:s0] =	ssyncadd.tile.s32 @!p0 $0x1;
	_ =	shalt  }
.Lfunc_end2:
_tile_overlayer_lowered:
.L_overlay_start_2:
0x2da: {  	(tag) =	ssettag $0x2  }
0x2db: {  	s0 =	rddreg [dreg:$0x0];
	s2 =	stileid.u32  }
0x2dc: {  	s1 =	rddreg [dreg:$0x1];
	p0 =	sne.s32 s2, $0x0  }
0x2dd: {  	s3 =	rddreg [dreg:$0x2];
	[bflag:$0x3] =	sbarrier.arrive $0xFFFF;
	s2 =	simm.s32 @!p0 $0x1C04  }
0x2de: {  	[timem:s3], [sflag:s2] =	dma.local @!p0 [hbm:s0], s1  }
0x2df: {  	s0 =	simm.s32 @!p0 $0x4  }
0x2e0: {  	_ =	swait.ge @!p0 [sflag:s0], s1  }
0x2e1: {  	s1 =	ssub.s32 @!p0 $0x0, s1;
	[sflag:s0] =	ssyncset.done @!p0 $0x0  }
0x2e2: {  	[sflag:s0] =	ssyncadd.s32 @!p0 s1  }
0x2e3: {  	[bflag:$0x3] =	sbarrier.arrive $0xFFFF  }
0x2e4: {  	_ =	shalt  }

</sc_bundles>
